<compile_context>
chip_gen: v7x
topology: tpu7x:2x2x1
jax: 0.10.2.dev20260603
libtpu: 0.0.44.dev20260713+nightly
codegen_flags: <defaults>
</compile_context>

<pallas_src>
import functools

import jax
import jax.numpy as jnp
from jax import lax
from jax.experimental import pallas as pl
from jax.experimental.pallas import tpu as pltpu
from jax.experimental.pallas import tpu_sc as plsc

N = 10000
E = 160000
DIN = 256
H = 8
DH = 32
HD = H * DH

BN = 400
NCHUNK = E // 128
NC = 2
NS = 16
ROW_Q = 624



def _project_body(x_ref, w_ref, sd_ref, xlp_ref, ssd_ref, sdd_ref, gmax_ref):
    i = pl.program_id(0)
    y = lax.dot_general(x_ref[...], w_ref[...],
                        dimension_numbers=(((1,), (1,)), ((), ())),
                        preferred_element_type=jnp.float32)
    scores = jnp.dot(y, sd_ref[...], preferred_element_type=jnp.float32)
    xlp_ref[...] = jnp.stack([y[:, :128], y[:, 128:]], axis=0)
    pad = jnp.zeros((BN, 128 - 16), jnp.float32)
    ssd_ref[...] = jnp.concatenate([scores, pad], axis=1)
    ds_part = scores[:, H:]
    sdd_ref[...] = jnp.concatenate([ds_part, ds_part, pad], axis=1)
    m = jnp.max(scores[:, :H], axis=0)
    g16 = jnp.concatenate([m, m])[None, :]

    @pl.when(i == 0)
    def _():
        gmax_ref[...] = g16

    @pl.when(i != 0)
    def _():
        gmax_ref[...] = jnp.maximum(gmax_ref[...], g16)


def _project(x, W, SD):
    return pl.pallas_call(
        _project_body,
        grid=(N // BN,),
        in_specs=[
            pl.BlockSpec((BN, DIN), lambda i: (i, 0)),
            pl.BlockSpec((HD, DIN), lambda i: (0, 0)),
            pl.BlockSpec((DIN, 16), lambda i: (0, 0)),
        ],
        out_specs=[
            pl.BlockSpec((2, BN, 128), lambda i: (0, i, 0)),
            pl.BlockSpec((BN, 128), lambda i: (i, 0)),
            pl.BlockSpec((BN, 128), lambda i: (i, 0)),
            pl.BlockSpec((1, 16), lambda i: (0, 0)),
        ],
        out_shape=[
            jax.ShapeDtypeStruct((2, N, 128), jnp.float32),
            jax.ShapeDtypeStruct((N, 128), jnp.float32),
            jax.ShapeDtypeStruct((N, 128), jnp.float32),
            jax.ShapeDtypeStruct((1, 16), jnp.float32),
        ],
    )(x, W, SD)



def _normalize_body(xlp_ref, ssum_ref, exp8_ref, yl_ref):
    tot = ssum_ref[0, :, :H] + ssum_ref[1, :, :H]
    r256 = jnp.dot(1.0 / tot, exp8_ref[...],
                   preferred_element_type=jnp.float32)
    yl_ref[...] = jnp.stack(
        [xlp_ref[0] * r256[:, :128], xlp_ref[1] * r256[:, 128:]], axis=0)


def _normalize(xlp, ssum3, EXP8):
    return pl.pallas_call(
        _normalize_body,
        grid=(N // BN,),
        in_specs=[
            pl.BlockSpec((2, BN, 128), lambda i: (0, i, 0)),
            pl.BlockSpec((2, BN, 16), lambda i: (0, i, 0)),
            pl.BlockSpec((H, HD), lambda i: (0, 0)),
        ],
        out_specs=pl.BlockSpec((2, BN, 128), lambda i: (0, i, 0)),
        out_shape=jax.ShapeDtypeStruct((2, N, 128), jnp.float32),
    )(xlp, ssum3, EXP8)



def _lane_gather(v, idx16):
    dnums = lax.GatherDimensionNumbers(
        offset_dims=(), collapsed_slice_dims=(0,), start_index_map=(0,))
    return lax.gather(v, idx16[:, None], dnums, (1,),
                      mode=lax.GatherScatterMode.PROMISE_IN_BOUNDS)



_MESH = plsc.VectorSubcoreMesh(core_axis_name="c", subcore_axis_name="s")


@functools.partial(
    pl.kernel,
    mesh=_MESH,
    out_type=[
        jax.ShapeDtypeStruct((E, 16), jnp.float32),
        jax.ShapeDtypeStruct((2 * N, 16), jnp.float32),
    ],
    scratch_types=[
        pltpu.VMEM((128,), jnp.int32),
        pltpu.VMEM((1, 128), jnp.int32),
        pltpu.VMEM((128, 128), jnp.float32),
        pltpu.VMEM((128, 128), jnp.float32),
        pltpu.VMEM((128, 16), jnp.float32),
        pltpu.VMEM((16,), jnp.float32),
        pltpu.VMEM_SHARED((N, 16), jnp.float32),
        pltpu.SemaphoreType.DMA,
    ],
)
def _edge_pass1(ssd_hbm, sdd_hbm, gmax_hbm, src_hbm, dst_hbm, w_hbm, ssum_hbm,
                idx_s, idx_d, a_buf, b_buf, w_buf, g_buf, ssum_sh, sem):
    c = lax.axis_index("c")
    s = lax.axis_index("s")
    wid = s * NC + c

    zero16 = jnp.zeros((16,), jnp.float32)

    def _z(j, _):
        w_buf[j] = zero16
        return 0
    lax.fori_loop(0, 128, _z, 0)
    row0 = s * ROW_Q

    @pl.when(s < NS - 1)
    def _():
        for j in range(6):
            pltpu.sync_copy(w_buf.at[pl.ds(0, 104)],
                            ssum_sh.at[pl.ds(row0 + 104 * j, 104)])

    @pl.when(s == NS - 1)
    def _():
        for j in range(5):
            pltpu.sync_copy(w_buf, ssum_sh.at[pl.ds(row0 + 128 * j, 128)])
    plsc.subcore_barrier()

    pltpu.sync_copy(gmax_hbm, g_buf)
    g2 = g_buf[...]

    q, r = NCHUNK // (NC * NS), NCHUNK % (NC * NS)
    count = q + jnp.where(wid < r, 1, 0)
    chunk0 = q * wid + jnp.minimum(wid, r)

    def chunk_body(i, _):
        base = pl.multiple_of((chunk0 + i) * 128, 128)
        pltpu.sync_copy(src_hbm.at[pl.ds(base, 128)], idx_s)
        pltpu.sync_copy(dst_hbm.at[pl.ds(base, 128)], idx_d.at[0])
        pltpu.async_copy(ssd_hbm.at[idx_s], a_buf, sem).wait()
        pltpu.async_copy(sdd_hbm.at[idx_d.at[0]], b_buf, sem).wait()

        def edge(j, _):
            for u_ in range(2):
                e = 2 * j + u_
                a = a_buf[e, pl.ds(0, 16)]
                b = b_buf[e, pl.ds(0, 16)]
                t = a + b
                attn = jnp.maximum(t, 0.2 * t)
                u = g2 + b
                cc = jnp.maximum(u, 0.2 * u)
                w_buf[e] = jnp.exp(attn - cc)
            return 0
        lax.fori_loop(0, 64, edge, 0)

        pltpu.sync_copy(w_buf, w_hbm.at[pl.ds(base, 128)])
        pltpu.sync_copy(w_buf, ssum_sh.at[idx_d.at[0]], add=True)
        return 0
    lax.fori_loop(0, count, chunk_body, 0)

    plsc.subcore_barrier()
    out_row0 = c * N + row0

    @pl.when(s < NS - 1)
    def _():
        for j in range(6):
            pltpu.sync_copy(ssum_sh.at[pl.ds(row0 + 104 * j, 104)],
                            w_buf.at[pl.ds(0, 104)])
            pltpu.sync_copy(w_buf.at[pl.ds(0, 104)],
                            ssum_hbm.at[pl.ds(out_row0 + 104 * j, 104)])

    @pl.when(s == NS - 1)
    def _():
        for j in range(5):
            pltpu.sync_copy(ssum_sh.at[pl.ds(row0 + 128 * j, 128)], w_buf)
            pltpu.sync_copy(w_buf,
                            ssum_hbm.at[pl.ds(out_row0 + 128 * j, 128)])



@functools.partial(
    pl.kernel,
    mesh=_MESH,
    out_type=jax.ShapeDtypeStruct((2, N, 128), jnp.float32),
    scratch_types=[
        pltpu.VMEM((1, 128), jnp.int32),
        pltpu.VMEM((128,), jnp.int32),
        pltpu.VMEM((128,), jnp.int32),
        pltpu.VMEM((128, 128), jnp.float32),
        pltpu.VMEM((128, 16), jnp.float32),
        pltpu.VMEM_SHARED((N, 128), jnp.float32),
        pltpu.SemaphoreType.DMA,
    ],
)
def _aggregate(yl2_hbm, w_hbm, src_hbm, dst_hbm, out_hbm,
               idx_s, idx_d, idx_xl, r_buf, w_slab, acc_sh, sem):
    c = lax.axis_index("c")
    s = lax.axis_index("s")

    zero16 = jnp.zeros((16,), jnp.float32)
    hsel = [jnp.zeros((16,), jnp.int32) + (c * 4 + hh) for hh in range(4)]

    def _z(e, _):
        for k in range(8):
            r_buf[e, pl.ds(16 * k, 16)] = zero16
        return 0
    lax.fori_loop(0, 128, _z, 0)
    row0 = s * ROW_Q

    @pl.when(s < NS - 1)
    def _():
        for j in range(6):
            pltpu.sync_copy(r_buf.at[pl.ds(0, 104)],
                            acc_sh.at[pl.ds(row0 + 104 * j, 104)])

    @pl.when(s == NS - 1)
    def _():
        for j in range(5):
            pltpu.sync_copy(r_buf, acc_sh.at[pl.ds(row0 + 128 * j, 128)])
    plsc.subcore_barrier()

    q, r = NCHUNK // NS, NCHUNK % NS
    count = q + jnp.where(s < r, 1, 0)
    chunk0 = q * s + jnp.minimum(s, r)
    cN = c * N

    def chunk_body(i, _):
        base = (chunk0 + i) * 128
        pltpu.sync_copy(src_hbm.at[pl.ds(base, 128)], idx_s.at[0])
        pltpu.sync_copy(dst_hbm.at[pl.ds(base, 128)], idx_d)

        def mkidx(g, _):
            v = idx_d[pl.ds(16 * g, 16)]
            idx_xl[pl.ds(16 * g, 16)] = v + cN
            return 0
        lax.fori_loop(0, 8, mkidx, 0)

        pltpu.async_copy(yl2_hbm.at[idx_xl], r_buf, sem).wait()
        pltpu.sync_copy(w_hbm.at[pl.ds(base, 128)], w_slab)

        def scale(j, _):
            for u_ in range(2):
                e = 2 * j + u_
                vals = w_slab[e]
                for hh in range(4):
                    sv = _lane_gather(vals, hsel[hh])
                    for k in (2 * hh, 2 * hh + 1):
                        rv = r_buf[e, pl.ds(16 * k, 16)]
                        r_buf[e, pl.ds(16 * k, 16)] = rv * sv
            return 0
        lax.fori_loop(0, 64, scale, 0)

        pltpu.sync_copy(r_buf, acc_sh.at[idx_s.at[0]], add=True)
        return 0
    lax.fori_loop(0, count, chunk_body, 0)

    plsc.subcore_barrier()

    @pl.when(s < NS - 1)
    def _():
        for j in range(6):
            rr = row0 + 104 * j
            pltpu.sync_copy(acc_sh.at[pl.ds(rr, 104)], r_buf.at[pl.ds(0, 104)])
            pltpu.sync_copy(r_buf.at[pl.ds(0, 104)],
                            out_hbm.at[c, pl.ds(rr, 104)])

    @pl.when(s == NS - 1)
    def _():
        for j in range(5):
            rr = row0 + 128 * j
            pltpu.sync_copy(acc_sh.at[pl.ds(rr, 128)], r_buf)
            pltpu.sync_copy(r_buf, out_hbm.at[c, pl.ds(rr, 128)])



def kernel(x, edge_indices, W, src_attn, dst_attn):
    eye8 = jnp.eye(H, dtype=jnp.float32)
    SA = (src_attn[0][:, :, None] * eye8[:, None, :]).reshape(HD, H)
    DA = (dst_attn[0][:, :, None] * eye8[:, None, :]).reshape(HD, H)
    SD = jnp.concatenate([SA, DA], axis=1)

    EXP8 = jnp.repeat(eye8, DH, axis=1)

    xlp, scores_sd, scores_dd, gmax = _project(x, W, SD)
    src = edge_indices[0]
    dst = edge_indices[1]

    w, ssum2 = _edge_pass1(scores_sd, scores_dd, gmax.reshape(16), src, dst)
    yl2 = _normalize(xlp, ssum2.reshape(2, N, 16), EXP8).reshape(2 * N, 128)
    out_pairs = _aggregate(yl2, w, src, dst)
    return out_pairs.transpose(1, 0, 2).reshape(N, HD)

# --- scband reference (transcript-rebuilt; emitter-appended) ---
"""Pipeline reference for scband-gatlayer-25177098289471 (READ-ONLY COPY).

The authoritative reference and input builder live on the scoring server;
editing this copy changes nothing except your own understanding.
"""

import jax, jax.numpy as jnp
import numpy as np

N = 10000
E = 160000
DIN = 256
H = 8
DH = 32


def setup_inputs(seed: int = 0):
    key = jax.random.key(seed)
    k1, k2, k3, k4, k5 = jax.random.split(key, 5)
    x = jax.random.normal(k1, (N, DIN), dtype=jnp.float32)
    edge_indices = jax.random.randint(k2, (2, E), 0, N, dtype=jnp.int32)
    lim_w = float(np.sqrt(6.0 / (DIN + DH)))
    W = jax.random.uniform(k3, (H * DH, DIN), minval=-lim_w, maxval=lim_w, dtype=jnp.float32)
    lim_a = float(np.sqrt(6.0 / (2 * DH + 1)))
    src_attn = jax.random.uniform(k4, (1, H, DH), minval=-lim_a, maxval=lim_a, dtype=jnp.float32)
    dst_attn = jax.random.uniform(k5, (1, H, DH), minval=-lim_a, maxval=lim_a, dtype=jnp.float32)
    return {"x": x, "edge_indices": edge_indices, "W": W, "src_attn": src_attn, "dst_attn": dst_attn}


def reference(x, edge_indices, W, src_attn, dst_attn):
    # linear projection (bias=False), reshape to [N, H, DH]
    xl = (x @ W.T).reshape(-1, H, DH)
    # per-node attention scores
    src_s = (xl * src_attn).sum(axis=-1)  # [N, H]
    dst_s = (xl * dst_attn).sum(axis=-1)  # [N, H]
    # gather to edges and apply LeakyReLU(0.2)
    attn = jax.nn.leaky_relu(src_s[edge_indices[0]] + dst_s[edge_indices[1]], negative_slope=0.2)  # [E, H]
    # sparse softmax over dim=1 -> grouped by edge_indices[1] (dst index)
    idx = edge_indices[1]
    mx = jax.ops.segment_max(attn, idx, num_segments=N)  # [N, H]
    mx = jnp.where(jnp.isneginf(mx), 0.0, mx)  # empty segments never gathered; keep finite
    vals = jnp.exp(attn - mx[idx])
    ssum = jax.ops.segment_sum(vals, idx, num_segments=N)
    vals = vals / ssum[idx]  # [E, H]
    # dropout p=0.0 -> identity
    msg = xl[edge_indices[1]] * vals[:, :, None]  # [E, H, DH]
    out = jax.ops.segment_sum(msg, edge_indices[0], num_segments=N)  # [N, H, DH]
    # aggregate == 'concat'
    return out.reshape(N, H * DH)

if __name__ == "__main__":
    import jax
    _d = setup_inputs()
    print(jax.jit(kernel)(*tuple(_d.values())))

</pallas_src>

<mosaic_0001>
#map = affine_map<(d0, d1) -> (0, 0)>
#map1 = affine_map<(d0, d1) -> (0)>
module attributes {stable_mosaic.version = 14 : i64} {
  func.func @_edge_pass1(%arg0: i32, %arg1: i32, %arg2: memref<10000x128xf32, #tpu.memory_space<hbm>>, %arg3: memref<10000x128xf32, #tpu.memory_space<hbm>>, %arg4: memref<16xf32, #tpu.memory_space<hbm>>, %arg5: memref<160000xi32, #tpu.memory_space<hbm>>, %arg6: memref<160000xi32, #tpu.memory_space<hbm>>, %arg7: memref<160000x16xf32, #tpu.memory_space<hbm>>, %arg8: memref<20000x16xf32, #tpu.memory_space<hbm>>, %arg9: memref<128xi32, #tpu.memory_space<vmem>>, %arg10: memref<1x128xi32, #tpu.memory_space<vmem>>, %arg11: memref<128x128xf32, #tpu.memory_space<vmem>>, %arg12: memref<128x128xf32, #tpu.memory_space<vmem>>, %arg13: memref<128x16xf32, #tpu.memory_space<vmem>>, %arg14: memref<16xf32, #tpu.memory_space<vmem>>, %arg15: memref<10000x16xf32, #tpu.memory_space<vmem_shared>>, %arg16: memref<!tpu.dma_semaphore, #tpu.memory_space<semaphore_mem>>) attributes {dimension_semantics = [#tpu.dimension_semantics<core_parallel>, #tpu.dimension_semantics<subcore_parallel>], iteration_bounds = array<i64: 2, 16>, scalar_prefetch = 0 : i64, scratch_operands = 8 : i64, tpu.core_type = #tpu.core_type<sc_vector_subcore>, window_params = [{transform_indices = #map}, {transform_indices = #map}, {transform_indices = #map1}, {transform_indices = #map1}, {transform_indices = #map1}, {transform_indices = #map}, {transform_indices = #map}]} {
    %mul3A = arith.constant 2 : i32
    %mul3A_0 = arith.muli %arg1, %mul3A : i32
    %add3A = arith.addi %mul3A_0, %arg0 : i32
    %broadcast_in_dim3A = arith.constant 0.000000e+00 : f32
    %broadcast_in_dim3A_1 = vector.broadcast %broadcast_in_dim3A : f32 to vector<16xf32>
    %scan3A = arith.constant 0 : i32
    %scan3A_2 = arith.constant 0 : i32
    %scan3A_3 = arith.constant 128 : i32
    %scan3A_4 = arith.addi %scan3A_2, %scan3A_3 : i32
    %scan3A_5 = arith.constant 1 : i32
    %scan3A_6 = scf.for %scan3A_52 = %scan3A_2 to %scan3A_4 step %scan3A_5 iter_args(%scan3A_53 = %scan3A) -> (i32)  : i32 {
      %swap3A = arith.index_cast %scan3A_52 : i32 to index
      %swap3A_54 = arith.constant 0 : index
      %swap3A_55 = tpu.vector_load %arg13[%swap3A, %swap3A_54] {strides = array<i32>} : memref<128x16xf32, #tpu.memory_space<vmem>>, vector<1x16xf32>,
      %swap3A_56 = vector.shape_cast %swap3A_55 : vector<1x16xf32> to vector<16xf32>
      %swap3A_57 = vector.shape_cast %broadcast_in_dim3A_1 : vector<16xf32> to vector<1x16xf32>
      tpu.vector_store %arg13[%swap3A, %swap3A_54], %swap3A_57 {strides = array<i32>} : memref<128x16xf32, #tpu.memory_space<vmem>>, vector<1x16xf32>,
      %scan3A_58 = arith.constant 0 : i32
      scf.yield %scan3A_58 : i32
    }
    %scan3A_7 = arith.constant 128 : i32
    %mul3A_8 = arith.constant 624 : i32
    %mul3A_9 = arith.muli %arg1, %mul3A_8 : i32
    %lt3A = arith.constant 15 : i32
    %lt3A_10 = arith.cmpi slt, %arg1, %lt3A : i32
    %convert_element_type3A = arith.extui %lt3A_10 : i1 to i32
    %cond3A = arith.constant 0 : i32
    %cond3A_11 = arith.cmpi ne, %convert_element_type3A, %cond3A : i32
    scf.if %cond3A_11 {
      %add3A_52 = arith.constant 0 : i32
      %add3A_53 = arith.addi %mul3A_9, %add3A_52 : i32
      "tpu.region"() ({
        %run_scoped3A = tpu.sem_alloc : memref<!tpu.dma_semaphore, #tpu.memory_space<semaphore_mem>>
        %dma_start3A = arith.constant 0 : i32
        %dma_start3A_64 = arith.constant 0 : i32
        %dma_start3A_65 = tpu.memref_slice %arg13[%dma_start3A, %dma_start3A_64] : memref<128x16xf32, #tpu.memory_space<vmem>> -> memref<104x16xf32, #tpu.memory_space<vmem>>
        %dma_start3A_66 = arith.constant 0 : i32
        %dma_start3A_67 = tpu.memref_slice %arg15[%add3A_53, %dma_start3A_66] : memref<10000x16xf32, #tpu.memory_space<vmem_shared>> -> memref<104x16xf32, #tpu.memory_space<vmem_shared>>
        %dma_start3A_68 = arith.constant 0 : i32
        %dma_start3A_69 = tpu.memref_slice %arg15[%add3A_53, %dma_start3A_68] : memref<10000x16xf32, #tpu.memory_space<vmem_shared>> -> memref<104x16xf32, #tpu.memory_space<vmem_shared>>
        %dma_start3A_70 = arith.constant 0 : i32
        %dma_start3A_71 = arith.constant 0 : i32
        %dma_start3A_72 = tpu.memref_slice %arg13[%dma_start3A_70, %dma_start3A_71] : memref<128x16xf32, #tpu.memory_space<vmem>> -> memref<104x16xf32, #tpu.memory_space<vmem>>
        tpu.enqueue_dma source(%dma_start3A_72 : memref<104x16xf32, #tpu.memory_space<vmem>>) target(%dma_start3A_69 : memref<104x16xf32, #tpu.memory_space<vmem_shared>>) target_semaphore(%run_scoped3A : memref<!tpu.dma_semaphore, #tpu.memory_space<semaphore_mem>>)
        %dma_wait3A = arith.constant 0 : i32
        %dma_wait3A_73 = arith.constant 0 : i32
        %dma_wait3A_74 = tpu.memref_slice %arg13[%dma_wait3A, %dma_wait3A_73] : memref<128x16xf32, #tpu.memory_space<vmem>> -> memref<104x16xf32, #tpu.memory_space<vmem>>
        %dma_wait3A_75 = arith.constant 0 : i32
        %dma_wait3A_76 = tpu.memref_slice %arg15[%add3A_53, %dma_wait3A_75] : memref<10000x16xf32, #tpu.memory_space<vmem_shared>> -> memref<104x16xf32, #tpu.memory_space<vmem_shared>>
        %dma_wait3A_77 = arith.constant 0 : i32
        %dma_wait3A_78 = tpu.memref_slice %arg15[%add3A_53, %dma_wait3A_77] : memref<10000x16xf32, #tpu.memory_space<vmem_shared>> -> memref<104x16xf32, #tpu.memory_space<vmem_shared>>
        %dma_wait3A_79 = arith.constant 0 : i32
        %dma_wait3A_80 = arith.constant 0 : i32
        %dma_wait3A_81 = tpu.memref_slice %arg13[%dma_wait3A_79, %dma_wait3A_80] : memref<128x16xf32, #tpu.memory_space<vmem>> -> memref<104x16xf32, #tpu.memory_space<vmem>>
        tpu.wait_dma2 semaphore(%run_scoped3A : memref<!tpu.dma_semaphore, #tpu.memory_space<semaphore_mem>>) src(%dma_wait3A_81 : memref<104x16xf32, #tpu.memory_space<vmem>>) dst(%dma_wait3A_78 : memref<104x16xf32, #tpu.memory_space<vmem_shared>>)
        tpu.yield
      }) : () -> ()
      %add3A_54 = arith.constant 104 : i32
      %add3A_55 = arith.addi %mul3A_9, %add3A_54 : i32
      "tpu.region"() ({
        %run_scoped3A = tpu.sem_alloc : memref<!tpu.dma_semaphore, #tpu.memory_space<semaphore_mem>>
        %dma_start3A = arith.constant 0 : i32
        %dma_start3A_64 = arith.constant 0 : i32
        %dma_start3A_65 = tpu.memref_slice %arg13[%dma_start3A, %dma_start3A_64] : memref<128x16xf32, #tpu.memory_space<vmem>> -> memref<104x16xf32, #tpu.memory_space<vmem>>
        %dma_start3A_66 = arith.constant 0 : i32
        %dma_start3A_67 = tpu.memref_slice %arg15[%add3A_55, %dma_start3A_66] : memref<10000x16xf32, #tpu.memory_space<vmem_shared>> -> memref<104x16xf32, #tpu.memory_space<vmem_shared>>
        %dma_start3A_68 = arith.constant 0 : i32
        %dma_start3A_69 = tpu.memref_slice %arg15[%add3A_55, %dma_start3A_68] : memref<10000x16xf32, #tpu.memory_space<vmem_shared>> -> memref<104x16xf32, #tpu.memory_space<vmem_shared>>
        %dma_start3A_70 = arith.constant 0 : i32
        %dma_start3A_71 = arith.constant 0 : i32
        %dma_start3A_72 = tpu.memref_slice %arg13[%dma_start3A_70, %dma_start3A_71] : memref<128x16xf32, #tpu.memory_space<vmem>> -> memref<104x16xf32, #tpu.memory_space<vmem>>
        tpu.enqueue_dma source(%dma_start3A_72 : memref<104x16xf32, #tpu.memory_space<vmem>>) target(%dma_start3A_69 : memref<104x16xf32, #tpu.memory_space<vmem_shared>>) target_semaphore(%run_scoped3A : memref<!tpu.dma_semaphore, #tpu.memory_space<semaphore_mem>>)
        %dma_wait3A = arith.constant 0 : i32
        %dma_wait3A_73 = arith.constant 0 : i32
        %dma_wait3A_74 = tpu.memref_slice %arg13[%dma_wait3A, %dma_wait3A_73] : memref<128x16xf32, #tpu.memory_space<vmem>> -> memref<104x16xf32, #tpu.memory_space<vmem>>
        %dma_wait3A_75 = arith.constant 0 : i32
        %dma_wait3A_76 = tpu.memref_slice %arg15[%add3A_55, %dma_wait3A_75] : memref<10000x16xf32, #tpu.memory_space<vmem_shared>> -> memref<104x16xf32, #tpu.memory_space<vmem_shared>>
        %dma_wait3A_77 = arith.constant 0 : i32
        %dma_wait3A_78 = tpu.memref_slice %arg15[%add3A_55, %dma_wait3A_77] : memref<10000x16xf32, #tpu.memory_space<vmem_shared>> -> memref<104x16xf32, #tpu.memory_space<vmem_shared>>
        %dma_wait3A_79 = arith.constant 0 : i32
        %dma_wait3A_80 = arith.constant 0 : i32
        %dma_wait3A_81 = tpu.memref_slice %arg13[%dma_wait3A_79, %dma_wait3A_80] : memref<128x16xf32, #tpu.memory_space<vmem>> -> memref<104x16xf32, #tpu.memory_space<vmem>>
        tpu.wait_dma2 semaphore(%run_scoped3A : memref<!tpu.dma_semaphore, #tpu.memory_space<semaphore_mem>>) src(%dma_wait3A_81 : memref<104x16xf32, #tpu.memory_space<vmem>>) dst(%dma_wait3A_78 : memref<104x16xf32, #tpu.memory_space<vmem_shared>>)
        tpu.yield
      }) : () -> ()
      %add3A_56 = arith.constant 208 : i32
      %add3A_57 = arith.addi %mul3A_9, %add3A_56 : i32
      "tpu.region"() ({
        %run_scoped3A = tpu.sem_alloc : memref<!tpu.dma_semaphore, #tpu.memory_space<semaphore_mem>>
        %dma_start3A = arith.constant 0 : i32
        %dma_start3A_64 = arith.constant 0 : i32
        %dma_start3A_65 = tpu.memref_slice %arg13[%dma_start3A, %dma_start3A_64] : memref<128x16xf32, #tpu.memory_space<vmem>> -> memref<104x16xf32, #tpu.memory_space<vmem>>
        %dma_start3A_66 = arith.constant 0 : i32
        %dma_start3A_67 = tpu.memref_slice %arg15[%add3A_57, %dma_start3A_66] : memref<10000x16xf32, #tpu.memory_space<vmem_shared>> -> memref<104x16xf32, #tpu.memory_space<vmem_shared>>
        %dma_start3A_68 = arith.constant 0 : i32
        %dma_start3A_69 = tpu.memref_slice %arg15[%add3A_57, %dma_start3A_68] : memref<10000x16xf32, #tpu.memory_space<vmem_shared>> -> memref<104x16xf32, #tpu.memory_space<vmem_shared>>
        %dma_start3A_70 = arith.constant 0 : i32
        %dma_start3A_71 = arith.constant 0 : i32
        %dma_start3A_72 = tpu.memref_slice %arg13[%dma_start3A_70, %dma_start3A_71] : memref<128x16xf32, #tpu.memory_space<vmem>> -> memref<104x16xf32, #tpu.memory_space<vmem>>
        tpu.enqueue_dma source(%dma_start3A_72 : memref<104x16xf32, #tpu.memory_space<vmem>>) target(%dma_start3A_69 : memref<104x16xf32, #tpu.memory_space<vmem_shared>>) target_semaphore(%run_scoped3A : memref<!tpu.dma_semaphore, #tpu.memory_space<semaphore_mem>>)
        %dma_wait3A = arith.constant 0 : i32
        %dma_wait3A_73 = arith.constant 0 : i32
        %dma_wait3A_74 = tpu.memref_slice %arg13[%dma_wait3A, %dma_wait3A_73] : memref<128x16xf32, #tpu.memory_space<vmem>> -> memref<104x16xf32, #tpu.memory_space<vmem>>
        %dma_wait3A_75 = arith.constant 0 : i32
        %dma_wait3A_76 = tpu.memref_slice %arg15[%add3A_57, %dma_wait3A_75] : memref<10000x16xf32, #tpu.memory_space<vmem_shared>> -> memref<104x16xf32, #tpu.memory_space<vmem_shared>>
        %dma_wait3A_77 = arith.constant 0 : i32
        %dma_wait3A_78 = tpu.memref_slice %arg15[%add3A_57, %dma_wait3A_77] : memref<10000x16xf32, #tpu.memory_space<vmem_shared>> -> memref<104x16xf32, #tpu.memory_space<vmem_shared>>
        %dma_wait3A_79 = arith.constant 0 : i32
        %dma_wait3A_80 = arith.constant 0 : i32
        %dma_wait3A_81 = tpu.memref_slice %arg13[%dma_wait3A_79, %dma_wait3A_80] : memref<128x16xf32, #tpu.memory_space<vmem>> -> memref<104x16xf32, #tpu.memory_space<vmem>>
        tpu.wait_dma2 semaphore(%run_scoped3A : memref<!tpu.dma_semaphore, #tpu.memory_space<semaphore_mem>>) src(%dma_wait3A_81 : memref<104x16xf32, #tpu.memory_space<vmem>>) dst(%dma_wait3A_78 : memref<104x16xf32, #tpu.memory_space<vmem_shared>>)
        tpu.yield
      }) : () -> ()
      %add3A_58 = arith.constant 312 : i32
      %add3A_59 = arith.addi %mul3A_9, %add3A_58 : i32
      "tpu.region"() ({
        %run_scoped3A = tpu.sem_alloc : memref<!tpu.dma_semaphore, #tpu.memory_space<semaphore_mem>>
        %dma_start3A = arith.constant 0 : i32
        %dma_start3A_64 = arith.constant 0 : i32
        %dma_start3A_65 = tpu.memref_slice %arg13[%dma_start3A, %dma_start3A_64] : memref<128x16xf32, #tpu.memory_space<vmem>> -> memref<104x16xf32, #tpu.memory_space<vmem>>
        %dma_start3A_66 = arith.constant 0 : i32
        %dma_start3A_67 = tpu.memref_slice %arg15[%add3A_59, %dma_start3A_66] : memref<10000x16xf32, #tpu.memory_space<vmem_shared>> -> memref<104x16xf32, #tpu.memory_space<vmem_shared>>
        %dma_start3A_68 = arith.constant 0 : i32
        %dma_start3A_69 = tpu.memref_slice %arg15[%add3A_59, %dma_start3A_68] : memref<10000x16xf32, #tpu.memory_space<vmem_shared>> -> memref<104x16xf32, #tpu.memory_space<vmem_shared>>
        %dma_start3A_70 = arith.constant 0 : i32
        %dma_start3A_71 = arith.constant 0 : i32
        %dma_start3A_72 = tpu.memref_slice %arg13[%dma_start3A_70, %dma_start3A_71] : memref<128x16xf32, #tpu.memory_space<vmem>> -> memref<104x16xf32, #tpu.memory_space<vmem>>
        tpu.enqueue_dma source(%dma_start3A_72 : memref<104x16xf32, #tpu.memory_space<vmem>>) target(%dma_start3A_69 : memref<104x16xf32, #tpu.memory_space<vmem_shared>>) target_semaphore(%run_scoped3A : memref<!tpu.dma_semaphore, #tpu.memory_space<semaphore_mem>>)
        %dma_wait3A = arith.constant 0 : i32
        %dma_wait3A_73 = arith.constant 0 : i32
        %dma_wait3A_74 = tpu.memref_slice %arg13[%dma_wait3A, %dma_wait3A_73] : memref<128x16xf32, #tpu.memory_space<vmem>> -> memref<104x16xf32, #tpu.memory_space<vmem>>
        %dma_wait3A_75 = arith.constant 0 : i32
        %dma_wait3A_76 = tpu.memref_slice %arg15[%add3A_59, %dma_wait3A_75] : memref<10000x16xf32, #tpu.memory_space<vmem_shared>> -> memref<104x16xf32, #tpu.memory_space<vmem_shared>>
        %dma_wait3A_77 = arith.constant 0 : i32
        %dma_wait3A_78 = tpu.memref_slice %arg15[%add3A_59, %dma_wait3A_77] : memref<10000x16xf32, #tpu.memory_space<vmem_shared>> -> memref<104x16xf32, #tpu.memory_space<vmem_shared>>
        %dma_wait3A_79 = arith.constant 0 : i32
        %dma_wait3A_80 = arith.constant 0 : i32
        %dma_wait3A_81 = tpu.memref_slice %arg13[%dma_wait3A_79, %dma_wait3A_80] : memref<128x16xf32, #tpu.memory_space<vmem>> -> memref<104x16xf32, #tpu.memory_space<vmem>>
        tpu.wait_dma2 semaphore(%run_scoped3A : memref<!tpu.dma_semaphore, #tpu.memory_space<semaphore_mem>>) src(%dma_wait3A_81 : memref<104x16xf32, #tpu.memory_space<vmem>>) dst(%dma_wait3A_78 : memref<104x16xf32, #tpu.memory_space<vmem_shared>>)
        tpu.yield
      }) : () -> ()
      %add3A_60 = arith.constant 416 : i32
      %add3A_61 = arith.addi %mul3A_9, %add3A_60 : i32
      "tpu.region"() ({
        %run_scoped3A = tpu.sem_alloc : memref<!tpu.dma_semaphore, #tpu.memory_space<semaphore_mem>>
        %dma_start3A = arith.constant 0 : i32
        %dma_start3A_64 = arith.constant 0 : i32
        %dma_start3A_65 = tpu.memref_slice %arg13[%dma_start3A, %dma_start3A_64] : memref<128x16xf32, #tpu.memory_space<vmem>> -> memref<104x16xf32, #tpu.memory_space<vmem>>
        %dma_start3A_66 = arith.constant 0 : i32
        %dma_start3A_67 = tpu.memref_slice %arg15[%add3A_61, %dma_start3A_66] : memref<10000x16xf32, #tpu.memory_space<vmem_shared>> -> memref<104x16xf32, #tpu.memory_space<vmem_shared>>
        %dma_start3A_68 = arith.constant 0 : i32
        %dma_start3A_69 = tpu.memref_slice %arg15[%add3A_61, %dma_start3A_68] : memref<10000x16xf32, #tpu.memory_space<vmem_shared>> -> memref<104x16xf32, #tpu.memory_space<vmem_shared>>
        %dma_start3A_70 = arith.constant 0 : i32
        %dma_start3A_71 = arith.constant 0 : i32
        %dma_start3A_72 = tpu.memref_slice %arg13[%dma_start3A_70, %dma_start3A_71] : memref<128x16xf32, #tpu.memory_space<vmem>> -> memref<104x16xf32, #tpu.memory_space<vmem>>
        tpu.enqueue_dma source(%dma_start3A_72 : memref<104x16xf32, #tpu.memory_space<vmem>>) target(%dma_start3A_69 : memref<104x16xf32, #tpu.memory_space<vmem_shared>>) target_semaphore(%run_scoped3A : memref<!tpu.dma_semaphore, #tpu.memory_space<semaphore_mem>>)
        %dma_wait3A = arith.constant 0 : i32
        %dma_wait3A_73 = arith.constant 0 : i32
        %dma_wait3A_74 = tpu.memref_slice %arg13[%dma_wait3A, %dma_wait3A_73] : memref<128x16xf32, #tpu.memory_space<vmem>> -> memref<104x16xf32, #tpu.memory_space<vmem>>
        %dma_wait3A_75 = arith.constant 0 : i32
        %dma_wait3A_76 = tpu.memref_slice %arg15[%add3A_61, %dma_wait3A_75] : memref<10000x16xf32, #tpu.memory_space<vmem_shared>> -> memref<104x16xf32, #tpu.memory_space<vmem_shared>>
        %dma_wait3A_77 = arith.constant 0 : i32
        %dma_wait3A_78 = tpu.memref_slice %arg15[%add3A_61, %dma_wait3A_77] : memref<10000x16xf32, #tpu.memory_space<vmem_shared>> -> memref<104x16xf32, #tpu.memory_space<vmem_shared>>
        %dma_wait3A_79 = arith.constant 0 : i32
        %dma_wait3A_80 = arith.constant 0 : i32
        %dma_wait3A_81 = tpu.memref_slice %arg13[%dma_wait3A_79, %dma_wait3A_80] : memref<128x16xf32, #tpu.memory_space<vmem>> -> memref<104x16xf32, #tpu.memory_space<vmem>>
        tpu.wait_dma2 semaphore(%run_scoped3A : memref<!tpu.dma_semaphore, #tpu.memory_space<semaphore_mem>>) src(%dma_wait3A_81 : memref<104x16xf32, #tpu.memory_space<vmem>>) dst(%dma_wait3A_78 : memref<104x16xf32, #tpu.memory_space<vmem_shared>>)
        tpu.yield
      }) : () -> ()
      %add3A_62 = arith.constant 520 : i32
      %add3A_63 = arith.addi %mul3A_9, %add3A_62 : i32
      "tpu.region"() ({
        %run_scoped3A = tpu.sem_alloc : memref<!tpu.dma_semaphore, #tpu.memory_space<semaphore_mem>>
        %dma_start3A = arith.constant 0 : i32
        %dma_start3A_64 = arith.constant 0 : i32
        %dma_start3A_65 = tpu.memref_slice %arg13[%dma_start3A, %dma_start3A_64] : memref<128x16xf32, #tpu.memory_space<vmem>> -> memref<104x16xf32, #tpu.memory_space<vmem>>
        %dma_start3A_66 = arith.constant 0 : i32
        %dma_start3A_67 = tpu.memref_slice %arg15[%add3A_63, %dma_start3A_66] : memref<10000x16xf32, #tpu.memory_space<vmem_shared>> -> memref<104x16xf32, #tpu.memory_space<vmem_shared>>
        %dma_start3A_68 = arith.constant 0 : i32
        %dma_start3A_69 = tpu.memref_slice %arg15[%add3A_63, %dma_start3A_68] : memref<10000x16xf32, #tpu.memory_space<vmem_shared>> -> memref<104x16xf32, #tpu.memory_space<vmem_shared>>
        %dma_start3A_70 = arith.constant 0 : i32
        %dma_start3A_71 = arith.constant 0 : i32
        %dma_start3A_72 = tpu.memref_slice %arg13[%dma_start3A_70, %dma_start3A_71] : memref<128x16xf32, #tpu.memory_space<vmem>> -> memref<104x16xf32, #tpu.memory_space<vmem>>
        tpu.enqueue_dma source(%dma_start3A_72 : memref<104x16xf32, #tpu.memory_space<vmem>>) target(%dma_start3A_69 : memref<104x16xf32, #tpu.memory_space<vmem_shared>>) target_semaphore(%run_scoped3A : memref<!tpu.dma_semaphore, #tpu.memory_space<semaphore_mem>>)
        %dma_wait3A = arith.constant 0 : i32
        %dma_wait3A_73 = arith.constant 0 : i32
        %dma_wait3A_74 = tpu.memref_slice %arg13[%dma_wait3A, %dma_wait3A_73] : memref<128x16xf32, #tpu.memory_space<vmem>> -> memref<104x16xf32, #tpu.memory_space<vmem>>
        %dma_wait3A_75 = arith.constant 0 : i32
        %dma_wait3A_76 = tpu.memref_slice %arg15[%add3A_63, %dma_wait3A_75] : memref<10000x16xf32, #tpu.memory_space<vmem_shared>> -> memref<104x16xf32, #tpu.memory_space<vmem_shared>>
        %dma_wait3A_77 = arith.constant 0 : i32
        %dma_wait3A_78 = tpu.memref_slice %arg15[%add3A_63, %dma_wait3A_77] : memref<10000x16xf32, #tpu.memory_space<vmem_shared>> -> memref<104x16xf32, #tpu.memory_space<vmem_shared>>
        %dma_wait3A_79 = arith.constant 0 : i32
        %dma_wait3A_80 = arith.constant 0 : i32
        %dma_wait3A_81 = tpu.memref_slice %arg13[%dma_wait3A_79, %dma_wait3A_80] : memref<128x16xf32, #tpu.memory_space<vmem>> -> memref<104x16xf32, #tpu.memory_space<vmem>>
        tpu.wait_dma2 semaphore(%run_scoped3A : memref<!tpu.dma_semaphore, #tpu.memory_space<semaphore_mem>>) src(%dma_wait3A_81 : memref<104x16xf32, #tpu.memory_space<vmem>>) dst(%dma_wait3A_78 : memref<104x16xf32, #tpu.memory_space<vmem_shared>>)
        tpu.yield
      }) : () -> ()
    } else {
    }
    %eq3A = arith.constant 15 : i32
    %eq3A_12 = arith.cmpi eq, %arg1, %eq3A : i32
    %convert_element_type3A_13 = arith.extui %eq3A_12 : i1 to i32
    %cond3A_14 = arith.constant 0 : i32
    %cond3A_15 = arith.cmpi ne, %convert_element_type3A_13, %cond3A_14 : i32
    scf.if %cond3A_15 {
      %add3A_52 = arith.constant 0 : i32
      %add3A_53 = arith.addi %mul3A_9, %add3A_52 : i32
      "tpu.region"() ({
        %run_scoped3A = tpu.sem_alloc : memref<!tpu.dma_semaphore, #tpu.memory_space<semaphore_mem>>
        %dma_start3A = arith.constant 0 : i32
        %dma_start3A_62 = tpu.memref_slice %arg15[%add3A_53, %dma_start3A] : memref<10000x16xf32, #tpu.memory_space<vmem_shared>> -> memref<128x16xf32, #tpu.memory_space<vmem_shared>>
        %dma_start3A_63 = arith.constant 0 : i32
        %dma_start3A_64 = tpu.memref_slice %arg15[%add3A_53, %dma_start3A_63] : memref<10000x16xf32, #tpu.memory_space<vmem_shared>> -> memref<128x16xf32, #tpu.memory_space<vmem_shared>>
        tpu.enqueue_dma source(%arg13 : memref<128x16xf32, #tpu.memory_space<vmem>>) target(%dma_start3A_64 : memref<128x16xf32, #tpu.memory_space<vmem_shared>>) target_semaphore(%run_scoped3A : memref<!tpu.dma_semaphore, #tpu.memory_space<semaphore_mem>>)
        %dma_wait3A = arith.constant 0 : i32
        %dma_wait3A_65 = tpu.memref_slice %arg15[%add3A_53, %dma_wait3A] : memref<10000x16xf32, #tpu.memory_space<vmem_shared>> -> memref<128x16xf32, #tpu.memory_space<vmem_shared>>
        %dma_wait3A_66 = arith.constant 0 : i32
        %dma_wait3A_67 = tpu.memref_slice %arg15[%add3A_53, %dma_wait3A_66] : memref<10000x16xf32, #tpu.memory_space<vmem_shared>> -> memref<128x16xf32, #tpu.memory_space<vmem_shared>>
        tpu.wait_dma2 semaphore(%run_scoped3A : memref<!tpu.dma_semaphore, #tpu.memory_space<semaphore_mem>>) src(%arg13 : memref<128x16xf32, #tpu.memory_space<vmem>>) dst(%dma_wait3A_67 : memref<128x16xf32, #tpu.memory_space<vmem_shared>>)
        tpu.yield
      }) : () -> ()
      %add3A_54 = arith.constant 128 : i32
      %add3A_55 = arith.addi %mul3A_9, %add3A_54 : i32
      "tpu.region"() ({
        %run_scoped3A = tpu.sem_alloc : memref<!tpu.dma_semaphore, #tpu.memory_space<semaphore_mem>>
        %dma_start3A = arith.constant 0 : i32
        %dma_start3A_62 = tpu.memref_slice %arg15[%add3A_55, %dma_start3A] : memref<10000x16xf32, #tpu.memory_space<vmem_shared>> -> memref<128x16xf32, #tpu.memory_space<vmem_shared>>
        %dma_start3A_63 = arith.constant 0 : i32
        %dma_start3A_64 = tpu.memref_slice %arg15[%add3A_55, %dma_start3A_63] : memref<10000x16xf32, #tpu.memory_space<vmem_shared>> -> memref<128x16xf32, #tpu.memory_space<vmem_shared>>
        tpu.enqueue_dma source(%arg13 : memref<128x16xf32, #tpu.memory_space<vmem>>) target(%dma_start3A_64 : memref<128x16xf32, #tpu.memory_space<vmem_shared>>) target_semaphore(%run_scoped3A : memref<!tpu.dma_semaphore, #tpu.memory_space<semaphore_mem>>)
        %dma_wait3A = arith.constant 0 : i32
        %dma_wait3A_65 = tpu.memref_slice %arg15[%add3A_55, %dma_wait3A] : memref<10000x16xf32, #tpu.memory_space<vmem_shared>> -> memref<128x16xf32, #tpu.memory_space<vmem_shared>>
        %dma_wait3A_66 = arith.constant 0 : i32
        %dma_wait3A_67 = tpu.memref_slice %arg15[%add3A_55, %dma_wait3A_66] : memref<10000x16xf32, #tpu.memory_space<vmem_shared>> -> memref<128x16xf32, #tpu.memory_space<vmem_shared>>
        tpu.wait_dma2 semaphore(%run_scoped3A : memref<!tpu.dma_semaphore, #tpu.memory_space<semaphore_mem>>) src(%arg13 : memref<128x16xf32, #tpu.memory_space<vmem>>) dst(%dma_wait3A_67 : memref<128x16xf32, #tpu.memory_space<vmem_shared>>)
        tpu.yield
      }) : () -> ()
      %add3A_56 = arith.constant 256 : i32
      %add3A_57 = arith.addi %mul3A_9, %add3A_56 : i32
      "tpu.region"() ({
        %run_scoped3A = tpu.sem_alloc : memref<!tpu.dma_semaphore, #tpu.memory_space<semaphore_mem>>
        %dma_start3A = arith.constant 0 : i32
        %dma_start3A_62 = tpu.memref_slice %arg15[%add3A_57, %dma_start3A] : memref<10000x16xf32, #tpu.memory_space<vmem_shared>> -> memref<128x16xf32, #tpu.memory_space<vmem_shared>>
        %dma_start3A_63 = arith.constant 0 : i32
        %dma_start3A_64 = tpu.memref_slice %arg15[%add3A_57, %dma_start3A_63] : memref<10000x16xf32, #tpu.memory_space<vmem_shared>> -> memref<128x16xf32, #tpu.memory_space<vmem_shared>>
        tpu.enqueue_dma source(%arg13 : memref<128x16xf32, #tpu.memory_space<vmem>>) target(%dma_start3A_64 : memref<128x16xf32, #tpu.memory_space<vmem_shared>>) target_semaphore(%run_scoped3A : memref<!tpu.dma_semaphore, #tpu.memory_space<semaphore_mem>>)
        %dma_wait3A = arith.constant 0 : i32
        %dma_wait3A_65 = tpu.memref_slice %arg15[%add3A_57, %dma_wait3A] : memref<10000x16xf32, #tpu.memory_space<vmem_shared>> -> memref<128x16xf32, #tpu.memory_space<vmem_shared>>
        %dma_wait3A_66 = arith.constant 0 : i32
        %dma_wait3A_67 = tpu.memref_slice %arg15[%add3A_57, %dma_wait3A_66] : memref<10000x16xf32, #tpu.memory_space<vmem_shared>> -> memref<128x16xf32, #tpu.memory_space<vmem_shared>>
        tpu.wait_dma2 semaphore(%run_scoped3A : memref<!tpu.dma_semaphore, #tpu.memory_space<semaphore_mem>>) src(%arg13 : memref<128x16xf32, #tpu.memory_space<vmem>>) dst(%dma_wait3A_67 : memref<128x16xf32, #tpu.memory_space<vmem_shared>>)
        tpu.yield
      }) : () -> ()
      %add3A_58 = arith.constant 384 : i32
      %add3A_59 = arith.addi %mul3A_9, %add3A_58 : i32
      "tpu.region"() ({
        %run_scoped3A = tpu.sem_alloc : memref<!tpu.dma_semaphore, #tpu.memory_space<semaphore_mem>>
        %dma_start3A = arith.constant 0 : i32
        %dma_start3A_62 = tpu.memref_slice %arg15[%add3A_59, %dma_start3A] : memref<10000x16xf32, #tpu.memory_space<vmem_shared>> -> memref<128x16xf32, #tpu.memory_space<vmem_shared>>
        %dma_start3A_63 = arith.constant 0 : i32
        %dma_start3A_64 = tpu.memref_slice %arg15[%add3A_59, %dma_start3A_63] : memref<10000x16xf32, #tpu.memory_space<vmem_shared>> -> memref<128x16xf32, #tpu.memory_space<vmem_shared>>
        tpu.enqueue_dma source(%arg13 : memref<128x16xf32, #tpu.memory_space<vmem>>) target(%dma_start3A_64 : memref<128x16xf32, #tpu.memory_space<vmem_shared>>) target_semaphore(%run_scoped3A : memref<!tpu.dma_semaphore, #tpu.memory_space<semaphore_mem>>)
        %dma_wait3A = arith.constant 0 : i32
        %dma_wait3A_65 = tpu.memref_slice %arg15[%add3A_59, %dma_wait3A] : memref<10000x16xf32, #tpu.memory_space<vmem_shared>> -> memref<128x16xf32, #tpu.memory_space<vmem_shared>>
        %dma_wait3A_66 = arith.constant 0 : i32
        %dma_wait3A_67 = tpu.memref_slice %arg15[%add3A_59, %dma_wait3A_66] : memref<10000x16xf32, #tpu.memory_space<vmem_shared>> -> memref<128x16xf32, #tpu.memory_space<vmem_shared>>
        tpu.wait_dma2 semaphore(%run_scoped3A : memref<!tpu.dma_semaphore, #tpu.memory_space<semaphore_mem>>) src(%arg13 : memref<128x16xf32, #tpu.memory_space<vmem>>) dst(%dma_wait3A_67 : memref<128x16xf32, #tpu.memory_space<vmem_shared>>)
        tpu.yield
      }) : () -> ()
      %add3A_60 = arith.constant 512 : i32
      %add3A_61 = arith.addi %mul3A_9, %add3A_60 : i32
      "tpu.region"() ({
        %run_scoped3A = tpu.sem_alloc : memref<!tpu.dma_semaphore, #tpu.memory_space<semaphore_mem>>
        %dma_start3A = arith.constant 0 : i32
        %dma_start3A_62 = tpu.memref_slice %arg15[%add3A_61, %dma_start3A] : memref<10000x16xf32, #tpu.memory_space<vmem_shared>> -> memref<128x16xf32, #tpu.memory_space<vmem_shared>>
        %dma_start3A_63 = arith.constant 0 : i32
        %dma_start3A_64 = tpu.memref_slice %arg15[%add3A_61, %dma_start3A_63] : memref<10000x16xf32, #tpu.memory_space<vmem_shared>> -> memref<128x16xf32, #tpu.memory_space<vmem_shared>>
        tpu.enqueue_dma source(%arg13 : memref<128x16xf32, #tpu.memory_space<vmem>>) target(%dma_start3A_64 : memref<128x16xf32, #tpu.memory_space<vmem_shared>>) target_semaphore(%run_scoped3A : memref<!tpu.dma_semaphore, #tpu.memory_space<semaphore_mem>>)
        %dma_wait3A = arith.constant 0 : i32
        %dma_wait3A_65 = tpu.memref_slice %arg15[%add3A_61, %dma_wait3A] : memref<10000x16xf32, #tpu.memory_space<vmem_shared>> -> memref<128x16xf32, #tpu.memory_space<vmem_shared>>
        %dma_wait3A_66 = arith.constant 0 : i32
        %dma_wait3A_67 = tpu.memref_slice %arg15[%add3A_61, %dma_wait3A_66] : memref<10000x16xf32, #tpu.memory_space<vmem_shared>> -> memref<128x16xf32, #tpu.memory_space<vmem_shared>>
        tpu.wait_dma2 semaphore(%run_scoped3A : memref<!tpu.dma_semaphore, #tpu.memory_space<semaphore_mem>>) src(%arg13 : memref<128x16xf32, #tpu.memory_space<vmem>>) dst(%dma_wait3A_67 : memref<128x16xf32, #tpu.memory_space<vmem_shared>>)
        tpu.yield
      }) : () -> ()
    } else {
    }
    %barrier3A = arith.constant 0 : index
    tpu.barrier barrier_id(%barrier3A)
    "tpu.region"() ({
      %run_scoped3A = tpu.sem_alloc : memref<!tpu.dma_semaphore, #tpu.memory_space<semaphore_mem>>
      tpu.enqueue_dma source(%arg4 : memref<16xf32, #tpu.memory_space<hbm>>) target(%arg14 : memref<16xf32, #tpu.memory_space<vmem>>) target_semaphore(%run_scoped3A : memref<!tpu.dma_semaphore, #tpu.memory_space<semaphore_mem>>)
      tpu.wait_dma2 semaphore(%run_scoped3A : memref<!tpu.dma_semaphore, #tpu.memory_space<semaphore_mem>>) src(%arg4 : memref<16xf32, #tpu.memory_space<hbm>>) dst(%arg14 : memref<16xf32, #tpu.memory_space<vmem>>)
      tpu.yield
    }) : () -> ()
    %get3A = arith.constant 0 : index
    %get3A_16 = tpu.vector_load %arg14[%get3A] {strides = array<i32>} : memref<16xf32, #tpu.memory_space<vmem>>, vector<16xf32>,
    %get3A_17 = vector.shape_cast %get3A_16 : vector<16xf32> to vector<16xf32>
    %lt3A_18 = arith.constant 2 : i32
    %lt3A_19 = arith.cmpi slt, %add3A, %lt3A_18 : i32
    %jit3A = arith.constant 1 : i32
    %jit3A_20 = arith.constant 0 : i32
    %select_n3A = arith.select %lt3A_19, %jit3A, %jit3A_20 : i32
    %add3A_21 = arith.constant 39 : i32
    %add3A_22 = arith.addi %add3A_21, %select_n3A : i32
    %mul3A_23 = arith.constant 39 : i32
    %mul3A_24 = arith.muli %mul3A_23, %add3A : i32
    %min3A = arith.constant 2 : i32
    %min3A_25 = arith.minsi %add3A, %min3A : i32
    %add3A_26 = arith.addi %mul3A_24, %min3A_25 : i32
    %while3A = arith.constant 0 : i32
    %while3A_27 = arith.constant 0 : i32
    %while3A_28 = arith.subi %add3A_22, %while3A : i32
    %while3A_29 = arith.addi %while3A, %while3A_28 : i32
    %while3A_30 = arith.constant 1 : i32
    %while3A_31 = arith.divsi %while3A_28, %while3A_30 : i32
    %while3A_32 = arith.muli %while3A_31, %while3A_30 : i32
    %while3A_33 = arith.addi %while3A, %while3A_32 : i32
    %while3A_34 = arith.constant 1 : i32
    %while3A_35 = scf.for %while3A_52 = %while3A to %while3A_33 step %while3A_34 iter_args(%while3A_53 = %while3A_27) -> (i32)  : i32 {
      %add3A_54 = arith.addi %add3A_26, %while3A_52 : i32
      %mul3A_55 = arith.constant 128 : i32
      %mul3A_56 = arith.muli %add3A_54, %mul3A_55 : i32
      %multiple_of3A = tpu.assume_multiple %mul3A_56, 128 : i32
      "tpu.region"() ({
        %run_scoped3A_84 = tpu.sem_alloc : memref<!tpu.dma_semaphore, #tpu.memory_space<semaphore_mem>>
        %dma_start3A_85 = tpu.memref_slice %arg5[%multiple_of3A] : memref<160000xi32, #tpu.memory_space<hbm>> -> memref<128xi32, #tpu.memory_space<hbm>>
        %dma_start3A_86 = tpu.memref_slice %arg5[%multiple_of3A] : memref<160000xi32, #tpu.memory_space<hbm>> -> memref<128xi32, #tpu.memory_space<hbm>>
        tpu.enqueue_dma source(%dma_start3A_86 : memref<128xi32, #tpu.memory_space<hbm>>) target(%arg9 : memref<128xi32, #tpu.memory_space<vmem>>) target_semaphore(%run_scoped3A_84 : memref<!tpu.dma_semaphore, #tpu.memory_space<semaphore_mem>>)
        %dma_wait3A_87 = tpu.memref_slice %arg5[%multiple_of3A] : memref<160000xi32, #tpu.memory_space<hbm>> -> memref<128xi32, #tpu.memory_space<hbm>>
        %dma_wait3A_88 = tpu.memref_slice %arg5[%multiple_of3A] : memref<160000xi32, #tpu.memory_space<hbm>> -> memref<128xi32, #tpu.memory_space<hbm>>
        tpu.wait_dma2 semaphore(%run_scoped3A_84 : memref<!tpu.dma_semaphore, #tpu.memory_space<semaphore_mem>>) src(%dma_wait3A_88 : memref<128xi32, #tpu.memory_space<hbm>>) dst(%arg9 : memref<128xi32, #tpu.memory_space<vmem>>)
        tpu.yield
      }) : () -> ()
      %run_scoped3A = arith.constant 0 : i32
      "tpu.region"() ({
        %run_scoped3A_84 = tpu.sem_alloc : memref<!tpu.dma_semaphore, #tpu.memory_space<semaphore_mem>>
        %dma_start3A_85 = arith.constant 0 : i32
        %dma_start3A_86 = tpu.memref_slice %arg10[%run_scoped3A, %dma_start3A_85] : memref<1x128xi32, #tpu.memory_space<vmem>> -> memref<1x128xi32, #tpu.memory_space<vmem>>
        %dma_start3A_87 = tpu.memref_squeeze %dma_start3A_86 : memref<1x128xi32, #tpu.memory_space<vmem>> -> memref<128xi32, #tpu.memory_space<vmem>>
        %dma_start3A_88 = tpu.memref_slice %arg6[%multiple_of3A] : memref<160000xi32, #tpu.memory_space<hbm>> -> memref<128xi32, #tpu.memory_space<hbm>>
        %dma_start3A_89 = arith.constant 0 : i32
        %dma_start3A_90 = tpu.memref_slice %arg10[%run_scoped3A, %dma_start3A_89] : memref<1x128xi32, #tpu.memory_space<vmem>> -> memref<1x128xi32, #tpu.memory_space<vmem>>
        %dma_start3A_91 = tpu.memref_squeeze %dma_start3A_90 : memref<1x128xi32, #tpu.memory_space<vmem>> -> memref<128xi32, #tpu.memory_space<vmem>>
        %dma_start3A_92 = tpu.memref_slice %arg6[%multiple_of3A] : memref<160000xi32, #tpu.memory_space<hbm>> -> memref<128xi32, #tpu.memory_space<hbm>>
        tpu.enqueue_dma source(%dma_start3A_92 : memref<128xi32, #tpu.memory_space<hbm>>) target(%dma_start3A_91 : memref<128xi32, #tpu.memory_space<vmem>>) target_semaphore(%run_scoped3A_84 : memref<!tpu.dma_semaphore, #tpu.memory_space<semaphore_mem>>)
        %dma_wait3A_93 = arith.constant 0 : i32
        %dma_wait3A_94 = tpu.memref_slice %arg10[%run_scoped3A, %dma_wait3A_93] : memref<1x128xi32, #tpu.memory_space<vmem>> -> memref<1x128xi32, #tpu.memory_space<vmem>>
        %dma_wait3A_95 = tpu.memref_squeeze %dma_wait3A_94 : memref<1x128xi32, #tpu.memory_space<vmem>> -> memref<128xi32, #tpu.memory_space<vmem>>
        %dma_wait3A_96 = tpu.memref_slice %arg6[%multiple_of3A] : memref<160000xi32, #tpu.memory_space<hbm>> -> memref<128xi32, #tpu.memory_space<hbm>>
        %dma_wait3A_97 = arith.constant 0 : i32
        %dma_wait3A_98 = tpu.memref_slice %arg10[%run_scoped3A, %dma_wait3A_97] : memref<1x128xi32, #tpu.memory_space<vmem>> -> memref<1x128xi32, #tpu.memory_space<vmem>>
        %dma_wait3A_99 = tpu.memref_squeeze %dma_wait3A_98 : memref<1x128xi32, #tpu.memory_space<vmem>> -> memref<128xi32, #tpu.memory_space<vmem>>
        %dma_wait3A_100 = tpu.memref_slice %arg6[%multiple_of3A] : memref<160000xi32, #tpu.memory_space<hbm>> -> memref<128xi32, #tpu.memory_space<hbm>>
        tpu.wait_dma2 semaphore(%run_scoped3A_84 : memref<!tpu.dma_semaphore, #tpu.memory_space<semaphore_mem>>) src(%dma_wait3A_100 : memref<128xi32, #tpu.memory_space<hbm>>) dst(%dma_wait3A_99 : memref<128xi32, #tpu.memory_space<vmem>>)
        tpu.yield
      }) : () -> ()
      %dma_start3A = arith.constant 0 : i32
      %dma_start3A_57 = arith.constant 0 : i32
      %dma_start3A_58 = tpu.memref_slice %arg2[%dma_start3A, %dma_start3A_57] : memref<10000x128xf32, #tpu.memory_space<hbm>> -> memref<10000x128xf32, #tpu.memory_space<hbm>>
      tpu.enqueue_indirect_dma source(%dma_start3A_58 : memref<10000x128xf32, #tpu.memory_space<hbm>>) target(%arg11 : memref<128x128xf32, #tpu.memory_space<vmem>>) offsets(%arg9 : memref<128xi32, #tpu.memory_space<vmem>>) semaphore(%arg16 : memref<!tpu.dma_semaphore, #tpu.memory_space<semaphore_mem>>)
      %dma_wait3A = arith.constant 0 : i32
      %dma_wait3A_59 = arith.constant 0 : i32
      %dma_wait3A_60 = tpu.memref_slice %arg2[%dma_wait3A, %dma_wait3A_59] : memref<10000x128xf32, #tpu.memory_space<hbm>> -> memref<10000x128xf32, #tpu.memory_space<hbm>>
      tpu.wait_indirect_dma semaphore(%arg16 : memref<!tpu.dma_semaphore, #tpu.memory_space<semaphore_mem>>) src(%dma_wait3A_60 : memref<10000x128xf32, #tpu.memory_space<hbm>>) dst(%arg11 : memref<128x128xf32, #tpu.memory_space<vmem>>)
      %dma_start3A_61 = arith.constant 0 : i32
      %dma_start3A_62 = arith.constant 0 : i32
      %dma_start3A_63 = tpu.memref_slice %arg10[%dma_start3A_61, %dma_start3A_62] : memref<1x128xi32, #tpu.memory_space<vmem>> -> memref<1x128xi32, #tpu.memory_space<vmem>>
      %dma_start3A_64 = tpu.memref_squeeze %dma_start3A_63 : memref<1x128xi32, #tpu.memory_space<vmem>> -> memref<128xi32, #tpu.memory_space<vmem>>
      %dma_start3A_65 = arith.constant 0 : i32
      %dma_start3A_66 = arith.constant 0 : i32
      %dma_start3A_67 = tpu.memref_slice %arg3[%dma_start3A_65, %dma_start3A_66] : memref<10000x128xf32, #tpu.memory_space<hbm>> -> memref<10000x128xf32, #tpu.memory_space<hbm>>
      tpu.enqueue_indirect_dma source(%dma_start3A_67 : memref<10000x128xf32, #tpu.memory_space<hbm>>) target(%arg12 : memref<128x128xf32, #tpu.memory_space<vmem>>) offsets(%dma_start3A_64 : memref<128xi32, #tpu.memory_space<vmem>>) semaphore(%arg16 : memref<!tpu.dma_semaphore, #tpu.memory_space<semaphore_mem>>)
      %dma_wait3A_68 = arith.constant 0 : i32
      %dma_wait3A_69 = arith.constant 0 : i32
      %dma_wait3A_70 = tpu.memref_slice %arg10[%dma_wait3A_68, %dma_wait3A_69] : memref<1x128xi32, #tpu.memory_space<vmem>> -> memref<1x128xi32, #tpu.memory_space<vmem>>
      %dma_wait3A_71 = tpu.memref_squeeze %dma_wait3A_70 : memref<1x128xi32, #tpu.memory_space<vmem>> -> memref<128xi32, #tpu.memory_space<vmem>>
      %dma_wait3A_72 = arith.constant 0 : i32
      %dma_wait3A_73 = arith.constant 0 : i32
      %dma_wait3A_74 = tpu.memref_slice %arg3[%dma_wait3A_72, %dma_wait3A_73] : memref<10000x128xf32, #tpu.memory_space<hbm>> -> memref<10000x128xf32, #tpu.memory_space<hbm>>
      tpu.wait_indirect_dma semaphore(%arg16 : memref<!tpu.dma_semaphore, #tpu.memory_space<semaphore_mem>>) src(%dma_wait3A_74 : memref<10000x128xf32, #tpu.memory_space<hbm>>) dst(%arg12 : memref<128x128xf32, #tpu.memory_space<vmem>>)
      %scan3A_75 = arith.constant 0 : i32
      %scan3A_76 = arith.constant 0 : i32
      %scan3A_77 = arith.constant 64 : i32
      %scan3A_78 = arith.addi %scan3A_76, %scan3A_77 : i32
      %scan3A_79 = arith.constant 1 : i32
      %scan3A_80 = scf.for %scan3A_84 = %scan3A_76 to %scan3A_78 step %scan3A_79 iter_args(%scan3A_85 = %scan3A_75) -> (i32)  : i32 {
        %mul3A_86 = arith.constant 2 : i32
        %mul3A_87 = arith.muli %mul3A_86, %scan3A_84 : i32
        %add3A_88 = arith.constant 0 : i32
        %add3A_89 = arith.addi %mul3A_87, %add3A_88 : i32
        %get3A_90 = arith.index_cast %add3A_89 : i32 to index
        %get3A_91 = arith.constant 0 : index
        %get3A_92 = tpu.vector_load %arg11[%get3A_90, %get3A_91] {strides = array<i32>} : memref<128x128xf32, #tpu.memory_space<vmem>>, vector<1x16xf32>,
        %get3A_93 = vector.shape_cast %get3A_92 : vector<1x16xf32> to vector<16xf32>
        %get3A_94 = arith.index_cast %add3A_89 : i32 to index
        %get3A_95 = arith.constant 0 : index
        %get3A_96 = tpu.vector_load %arg12[%get3A_94, %get3A_95] {strides = array<i32>} : memref<128x128xf32, #tpu.memory_space<vmem>>, vector<1x16xf32>,
        %get3A_97 = vector.shape_cast %get3A_96 : vector<1x16xf32> to vector<16xf32>
        %add3A_98 = arith.addf %get3A_93, %get3A_97 : vector<16xf32>
        %mul3A_99 = arith.constant 2.000000e-01 : f32
        %mul3A_100 = vector.broadcast %mul3A_99 : f32 to vector<16xf32>
        %mul3A_101 = arith.mulf %mul3A_100, %add3A_98 : vector<16xf32>
        %max3A = arith.maximumf %add3A_98, %mul3A_101 : vector<16xf32>
        %add3A_102 = arith.addf %get3A_17, %get3A_97 : vector<16xf32>
        %mul3A_103 = arith.constant 2.000000e-01 : f32
        %mul3A_104 = vector.broadcast %mul3A_103 : f32 to vector<16xf32>
        %mul3A_105 = arith.mulf %mul3A_104, %add3A_102 : vector<16xf32>
        %max3A_106 = arith.maximumf %add3A_102, %mul3A_105 : vector<16xf32>
        %sub3A = arith.subf %max3A, %max3A_106 : vector<16xf32>
        %exp3A = math.exp %sub3A : vector<16xf32>
        %swap3A = arith.index_cast %add3A_89 : i32 to index
        %swap3A_107 = arith.constant 0 : index
        %swap3A_108 = tpu.vector_load %arg13[%swap3A, %swap3A_107] {strides = array<i32>} : memref<128x16xf32, #tpu.memory_space<vmem>>, vector<1x16xf32>,
        %swap3A_109 = vector.shape_cast %swap3A_108 : vector<1x16xf32> to vector<16xf32>
        %swap3A_110 = vector.shape_cast %exp3A : vector<16xf32> to vector<1x16xf32>
        tpu.vector_store %arg13[%swap3A, %swap3A_107], %swap3A_110 {strides = array<i32>} : memref<128x16xf32, #tpu.memory_space<vmem>>, vector<1x16xf32>,
        %mul3A_111 = arith.constant 2 : i32
        %mul3A_112 = arith.muli %mul3A_111, %scan3A_84 : i32
        %add3A_113 = arith.constant 1 : i32
        %add3A_114 = arith.addi %mul3A_112, %add3A_113 : i32
        %get3A_115 = arith.index_cast %add3A_114 : i32 to index
        %get3A_116 = arith.constant 0 : index
        %get3A_117 = tpu.vector_load %arg11[%get3A_115, %get3A_116] {strides = array<i32>} : memref<128x128xf32, #tpu.memory_space<vmem>>, vector<1x16xf32>,
        %get3A_118 = vector.shape_cast %get3A_117 : vector<1x16xf32> to vector<16xf32>
        %get3A_119 = arith.index_cast %add3A_114 : i32 to index
        %get3A_120 = arith.constant 0 : index
        %get3A_121 = tpu.vector_load %arg12[%get3A_119, %get3A_120] {strides = array<i32>} : memref<128x128xf32, #tpu.memory_space<vmem>>, vector<1x16xf32>,
        %get3A_122 = vector.shape_cast %get3A_121 : vector<1x16xf32> to vector<16xf32>
        %add3A_123 = arith.addf %get3A_118, %get3A_122 : vector<16xf32>
        %mul3A_124 = arith.constant 2.000000e-01 : f32
        %mul3A_125 = vector.broadcast %mul3A_124 : f32 to vector<16xf32>
        %mul3A_126 = arith.mulf %mul3A_125, %add3A_123 : vector<16xf32>
        %max3A_127 = arith.maximumf %add3A_123, %mul3A_126 : vector<16xf32>
        %add3A_128 = arith.addf %get3A_17, %get3A_122 : vector<16xf32>
        %mul3A_129 = arith.constant 2.000000e-01 : f32
        %mul3A_130 = vector.broadcast %mul3A_129 : f32 to vector<16xf32>
        %mul3A_131 = arith.mulf %mul3A_130, %add3A_128 : vector<16xf32>
        %max3A_132 = arith.maximumf %add3A_128, %mul3A_131 : vector<16xf32>
        %sub3A_133 = arith.subf %max3A_127, %max3A_132 : vector<16xf32>
        %exp3A_134 = math.exp %sub3A_133 : vector<16xf32>
        %swap3A_135 = arith.index_cast %add3A_114 : i32 to index
        %swap3A_136 = arith.constant 0 : index
        %swap3A_137 = tpu.vector_load %arg13[%swap3A_135, %swap3A_136] {strides = array<i32>} : memref<128x16xf32, #tpu.memory_space<vmem>>, vector<1x16xf32>,
        %swap3A_138 = vector.shape_cast %swap3A_137 : vector<1x16xf32> to vector<16xf32>
        %swap3A_139 = vector.shape_cast %exp3A_134 : vector<16xf32> to vector<1x16xf32>
        tpu.vector_store %arg13[%swap3A_135, %swap3A_136], %swap3A_139 {strides = array<i32>} : memref<128x16xf32, #tpu.memory_space<vmem>>, vector<1x16xf32>,
        %scan3A_140 = arith.constant 0 : i32
        scf.yield %scan3A_140 : i32
      }
      %scan3A_81 = arith.constant 64 : i32
      "tpu.region"() ({
        %run_scoped3A_84 = tpu.sem_alloc : memref<!tpu.dma_semaphore, #tpu.memory_space<semaphore_mem>>
        %dma_start3A_85 = arith.constant 0 : i32
        %dma_start3A_86 = tpu.memref_slice %arg7[%multiple_of3A, %dma_start3A_85] : memref<160000x16xf32, #tpu.memory_space<hbm>> -> memref<128x16xf32, #tpu.memory_space<hbm>>
        %dma_start3A_87 = arith.constant 0 : i32
        %dma_start3A_88 = tpu.memref_slice %arg7[%multiple_of3A, %dma_start3A_87] : memref<160000x16xf32, #tpu.memory_space<hbm>> -> memref<128x16xf32, #tpu.memory_space<hbm>>
        tpu.enqueue_dma source(%arg13 : memref<128x16xf32, #tpu.memory_space<vmem>>) target(%dma_start3A_88 : memref<128x16xf32, #tpu.memory_space<hbm>>) target_semaphore(%run_scoped3A_84 : memref<!tpu.dma_semaphore, #tpu.memory_space<semaphore_mem>>)
        %dma_wait3A_89 = arith.constant 0 : i32
        %dma_wait3A_90 = tpu.memref_slice %arg7[%multiple_of3A, %dma_wait3A_89] : memref<160000x16xf32, #tpu.memory_space<hbm>> -> memref<128x16xf32, #tpu.memory_space<hbm>>
        %dma_wait3A_91 = arith.constant 0 : i32
        %dma_wait3A_92 = tpu.memref_slice %arg7[%multiple_of3A, %dma_wait3A_91] : memref<160000x16xf32, #tpu.memory_space<hbm>> -> memref<128x16xf32, #tpu.memory_space<hbm>>
        tpu.wait_dma2 semaphore(%run_scoped3A_84 : memref<!tpu.dma_semaphore, #tpu.memory_space<semaphore_mem>>) src(%arg13 : memref<128x16xf32, #tpu.memory_space<vmem>>) dst(%dma_wait3A_92 : memref<128x16xf32, #tpu.memory_space<hbm>>)
        tpu.yield
      }) : () -> ()
      %run_scoped3A_82 = arith.constant 0 : i32
      "tpu.region"() ({
        %run_scoped3A_84 = tpu.sem_alloc : memref<!tpu.dma_semaphore, #tpu.memory_space<semaphore_mem>>
        %dma_start3A_85 = arith.constant 0 : i32
        %dma_start3A_86 = tpu.memref_slice %arg10[%run_scoped3A_82, %dma_start3A_85] : memref<1x128xi32, #tpu.memory_space<vmem>> -> memref<1x128xi32, #tpu.memory_space<vmem>>
        %dma_start3A_87 = tpu.memref_squeeze %dma_start3A_86 : memref<1x128xi32, #tpu.memory_space<vmem>> -> memref<128xi32, #tpu.memory_space<vmem>>
        %dma_start3A_88 = arith.constant 0 : i32
        %dma_start3A_89 = arith.constant 0 : i32
        %dma_start3A_90 = tpu.memref_slice %arg15[%dma_start3A_88, %dma_start3A_89] : memref<10000x16xf32, #tpu.memory_space<vmem_shared>> -> memref<10000x16xf32, #tpu.memory_space<vmem_shared>>
        tpu.enqueue_indirect_dma source(%arg13 : memref<128x16xf32, #tpu.memory_space<vmem>>) target(%dma_start3A_90 : memref<10000x16xf32, #tpu.memory_space<vmem_shared>>) offsets(%dma_start3A_87 : memref<128xi32, #tpu.memory_space<vmem>>) semaphore(%run_scoped3A_84 : memref<!tpu.dma_semaphore, #tpu.memory_space<semaphore_mem>>) {add = true}
        %dma_wait3A_91 = arith.constant 0 : i32
        %dma_wait3A_92 = tpu.memref_slice %arg10[%run_scoped3A_82, %dma_wait3A_91] : memref<1x128xi32, #tpu.memory_space<vmem>> -> memref<1x128xi32, #tpu.memory_space<vmem>>
        %dma_wait3A_93 = tpu.memref_squeeze %dma_wait3A_92 : memref<1x128xi32, #tpu.memory_space<vmem>> -> memref<128xi32, #tpu.memory_space<vmem>>
        %dma_wait3A_94 = arith.constant 0 : i32
        %dma_wait3A_95 = arith.constant 0 : i32
        %dma_wait3A_96 = tpu.memref_slice %arg15[%dma_wait3A_94, %dma_wait3A_95] : memref<10000x16xf32, #tpu.memory_space<vmem_shared>> -> memref<10000x16xf32, #tpu.memory_space<vmem_shared>>
        tpu.wait_indirect_dma semaphore(%run_scoped3A_84 : memref<!tpu.dma_semaphore, #tpu.memory_space<semaphore_mem>>) src(%arg13 : memref<128x16xf32, #tpu.memory_space<vmem>>) dst(%dma_wait3A_96 : memref<10000x16xf32, #tpu.memory_space<vmem_shared>>)
        tpu.yield
      }) : () -> ()
      %while3A_83 = arith.constant 0 : i32
      scf.yield %while3A_83 : i32
    }
    %while3A_36 = arith.constant 1 : i32
    %while3A_37 = scf.for %while3A_52 = %while3A_33 to %while3A_29 step %while3A_36 iter_args(%while3A_53 = %while3A_35) -> (i32)  : i32 {
      %add3A_54 = arith.addi %add3A_26, %while3A_52 : i32
      %mul3A_55 = arith.constant 128 : i32
      %mul3A_56 = arith.muli %add3A_54, %mul3A_55 : i32
      %multiple_of3A = tpu.assume_multiple %mul3A_56, 128 : i32
      "tpu.region"() ({
        %run_scoped3A_84 = tpu.sem_alloc : memref<!tpu.dma_semaphore, #tpu.memory_space<semaphore_mem>>
        %dma_start3A_85 = tpu.memref_slice %arg5[%multiple_of3A] : memref<160000xi32, #tpu.memory_space<hbm>> -> memref<128xi32, #tpu.memory_space<hbm>>
        %dma_start3A_86 = tpu.memref_slice %arg5[%multiple_of3A] : memref<160000xi32, #tpu.memory_space<hbm>> -> memref<128xi32, #tpu.memory_space<hbm>>
        tpu.enqueue_dma source(%dma_start3A_86 : memref<128xi32, #tpu.memory_space<hbm>>) target(%arg9 : memref<128xi32, #tpu.memory_space<vmem>>) target_semaphore(%run_scoped3A_84 : memref<!tpu.dma_semaphore, #tpu.memory_space<semaphore_mem>>)
        %dma_wait3A_87 = tpu.memref_slice %arg5[%multiple_of3A] : memref<160000xi32, #tpu.memory_space<hbm>> -> memref<128xi32, #tpu.memory_space<hbm>>
        %dma_wait3A_88 = tpu.memref_slice %arg5[%multiple_of3A] : memref<160000xi32, #tpu.memory_space<hbm>> -> memref<128xi32, #tpu.memory_space<hbm>>
        tpu.wait_dma2 semaphore(%run_scoped3A_84 : memref<!tpu.dma_semaphore, #tpu.memory_space<semaphore_mem>>) src(%dma_wait3A_88 : memref<128xi32, #tpu.memory_space<hbm>>) dst(%arg9 : memref<128xi32, #tpu.memory_space<vmem>>)
        tpu.yield
      }) : () -> ()
      %run_scoped3A = arith.constant 0 : i32
      "tpu.region"() ({
        %run_scoped3A_84 = tpu.sem_alloc : memref<!tpu.dma_semaphore, #tpu.memory_space<semaphore_mem>>
        %dma_start3A_85 = arith.constant 0 : i32
        %dma_start3A_86 = tpu.memref_slice %arg10[%run_scoped3A, %dma_start3A_85] : memref<1x128xi32, #tpu.memory_space<vmem>> -> memref<1x128xi32, #tpu.memory_space<vmem>>
        %dma_start3A_87 = tpu.memref_squeeze %dma_start3A_86 : memref<1x128xi32, #tpu.memory_space<vmem>> -> memref<128xi32, #tpu.memory_space<vmem>>
        %dma_start3A_88 = tpu.memref_slice %arg6[%multiple_of3A] : memref<160000xi32, #tpu.memory_space<hbm>> -> memref<128xi32, #tpu.memory_space<hbm>>
        %dma_start3A_89 = arith.constant 0 : i32
        %dma_start3A_90 = tpu.memref_slice %arg10[%run_scoped3A, %dma_start3A_89] : memref<1x128xi32, #tpu.memory_space<vmem>> -> memref<1x128xi32, #tpu.memory_space<vmem>>
        %dma_start3A_91 = tpu.memref_squeeze %dma_start3A_90 : memref<1x128xi32, #tpu.memory_space<vmem>> -> memref<128xi32, #tpu.memory_space<vmem>>
        %dma_start3A_92 = tpu.memref_slice %arg6[%multiple_of3A] : memref<160000xi32, #tpu.memory_space<hbm>> -> memref<128xi32, #tpu.memory_space<hbm>>
        tpu.enqueue_dma source(%dma_start3A_92 : memref<128xi32, #tpu.memory_space<hbm>>) target(%dma_start3A_91 : memref<128xi32, #tpu.memory_space<vmem>>) target_semaphore(%run_scoped3A_84 : memref<!tpu.dma_semaphore, #tpu.memory_space<semaphore_mem>>)
        %dma_wait3A_93 = arith.constant 0 : i32
        %dma_wait3A_94 = tpu.memref_slice %arg10[%run_scoped3A, %dma_wait3A_93] : memref<1x128xi32, #tpu.memory_space<vmem>> -> memref<1x128xi32, #tpu.memory_space<vmem>>
        %dma_wait3A_95 = tpu.memref_squeeze %dma_wait3A_94 : memref<1x128xi32, #tpu.memory_space<vmem>> -> memref<128xi32, #tpu.memory_space<vmem>>
        %dma_wait3A_96 = tpu.memref_slice %arg6[%multiple_of3A] : memref<160000xi32, #tpu.memory_space<hbm>> -> memref<128xi32, #tpu.memory_space<hbm>>
        %dma_wait3A_97 = arith.constant 0 : i32
        %dma_wait3A_98 = tpu.memref_slice %arg10[%run_scoped3A, %dma_wait3A_97] : memref<1x128xi32, #tpu.memory_space<vmem>> -> memref<1x128xi32, #tpu.memory_space<vmem>>
        %dma_wait3A_99 = tpu.memref_squeeze %dma_wait3A_98 : memref<1x128xi32, #tpu.memory_space<vmem>> -> memref<128xi32, #tpu.memory_space<vmem>>
        %dma_wait3A_100 = tpu.memref_slice %arg6[%multiple_of3A] : memref<160000xi32, #tpu.memory_space<hbm>> -> memref<128xi32, #tpu.memory_space<hbm>>
        tpu.wait_dma2 semaphore(%run_scoped3A_84 : memref<!tpu.dma_semaphore, #tpu.memory_space<semaphore_mem>>) src(%dma_wait3A_100 : memref<128xi32, #tpu.memory_space<hbm>>) dst(%dma_wait3A_99 : memref<128xi32, #tpu.memory_space<vmem>>)
        tpu.yield
      }) : () -> ()
      %dma_start3A = arith.constant 0 : i32
      %dma_start3A_57 = arith.constant 0 : i32
      %dma_start3A_58 = tpu.memref_slice %arg2[%dma_start3A, %dma_start3A_57] : memref<10000x128xf32, #tpu.memory_space<hbm>> -> memref<10000x128xf32, #tpu.memory_space<hbm>>
      tpu.enqueue_indirect_dma source(%dma_start3A_58 : memref<10000x128xf32, #tpu.memory_space<hbm>>) target(%arg11 : memref<128x128xf32, #tpu.memory_space<vmem>>) offsets(%arg9 : memref<128xi32, #tpu.memory_space<vmem>>) semaphore(%arg16 : memref<!tpu.dma_semaphore, #tpu.memory_space<semaphore_mem>>)
      %dma_wait3A = arith.constant 0 : i32
      %dma_wait3A_59 = arith.constant 0 : i32
      %dma_wait3A_60 = tpu.memref_slice %arg2[%dma_wait3A, %dma_wait3A_59] : memref<10000x128xf32, #tpu.memory_space<hbm>> -> memref<10000x128xf32, #tpu.memory_space<hbm>>
      tpu.wait_indirect_dma semaphore(%arg16 : memref<!tpu.dma_semaphore, #tpu.memory_space<semaphore_mem>>) src(%dma_wait3A_60 : memref<10000x128xf32, #tpu.memory_space<hbm>>) dst(%arg11 : memref<128x128xf32, #tpu.memory_space<vmem>>)
      %dma_start3A_61 = arith.constant 0 : i32
      %dma_start3A_62 = arith.constant 0 : i32
      %dma_start3A_63 = tpu.memref_slice %arg10[%dma_start3A_61, %dma_start3A_62] : memref<1x128xi32, #tpu.memory_space<vmem>> -> memref<1x128xi32, #tpu.memory_space<vmem>>
      %dma_start3A_64 = tpu.memref_squeeze %dma_start3A_63 : memref<1x128xi32, #tpu.memory_space<vmem>> -> memref<128xi32, #tpu.memory_space<vmem>>
      %dma_start3A_65 = arith.constant 0 : i32
      %dma_start3A_66 = arith.constant 0 : i32
      %dma_start3A_67 = tpu.memref_slice %arg3[%dma_start3A_65, %dma_start3A_66] : memref<10000x128xf32, #tpu.memory_space<hbm>> -> memref<10000x128xf32, #tpu.memory_space<hbm>>
      tpu.enqueue_indirect_dma source(%dma_start3A_67 : memref<10000x128xf32, #tpu.memory_space<hbm>>) target(%arg12 : memref<128x128xf32, #tpu.memory_space<vmem>>) offsets(%dma_start3A_64 : memref<128xi32, #tpu.memory_space<vmem>>) semaphore(%arg16 : memref<!tpu.dma_semaphore, #tpu.memory_space<semaphore_mem>>)
      %dma_wait3A_68 = arith.constant 0 : i32
      %dma_wait3A_69 = arith.constant 0 : i32
      %dma_wait3A_70 = tpu.memref_slice %arg10[%dma_wait3A_68, %dma_wait3A_69] : memref<1x128xi32, #tpu.memory_space<vmem>> -> memref<1x128xi32, #tpu.memory_space<vmem>>
      %dma_wait3A_71 = tpu.memref_squeeze %dma_wait3A_70 : memref<1x128xi32, #tpu.memory_space<vmem>> -> memref<128xi32, #tpu.memory_space<vmem>>
      %dma_wait3A_72 = arith.constant 0 : i32
      %dma_wait3A_73 = arith.constant 0 : i32
      %dma_wait3A_74 = tpu.memref_slice %arg3[%dma_wait3A_72, %dma_wait3A_73] : memref<10000x128xf32, #tpu.memory_space<hbm>> -> memref<10000x128xf32, #tpu.memory_space<hbm>>
      tpu.wait_indirect_dma semaphore(%arg16 : memref<!tpu.dma_semaphore, #tpu.memory_space<semaphore_mem>>) src(%dma_wait3A_74 : memref<10000x128xf32, #tpu.memory_space<hbm>>) dst(%arg12 : memref<128x128xf32, #tpu.memory_space<vmem>>)
      %scan3A_75 = arith.constant 0 : i32
      %scan3A_76 = arith.constant 0 : i32
      %scan3A_77 = arith.constant 64 : i32
      %scan3A_78 = arith.addi %scan3A_76, %scan3A_77 : i32
      %scan3A_79 = arith.constant 1 : i32
      %scan3A_80 = scf.for %scan3A_84 = %scan3A_76 to %scan3A_78 step %scan3A_79 iter_args(%scan3A_85 = %scan3A_75) -> (i32)  : i32 {
        %mul3A_86 = arith.constant 2 : i32
        %mul3A_87 = arith.muli %mul3A_86, %scan3A_84 : i32
        %add3A_88 = arith.constant 0 : i32
        %add3A_89 = arith.addi %mul3A_87, %add3A_88 : i32
        %get3A_90 = arith.index_cast %add3A_89 : i32 to index
        %get3A_91 = arith.constant 0 : index
        %get3A_92 = tpu.vector_load %arg11[%get3A_90, %get3A_91] {strides = array<i32>} : memref<128x128xf32, #tpu.memory_space<vmem>>, vector<1x16xf32>,
        %get3A_93 = vector.shape_cast %get3A_92 : vector<1x16xf32> to vector<16xf32>
        %get3A_94 = arith.index_cast %add3A_89 : i32 to index
        %get3A_95 = arith.constant 0 : index
        %get3A_96 = tpu.vector_load %arg12[%get3A_94, %get3A_95] {strides = array<i32>} : memref<128x128xf32, #tpu.memory_space<vmem>>, vector<1x16xf32>,
        %get3A_97 = vector.shape_cast %get3A_96 : vector<1x16xf32> to vector<16xf32>
        %add3A_98 = arith.addf %get3A_93, %get3A_97 : vector<16xf32>
        %mul3A_99 = arith.constant 2.000000e-01 : f32
        %mul3A_100 = vector.broadcast %mul3A_99 : f32 to vector<16xf32>
        %mul3A_101 = arith.mulf %mul3A_100, %add3A_98 : vector<16xf32>
        %max3A = arith.maximumf %add3A_98, %mul3A_101 : vector<16xf32>
        %add3A_102 = arith.addf %get3A_17, %get3A_97 : vector<16xf32>
        %mul3A_103 = arith.constant 2.000000e-01 : f32
        %mul3A_104 = vector.broadcast %mul3A_103 : f32 to vector<16xf32>
        %mul3A_105 = arith.mulf %mul3A_104, %add3A_102 : vector<16xf32>
        %max3A_106 = arith.maximumf %add3A_102, %mul3A_105 : vector<16xf32>
        %sub3A = arith.subf %max3A, %max3A_106 : vector<16xf32>
        %exp3A = math.exp %sub3A : vector<16xf32>
        %swap3A = arith.index_cast %add3A_89 : i32 to index
        %swap3A_107 = arith.constant 0 : index
        %swap3A_108 = tpu.vector_load %arg13[%swap3A, %swap3A_107] {strides = array<i32>} : memref<128x16xf32, #tpu.memory_space<vmem>>, vector<1x16xf32>,
        %swap3A_109 = vector.shape_cast %swap3A_108 : vector<1x16xf32> to vector<16xf32>
        %swap3A_110 = vector.shape_cast %exp3A : vector<16xf32> to vector<1x16xf32>
        tpu.vector_store %arg13[%swap3A, %swap3A_107], %swap3A_110 {strides = array<i32>} : memref<128x16xf32, #tpu.memory_space<vmem>>, vector<1x16xf32>,
        %mul3A_111 = arith.constant 2 : i32
        %mul3A_112 = arith.muli %mul3A_111, %scan3A_84 : i32
        %add3A_113 = arith.constant 1 : i32
        %add3A_114 = arith.addi %mul3A_112, %add3A_113 : i32
        %get3A_115 = arith.index_cast %add3A_114 : i32 to index
        %get3A_116 = arith.constant 0 : index
        %get3A_117 = tpu.vector_load %arg11[%get3A_115, %get3A_116] {strides = array<i32>} : memref<128x128xf32, #tpu.memory_space<vmem>>, vector<1x16xf32>,
        %get3A_118 = vector.shape_cast %get3A_117 : vector<1x16xf32> to vector<16xf32>
        %get3A_119 = arith.index_cast %add3A_114 : i32 to index
        %get3A_120 = arith.constant 0 : index
        %get3A_121 = tpu.vector_load %arg12[%get3A_119, %get3A_120] {strides = array<i32>} : memref<128x128xf32, #tpu.memory_space<vmem>>, vector<1x16xf32>,
        %get3A_122 = vector.shape_cast %get3A_121 : vector<1x16xf32> to vector<16xf32>
        %add3A_123 = arith.addf %get3A_118, %get3A_122 : vector<16xf32>
        %mul3A_124 = arith.constant 2.000000e-01 : f32
        %mul3A_125 = vector.broadcast %mul3A_124 : f32 to vector<16xf32>
        %mul3A_126 = arith.mulf %mul3A_125, %add3A_123 : vector<16xf32>
        %max3A_127 = arith.maximumf %add3A_123, %mul3A_126 : vector<16xf32>
        %add3A_128 = arith.addf %get3A_17, %get3A_122 : vector<16xf32>
        %mul3A_129 = arith.constant 2.000000e-01 : f32
        %mul3A_130 = vector.broadcast %mul3A_129 : f32 to vector<16xf32>
        %mul3A_131 = arith.mulf %mul3A_130, %add3A_128 : vector<16xf32>
        %max3A_132 = arith.maximumf %add3A_128, %mul3A_131 : vector<16xf32>
        %sub3A_133 = arith.subf %max3A_127, %max3A_132 : vector<16xf32>
        %exp3A_134 = math.exp %sub3A_133 : vector<16xf32>
        %swap3A_135 = arith.index_cast %add3A_114 : i32 to index
        %swap3A_136 = arith.constant 0 : index
        %swap3A_137 = tpu.vector_load %arg13[%swap3A_135, %swap3A_136] {strides = array<i32>} : memref<128x16xf32, #tpu.memory_space<vmem>>, vector<1x16xf32>,
        %swap3A_138 = vector.shape_cast %swap3A_137 : vector<1x16xf32> to vector<16xf32>
        %swap3A_139 = vector.shape_cast %exp3A_134 : vector<16xf32> to vector<1x16xf32>
        tpu.vector_store %arg13[%swap3A_135, %swap3A_136], %swap3A_139 {strides = array<i32>} : memref<128x16xf32, #tpu.memory_space<vmem>>, vector<1x16xf32>,
        %scan3A_140 = arith.constant 0 : i32
        scf.yield %scan3A_140 : i32
      }
      %scan3A_81 = arith.constant 64 : i32
      "tpu.region"() ({
        %run_scoped3A_84 = tpu.sem_alloc : memref<!tpu.dma_semaphore, #tpu.memory_space<semaphore_mem>>
        %dma_start3A_85 = arith.constant 0 : i32
        %dma_start3A_86 = tpu.memref_slice %arg7[%multiple_of3A, %dma_start3A_85] : memref<160000x16xf32, #tpu.memory_space<hbm>> -> memref<128x16xf32, #tpu.memory_space<hbm>>
        %dma_start3A_87 = arith.constant 0 : i32
        %dma_start3A_88 = tpu.memref_slice %arg7[%multiple_of3A, %dma_start3A_87] : memref<160000x16xf32, #tpu.memory_space<hbm>> -> memref<128x16xf32, #tpu.memory_space<hbm>>
        tpu.enqueue_dma source(%arg13 : memref<128x16xf32, #tpu.memory_space<vmem>>) target(%dma_start3A_88 : memref<128x16xf32, #tpu.memory_space<hbm>>) target_semaphore(%run_scoped3A_84 : memref<!tpu.dma_semaphore, #tpu.memory_space<semaphore_mem>>)
        %dma_wait3A_89 = arith.constant 0 : i32
        %dma_wait3A_90 = tpu.memref_slice %arg7[%multiple_of3A, %dma_wait3A_89] : memref<160000x16xf32, #tpu.memory_space<hbm>> -> memref<128x16xf32, #tpu.memory_space<hbm>>
        %dma_wait3A_91 = arith.constant 0 : i32
        %dma_wait3A_92 = tpu.memref_slice %arg7[%multiple_of3A, %dma_wait3A_91] : memref<160000x16xf32, #tpu.memory_space<hbm>> -> memref<128x16xf32, #tpu.memory_space<hbm>>
        tpu.wait_dma2 semaphore(%run_scoped3A_84 : memref<!tpu.dma_semaphore, #tpu.memory_space<semaphore_mem>>) src(%arg13 : memref<128x16xf32, #tpu.memory_space<vmem>>) dst(%dma_wait3A_92 : memref<128x16xf32, #tpu.memory_space<hbm>>)
        tpu.yield
      }) : () -> ()
      %run_scoped3A_82 = arith.constant 0 : i32
      "tpu.region"() ({
        %run_scoped3A_84 = tpu.sem_alloc : memref<!tpu.dma_semaphore, #tpu.memory_space<semaphore_mem>>
        %dma_start3A_85 = arith.constant 0 : i32
        %dma_start3A_86 = tpu.memref_slice %arg10[%run_scoped3A_82, %dma_start3A_85] : memref<1x128xi32, #tpu.memory_space<vmem>> -> memref<1x128xi32, #tpu.memory_space<vmem>>
        %dma_start3A_87 = tpu.memref_squeeze %dma_start3A_86 : memref<1x128xi32, #tpu.memory_space<vmem>> -> memref<128xi32, #tpu.memory_space<vmem>>
        %dma_start3A_88 = arith.constant 0 : i32
        %dma_start3A_89 = arith.constant 0 : i32
        %dma_start3A_90 = tpu.memref_slice %arg15[%dma_start3A_88, %dma_start3A_89] : memref<10000x16xf32, #tpu.memory_space<vmem_shared>> -> memref<10000x16xf32, #tpu.memory_space<vmem_shared>>
        tpu.enqueue_indirect_dma source(%arg13 : memref<128x16xf32, #tpu.memory_space<vmem>>) target(%dma_start3A_90 : memref<10000x16xf32, #tpu.memory_space<vmem_shared>>) offsets(%dma_start3A_87 : memref<128xi32, #tpu.memory_space<vmem>>) semaphore(%run_scoped3A_84 : memref<!tpu.dma_semaphore, #tpu.memory_space<semaphore_mem>>) {add = true}
        %dma_wait3A_91 = arith.constant 0 : i32
        %dma_wait3A_92 = tpu.memref_slice %arg10[%run_scoped3A_82, %dma_wait3A_91] : memref<1x128xi32, #tpu.memory_space<vmem>> -> memref<1x128xi32, #tpu.memory_space<vmem>>
        %dma_wait3A_93 = tpu.memref_squeeze %dma_wait3A_92 : memref<1x128xi32, #tpu.memory_space<vmem>> -> memref<128xi32, #tpu.memory_space<vmem>>
        %dma_wait3A_94 = arith.constant 0 : i32
        %dma_wait3A_95 = arith.constant 0 : i32
        %dma_wait3A_96 = tpu.memref_slice %arg15[%dma_wait3A_94, %dma_wait3A_95] : memref<10000x16xf32, #tpu.memory_space<vmem_shared>> -> memref<10000x16xf32, #tpu.memory_space<vmem_shared>>
        tpu.wait_indirect_dma semaphore(%run_scoped3A_84 : memref<!tpu.dma_semaphore, #tpu.memory_space<semaphore_mem>>) src(%arg13 : memref<128x16xf32, #tpu.memory_space<vmem>>) dst(%dma_wait3A_96 : memref<10000x16xf32, #tpu.memory_space<vmem_shared>>)
        tpu.yield
      }) : () -> ()
      %while3A_83 = arith.constant 0 : i32
      scf.yield %while3A_83 : i32
    }
    %barrier3A_38 = arith.constant 0 : index
    tpu.barrier barrier_id(%barrier3A_38)
    %mul3A_39 = arith.constant 10000 : i32
    %mul3A_40 = arith.muli %arg0, %mul3A_39 : i32
    %add3A_41 = arith.addi %mul3A_40, %mul3A_9 : i32
    %lt3A_42 = arith.constant 15 : i32
    %lt3A_43 = arith.cmpi slt, %arg1, %lt3A_42 : i32
    %convert_element_type3A_44 = arith.extui %lt3A_43 : i1 to i32
    %cond3A_45 = arith.constant 0 : i32
    %cond3A_46 = arith.cmpi ne, %convert_element_type3A_44, %cond3A_45 : i32
    scf.if %cond3A_46 {
      %add3A_52 = arith.constant 0 : i32
      %add3A_53 = arith.addi %mul3A_9, %add3A_52 : i32
      "tpu.region"() ({
        %run_scoped3A = tpu.sem_alloc : memref<!tpu.dma_semaphore, #tpu.memory_space<semaphore_mem>>
        %dma_start3A = arith.constant 0 : i32
        %dma_start3A_76 = arith.constant 0 : i32
        %dma_start3A_77 = tpu.memref_slice %arg13[%dma_start3A, %dma_start3A_76] : memref<128x16xf32, #tpu.memory_space<vmem>> -> memref<104x16xf32, #tpu.memory_space<vmem>>
        %dma_start3A_78 = arith.constant 0 : i32
        %dma_start3A_79 = tpu.memref_slice %arg15[%add3A_53, %dma_start3A_78] : memref<10000x16xf32, #tpu.memory_space<vmem_shared>> -> memref<104x16xf32, #tpu.memory_space<vmem_shared>>
        %dma_start3A_80 = arith.constant 0 : i32
        %dma_start3A_81 = arith.constant 0 : i32
        %dma_start3A_82 = tpu.memref_slice %arg13[%dma_start3A_80, %dma_start3A_81] : memref<128x16xf32, #tpu.memory_space<vmem>> -> memref<104x16xf32, #tpu.memory_space<vmem>>
        %dma_start3A_83 = arith.constant 0 : i32
        %dma_start3A_84 = tpu.memref_slice %arg15[%add3A_53, %dma_start3A_83] : memref<10000x16xf32, #tpu.memory_space<vmem_shared>> -> memref<104x16xf32, #tpu.memory_space<vmem_shared>>
        tpu.enqueue_dma source(%dma_start3A_84 : memref<104x16xf32, #tpu.memory_space<vmem_shared>>) target(%dma_start3A_82 : memref<104x16xf32, #tpu.memory_space<vmem>>) target_semaphore(%run_scoped3A : memref<!tpu.dma_semaphore, #tpu.memory_space<semaphore_mem>>)
        %dma_wait3A = arith.constant 0 : i32
        %dma_wait3A_85 = arith.constant 0 : i32
        %dma_wait3A_86 = tpu.memref_slice %arg13[%dma_wait3A, %dma_wait3A_85] : memref<128x16xf32, #tpu.memory_space<vmem>> -> memref<104x16xf32, #tpu.memory_space<vmem>>
        %dma_wait3A_87 = arith.constant 0 : i32
        %dma_wait3A_88 = tpu.memref_slice %arg15[%add3A_53, %dma_wait3A_87] : memref<10000x16xf32, #tpu.memory_space<vmem_shared>> -> memref<104x16xf32, #tpu.memory_space<vmem_shared>>
        %dma_wait3A_89 = arith.constant 0 : i32
        %dma_wait3A_90 = arith.constant 0 : i32
        %dma_wait3A_91 = tpu.memref_slice %arg13[%dma_wait3A_89, %dma_wait3A_90] : memref<128x16xf32, #tpu.memory_space<vmem>> -> memref<104x16xf32, #tpu.memory_space<vmem>>
        %dma_wait3A_92 = arith.constant 0 : i32
        %dma_wait3A_93 = tpu.memref_slice %arg15[%add3A_53, %dma_wait3A_92] : memref<10000x16xf32, #tpu.memory_space<vmem_shared>> -> memref<104x16xf32, #tpu.memory_space<vmem_shared>>
        tpu.wait_dma2 semaphore(%run_scoped3A : memref<!tpu.dma_semaphore, #tpu.memory_space<semaphore_mem>>) src(%dma_wait3A_93 : memref<104x16xf32, #tpu.memory_space<vmem_shared>>) dst(%dma_wait3A_91 : memref<104x16xf32, #tpu.memory_space<vmem>>)
        tpu.yield
      }) : () -> ()
      %add3A_54 = arith.constant 0 : i32
      %add3A_55 = arith.addi %add3A_41, %add3A_54 : i32
      "tpu.region"() ({
        %run_scoped3A = tpu.sem_alloc : memref<!tpu.dma_semaphore, #tpu.memory_space<semaphore_mem>>
        %dma_start3A = arith.constant 0 : i32
        %dma_start3A_76 = arith.constant 0 : i32
        %dma_start3A_77 = tpu.memref_slice %arg13[%dma_start3A, %dma_start3A_76] : memref<128x16xf32, #tpu.memory_space<vmem>> -> memref<104x16xf32, #tpu.memory_space<vmem>>
        %dma_start3A_78 = arith.constant 0 : i32
        %dma_start3A_79 = tpu.memref_slice %arg8[%add3A_55, %dma_start3A_78] : memref<20000x16xf32, #tpu.memory_space<hbm>> -> memref<104x16xf32, #tpu.memory_space<hbm>>
        %dma_start3A_80 = arith.constant 0 : i32
        %dma_start3A_81 = tpu.memref_slice %arg8[%add3A_55, %dma_start3A_80] : memref<20000x16xf32, #tpu.memory_space<hbm>> -> memref<104x16xf32, #tpu.memory_space<hbm>>
        %dma_start3A_82 = arith.constant 0 : i32
        %dma_start3A_83 = arith.constant 0 : i32
        %dma_start3A_84 = tpu.memref_slice %arg13[%dma_start3A_82, %dma_start3A_83] : memref<128x16xf32, #tpu.memory_space<vmem>> -> memref<104x16xf32, #tpu.memory_space<vmem>>
        tpu.enqueue_dma source(%dma_start3A_84 : memref<104x16xf32, #tpu.memory_space<vmem>>) target(%dma_start3A_81 : memref<104x16xf32, #tpu.memory_space<hbm>>) target_semaphore(%run_scoped3A : memref<!tpu.dma_semaphore, #tpu.memory_space<semaphore_mem>>)
        %dma_wait3A = arith.constant 0 : i32
        %dma_wait3A_85 = arith.constant 0 : i32
        %dma_wait3A_86 = tpu.memref_slice %arg13[%dma_wait3A, %dma_wait3A_85] : memref<128x16xf32, #tpu.memory_space<vmem>> -> memref<104x16xf32, #tpu.memory_space<vmem>>
        %dma_wait3A_87 = arith.constant 0 : i32
        %dma_wait3A_88 = tpu.memref_slice %arg8[%add3A_55, %dma_wait3A_87] : memref<20000x16xf32, #tpu.memory_space<hbm>> -> memref<104x16xf32, #tpu.memory_space<hbm>>
        %dma_wait3A_89 = arith.constant 0 : i32
        %dma_wait3A_90 = tpu.memref_slice %arg8[%add3A_55, %dma_wait3A_89] : memref<20000x16xf32, #tpu.memory_space<hbm>> -> memref<104x16xf32, #tpu.memory_space<hbm>>
        %dma_wait3A_91 = arith.constant 0 : i32
        %dma_wait3A_92 = arith.constant 0 : i32
        %dma_wait3A_93 = tpu.memref_slice %arg13[%dma_wait3A_91, %dma_wait3A_92] : memref<128x16xf32, #tpu.memory_space<vmem>> -> memref<104x16xf32, #tpu.memory_space<vmem>>
        tpu.wait_dma2 semaphore(%run_scoped3A : memref<!tpu.dma_semaphore, #tpu.memory_space<semaphore_mem>>) src(%dma_wait3A_93 : memref<104x16xf32, #tpu.memory_space<vmem>>) dst(%dma_wait3A_90 : memref<104x16xf32, #tpu.memory_space<hbm>>)
        tpu.yield
      }) : () -> ()
      %add3A_56 = arith.constant 104 : i32
      %add3A_57 = arith.addi %mul3A_9, %add3A_56 : i32
      "tpu.region"() ({
        %run_scoped3A = tpu.sem_alloc : memref<!tpu.dma_semaphore, #tpu.memory_space<semaphore_mem>>
        %dma_start3A = arith.constant 0 : i32
        %dma_start3A_76 = arith.constant 0 : i32
        %dma_start3A_77 = tpu.memref_slice %arg13[%dma_start3A, %dma_start3A_76] : memref<128x16xf32, #tpu.memory_space<vmem>> -> memref<104x16xf32, #tpu.memory_space<vmem>>
        %dma_start3A_78 = arith.constant 0 : i32
        %dma_start3A_79 = tpu.memref_slice %arg15[%add3A_57, %dma_start3A_78] : memref<10000x16xf32, #tpu.memory_space<vmem_shared>> -> memref<104x16xf32, #tpu.memory_space<vmem_shared>>
        %dma_start3A_80 = arith.constant 0 : i32
        %dma_start3A_81 = arith.constant 0 : i32
        %dma_start3A_82 = tpu.memref_slice %arg13[%dma_start3A_80, %dma_start3A_81] : memref<128x16xf32, #tpu.memory_space<vmem>> -> memref<104x16xf32, #tpu.memory_space<vmem>>
        %dma_start3A_83 = arith.constant 0 : i32
        %dma_start3A_84 = tpu.memref_slice %arg15[%add3A_57, %dma_start3A_83] : memref<10000x16xf32, #tpu.memory_space<vmem_shared>> -> memref<104x16xf32, #tpu.memory_space<vmem_shared>>
        tpu.enqueue_dma source(%dma_start3A_84 : memref<104x16xf32, #tpu.memory_space<vmem_shared>>) target(%dma_start3A_82 : memref<104x16xf32, #tpu.memory_space<vmem>>) target_semaphore(%run_scoped3A : memref<!tpu.dma_semaphore, #tpu.memory_space<semaphore_mem>>)
        %dma_wait3A = arith.constant 0 : i32
        %dma_wait3A_85 = arith.constant 0 : i32
        %dma_wait3A_86 = tpu.memref_slice %arg13[%dma_wait3A, %dma_wait3A_85] : memref<128x16xf32, #tpu.memory_space<vmem>> -> memref<104x16xf32, #tpu.memory_space<vmem>>
        %dma_wait3A_87 = arith.constant 0 : i32
        %dma_wait3A_88 = tpu.memref_slice %arg15[%add3A_57, %dma_wait3A_87] : memref<10000x16xf32, #tpu.memory_space<vmem_shared>> -> memref<104x16xf32, #tpu.memory_space<vmem_shared>>
        %dma_wait3A_89 = arith.constant 0 : i32
        %dma_wait3A_90 = arith.constant 0 : i32
        %dma_wait3A_91 = tpu.memref_slice %arg13[%dma_wait3A_89, %dma_wait3A_90] : memref<128x16xf32, #tpu.memory_space<vmem>> -> memref<104x16xf32, #tpu.memory_space<vmem>>
        %dma_wait3A_92 = arith.constant 0 : i32
        %dma_wait3A_93 = tpu.memref_slice %arg15[%add3A_57, %dma_wait3A_92] : memref<10000x16xf32, #tpu.memory_space<vmem_shared>> -> memref<104x16xf32, #tpu.memory_space<vmem_shared>>
        tpu.wait_dma2 semaphore(%run_scoped3A : memref<!tpu.dma_semaphore, #tpu.memory_space<semaphore_mem>>) src(%dma_wait3A_93 : memref<104x16xf32, #tpu.memory_space<vmem_shared>>) dst(%dma_wait3A_91 : memref<104x16xf32, #tpu.memory_space<vmem>>)
        tpu.yield
      }) : () -> ()
      %add3A_58 = arith.constant 104 : i32
      %add3A_59 = arith.addi %add3A_41, %add3A_58 : i32
      "tpu.region"() ({
        %run_scoped3A = tpu.sem_alloc : memref<!tpu.dma_semaphore, #tpu.memory_space<semaphore_mem>>
        %dma_start3A = arith.constant 0 : i32
        %dma_start3A_76 = arith.constant 0 : i32
        %dma_start3A_77 = tpu.memref_slice %arg13[%dma_start3A, %dma_start3A_76] : memref<128x16xf32, #tpu.memory_space<vmem>> -> memref<104x16xf32, #tpu.memory_space<vmem>>
        %dma_start3A_78 = arith.constant 0 : i32
        %dma_start3A_79 = tpu.memref_slice %arg8[%add3A_59, %dma_start3A_78] : memref<20000x16xf32, #tpu.memory_space<hbm>> -> memref<104x16xf32, #tpu.memory_space<hbm>>
        %dma_start3A_80 = arith.constant 0 : i32
        %dma_start3A_81 = tpu.memref_slice %arg8[%add3A_59, %dma_start3A_80] : memref<20000x16xf32, #tpu.memory_space<hbm>> -> memref<104x16xf32, #tpu.memory_space<hbm>>
        %dma_start3A_82 = arith.constant 0 : i32
        %dma_start3A_83 = arith.constant 0 : i32
        %dma_start3A_84 = tpu.memref_slice %arg13[%dma_start3A_82, %dma_start3A_83] : memref<128x16xf32, #tpu.memory_space<vmem>> -> memref<104x16xf32, #tpu.memory_space<vmem>>
        tpu.enqueue_dma source(%dma_start3A_84 : memref<104x16xf32, #tpu.memory_space<vmem>>) target(%dma_start3A_81 : memref<104x16xf32, #tpu.memory_space<hbm>>) target_semaphore(%run_scoped3A : memref<!tpu.dma_semaphore, #tpu.memory_space<semaphore_mem>>)
        %dma_wait3A = arith.constant 0 : i32
        %dma_wait3A_85 = arith.constant 0 : i32
        %dma_wait3A_86 = tpu.memref_slice %arg13[%dma_wait3A, %dma_wait3A_85] : memref<128x16xf32, #tpu.memory_space<vmem>> -> memref<104x16xf32, #tpu.memory_space<vmem>>
        %dma_wait3A_87 = arith.constant 0 : i32
        %dma_wait3A_88 = tpu.memref_slice %arg8[%add3A_59, %dma_wait3A_87] : memref<20000x16xf32, #tpu.memory_space<hbm>> -> memref<104x16xf32, #tpu.memory_space<hbm>>
        %dma_wait3A_89 = arith.constant 0 : i32
        %dma_wait3A_90 = tpu.memref_slice %arg8[%add3A_59, %dma_wait3A_89] : memref<20000x16xf32, #tpu.memory_space<hbm>> -> memref<104x16xf32, #tpu.memory_space<hbm>>
        %dma_wait3A_91 = arith.constant 0 : i32
        %dma_wait3A_92 = arith.constant 0 : i32
        %dma_wait3A_93 = tpu.memref_slice %arg13[%dma_wait3A_91, %dma_wait3A_92] : memref<128x16xf32, #tpu.memory_space<vmem>> -> memref<104x16xf32, #tpu.memory_space<vmem>>
        tpu.wait_dma2 semaphore(%run_scoped3A : memref<!tpu.dma_semaphore, #tpu.memory_space<semaphore_mem>>) src(%dma_wait3A_93 : memref<104x16xf32, #tpu.memory_space<vmem>>) dst(%dma_wait3A_90 : memref<104x16xf32, #tpu.memory_space<hbm>>)
        tpu.yield
      }) : () -> ()
      %add3A_60 = arith.constant 208 : i32
      %add3A_61 = arith.addi %mul3A_9, %add3A_60 : i32
      "tpu.region"() ({
        %run_scoped3A = tpu.sem_alloc : memref<!tpu.dma_semaphore, #tpu.memory_space<semaphore_mem>>
        %dma_start3A = arith.constant 0 : i32
        %dma_start3A_76 = arith.constant 0 : i32
        %dma_start3A_77 = tpu.memref_slice %arg13[%dma_start3A, %dma_start3A_76] : memref<128x16xf32, #tpu.memory_space<vmem>> -> memref<104x16xf32, #tpu.memory_space<vmem>>
        %dma_start3A_78 = arith.constant 0 : i32
        %dma_start3A_79 = tpu.memref_slice %arg15[%add3A_61, %dma_start3A_78] : memref<10000x16xf32, #tpu.memory_space<vmem_shared>> -> memref<104x16xf32, #tpu.memory_space<vmem_shared>>
        %dma_start3A_80 = arith.constant 0 : i32
        %dma_start3A_81 = arith.constant 0 : i32
        %dma_start3A_82 = tpu.memref_slice %arg13[%dma_start3A_80, %dma_start3A_81] : memref<128x16xf32, #tpu.memory_space<vmem>> -> memref<104x16xf32, #tpu.memory_space<vmem>>
        %dma_start3A_83 = arith.constant 0 : i32
        %dma_start3A_84 = tpu.memref_slice %arg15[%add3A_61, %dma_start3A_83] : memref<10000x16xf32, #tpu.memory_space<vmem_shared>> -> memref<104x16xf32, #tpu.memory_space<vmem_shared>>
        tpu.enqueue_dma source(%dma_start3A_84 : memref<104x16xf32, #tpu.memory_space<vmem_shared>>) target(%dma_start3A_82 : memref<104x16xf32, #tpu.memory_space<vmem>>) target_semaphore(%run_scoped3A : memref<!tpu.dma_semaphore, #tpu.memory_space<semaphore_mem>>)
        %dma_wait3A = arith.constant 0 : i32
        %dma_wait3A_85 = arith.constant 0 : i32
        %dma_wait3A_86 = tpu.memref_slice %arg13[%dma_wait3A, %dma_wait3A_85] : memref<128x16xf32, #tpu.memory_space<vmem>> -> memref<104x16xf32, #tpu.memory_space<vmem>>
        %dma_wait3A_87 = arith.constant 0 : i32
        %dma_wait3A_88 = tpu.memref_slice %arg15[%add3A_61, %dma_wait3A_87] : memref<10000x16xf32, #tpu.memory_space<vmem_shared>> -> memref<104x16xf32, #tpu.memory_space<vmem_shared>>
        %dma_wait3A_89 = arith.constant 0 : i32
        %dma_wait3A_90 = arith.constant 0 : i32
        %dma_wait3A_91 = tpu.memref_slice %arg13[%dma_wait3A_89, %dma_wait3A_90] : memref<128x16xf32, #tpu.memory_space<vmem>> -> memref<104x16xf32, #tpu.memory_space<vmem>>
        %dma_wait3A_92 = arith.constant 0 : i32
        %dma_wait3A_93 = tpu.memref_slice %arg15[%add3A_61, %dma_wait3A_92] : memref<10000x16xf32, #tpu.memory_space<vmem_shared>> -> memref<104x16xf32, #tpu.memory_space<vmem_shared>>
        tpu.wait_dma2 semaphore(%run_scoped3A : memref<!tpu.dma_semaphore, #tpu.memory_space<semaphore_mem>>) src(%dma_wait3A_93 : memref<104x16xf32, #tpu.memory_space<vmem_shared>>) dst(%dma_wait3A_91 : memref<104x16xf32, #tpu.memory_space<vmem>>)
        tpu.yield
      }) : () -> ()
      %add3A_62 = arith.constant 208 : i32
      %add3A_63 = arith.addi %add3A_41, %add3A_62 : i32
      "tpu.region"() ({
        %run_scoped3A = tpu.sem_alloc : memref<!tpu.dma_semaphore, #tpu.memory_space<semaphore_mem>>
        %dma_start3A = arith.constant 0 : i32
        %dma_start3A_76 = arith.constant 0 : i32
        %dma_start3A_77 = tpu.memref_slice %arg13[%dma_start3A, %dma_start3A_76] : memref<128x16xf32, #tpu.memory_space<vmem>> -> memref<104x16xf32, #tpu.memory_space<vmem>>
        %dma_start3A_78 = arith.constant 0 : i32
        %dma_start3A_79 = tpu.memref_slice %arg8[%add3A_63, %dma_start3A_78] : memref<20000x16xf32, #tpu.memory_space<hbm>> -> memref<104x16xf32, #tpu.memory_space<hbm>>
        %dma_start3A_80 = arith.constant 0 : i32
        %dma_start3A_81 = tpu.memref_slice %arg8[%add3A_63, %dma_start3A_80] : memref<20000x16xf32, #tpu.memory_space<hbm>> -> memref<104x16xf32, #tpu.memory_space<hbm>>
        %dma_start3A_82 = arith.constant 0 : i32
        %dma_start3A_83 = arith.constant 0 : i32
        %dma_start3A_84 = tpu.memref_slice %arg13[%dma_start3A_82, %dma_start3A_83] : memref<128x16xf32, #tpu.memory_space<vmem>> -> memref<104x16xf32, #tpu.memory_space<vmem>>
        tpu.enqueue_dma source(%dma_start3A_84 : memref<104x16xf32, #tpu.memory_space<vmem>>) target(%dma_start3A_81 : memref<104x16xf32, #tpu.memory_space<hbm>>) target_semaphore(%run_scoped3A : memref<!tpu.dma_semaphore, #tpu.memory_space<semaphore_mem>>)
        %dma_wait3A = arith.constant 0 : i32
        %dma_wait3A_85 = arith.constant 0 : i32
        %dma_wait3A_86 = tpu.memref_slice %arg13[%dma_wait3A, %dma_wait3A_85] : memref<128x16xf32, #tpu.memory_space<vmem>> -> memref<104x16xf32, #tpu.memory_space<vmem>>
        %dma_wait3A_87 = arith.constant 0 : i32
        %dma_wait3A_88 = tpu.memref_slice %arg8[%add3A_63, %dma_wait3A_87] : memref<20000x16xf32, #tpu.memory_space<hbm>> -> memref<104x16xf32, #tpu.memory_space<hbm>>
        %dma_wait3A_89 = arith.constant 0 : i32
        %dma_wait3A_90 = tpu.memref_slice %arg8[%add3A_63, %dma_wait3A_89] : memref<20000x16xf32, #tpu.memory_space<hbm>> -> memref<104x16xf32, #tpu.memory_space<hbm>>
        %dma_wait3A_91 = arith.constant 0 : i32
        %dma_wait3A_92 = arith.constant 0 : i32
        %dma_wait3A_93 = tpu.memref_slice %arg13[%dma_wait3A_91, %dma_wait3A_92] : memref<128x16xf32, #tpu.memory_space<vmem>> -> memref<104x16xf32, #tpu.memory_space<vmem>>
        tpu.wait_dma2 semaphore(%run_scoped3A : memref<!tpu.dma_semaphore, #tpu.memory_space<semaphore_mem>>) src(%dma_wait3A_93 : memref<104x16xf32, #tpu.memory_space<vmem>>) dst(%dma_wait3A_90 : memref<104x16xf32, #tpu.memory_space<hbm>>)
        tpu.yield
      }) : () -> ()
      %add3A_64 = arith.constant 312 : i32
      %add3A_65 = arith.addi %mul3A_9, %add3A_64 : i32
      "tpu.region"() ({
        %run_scoped3A = tpu.sem_alloc : memref<!tpu.dma_semaphore, #tpu.memory_space<semaphore_mem>>
        %dma_start3A = arith.constant 0 : i32
        %dma_start3A_76 = arith.constant 0 : i32
        %dma_start3A_77 = tpu.memref_slice %arg13[%dma_start3A, %dma_start3A_76] : memref<128x16xf32, #tpu.memory_space<vmem>> -> memref<104x16xf32, #tpu.memory_space<vmem>>
        %dma_start3A_78 = arith.constant 0 : i32
        %dma_start3A_79 = tpu.memref_slice %arg15[%add3A_65, %dma_start3A_78] : memref<10000x16xf32, #tpu.memory_space<vmem_shared>> -> memref<104x16xf32, #tpu.memory_space<vmem_shared>>
        %dma_start3A_80 = arith.constant 0 : i32
        %dma_start3A_81 = arith.constant 0 : i32
        %dma_start3A_82 = tpu.memref_slice %arg13[%dma_start3A_80, %dma_start3A_81] : memref<128x16xf32, #tpu.memory_space<vmem>> -> memref<104x16xf32, #tpu.memory_space<vmem>>
        %dma_start3A_83 = arith.constant 0 : i32
        %dma_start3A_84 = tpu.memref_slice %arg15[%add3A_65, %dma_start3A_83] : memref<10000x16xf32, #tpu.memory_space<vmem_shared>> -> memref<104x16xf32, #tpu.memory_space<vmem_shared>>
        tpu.enqueue_dma source(%dma_start3A_84 : memref<104x16xf32, #tpu.memory_space<vmem_shared>>) target(%dma_start3A_82 : memref<104x16xf32, #tpu.memory_space<vmem>>) target_semaphore(%run_scoped3A : memref<!tpu.dma_semaphore, #tpu.memory_space<semaphore_mem>>)
        %dma_wait3A = arith.constant 0 : i32
        %dma_wait3A_85 = arith.constant 0 : i32
        %dma_wait3A_86 = tpu.memref_slice %arg13[%dma_wait3A, %dma_wait3A_85] : memref<128x16xf32, #tpu.memory_space<vmem>> -> memref<104x16xf32, #tpu.memory_space<vmem>>
        %dma_wait3A_87 = arith.constant 0 : i32
        %dma_wait3A_88 = tpu.memref_slice %arg15[%add3A_65, %dma_wait3A_87] : memref<10000x16xf32, #tpu.memory_space<vmem_shared>> -> memref<104x16xf32, #tpu.memory_space<vmem_shared>>
        %dma_wait3A_89 = arith.constant 0 : i32
        %dma_wait3A_90 = arith.constant 0 : i32
        %dma_wait3A_91 = tpu.memref_slice %arg13[%dma_wait3A_89, %dma_wait3A_90] : memref<128x16xf32, #tpu.memory_space<vmem>> -> memref<104x16xf32, #tpu.memory_space<vmem>>
        %dma_wait3A_92 = arith.constant 0 : i32
        %dma_wait3A_93 = tpu.memref_slice %arg15[%add3A_65, %dma_wait3A_92] : memref<10000x16xf32, #tpu.memory_space<vmem_shared>> -> memref<104x16xf32, #tpu.memory_space<vmem_shared>>
        tpu.wait_dma2 semaphore(%run_scoped3A : memref<!tpu.dma_semaphore, #tpu.memory_space<semaphore_mem>>) src(%dma_wait3A_93 : memref<104x16xf32, #tpu.memory_space<vmem_shared>>) dst(%dma_wait3A_91 : memref<104x16xf32, #tpu.memory_space<vmem>>)
        tpu.yield
      }) : () -> ()
      %add3A_66 = arith.constant 312 : i32
      %add3A_67 = arith.addi %add3A_41, %add3A_66 : i32
      "tpu.region"() ({
        %run_scoped3A = tpu.sem_alloc : memref<!tpu.dma_semaphore, #tpu.memory_space<semaphore_mem>>
        %dma_start3A = arith.constant 0 : i32
        %dma_start3A_76 = arith.constant 0 : i32
        %dma_start3A_77 = tpu.memref_slice %arg13[%dma_start3A, %dma_start3A_76] : memref<128x16xf32, #tpu.memory_space<vmem>> -> memref<104x16xf32, #tpu.memory_space<vmem>>
        %dma_start3A_78 = arith.constant 0 : i32
        %dma_start3A_79 = tpu.memref_slice %arg8[%add3A_67, %dma_start3A_78] : memref<20000x16xf32, #tpu.memory_space<hbm>> -> memref<104x16xf32, #tpu.memory_space<hbm>>
        %dma_start3A_80 = arith.constant 0 : i32
        %dma_start3A_81 = tpu.memref_slice %arg8[%add3A_67, %dma_start3A_80] : memref<20000x16xf32, #tpu.memory_space<hbm>> -> memref<104x16xf32, #tpu.memory_space<hbm>>
        %dma_start3A_82 = arith.constant 0 : i32
        %dma_start3A_83 = arith.constant 0 : i32
        %dma_start3A_84 = tpu.memref_slice %arg13[%dma_start3A_82, %dma_start3A_83] : memref<128x16xf32, #tpu.memory_space<vmem>> -> memref<104x16xf32, #tpu.memory_space<vmem>>
        tpu.enqueue_dma source(%dma_start3A_84 : memref<104x16xf32, #tpu.memory_space<vmem>>) target(%dma_start3A_81 : memref<104x16xf32, #tpu.memory_space<hbm>>) target_semaphore(%run_scoped3A : memref<!tpu.dma_semaphore, #tpu.memory_space<semaphore_mem>>)
        %dma_wait3A = arith.constant 0 : i32
        %dma_wait3A_85 = arith.constant 0 : i32
        %dma_wait3A_86 = tpu.memref_slice %arg13[%dma_wait3A, %dma_wait3A_85] : memref<128x16xf32, #tpu.memory_space<vmem>> -> memref<104x16xf32, #tpu.memory_space<vmem>>
        %dma_wait3A_87 = arith.constant 0 : i32
        %dma_wait3A_88 = tpu.memref_slice %arg8[%add3A_67, %dma_wait3A_87] : memref<20000x16xf32, #tpu.memory_space<hbm>> -> memref<104x16xf32, #tpu.memory_space<hbm>>
        %dma_wait3A_89 = arith.constant 0 : i32
        %dma_wait3A_90 = tpu.memref_slice %arg8[%add3A_67, %dma_wait3A_89] : memref<20000x16xf32, #tpu.memory_space<hbm>> -> memref<104x16xf32, #tpu.memory_space<hbm>>
        %dma_wait3A_91 = arith.constant 0 : i32
        %dma_wait3A_92 = arith.constant 0 : i32
        %dma_wait3A_93 = tpu.memref_slice %arg13[%dma_wait3A_91, %dma_wait3A_92] : memref<128x16xf32, #tpu.memory_space<vmem>> -> memref<104x16xf32, #tpu.memory_space<vmem>>
        tpu.wait_dma2 semaphore(%run_scoped3A : memref<!tpu.dma_semaphore, #tpu.memory_space<semaphore_mem>>) src(%dma_wait3A_93 : memref<104x16xf32, #tpu.memory_space<vmem>>) dst(%dma_wait3A_90 : memref<104x16xf32, #tpu.memory_space<hbm>>)
        tpu.yield
      }) : () -> ()
      %add3A_68 = arith.constant 416 : i32
      %add3A_69 = arith.addi %mul3A_9, %add3A_68 : i32
      "tpu.region"() ({
        %run_scoped3A = tpu.sem_alloc : memref<!tpu.dma_semaphore, #tpu.memory_space<semaphore_mem>>
        %dma_start3A = arith.constant 0 : i32
        %dma_start3A_76 = arith.constant 0 : i32
        %dma_start3A_77 = tpu.memref_slice %arg13[%dma_start3A, %dma_start3A_76] : memref<128x16xf32, #tpu.memory_space<vmem>> -> memref<104x16xf32, #tpu.memory_space<vmem>>
        %dma_start3A_78 = arith.constant 0 : i32
        %dma_start3A_79 = tpu.memref_slice %arg15[%add3A_69, %dma_start3A_78] : memref<10000x16xf32, #tpu.memory_space<vmem_shared>> -> memref<104x16xf32, #tpu.memory_space<vmem_shared>>
        %dma_start3A_80 = arith.constant 0 : i32
        %dma_start3A_81 = arith.constant 0 : i32
        %dma_start3A_82 = tpu.memref_slice %arg13[%dma_start3A_80, %dma_start3A_81] : memref<128x16xf32, #tpu.memory_space<vmem>> -> memref<104x16xf32, #tpu.memory_space<vmem>>
        %dma_start3A_83 = arith.constant 0 : i32
        %dma_start3A_84 = tpu.memref_slice %arg15[%add3A_69, %dma_start3A_83] : memref<10000x16xf32, #tpu.memory_space<vmem_shared>> -> memref<104x16xf32, #tpu.memory_space<vmem_shared>>
        tpu.enqueue_dma source(%dma_start3A_84 : memref<104x16xf32, #tpu.memory_space<vmem_shared>>) target(%dma_start3A_82 : memref<104x16xf32, #tpu.memory_space<vmem>>) target_semaphore(%run_scoped3A : memref<!tpu.dma_semaphore, #tpu.memory_space<semaphore_mem>>)
        %dma_wait3A = arith.constant 0 : i32
        %dma_wait3A_85 = arith.constant 0 : i32
        %dma_wait3A_86 = tpu.memref_slice %arg13[%dma_wait3A, %dma_wait3A_85] : memref<128x16xf32, #tpu.memory_space<vmem>> -> memref<104x16xf32, #tpu.memory_space<vmem>>
        %dma_wait3A_87 = arith.constant 0 : i32
        %dma_wait3A_88 = tpu.memref_slice %arg15[%add3A_69, %dma_wait3A_87] : memref<10000x16xf32, #tpu.memory_space<vmem_shared>> -> memref<104x16xf32, #tpu.memory_space<vmem_shared>>
        %dma_wait3A_89 = arith.constant 0 : i32
        %dma_wait3A_90 = arith.constant 0 : i32
        %dma_wait3A_91 = tpu.memref_slice %arg13[%dma_wait3A_89, %dma_wait3A_90] : memref<128x16xf32, #tpu.memory_space<vmem>> -> memref<104x16xf32, #tpu.memory_space<vmem>>
        %dma_wait3A_92 = arith.constant 0 : i32
        %dma_wait3A_93 = tpu.memref_slice %arg15[%add3A_69, %dma_wait3A_92] : memref<10000x16xf32, #tpu.memory_space<vmem_shared>> -> memref<104x16xf32, #tpu.memory_space<vmem_shared>>
        tpu.wait_dma2 semaphore(%run_scoped3A : memref<!tpu.dma_semaphore, #tpu.memory_space<semaphore_mem>>) src(%dma_wait3A_93 : memref<104x16xf32, #tpu.memory_space<vmem_shared>>) dst(%dma_wait3A_91 : memref<104x16xf32, #tpu.memory_space<vmem>>)
        tpu.yield
      }) : () -> ()
      %add3A_70 = arith.constant 416 : i32
      %add3A_71 = arith.addi %add3A_41, %add3A_70 : i32
      "tpu.region"() ({
        %run_scoped3A = tpu.sem_alloc : memref<!tpu.dma_semaphore, #tpu.memory_space<semaphore_mem>>
        %dma_start3A = arith.constant 0 : i32
        %dma_start3A_76 = arith.constant 0 : i32
        %dma_start3A_77 = tpu.memref_slice %arg13[%dma_start3A, %dma_start3A_76] : memref<128x16xf32, #tpu.memory_space<vmem>> -> memref<104x16xf32, #tpu.memory_space<vmem>>
        %dma_start3A_78 = arith.constant 0 : i32
        %dma_start3A_79 = tpu.memref_slice %arg8[%add3A_71, %dma_start3A_78] : memref<20000x16xf32, #tpu.memory_space<hbm>> -> memref<104x16xf32, #tpu.memory_space<hbm>>
        %dma_start3A_80 = arith.constant 0 : i32
        %dma_start3A_81 = tpu.memref_slice %arg8[%add3A_71, %dma_start3A_80] : memref<20000x16xf32, #tpu.memory_space<hbm>> -> memref<104x16xf32, #tpu.memory_space<hbm>>
        %dma_start3A_82 = arith.constant 0 : i32
        %dma_start3A_83 = arith.constant 0 : i32
        %dma_start3A_84 = tpu.memref_slice %arg13[%dma_start3A_82, %dma_start3A_83] : memref<128x16xf32, #tpu.memory_space<vmem>> -> memref<104x16xf32, #tpu.memory_space<vmem>>
        tpu.enqueue_dma source(%dma_start3A_84 : memref<104x16xf32, #tpu.memory_space<vmem>>) target(%dma_start3A_81 : memref<104x16xf32, #tpu.memory_space<hbm>>) target_semaphore(%run_scoped3A : memref<!tpu.dma_semaphore, #tpu.memory_space<semaphore_mem>>)
        %dma_wait3A = arith.constant 0 : i32
        %dma_wait3A_85 = arith.constant 0 : i32
        %dma_wait3A_86 = tpu.memref_slice %arg13[%dma_wait3A, %dma_wait3A_85] : memref<128x16xf32, #tpu.memory_space<vmem>> -> memref<104x16xf32, #tpu.memory_space<vmem>>
        %dma_wait3A_87 = arith.constant 0 : i32
        %dma_wait3A_88 = tpu.memref_slice %arg8[%add3A_71, %dma_wait3A_87] : memref<20000x16xf32, #tpu.memory_space<hbm>> -> memref<104x16xf32, #tpu.memory_space<hbm>>
        %dma_wait3A_89 = arith.constant 0 : i32
        %dma_wait3A_90 = tpu.memref_slice %arg8[%add3A_71, %dma_wait3A_89] : memref<20000x16xf32, #tpu.memory_space<hbm>> -> memref<104x16xf32, #tpu.memory_space<hbm>>
        %dma_wait3A_91 = arith.constant 0 : i32
        %dma_wait3A_92 = arith.constant 0 : i32
        %dma_wait3A_93 = tpu.memref_slice %arg13[%dma_wait3A_91, %dma_wait3A_92] : memref<128x16xf32, #tpu.memory_space<vmem>> -> memref<104x16xf32, #tpu.memory_space<vmem>>
        tpu.wait_dma2 semaphore(%run_scoped3A : memref<!tpu.dma_semaphore, #tpu.memory_space<semaphore_mem>>) src(%dma_wait3A_93 : memref<104x16xf32, #tpu.memory_space<vmem>>) dst(%dma_wait3A_90 : memref<104x16xf32, #tpu.memory_space<hbm>>)
        tpu.yield
      }) : () -> ()
      %add3A_72 = arith.constant 520 : i32
      %add3A_73 = arith.addi %mul3A_9, %add3A_72 : i32
      "tpu.region"() ({
        %run_scoped3A = tpu.sem_alloc : memref<!tpu.dma_semaphore, #tpu.memory_space<semaphore_mem>>
        %dma_start3A = arith.constant 0 : i32
        %dma_start3A_76 = arith.constant 0 : i32
        %dma_start3A_77 = tpu.memref_slice %arg13[%dma_start3A, %dma_start3A_76] : memref<128x16xf32, #tpu.memory_space<vmem>> -> memref<104x16xf32, #tpu.memory_space<vmem>>
        %dma_start3A_78 = arith.constant 0 : i32
        %dma_start3A_79 = tpu.memref_slice %arg15[%add3A_73, %dma_start3A_78] : memref<10000x16xf32, #tpu.memory_space<vmem_shared>> -> memref<104x16xf32, #tpu.memory_space<vmem_shared>>
        %dma_start3A_80 = arith.constant 0 : i32
        %dma_start3A_81 = arith.constant 0 : i32
        %dma_start3A_82 = tpu.memref_slice %arg13[%dma_start3A_80, %dma_start3A_81] : memref<128x16xf32, #tpu.memory_space<vmem>> -> memref<104x16xf32, #tpu.memory_space<vmem>>
        %dma_start3A_83 = arith.constant 0 : i32
        %dma_start3A_84 = tpu.memref_slice %arg15[%add3A_73, %dma_start3A_83] : memref<10000x16xf32, #tpu.memory_space<vmem_shared>> -> memref<104x16xf32, #tpu.memory_space<vmem_shared>>
        tpu.enqueue_dma source(%dma_start3A_84 : memref<104x16xf32, #tpu.memory_space<vmem_shared>>) target(%dma_start3A_82 : memref<104x16xf32, #tpu.memory_space<vmem>>) target_semaphore(%run_scoped3A : memref<!tpu.dma_semaphore, #tpu.memory_space<semaphore_mem>>)
        %dma_wait3A = arith.constant 0 : i32
        %dma_wait3A_85 = arith.constant 0 : i32
        %dma_wait3A_86 = tpu.memref_slice %arg13[%dma_wait3A, %dma_wait3A_85] : memref<128x16xf32, #tpu.memory_space<vmem>> -> memref<104x16xf32, #tpu.memory_space<vmem>>
        %dma_wait3A_87 = arith.constant 0 : i32
        %dma_wait3A_88 = tpu.memref_slice %arg15[%add3A_73, %dma_wait3A_87] : memref<10000x16xf32, #tpu.memory_space<vmem_shared>> -> memref<104x16xf32, #tpu.memory_space<vmem_shared>>
        %dma_wait3A_89 = arith.constant 0 : i32
        %dma_wait3A_90 = arith.constant 0 : i32
        %dma_wait3A_91 = tpu.memref_slice %arg13[%dma_wait3A_89, %dma_wait3A_90] : memref<128x16xf32, #tpu.memory_space<vmem>> -> memref<104x16xf32, #tpu.memory_space<vmem>>
        %dma_wait3A_92 = arith.constant 0 : i32
        %dma_wait3A_93 = tpu.memref_slice %arg15[%add3A_73, %dma_wait3A_92] : memref<10000x16xf32, #tpu.memory_space<vmem_shared>> -> memref<104x16xf32, #tpu.memory_space<vmem_shared>>
        tpu.wait_dma2 semaphore(%run_scoped3A : memref<!tpu.dma_semaphore, #tpu.memory_space<semaphore_mem>>) src(%dma_wait3A_93 : memref<104x16xf32, #tpu.memory_space<vmem_shared>>) dst(%dma_wait3A_91 : memref<104x16xf32, #tpu.memory_space<vmem>>)
        tpu.yield
      }) : () -> ()
      %add3A_74 = arith.constant 520 : i32
      %add3A_75 = arith.addi %add3A_41, %add3A_74 : i32
      "tpu.region"() ({
        %run_scoped3A = tpu.sem_alloc : memref<!tpu.dma_semaphore, #tpu.memory_space<semaphore_mem>>
        %dma_start3A = arith.constant 0 : i32
        %dma_start3A_76 = arith.constant 0 : i32
        %dma_start3A_77 = tpu.memref_slice %arg13[%dma_start3A, %dma_start3A_76] : memref<128x16xf32, #tpu.memory_space<vmem>> -> memref<104x16xf32, #tpu.memory_space<vmem>>
        %dma_start3A_78 = arith.constant 0 : i32
        %dma_start3A_79 = tpu.memref_slice %arg8[%add3A_75, %dma_start3A_78] : memref<20000x16xf32, #tpu.memory_space<hbm>> -> memref<104x16xf32, #tpu.memory_space<hbm>>
        %dma_start3A_80 = arith.constant 0 : i32
        %dma_start3A_81 = tpu.memref_slice %arg8[%add3A_75, %dma_start3A_80] : memref<20000x16xf32, #tpu.memory_space<hbm>> -> memref<104x16xf32, #tpu.memory_space<hbm>>
        %dma_start3A_82 = arith.constant 0 : i32
        %dma_start3A_83 = arith.constant 0 : i32
        %dma_start3A_84 = tpu.memref_slice %arg13[%dma_start3A_82, %dma_start3A_83] : memref<128x16xf32, #tpu.memory_space<vmem>> -> memref<104x16xf32, #tpu.memory_space<vmem>>
        tpu.enqueue_dma source(%dma_start3A_84 : memref<104x16xf32, #tpu.memory_space<vmem>>) target(%dma_start3A_81 : memref<104x16xf32, #tpu.memory_space<hbm>>) target_semaphore(%run_scoped3A : memref<!tpu.dma_semaphore, #tpu.memory_space<semaphore_mem>>)
        %dma_wait3A = arith.constant 0 : i32
        %dma_wait3A_85 = arith.constant 0 : i32
        %dma_wait3A_86 = tpu.memref_slice %arg13[%dma_wait3A, %dma_wait3A_85] : memref<128x16xf32, #tpu.memory_space<vmem>> -> memref<104x16xf32, #tpu.memory_space<vmem>>
        %dma_wait3A_87 = arith.constant 0 : i32
        %dma_wait3A_88 = tpu.memref_slice %arg8[%add3A_75, %dma_wait3A_87] : memref<20000x16xf32, #tpu.memory_space<hbm>> -> memref<104x16xf32, #tpu.memory_space<hbm>>
        %dma_wait3A_89 = arith.constant 0 : i32
        %dma_wait3A_90 = tpu.memref_slice %arg8[%add3A_75, %dma_wait3A_89] : memref<20000x16xf32, #tpu.memory_space<hbm>> -> memref<104x16xf32, #tpu.memory_space<hbm>>
        %dma_wait3A_91 = arith.constant 0 : i32
        %dma_wait3A_92 = arith.constant 0 : i32
        %dma_wait3A_93 = tpu.memref_slice %arg13[%dma_wait3A_91, %dma_wait3A_92] : memref<128x16xf32, #tpu.memory_space<vmem>> -> memref<104x16xf32, #tpu.memory_space<vmem>>
        tpu.wait_dma2 semaphore(%run_scoped3A : memref<!tpu.dma_semaphore, #tpu.memory_space<semaphore_mem>>) src(%dma_wait3A_93 : memref<104x16xf32, #tpu.memory_space<vmem>>) dst(%dma_wait3A_90 : memref<104x16xf32, #tpu.memory_space<hbm>>)
        tpu.yield
      }) : () -> ()
    } else {
    }
    %eq3A_47 = arith.constant 15 : i32
    %eq3A_48 = arith.cmpi eq, %arg1, %eq3A_47 : i32
    %convert_element_type3A_49 = arith.extui %eq3A_48 : i1 to i32
    %cond3A_50 = arith.constant 0 : i32
    %cond3A_51 = arith.cmpi ne, %convert_element_type3A_49, %cond3A_50 : i32
    scf.if %cond3A_51 {
      %add3A_52 = arith.constant 0 : i32
      %add3A_53 = arith.addi %mul3A_9, %add3A_52 : i32
      "tpu.region"() ({
        %run_scoped3A = tpu.sem_alloc : memref<!tpu.dma_semaphore, #tpu.memory_space<semaphore_mem>>
        %dma_start3A = arith.constant 0 : i32
        %dma_start3A_72 = tpu.memref_slice %arg15[%add3A_53, %dma_start3A] : memref<10000x16xf32, #tpu.memory_space<vmem_shared>> -> memref<128x16xf32, #tpu.memory_space<vmem_shared>>
        %dma_start3A_73 = arith.constant 0 : i32
        %dma_start3A_74 = tpu.memref_slice %arg15[%add3A_53, %dma_start3A_73] : memref<10000x16xf32, #tpu.memory_space<vmem_shared>> -> memref<128x16xf32, #tpu.memory_space<vmem_shared>>
        tpu.enqueue_dma source(%dma_start3A_74 : memref<128x16xf32, #tpu.memory_space<vmem_shared>>) target(%arg13 : memref<128x16xf32, #tpu.memory_space<vmem>>) target_semaphore(%run_scoped3A : memref<!tpu.dma_semaphore, #tpu.memory_space<semaphore_mem>>)
        %dma_wait3A = arith.constant 0 : i32
        %dma_wait3A_75 = tpu.memref_slice %arg15[%add3A_53, %dma_wait3A] : memref<10000x16xf32, #tpu.memory_space<vmem_shared>> -> memref<128x16xf32, #tpu.memory_space<vmem_shared>>
        %dma_wait3A_76 = arith.constant 0 : i32
        %dma_wait3A_77 = tpu.memref_slice %arg15[%add3A_53, %dma_wait3A_76] : memref<10000x16xf32, #tpu.memory_space<vmem_shared>> -> memref<128x16xf32, #tpu.memory_space<vmem_shared>>
        tpu.wait_dma2 semaphore(%run_scoped3A : memref<!tpu.dma_semaphore, #tpu.memory_space<semaphore_mem>>) src(%dma_wait3A_77 : memref<128x16xf32, #tpu.memory_space<vmem_shared>>) dst(%arg13 : memref<128x16xf32, #tpu.memory_space<vmem>>)
        tpu.yield
      }) : () -> ()
      %add3A_54 = arith.constant 0 : i32
      %add3A_55 = arith.addi %add3A_41, %add3A_54 : i32
      "tpu.region"() ({
        %run_scoped3A = tpu.sem_alloc : memref<!tpu.dma_semaphore, #tpu.memory_space<semaphore_mem>>
        %dma_start3A = arith.constant 0 : i32
        %dma_start3A_72 = tpu.memref_slice %arg8[%add3A_55, %dma_start3A] : memref<20000x16xf32, #tpu.memory_space<hbm>> -> memref<128x16xf32, #tpu.memory_space<hbm>>
        %dma_start3A_73 = arith.constant 0 : i32
        %dma_start3A_74 = tpu.memref_slice %arg8[%add3A_55, %dma_start3A_73] : memref<20000x16xf32, #tpu.memory_space<hbm>> -> memref<128x16xf32, #tpu.memory_space<hbm>>
        tpu.enqueue_dma source(%arg13 : memref<128x16xf32, #tpu.memory_space<vmem>>) target(%dma_start3A_74 : memref<128x16xf32, #tpu.memory_space<hbm>>) target_semaphore(%run_scoped3A : memref<!tpu.dma_semaphore, #tpu.memory_space<semaphore_mem>>)
        %dma_wait3A = arith.constant 0 : i32
        %dma_wait3A_75 = tpu.memref_slice %arg8[%add3A_55, %dma_wait3A] : memref<20000x16xf32, #tpu.memory_space<hbm>> -> memref<128x16xf32, #tpu.memory_space<hbm>>
        %dma_wait3A_76 = arith.constant 0 : i32
        %dma_wait3A_77 = tpu.memref_slice %arg8[%add3A_55, %dma_wait3A_76] : memref<20000x16xf32, #tpu.memory_space<hbm>> -> memref<128x16xf32, #tpu.memory_space<hbm>>
        tpu.wait_dma2 semaphore(%run_scoped3A : memref<!tpu.dma_semaphore, #tpu.memory_space<semaphore_mem>>) src(%arg13 : memref<128x16xf32, #tpu.memory_space<vmem>>) dst(%dma_wait3A_77 : memref<128x16xf32, #tpu.memory_space<hbm>>)
        tpu.yield
      }) : () -> ()
      %add3A_56 = arith.constant 128 : i32
      %add3A_57 = arith.addi %mul3A_9, %add3A_56 : i32
      "tpu.region"() ({
        %run_scoped3A = tpu.sem_alloc : memref<!tpu.dma_semaphore, #tpu.memory_space<semaphore_mem>>
        %dma_start3A = arith.constant 0 : i32
        %dma_start3A_72 = tpu.memref_slice %arg15[%add3A_57, %dma_start3A] : memref<10000x16xf32, #tpu.memory_space<vmem_shared>> -> memref<128x16xf32, #tpu.memory_space<vmem_shared>>
        %dma_start3A_73 = arith.constant 0 : i32
        %dma_start3A_74 = tpu.memref_slice %arg15[%add3A_57, %dma_start3A_73] : memref<10000x16xf32, #tpu.memory_space<vmem_shared>> -> memref<128x16xf32, #tpu.memory_space<vmem_shared>>
        tpu.enqueue_dma source(%dma_start3A_74 : memref<128x16xf32, #tpu.memory_space<vmem_shared>>) target(%arg13 : memref<128x16xf32, #tpu.memory_space<vmem>>) target_semaphore(%run_scoped3A : memref<!tpu.dma_semaphore, #tpu.memory_space<semaphore_mem>>)
        %dma_wait3A = arith.constant 0 : i32
        %dma_wait3A_75 = tpu.memref_slice %arg15[%add3A_57, %dma_wait3A] : memref<10000x16xf32, #tpu.memory_space<vmem_shared>> -> memref<128x16xf32, #tpu.memory_space<vmem_shared>>
        %dma_wait3A_76 = arith.constant 0 : i32
        %dma_wait3A_77 = tpu.memref_slice %arg15[%add3A_57, %dma_wait3A_76] : memref<10000x16xf32, #tpu.memory_space<vmem_shared>> -> memref<128x16xf32, #tpu.memory_space<vmem_shared>>
        tpu.wait_dma2 semaphore(%run_scoped3A : memref<!tpu.dma_semaphore, #tpu.memory_space<semaphore_mem>>) src(%dma_wait3A_77 : memref<128x16xf32, #tpu.memory_space<vmem_shared>>) dst(%arg13 : memref<128x16xf32, #tpu.memory_space<vmem>>)
        tpu.yield
      }) : () -> ()
      %add3A_58 = arith.constant 128 : i32
      %add3A_59 = arith.addi %add3A_41, %add3A_58 : i32
      "tpu.region"() ({
        %run_scoped3A = tpu.sem_alloc : memref<!tpu.dma_semaphore, #tpu.memory_space<semaphore_mem>>
        %dma_start3A = arith.constant 0 : i32
        %dma_start3A_72 = tpu.memref_slice %arg8[%add3A_59, %dma_start3A] : memref<20000x16xf32, #tpu.memory_space<hbm>> -> memref<128x16xf32, #tpu.memory_space<hbm>>
        %dma_start3A_73 = arith.constant 0 : i32
        %dma_start3A_74 = tpu.memref_slice %arg8[%add3A_59, %dma_start3A_73] : memref<20000x16xf32, #tpu.memory_space<hbm>> -> memref<128x16xf32, #tpu.memory_space<hbm>>
        tpu.enqueue_dma source(%arg13 : memref<128x16xf32, #tpu.memory_space<vmem>>) target(%dma_start3A_74 : memref<128x16xf32, #tpu.memory_space<hbm>>) target_semaphore(%run_scoped3A : memref<!tpu.dma_semaphore, #tpu.memory_space<semaphore_mem>>)
        %dma_wait3A = arith.constant 0 : i32
        %dma_wait3A_75 = tpu.memref_slice %arg8[%add3A_59, %dma_wait3A] : memref<20000x16xf32, #tpu.memory_space<hbm>> -> memref<128x16xf32, #tpu.memory_space<hbm>>
        %dma_wait3A_76 = arith.constant 0 : i32
        %dma_wait3A_77 = tpu.memref_slice %arg8[%add3A_59, %dma_wait3A_76] : memref<20000x16xf32, #tpu.memory_space<hbm>> -> memref<128x16xf32, #tpu.memory_space<hbm>>
        tpu.wait_dma2 semaphore(%run_scoped3A : memref<!tpu.dma_semaphore, #tpu.memory_space<semaphore_mem>>) src(%arg13 : memref<128x16xf32, #tpu.memory_space<vmem>>) dst(%dma_wait3A_77 : memref<128x16xf32, #tpu.memory_space<hbm>>)
        tpu.yield
      }) : () -> ()
      %add3A_60 = arith.constant 256 : i32
      %add3A_61 = arith.addi %mul3A_9, %add3A_60 : i32
      "tpu.region"() ({
        %run_scoped3A = tpu.sem_alloc : memref<!tpu.dma_semaphore, #tpu.memory_space<semaphore_mem>>
        %dma_start3A = arith.constant 0 : i32
        %dma_start3A_72 = tpu.memref_slice %arg15[%add3A_61, %dma_start3A] : memref<10000x16xf32, #tpu.memory_space<vmem_shared>> -> memref<128x16xf32, #tpu.memory_space<vmem_shared>>
        %dma_start3A_73 = arith.constant 0 : i32
        %dma_start3A_74 = tpu.memref_slice %arg15[%add3A_61, %dma_start3A_73] : memref<10000x16xf32, #tpu.memory_space<vmem_shared>> -> memref<128x16xf32, #tpu.memory_space<vmem_shared>>
        tpu.enqueue_dma source(%dma_start3A_74 : memref<128x16xf32, #tpu.memory_space<vmem_shared>>) target(%arg13 : memref<128x16xf32, #tpu.memory_space<vmem>>) target_semaphore(%run_scoped3A : memref<!tpu.dma_semaphore, #tpu.memory_space<semaphore_mem>>)
        %dma_wait3A = arith.constant 0 : i32
        %dma_wait3A_75 = tpu.memref_slice %arg15[%add3A_61, %dma_wait3A] : memref<10000x16xf32, #tpu.memory_space<vmem_shared>> -> memref<128x16xf32, #tpu.memory_space<vmem_shared>>
        %dma_wait3A_76 = arith.constant 0 : i32
        %dma_wait3A_77 = tpu.memref_slice %arg15[%add3A_61, %dma_wait3A_76] : memref<10000x16xf32, #tpu.memory_space<vmem_shared>> -> memref<128x16xf32, #tpu.memory_space<vmem_shared>>
        tpu.wait_dma2 semaphore(%run_scoped3A : memref<!tpu.dma_semaphore, #tpu.memory_space<semaphore_mem>>) src(%dma_wait3A_77 : memref<128x16xf32, #tpu.memory_space<vmem_shared>>) dst(%arg13 : memref<128x16xf32, #tpu.memory_space<vmem>>)
        tpu.yield
      }) : () -> ()
      %add3A_62 = arith.constant 256 : i32
      %add3A_63 = arith.addi %add3A_41, %add3A_62 : i32
      "tpu.region"() ({
        %run_scoped3A = tpu.sem_alloc : memref<!tpu.dma_semaphore, #tpu.memory_space<semaphore_mem>>
        %dma_start3A = arith.constant 0 : i32
        %dma_start3A_72 = tpu.memref_slice %arg8[%add3A_63, %dma_start3A] : memref<20000x16xf32, #tpu.memory_space<hbm>> -> memref<128x16xf32, #tpu.memory_space<hbm>>
        %dma_start3A_73 = arith.constant 0 : i32
        %dma_start3A_74 = tpu.memref_slice %arg8[%add3A_63, %dma_start3A_73] : memref<20000x16xf32, #tpu.memory_space<hbm>> -> memref<128x16xf32, #tpu.memory_space<hbm>>
        tpu.enqueue_dma source(%arg13 : memref<128x16xf32, #tpu.memory_space<vmem>>) target(%dma_start3A_74 : memref<128x16xf32, #tpu.memory_space<hbm>>) target_semaphore(%run_scoped3A : memref<!tpu.dma_semaphore, #tpu.memory_space<semaphore_mem>>)
        %dma_wait3A = arith.constant 0 : i32
        %dma_wait3A_75 = tpu.memref_slice %arg8[%add3A_63, %dma_wait3A] : memref<20000x16xf32, #tpu.memory_space<hbm>> -> memref<128x16xf32, #tpu.memory_space<hbm>>
        %dma_wait3A_76 = arith.constant 0 : i32
        %dma_wait3A_77 = tpu.memref_slice %arg8[%add3A_63, %dma_wait3A_76] : memref<20000x16xf32, #tpu.memory_space<hbm>> -> memref<128x16xf32, #tpu.memory_space<hbm>>
        tpu.wait_dma2 semaphore(%run_scoped3A : memref<!tpu.dma_semaphore, #tpu.memory_space<semaphore_mem>>) src(%arg13 : memref<128x16xf32, #tpu.memory_space<vmem>>) dst(%dma_wait3A_77 : memref<128x16xf32, #tpu.memory_space<hbm>>)
        tpu.yield
      }) : () -> ()
      %add3A_64 = arith.constant 384 : i32
      %add3A_65 = arith.addi %mul3A_9, %add3A_64 : i32
      "tpu.region"() ({
        %run_scoped3A = tpu.sem_alloc : memref<!tpu.dma_semaphore, #tpu.memory_space<semaphore_mem>>
        %dma_start3A = arith.constant 0 : i32
        %dma_start3A_72 = tpu.memref_slice %arg15[%add3A_65, %dma_start3A] : memref<10000x16xf32, #tpu.memory_space<vmem_shared>> -> memref<128x16xf32, #tpu.memory_space<vmem_shared>>
        %dma_start3A_73 = arith.constant 0 : i32
        %dma_start3A_74 = tpu.memref_slice %arg15[%add3A_65, %dma_start3A_73] : memref<10000x16xf32, #tpu.memory_space<vmem_shared>> -> memref<128x16xf32, #tpu.memory_space<vmem_shared>>
        tpu.enqueue_dma source(%dma_start3A_74 : memref<128x16xf32, #tpu.memory_space<vmem_shared>>) target(%arg13 : memref<128x16xf32, #tpu.memory_space<vmem>>) target_semaphore(%run_scoped3A : memref<!tpu.dma_semaphore, #tpu.memory_space<semaphore_mem>>)
        %dma_wait3A = arith.constant 0 : i32
        %dma_wait3A_75 = tpu.memref_slice %arg15[%add3A_65, %dma_wait3A] : memref<10000x16xf32, #tpu.memory_space<vmem_shared>> -> memref<128x16xf32, #tpu.memory_space<vmem_shared>>
        %dma_wait3A_76 = arith.constant 0 : i32
        %dma_wait3A_77 = tpu.memref_slice %arg15[%add3A_65, %dma_wait3A_76] : memref<10000x16xf32, #tpu.memory_space<vmem_shared>> -> memref<128x16xf32, #tpu.memory_space<vmem_shared>>
        tpu.wait_dma2 semaphore(%run_scoped3A : memref<!tpu.dma_semaphore, #tpu.memory_space<semaphore_mem>>) src(%dma_wait3A_77 : memref<128x16xf32, #tpu.memory_space<vmem_shared>>) dst(%arg13 : memref<128x16xf32, #tpu.memory_space<vmem>>)
        tpu.yield
      }) : () -> ()
      %add3A_66 = arith.constant 384 : i32
      %add3A_67 = arith.addi %add3A_41, %add3A_66 : i32
      "tpu.region"() ({
        %run_scoped3A = tpu.sem_alloc : memref<!tpu.dma_semaphore, #tpu.memory_space<semaphore_mem>>
        %dma_start3A = arith.constant 0 : i32
        %dma_start3A_72 = tpu.memref_slice %arg8[%add3A_67, %dma_start3A] : memref<20000x16xf32, #tpu.memory_space<hbm>> -> memref<128x16xf32, #tpu.memory_space<hbm>>
        %dma_start3A_73 = arith.constant 0 : i32
        %dma_start3A_74 = tpu.memref_slice %arg8[%add3A_67, %dma_start3A_73] : memref<20000x16xf32, #tpu.memory_space<hbm>> -> memref<128x16xf32, #tpu.memory_space<hbm>>
        tpu.enqueue_dma source(%arg13 : memref<128x16xf32, #tpu.memory_space<vmem>>) target(%dma_start3A_74 : memref<128x16xf32, #tpu.memory_space<hbm>>) target_semaphore(%run_scoped3A : memref<!tpu.dma_semaphore, #tpu.memory_space<semaphore_mem>>)
        %dma_wait3A = arith.constant 0 : i32
        %dma_wait3A_75 = tpu.memref_slice %arg8[%add3A_67, %dma_wait3A] : memref<20000x16xf32, #tpu.memory_space<hbm>> -> memref<128x16xf32, #tpu.memory_space<hbm>>
        %dma_wait3A_76 = arith.constant 0 : i32
        %dma_wait3A_77 = tpu.memref_slice %arg8[%add3A_67, %dma_wait3A_76] : memref<20000x16xf32, #tpu.memory_space<hbm>> -> memref<128x16xf32, #tpu.memory_space<hbm>>
        tpu.wait_dma2 semaphore(%run_scoped3A : memref<!tpu.dma_semaphore, #tpu.memory_space<semaphore_mem>>) src(%arg13 : memref<128x16xf32, #tpu.memory_space<vmem>>) dst(%dma_wait3A_77 : memref<128x16xf32, #tpu.memory_space<hbm>>)
        tpu.yield
      }) : () -> ()
      %add3A_68 = arith.constant 512 : i32
      %add3A_69 = arith.addi %mul3A_9, %add3A_68 : i32
      "tpu.region"() ({
        %run_scoped3A = tpu.sem_alloc : memref<!tpu.dma_semaphore, #tpu.memory_space<semaphore_mem>>
        %dma_start3A = arith.constant 0 : i32
        %dma_start3A_72 = tpu.memref_slice %arg15[%add3A_69, %dma_start3A] : memref<10000x16xf32, #tpu.memory_space<vmem_shared>> -> memref<128x16xf32, #tpu.memory_space<vmem_shared>>
        %dma_start3A_73 = arith.constant 0 : i32
        %dma_start3A_74 = tpu.memref_slice %arg15[%add3A_69, %dma_start3A_73] : memref<10000x16xf32, #tpu.memory_space<vmem_shared>> -> memref<128x16xf32, #tpu.memory_space<vmem_shared>>
        tpu.enqueue_dma source(%dma_start3A_74 : memref<128x16xf32, #tpu.memory_space<vmem_shared>>) target(%arg13 : memref<128x16xf32, #tpu.memory_space<vmem>>) target_semaphore(%run_scoped3A : memref<!tpu.dma_semaphore, #tpu.memory_space<semaphore_mem>>)
        %dma_wait3A = arith.constant 0 : i32
        %dma_wait3A_75 = tpu.memref_slice %arg15[%add3A_69, %dma_wait3A] : memref<10000x16xf32, #tpu.memory_space<vmem_shared>> -> memref<128x16xf32, #tpu.memory_space<vmem_shared>>
        %dma_wait3A_76 = arith.constant 0 : i32
        %dma_wait3A_77 = tpu.memref_slice %arg15[%add3A_69, %dma_wait3A_76] : memref<10000x16xf32, #tpu.memory_space<vmem_shared>> -> memref<128x16xf32, #tpu.memory_space<vmem_shared>>
        tpu.wait_dma2 semaphore(%run_scoped3A : memref<!tpu.dma_semaphore, #tpu.memory_space<semaphore_mem>>) src(%dma_wait3A_77 : memref<128x16xf32, #tpu.memory_space<vmem_shared>>) dst(%arg13 : memref<128x16xf32, #tpu.memory_space<vmem>>)
        tpu.yield
      }) : () -> ()
      %add3A_70 = arith.constant 512 : i32
      %add3A_71 = arith.addi %add3A_41, %add3A_70 : i32
      "tpu.region"() ({
        %run_scoped3A = tpu.sem_alloc : memref<!tpu.dma_semaphore, #tpu.memory_space<semaphore_mem>>
        %dma_start3A = arith.constant 0 : i32
        %dma_start3A_72 = tpu.memref_slice %arg8[%add3A_71, %dma_start3A] : memref<20000x16xf32, #tpu.memory_space<hbm>> -> memref<128x16xf32, #tpu.memory_space<hbm>>
        %dma_start3A_73 = arith.constant 0 : i32
        %dma_start3A_74 = tpu.memref_slice %arg8[%add3A_71, %dma_start3A_73] : memref<20000x16xf32, #tpu.memory_space<hbm>> -> memref<128x16xf32, #tpu.memory_space<hbm>>
        tpu.enqueue_dma source(%arg13 : memref<128x16xf32, #tpu.memory_space<vmem>>) target(%dma_start3A_74 : memref<128x16xf32, #tpu.memory_space<hbm>>) target_semaphore(%run_scoped3A : memref<!tpu.dma_semaphore, #tpu.memory_space<semaphore_mem>>)
        %dma_wait3A = arith.constant 0 : i32
        %dma_wait3A_75 = tpu.memref_slice %arg8[%add3A_71, %dma_wait3A] : memref<20000x16xf32, #tpu.memory_space<hbm>> -> memref<128x16xf32, #tpu.memory_space<hbm>>
        %dma_wait3A_76 = arith.constant 0 : i32
        %dma_wait3A_77 = tpu.memref_slice %arg8[%add3A_71, %dma_wait3A_76] : memref<20000x16xf32, #tpu.memory_space<hbm>> -> memref<128x16xf32, #tpu.memory_space<hbm>>
        tpu.wait_dma2 semaphore(%run_scoped3A : memref<!tpu.dma_semaphore, #tpu.memory_space<semaphore_mem>>) src(%arg13 : memref<128x16xf32, #tpu.memory_space<vmem>>) dst(%dma_wait3A_77 : memref<128x16xf32, #tpu.memory_space<hbm>>)
        tpu.yield
      }) : () -> ()
    } else {
    }
    return
  }
}

#map = affine_map<(d0, d1) -> (0, 0)>
#map1 = affine_map<(d0, d1) -> (0)>
#map2 = affine_map<(d0, d1) -> (0, 0, 0)>
module attributes {stable_mosaic.version = 14 : i64} {
  func.func @_aggregate(%arg0: i32, %arg1: i32, %arg2: memref<20000x128xf32, #tpu.memory_space<hbm>>, %arg3: memref<160000x16xf32, #tpu.memory_space<hbm>>, %arg4: memref<160000xi32, #tpu.memory_space<hbm>>, %arg5: memref<160000xi32, #tpu.memory_space<hbm>>, %arg6: memref<2x10000x128xf32, #tpu.memory_space<hbm>>, %arg7: memref<1x128xi32, #tpu.memory_space<vmem>>, %arg8: memref<128xi32, #tpu.memory_space<vmem>>, %arg9: memref<128xi32, #tpu.memory_space<vmem>>, %arg10: memref<128x128xf32, #tpu.memory_space<vmem>>, %arg11: memref<128x16xf32, #tpu.memory_space<vmem>>, %arg12: memref<10000x128xf32, #tpu.memory_space<vmem_shared>>, %arg13: memref<!tpu.dma_semaphore, #tpu.memory_space<semaphore_mem>>) attributes {dimension_semantics = [#tpu.dimension_semantics<core_parallel>, #tpu.dimension_semantics<subcore_parallel>], iteration_bounds = array<i64: 2, 16>, scalar_prefetch = 0 : i64, scratch_operands = 7 : i64, tpu.core_type = #tpu.core_type<sc_vector_subcore>, window_params = [{transform_indices = #map}, {transform_indices = #map}, {transform_indices = #map1}, {transform_indices = #map1}, {transform_indices = #map2}]} {
    %broadcast_in_dim3A = arith.constant 0.000000e+00 : f32
    %broadcast_in_dim3A_0 = vector.broadcast %broadcast_in_dim3A : f32 to vector<16xf32>
    %broadcast_in_dim3A_1 = arith.constant 0 : i32
    %broadcast_in_dim3A_2 = vector.broadcast %broadcast_in_dim3A_1 : i32 to vector<16xi32>
    %mul3A = arith.constant 4 : i32
    %mul3A_3 = arith.muli %arg0, %mul3A : i32
    %add3A = arith.constant 0 : i32
    %add3A_4 = arith.addi %mul3A_3, %add3A : i32
    %add3A_5 = vector.broadcast %add3A_4 : i32 to vector<16xi32>
    %add3A_6 = arith.addi %broadcast_in_dim3A_2, %add3A_5 : vector<16xi32>
    %broadcast_in_dim3A_7 = arith.constant 0 : i32
    %broadcast_in_dim3A_8 = vector.broadcast %broadcast_in_dim3A_7 : i32 to vector<16xi32>
    %mul3A_9 = arith.constant 4 : i32
    %mul3A_10 = arith.muli %arg0, %mul3A_9 : i32
    %add3A_11 = arith.constant 1 : i32
    %add3A_12 = arith.addi %mul3A_10, %add3A_11 : i32
    %add3A_13 = vector.broadcast %add3A_12 : i32 to vector<16xi32>
    %add3A_14 = arith.addi %broadcast_in_dim3A_8, %add3A_13 : vector<16xi32>
    %broadcast_in_dim3A_15 = arith.constant 0 : i32
    %broadcast_in_dim3A_16 = vector.broadcast %broadcast_in_dim3A_15 : i32 to vector<16xi32>
    %mul3A_17 = arith.constant 4 : i32
    %mul3A_18 = arith.muli %arg0, %mul3A_17 : i32
    %add3A_19 = arith.constant 2 : i32
    %add3A_20 = arith.addi %mul3A_18, %add3A_19 : i32
    %add3A_21 = vector.broadcast %add3A_20 : i32 to vector<16xi32>
    %add3A_22 = arith.addi %broadcast_in_dim3A_16, %add3A_21 : vector<16xi32>
    %broadcast_in_dim3A_23 = arith.constant 0 : i32
    %broadcast_in_dim3A_24 = vector.broadcast %broadcast_in_dim3A_23 : i32 to vector<16xi32>
    %mul3A_25 = arith.constant 4 : i32
    %mul3A_26 = arith.muli %arg0, %mul3A_25 : i32
    %add3A_27 = arith.constant 3 : i32
    %add3A_28 = arith.addi %mul3A_26, %add3A_27 : i32
    %add3A_29 = vector.broadcast %add3A_28 : i32 to vector<16xi32>
    %add3A_30 = arith.addi %broadcast_in_dim3A_24, %add3A_29 : vector<16xi32>
    %scan3A = arith.constant 0 : i32
    %scan3A_31 = arith.constant 0 : i32
    %scan3A_32 = arith.constant 128 : i32
    %scan3A_33 = arith.addi %scan3A_31, %scan3A_32 : i32
    %scan3A_34 = arith.constant 1 : i32
    %scan3A_35 = scf.for %scan3A_78 = %scan3A_31 to %scan3A_33 step %scan3A_34 iter_args(%scan3A_79 = %scan3A) -> (i32)  : i32 {
      %swap3A = arith.index_cast %scan3A_78 : i32 to index
      %swap3A_80 = arith.constant 0 : index
      %swap3A_81 = tpu.vector_load %arg10[%swap3A, %swap3A_80] {strides = array<i32>} : memref<128x128xf32, #tpu.memory_space<vmem>>, vector<1x16xf32>,
      %swap3A_82 = vector.shape_cast %swap3A_81 : vector<1x16xf32> to vector<16xf32>
      %swap3A_83 = vector.shape_cast %broadcast_in_dim3A_0 : vector<16xf32> to vector<1x16xf32>
      tpu.vector_store %arg10[%swap3A, %swap3A_80], %swap3A_83 {strides = array<i32>} : memref<128x128xf32, #tpu.memory_space<vmem>>, vector<1x16xf32>,
      %swap3A_84 = arith.index_cast %scan3A_78 : i32 to index
      %swap3A_85 = arith.constant 16 : index
      %swap3A_86 = tpu.vector_load %arg10[%swap3A_84, %swap3A_85] {strides = array<i32>} : memref<128x128xf32, #tpu.memory_space<vmem>>, vector<1x16xf32>,
      %swap3A_87 = vector.shape_cast %swap3A_86 : vector<1x16xf32> to vector<16xf32>
      %swap3A_88 = vector.shape_cast %broadcast_in_dim3A_0 : vector<16xf32> to vector<1x16xf32>
      tpu.vector_store %arg10[%swap3A_84, %swap3A_85], %swap3A_88 {strides = array<i32>} : memref<128x128xf32, #tpu.memory_space<vmem>>, vector<1x16xf32>,
      %swap3A_89 = arith.index_cast %scan3A_78 : i32 to index
      %swap3A_90 = arith.constant 32 : index
      %swap3A_91 = tpu.vector_load %arg10[%swap3A_89, %swap3A_90] {strides = array<i32>} : memref<128x128xf32, #tpu.memory_space<vmem>>, vector<1x16xf32>,
      %swap3A_92 = vector.shape_cast %swap3A_91 : vector<1x16xf32> to vector<16xf32>
      %swap3A_93 = vector.shape_cast %broadcast_in_dim3A_0 : vector<16xf32> to vector<1x16xf32>
      tpu.vector_store %arg10[%swap3A_89, %swap3A_90], %swap3A_93 {strides = array<i32>} : memref<128x128xf32, #tpu.memory_space<vmem>>, vector<1x16xf32>,
      %swap3A_94 = arith.index_cast %scan3A_78 : i32 to index
      %swap3A_95 = arith.constant 48 : index
      %swap3A_96 = tpu.vector_load %arg10[%swap3A_94, %swap3A_95] {strides = array<i32>} : memref<128x128xf32, #tpu.memory_space<vmem>>, vector<1x16xf32>,
      %swap3A_97 = vector.shape_cast %swap3A_96 : vector<1x16xf32> to vector<16xf32>
      %swap3A_98 = vector.shape_cast %broadcast_in_dim3A_0 : vector<16xf32> to vector<1x16xf32>
      tpu.vector_store %arg10[%swap3A_94, %swap3A_95], %swap3A_98 {strides = array<i32>} : memref<128x128xf32, #tpu.memory_space<vmem>>, vector<1x16xf32>,
      %swap3A_99 = arith.index_cast %scan3A_78 : i32 to index
      %swap3A_100 = arith.constant 64 : index
      %swap3A_101 = tpu.vector_load %arg10[%swap3A_99, %swap3A_100] {strides = array<i32>} : memref<128x128xf32, #tpu.memory_space<vmem>>, vector<1x16xf32>,
      %swap3A_102 = vector.shape_cast %swap3A_101 : vector<1x16xf32> to vector<16xf32>
      %swap3A_103 = vector.shape_cast %broadcast_in_dim3A_0 : vector<16xf32> to vector<1x16xf32>
      tpu.vector_store %arg10[%swap3A_99, %swap3A_100], %swap3A_103 {strides = array<i32>} : memref<128x128xf32, #tpu.memory_space<vmem>>, vector<1x16xf32>,
      %swap3A_104 = arith.index_cast %scan3A_78 : i32 to index
      %swap3A_105 = arith.constant 80 : index
      %swap3A_106 = tpu.vector_load %arg10[%swap3A_104, %swap3A_105] {strides = array<i32>} : memref<128x128xf32, #tpu.memory_space<vmem>>, vector<1x16xf32>,
      %swap3A_107 = vector.shape_cast %swap3A_106 : vector<1x16xf32> to vector<16xf32>
      %swap3A_108 = vector.shape_cast %broadcast_in_dim3A_0 : vector<16xf32> to vector<1x16xf32>
      tpu.vector_store %arg10[%swap3A_104, %swap3A_105], %swap3A_108 {strides = array<i32>} : memref<128x128xf32, #tpu.memory_space<vmem>>, vector<1x16xf32>,
      %swap3A_109 = arith.index_cast %scan3A_78 : i32 to index
      %swap3A_110 = arith.constant 96 : index
      %swap3A_111 = tpu.vector_load %arg10[%swap3A_109, %swap3A_110] {strides = array<i32>} : memref<128x128xf32, #tpu.memory_space<vmem>>, vector<1x16xf32>,
      %swap3A_112 = vector.shape_cast %swap3A_111 : vector<1x16xf32> to vector<16xf32>
      %swap3A_113 = vector.shape_cast %broadcast_in_dim3A_0 : vector<16xf32> to vector<1x16xf32>
      tpu.vector_store %arg10[%swap3A_109, %swap3A_110], %swap3A_113 {strides = array<i32>} : memref<128x128xf32, #tpu.memory_space<vmem>>, vector<1x16xf32>,
      %swap3A_114 = arith.index_cast %scan3A_78 : i32 to index
      %swap3A_115 = arith.constant 112 : index
      %swap3A_116 = tpu.vector_load %arg10[%swap3A_114, %swap3A_115] {strides = array<i32>} : memref<128x128xf32, #tpu.memory_space<vmem>>, vector<1x16xf32>,
      %swap3A_117 = vector.shape_cast %swap3A_116 : vector<1x16xf32> to vector<16xf32>
      %swap3A_118 = vector.shape_cast %broadcast_in_dim3A_0 : vector<16xf32> to vector<1x16xf32>
      tpu.vector_store %arg10[%swap3A_114, %swap3A_115], %swap3A_118 {strides = array<i32>} : memref<128x128xf32, #tpu.memory_space<vmem>>, vector<1x16xf32>,
      %scan3A_119 = arith.constant 0 : i32
      scf.yield %scan3A_119 : i32
    }
    %scan3A_36 = arith.constant 128 : i32
    %mul3A_37 = arith.constant 624 : i32
    %mul3A_38 = arith.muli %arg1, %mul3A_37 : i32
    %lt3A = arith.constant 15 : i32
    %lt3A_39 = arith.cmpi slt, %arg1, %lt3A : i32
    %convert_element_type3A = arith.extui %lt3A_39 : i1 to i32
    %cond3A = arith.constant 0 : i32
    %cond3A_40 = arith.cmpi ne, %convert_element_type3A, %cond3A : i32
    scf.if %cond3A_40 {
      %add3A_78 = arith.constant 0 : i32
      %add3A_79 = arith.addi %mul3A_38, %add3A_78 : i32
      "tpu.region"() ({
        %run_scoped3A = tpu.sem_alloc : memref<!tpu.dma_semaphore, #tpu.memory_space<semaphore_mem>>
        %dma_start3A = arith.constant 0 : i32
        %dma_start3A_90 = arith.constant 0 : i32
        %dma_start3A_91 = tpu.memref_slice %arg10[%dma_start3A, %dma_start3A_90] : memref<128x128xf32, #tpu.memory_space<vmem>> -> memref<104x128xf32, #tpu.memory_space<vmem>>
        %dma_start3A_92 = arith.constant 0 : i32
        %dma_start3A_93 = tpu.memref_slice %arg12[%add3A_79, %dma_start3A_92] : memref<10000x128xf32, #tpu.memory_space<vmem_shared>> -> memref<104x128xf32, #tpu.memory_space<vmem_shared>>
        %dma_start3A_94 = arith.constant 0 : i32
        %dma_start3A_95 = tpu.memref_slice %arg12[%add3A_79, %dma_start3A_94] : memref<10000x128xf32, #tpu.memory_space<vmem_shared>> -> memref<104x128xf32, #tpu.memory_space<vmem_shared>>
        %dma_start3A_96 = arith.constant 0 : i32
        %dma_start3A_97 = arith.constant 0 : i32
        %dma_start3A_98 = tpu.memref_slice %arg10[%dma_start3A_96, %dma_start3A_97] : memref<128x128xf32, #tpu.memory_space<vmem>> -> memref<104x128xf32, #tpu.memory_space<vmem>>
        tpu.enqueue_dma source(%dma_start3A_98 : memref<104x128xf32, #tpu.memory_space<vmem>>) target(%dma_start3A_95 : memref<104x128xf32, #tpu.memory_space<vmem_shared>>) target_semaphore(%run_scoped3A : memref<!tpu.dma_semaphore, #tpu.memory_space<semaphore_mem>>)
        %dma_wait3A = arith.constant 0 : i32
        %dma_wait3A_99 = arith.constant 0 : i32
        %dma_wait3A_100 = tpu.memref_slice %arg10[%dma_wait3A, %dma_wait3A_99] : memref<128x128xf32, #tpu.memory_space<vmem>> -> memref<104x128xf32, #tpu.memory_space<vmem>>
        %dma_wait3A_101 = arith.constant 0 : i32
        %dma_wait3A_102 = tpu.memref_slice %arg12[%add3A_79, %dma_wait3A_101] : memref<10000x128xf32, #tpu.memory_space<vmem_shared>> -> memref<104x128xf32, #tpu.memory_space<vmem_shared>>
        %dma_wait3A_103 = arith.constant 0 : i32
        %dma_wait3A_104 = tpu.memref_slice %arg12[%add3A_79, %dma_wait3A_103] : memref<10000x128xf32, #tpu.memory_space<vmem_shared>> -> memref<104x128xf32, #tpu.memory_space<vmem_shared>>
        %dma_wait3A_105 = arith.constant 0 : i32
        %dma_wait3A_106 = arith.constant 0 : i32
        %dma_wait3A_107 = tpu.memref_slice %arg10[%dma_wait3A_105, %dma_wait3A_106] : memref<128x128xf32, #tpu.memory_space<vmem>> -> memref<104x128xf32, #tpu.memory_space<vmem>>
        tpu.wait_dma2 semaphore(%run_scoped3A : memref<!tpu.dma_semaphore, #tpu.memory_space<semaphore_mem>>) src(%dma_wait3A_107 : memref<104x128xf32, #tpu.memory_space<vmem>>) dst(%dma_wait3A_104 : memref<104x128xf32, #tpu.memory_space<vmem_shared>>)
        tpu.yield
      }) : () -> ()
      %add3A_80 = arith.constant 104 : i32
      %add3A_81 = arith.addi %mul3A_38, %add3A_80 : i32
      "tpu.region"() ({
        %run_scoped3A = tpu.sem_alloc : memref<!tpu.dma_semaphore, #tpu.memory_space<semaphore_mem>>
        %dma_start3A = arith.constant 0 : i32
        %dma_start3A_90 = arith.constant 0 : i32
        %dma_start3A_91 = tpu.memref_slice %arg10[%dma_start3A, %dma_start3A_90] : memref<128x128xf32, #tpu.memory_space<vmem>> -> memref<104x128xf32, #tpu.memory_space<vmem>>
        %dma_start3A_92 = arith.constant 0 : i32
        %dma_start3A_93 = tpu.memref_slice %arg12[%add3A_81, %dma_start3A_92] : memref<10000x128xf32, #tpu.memory_space<vmem_shared>> -> memref<104x128xf32, #tpu.memory_space<vmem_shared>>
        %dma_start3A_94 = arith.constant 0 : i32
        %dma_start3A_95 = tpu.memref_slice %arg12[%add3A_81, %dma_start3A_94] : memref<10000x128xf32, #tpu.memory_space<vmem_shared>> -> memref<104x128xf32, #tpu.memory_space<vmem_shared>>
        %dma_start3A_96 = arith.constant 0 : i32
        %dma_start3A_97 = arith.constant 0 : i32
        %dma_start3A_98 = tpu.memref_slice %arg10[%dma_start3A_96, %dma_start3A_97] : memref<128x128xf32, #tpu.memory_space<vmem>> -> memref<104x128xf32, #tpu.memory_space<vmem>>
        tpu.enqueue_dma source(%dma_start3A_98 : memref<104x128xf32, #tpu.memory_space<vmem>>) target(%dma_start3A_95 : memref<104x128xf32, #tpu.memory_space<vmem_shared>>) target_semaphore(%run_scoped3A : memref<!tpu.dma_semaphore, #tpu.memory_space<semaphore_mem>>)
        %dma_wait3A = arith.constant 0 : i32
        %dma_wait3A_99 = arith.constant 0 : i32
        %dma_wait3A_100 = tpu.memref_slice %arg10[%dma_wait3A, %dma_wait3A_99] : memref<128x128xf32, #tpu.memory_space<vmem>> -> memref<104x128xf32, #tpu.memory_space<vmem>>
        %dma_wait3A_101 = arith.constant 0 : i32
        %dma_wait3A_102 = tpu.memref_slice %arg12[%add3A_81, %dma_wait3A_101] : memref<10000x128xf32, #tpu.memory_space<vmem_shared>> -> memref<104x128xf32, #tpu.memory_space<vmem_shared>>
        %dma_wait3A_103 = arith.constant 0 : i32
        %dma_wait3A_104 = tpu.memref_slice %arg12[%add3A_81, %dma_wait3A_103] : memref<10000x128xf32, #tpu.memory_space<vmem_shared>> -> memref<104x128xf32, #tpu.memory_space<vmem_shared>>
        %dma_wait3A_105 = arith.constant 0 : i32
        %dma_wait3A_106 = arith.constant 0 : i32
        %dma_wait3A_107 = tpu.memref_slice %arg10[%dma_wait3A_105, %dma_wait3A_106] : memref<128x128xf32, #tpu.memory_space<vmem>> -> memref<104x128xf32, #tpu.memory_space<vmem>>
        tpu.wait_dma2 semaphore(%run_scoped3A : memref<!tpu.dma_semaphore, #tpu.memory_space<semaphore_mem>>) src(%dma_wait3A_107 : memref<104x128xf32, #tpu.memory_space<vmem>>) dst(%dma_wait3A_104 : memref<104x128xf32, #tpu.memory_space<vmem_shared>>)
        tpu.yield
      }) : () -> ()
      %add3A_82 = arith.constant 208 : i32
      %add3A_83 = arith.addi %mul3A_38, %add3A_82 : i32
      "tpu.region"() ({
        %run_scoped3A = tpu.sem_alloc : memref<!tpu.dma_semaphore, #tpu.memory_space<semaphore_mem>>
        %dma_start3A = arith.constant 0 : i32
        %dma_start3A_90 = arith.constant 0 : i32
        %dma_start3A_91 = tpu.memref_slice %arg10[%dma_start3A, %dma_start3A_90] : memref<128x128xf32, #tpu.memory_space<vmem>> -> memref<104x128xf32, #tpu.memory_space<vmem>>
        %dma_start3A_92 = arith.constant 0 : i32
        %dma_start3A_93 = tpu.memref_slice %arg12[%add3A_83, %dma_start3A_92] : memref<10000x128xf32, #tpu.memory_space<vmem_shared>> -> memref<104x128xf32, #tpu.memory_space<vmem_shared>>
        %dma_start3A_94 = arith.constant 0 : i32
        %dma_start3A_95 = tpu.memref_slice %arg12[%add3A_83, %dma_start3A_94] : memref<10000x128xf32, #tpu.memory_space<vmem_shared>> -> memref<104x128xf32, #tpu.memory_space<vmem_shared>>
        %dma_start3A_96 = arith.constant 0 : i32
        %dma_start3A_97 = arith.constant 0 : i32
        %dma_start3A_98 = tpu.memref_slice %arg10[%dma_start3A_96, %dma_start3A_97] : memref<128x128xf32, #tpu.memory_space<vmem>> -> memref<104x128xf32, #tpu.memory_space<vmem>>
        tpu.enqueue_dma source(%dma_start3A_98 : memref<104x128xf32, #tpu.memory_space<vmem>>) target(%dma_start3A_95 : memref<104x128xf32, #tpu.memory_space<vmem_shared>>) target_semaphore(%run_scoped3A : memref<!tpu.dma_semaphore, #tpu.memory_space<semaphore_mem>>)
        %dma_wait3A = arith.constant 0 : i32
        %dma_wait3A_99 = arith.constant 0 : i32
        %dma_wait3A_100 = tpu.memref_slice %arg10[%dma_wait3A, %dma_wait3A_99] : memref<128x128xf32, #tpu.memory_space<vmem>> -> memref<104x128xf32, #tpu.memory_space<vmem>>
        %dma_wait3A_101 = arith.constant 0 : i32
        %dma_wait3A_102 = tpu.memref_slice %arg12[%add3A_83, %dma_wait3A_101] : memref<10000x128xf32, #tpu.memory_space<vmem_shared>> -> memref<104x128xf32, #tpu.memory_space<vmem_shared>>
        %dma_wait3A_103 = arith.constant 0 : i32
        %dma_wait3A_104 = tpu.memref_slice %arg12[%add3A_83, %dma_wait3A_103] : memref<10000x128xf32, #tpu.memory_space<vmem_shared>> -> memref<104x128xf32, #tpu.memory_space<vmem_shared>>
        %dma_wait3A_105 = arith.constant 0 : i32
        %dma_wait3A_106 = arith.constant 0 : i32
        %dma_wait3A_107 = tpu.memref_slice %arg10[%dma_wait3A_105, %dma_wait3A_106] : memref<128x128xf32, #tpu.memory_space<vmem>> -> memref<104x128xf32, #tpu.memory_space<vmem>>
        tpu.wait_dma2 semaphore(%run_scoped3A : memref<!tpu.dma_semaphore, #tpu.memory_space<semaphore_mem>>) src(%dma_wait3A_107 : memref<104x128xf32, #tpu.memory_space<vmem>>) dst(%dma_wait3A_104 : memref<104x128xf32, #tpu.memory_space<vmem_shared>>)
        tpu.yield
      }) : () -> ()
      %add3A_84 = arith.constant 312 : i32
      %add3A_85 = arith.addi %mul3A_38, %add3A_84 : i32
      "tpu.region"() ({
        %run_scoped3A = tpu.sem_alloc : memref<!tpu.dma_semaphore, #tpu.memory_space<semaphore_mem>>
        %dma_start3A = arith.constant 0 : i32
        %dma_start3A_90 = arith.constant 0 : i32
        %dma_start3A_91 = tpu.memref_slice %arg10[%dma_start3A, %dma_start3A_90] : memref<128x128xf32, #tpu.memory_space<vmem>> -> memref<104x128xf32, #tpu.memory_space<vmem>>
        %dma_start3A_92 = arith.constant 0 : i32
        %dma_start3A_93 = tpu.memref_slice %arg12[%add3A_85, %dma_start3A_92] : memref<10000x128xf32, #tpu.memory_space<vmem_shared>> -> memref<104x128xf32, #tpu.memory_space<vmem_shared>>
        %dma_start3A_94 = arith.constant 0 : i32
        %dma_start3A_95 = tpu.memref_slice %arg12[%add3A_85, %dma_start3A_94] : memref<10000x128xf32, #tpu.memory_space<vmem_shared>> -> memref<104x128xf32, #tpu.memory_space<vmem_shared>>
        %dma_start3A_96 = arith.constant 0 : i32
        %dma_start3A_97 = arith.constant 0 : i32
        %dma_start3A_98 = tpu.memref_slice %arg10[%dma_start3A_96, %dma_start3A_97] : memref<128x128xf32, #tpu.memory_space<vmem>> -> memref<104x128xf32, #tpu.memory_space<vmem>>
        tpu.enqueue_dma source(%dma_start3A_98 : memref<104x128xf32, #tpu.memory_space<vmem>>) target(%dma_start3A_95 : memref<104x128xf32, #tpu.memory_space<vmem_shared>>) target_semaphore(%run_scoped3A : memref<!tpu.dma_semaphore, #tpu.memory_space<semaphore_mem>>)
        %dma_wait3A = arith.constant 0 : i32
        %dma_wait3A_99 = arith.constant 0 : i32
        %dma_wait3A_100 = tpu.memref_slice %arg10[%dma_wait3A, %dma_wait3A_99] : memref<128x128xf32, #tpu.memory_space<vmem>> -> memref<104x128xf32, #tpu.memory_space<vmem>>
        %dma_wait3A_101 = arith.constant 0 : i32
        %dma_wait3A_102 = tpu.memref_slice %arg12[%add3A_85, %dma_wait3A_101] : memref<10000x128xf32, #tpu.memory_space<vmem_shared>> -> memref<104x128xf32, #tpu.memory_space<vmem_shared>>
        %dma_wait3A_103 = arith.constant 0 : i32
        %dma_wait3A_104 = tpu.memref_slice %arg12[%add3A_85, %dma_wait3A_103] : memref<10000x128xf32, #tpu.memory_space<vmem_shared>> -> memref<104x128xf32, #tpu.memory_space<vmem_shared>>
        %dma_wait3A_105 = arith.constant 0 : i32
        %dma_wait3A_106 = arith.constant 0 : i32
        %dma_wait3A_107 = tpu.memref_slice %arg10[%dma_wait3A_105, %dma_wait3A_106] : memref<128x128xf32, #tpu.memory_space<vmem>> -> memref<104x128xf32, #tpu.memory_space<vmem>>
        tpu.wait_dma2 semaphore(%run_scoped3A : memref<!tpu.dma_semaphore, #tpu.memory_space<semaphore_mem>>) src(%dma_wait3A_107 : memref<104x128xf32, #tpu.memory_space<vmem>>) dst(%dma_wait3A_104 : memref<104x128xf32, #tpu.memory_space<vmem_shared>>)
        tpu.yield
      }) : () -> ()
      %add3A_86 = arith.constant 416 : i32
      %add3A_87 = arith.addi %mul3A_38, %add3A_86 : i32
      "tpu.region"() ({
        %run_scoped3A = tpu.sem_alloc : memref<!tpu.dma_semaphore, #tpu.memory_space<semaphore_mem>>
        %dma_start3A = arith.constant 0 : i32
        %dma_start3A_90 = arith.constant 0 : i32
        %dma_start3A_91 = tpu.memref_slice %arg10[%dma_start3A, %dma_start3A_90] : memref<128x128xf32, #tpu.memory_space<vmem>> -> memref<104x128xf32, #tpu.memory_space<vmem>>
        %dma_start3A_92 = arith.constant 0 : i32
        %dma_start3A_93 = tpu.memref_slice %arg12[%add3A_87, %dma_start3A_92] : memref<10000x128xf32, #tpu.memory_space<vmem_shared>> -> memref<104x128xf32, #tpu.memory_space<vmem_shared>>
        %dma_start3A_94 = arith.constant 0 : i32
        %dma_start3A_95 = tpu.memref_slice %arg12[%add3A_87, %dma_start3A_94] : memref<10000x128xf32, #tpu.memory_space<vmem_shared>> -> memref<104x128xf32, #tpu.memory_space<vmem_shared>>
        %dma_start3A_96 = arith.constant 0 : i32
        %dma_start3A_97 = arith.constant 0 : i32
        %dma_start3A_98 = tpu.memref_slice %arg10[%dma_start3A_96, %dma_start3A_97] : memref<128x128xf32, #tpu.memory_space<vmem>> -> memref<104x128xf32, #tpu.memory_space<vmem>>
        tpu.enqueue_dma source(%dma_start3A_98 : memref<104x128xf32, #tpu.memory_space<vmem>>) target(%dma_start3A_95 : memref<104x128xf32, #tpu.memory_space<vmem_shared>>) target_semaphore(%run_scoped3A : memref<!tpu.dma_semaphore, #tpu.memory_space<semaphore_mem>>)
        %dma_wait3A = arith.constant 0 : i32
        %dma_wait3A_99 = arith.constant 0 : i32
        %dma_wait3A_100 = tpu.memref_slice %arg10[%dma_wait3A, %dma_wait3A_99] : memref<128x128xf32, #tpu.memory_space<vmem>> -> memref<104x128xf32, #tpu.memory_space<vmem>>
        %dma_wait3A_101 = arith.constant 0 : i32
        %dma_wait3A_102 = tpu.memref_slice %arg12[%add3A_87, %dma_wait3A_101] : memref<10000x128xf32, #tpu.memory_space<vmem_shared>> -> memref<104x128xf32, #tpu.memory_space<vmem_shared>>
        %dma_wait3A_103 = arith.constant 0 : i32
        %dma_wait3A_104 = tpu.memref_slice %arg12[%add3A_87, %dma_wait3A_103] : memref<10000x128xf32, #tpu.memory_space<vmem_shared>> -> memref<104x128xf32, #tpu.memory_space<vmem_shared>>
        %dma_wait3A_105 = arith.constant 0 : i32
        %dma_wait3A_106 = arith.constant 0 : i32
        %dma_wait3A_107 = tpu.memref_slice %arg10[%dma_wait3A_105, %dma_wait3A_106] : memref<128x128xf32, #tpu.memory_space<vmem>> -> memref<104x128xf32, #tpu.memory_space<vmem>>
        tpu.wait_dma2 semaphore(%run_scoped3A : memref<!tpu.dma_semaphore, #tpu.memory_space<semaphore_mem>>) src(%dma_wait3A_107 : memref<104x128xf32, #tpu.memory_space<vmem>>) dst(%dma_wait3A_104 : memref<104x128xf32, #tpu.memory_space<vmem_shared>>)
        tpu.yield
      }) : () -> ()
      %add3A_88 = arith.constant 520 : i32
      %add3A_89 = arith.addi %mul3A_38, %add3A_88 : i32
      "tpu.region"() ({
        %run_scoped3A = tpu.sem_alloc : memref<!tpu.dma_semaphore, #tpu.memory_space<semaphore_mem>>
        %dma_start3A = arith.constant 0 : i32
        %dma_start3A_90 = arith.constant 0 : i32
        %dma_start3A_91 = tpu.memref_slice %arg10[%dma_start3A, %dma_start3A_90] : memref<128x128xf32, #tpu.memory_space<vmem>> -> memref<104x128xf32, #tpu.memory_space<vmem>>
        %dma_start3A_92 = arith.constant 0 : i32
        %dma_start3A_93 = tpu.memref_slice %arg12[%add3A_89, %dma_start3A_92] : memref<10000x128xf32, #tpu.memory_space<vmem_shared>> -> memref<104x128xf32, #tpu.memory_space<vmem_shared>>
        %dma_start3A_94 = arith.constant 0 : i32
        %dma_start3A_95 = tpu.memref_slice %arg12[%add3A_89, %dma_start3A_94] : memref<10000x128xf32, #tpu.memory_space<vmem_shared>> -> memref<104x128xf32, #tpu.memory_space<vmem_shared>>
        %dma_start3A_96 = arith.constant 0 : i32
        %dma_start3A_97 = arith.constant 0 : i32
        %dma_start3A_98 = tpu.memref_slice %arg10[%dma_start3A_96, %dma_start3A_97] : memref<128x128xf32, #tpu.memory_space<vmem>> -> memref<104x128xf32, #tpu.memory_space<vmem>>
        tpu.enqueue_dma source(%dma_start3A_98 : memref<104x128xf32, #tpu.memory_space<vmem>>) target(%dma_start3A_95 : memref<104x128xf32, #tpu.memory_space<vmem_shared>>) target_semaphore(%run_scoped3A : memref<!tpu.dma_semaphore, #tpu.memory_space<semaphore_mem>>)
        %dma_wait3A = arith.constant 0 : i32
        %dma_wait3A_99 = arith.constant 0 : i32
        %dma_wait3A_100 = tpu.memref_slice %arg10[%dma_wait3A, %dma_wait3A_99] : memref<128x128xf32, #tpu.memory_space<vmem>> -> memref<104x128xf32, #tpu.memory_space<vmem>>
        %dma_wait3A_101 = arith.constant 0 : i32
        %dma_wait3A_102 = tpu.memref_slice %arg12[%add3A_89, %dma_wait3A_101] : memref<10000x128xf32, #tpu.memory_space<vmem_shared>> -> memref<104x128xf32, #tpu.memory_space<vmem_shared>>
        %dma_wait3A_103 = arith.constant 0 : i32
        %dma_wait3A_104 = tpu.memref_slice %arg12[%add3A_89, %dma_wait3A_103] : memref<10000x128xf32, #tpu.memory_space<vmem_shared>> -> memref<104x128xf32, #tpu.memory_space<vmem_shared>>
        %dma_wait3A_105 = arith.constant 0 : i32
        %dma_wait3A_106 = arith.constant 0 : i32
        %dma_wait3A_107 = tpu.memref_slice %arg10[%dma_wait3A_105, %dma_wait3A_106] : memref<128x128xf32, #tpu.memory_space<vmem>> -> memref<104x128xf32, #tpu.memory_space<vmem>>
        tpu.wait_dma2 semaphore(%run_scoped3A : memref<!tpu.dma_semaphore, #tpu.memory_space<semaphore_mem>>) src(%dma_wait3A_107 : memref<104x128xf32, #tpu.memory_space<vmem>>) dst(%dma_wait3A_104 : memref<104x128xf32, #tpu.memory_space<vmem_shared>>)
        tpu.yield
      }) : () -> ()
    } else {
    }
    %eq3A = arith.constant 15 : i32
    %eq3A_41 = arith.cmpi eq, %arg1, %eq3A : i32
    %convert_element_type3A_42 = arith.extui %eq3A_41 : i1 to i32
    %cond3A_43 = arith.constant 0 : i32
    %cond3A_44 = arith.cmpi ne, %convert_element_type3A_42, %cond3A_43 : i32
    scf.if %cond3A_44 {
      %add3A_78 = arith.constant 0 : i32
      %add3A_79 = arith.addi %mul3A_38, %add3A_78 : i32
      "tpu.region"() ({
        %run_scoped3A = tpu.sem_alloc : memref<!tpu.dma_semaphore, #tpu.memory_space<semaphore_mem>>
        %dma_start3A = arith.constant 0 : i32
        %dma_start3A_88 = tpu.memref_slice %arg12[%add3A_79, %dma_start3A] : memref<10000x128xf32, #tpu.memory_space<vmem_shared>> -> memref<128x128xf32, #tpu.memory_space<vmem_shared>>
        %dma_start3A_89 = arith.constant 0 : i32
        %dma_start3A_90 = tpu.memref_slice %arg12[%add3A_79, %dma_start3A_89] : memref<10000x128xf32, #tpu.memory_space<vmem_shared>> -> memref<128x128xf32, #tpu.memory_space<vmem_shared>>
        tpu.enqueue_dma source(%arg10 : memref<128x128xf32, #tpu.memory_space<vmem>>) target(%dma_start3A_90 : memref<128x128xf32, #tpu.memory_space<vmem_shared>>) target_semaphore(%run_scoped3A : memref<!tpu.dma_semaphore, #tpu.memory_space<semaphore_mem>>)
        %dma_wait3A = arith.constant 0 : i32
        %dma_wait3A_91 = tpu.memref_slice %arg12[%add3A_79, %dma_wait3A] : memref<10000x128xf32, #tpu.memory_space<vmem_shared>> -> memref<128x128xf32, #tpu.memory_space<vmem_shared>>
        %dma_wait3A_92 = arith.constant 0 : i32
        %dma_wait3A_93 = tpu.memref_slice %arg12[%add3A_79, %dma_wait3A_92] : memref<10000x128xf32, #tpu.memory_space<vmem_shared>> -> memref<128x128xf32, #tpu.memory_space<vmem_shared>>
        tpu.wait_dma2 semaphore(%run_scoped3A : memref<!tpu.dma_semaphore, #tpu.memory_space<semaphore_mem>>) src(%arg10 : memref<128x128xf32, #tpu.memory_space<vmem>>) dst(%dma_wait3A_93 : memref<128x128xf32, #tpu.memory_space<vmem_shared>>)
        tpu.yield
      }) : () -> ()
      %add3A_80 = arith.constant 128 : i32
      %add3A_81 = arith.addi %mul3A_38, %add3A_80 : i32
      "tpu.region"() ({
        %run_scoped3A = tpu.sem_alloc : memref<!tpu.dma_semaphore, #tpu.memory_space<semaphore_mem>>
        %dma_start3A = arith.constant 0 : i32
        %dma_start3A_88 = tpu.memref_slice %arg12[%add3A_81, %dma_start3A] : memref<10000x128xf32, #tpu.memory_space<vmem_shared>> -> memref<128x128xf32, #tpu.memory_space<vmem_shared>>
        %dma_start3A_89 = arith.constant 0 : i32
        %dma_start3A_90 = tpu.memref_slice %arg12[%add3A_81, %dma_start3A_89] : memref<10000x128xf32, #tpu.memory_space<vmem_shared>> -> memref<128x128xf32, #tpu.memory_space<vmem_shared>>
        tpu.enqueue_dma source(%arg10 : memref<128x128xf32, #tpu.memory_space<vmem>>) target(%dma_start3A_90 : memref<128x128xf32, #tpu.memory_space<vmem_shared>>) target_semaphore(%run_scoped3A : memref<!tpu.dma_semaphore, #tpu.memory_space<semaphore_mem>>)
        %dma_wait3A = arith.constant 0 : i32
        %dma_wait3A_91 = tpu.memref_slice %arg12[%add3A_81, %dma_wait3A] : memref<10000x128xf32, #tpu.memory_space<vmem_shared>> -> memref<128x128xf32, #tpu.memory_space<vmem_shared>>
        %dma_wait3A_92 = arith.constant 0 : i32
        %dma_wait3A_93 = tpu.memref_slice %arg12[%add3A_81, %dma_wait3A_92] : memref<10000x128xf32, #tpu.memory_space<vmem_shared>> -> memref<128x128xf32, #tpu.memory_space<vmem_shared>>
        tpu.wait_dma2 semaphore(%run_scoped3A : memref<!tpu.dma_semaphore, #tpu.memory_space<semaphore_mem>>) src(%arg10 : memref<128x128xf32, #tpu.memory_space<vmem>>) dst(%dma_wait3A_93 : memref<128x128xf32, #tpu.memory_space<vmem_shared>>)
        tpu.yield
      }) : () -> ()
      %add3A_82 = arith.constant 256 : i32
      %add3A_83 = arith.addi %mul3A_38, %add3A_82 : i32
      "tpu.region"() ({
        %run_scoped3A = tpu.sem_alloc : memref<!tpu.dma_semaphore, #tpu.memory_space<semaphore_mem>>
        %dma_start3A = arith.constant 0 : i32
        %dma_start3A_88 = tpu.memref_slice %arg12[%add3A_83, %dma_start3A] : memref<10000x128xf32, #tpu.memory_space<vmem_shared>> -> memref<128x128xf32, #tpu.memory_space<vmem_shared>>
        %dma_start3A_89 = arith.constant 0 : i32
        %dma_start3A_90 = tpu.memref_slice %arg12[%add3A_83, %dma_start3A_89] : memref<10000x128xf32, #tpu.memory_space<vmem_shared>> -> memref<128x128xf32, #tpu.memory_space<vmem_shared>>
        tpu.enqueue_dma source(%arg10 : memref<128x128xf32, #tpu.memory_space<vmem>>) target(%dma_start3A_90 : memref<128x128xf32, #tpu.memory_space<vmem_shared>>) target_semaphore(%run_scoped3A : memref<!tpu.dma_semaphore, #tpu.memory_space<semaphore_mem>>)
        %dma_wait3A = arith.constant 0 : i32
        %dma_wait3A_91 = tpu.memref_slice %arg12[%add3A_83, %dma_wait3A] : memref<10000x128xf32, #tpu.memory_space<vmem_shared>> -> memref<128x128xf32, #tpu.memory_space<vmem_shared>>
        %dma_wait3A_92 = arith.constant 0 : i32
        %dma_wait3A_93 = tpu.memref_slice %arg12[%add3A_83, %dma_wait3A_92] : memref<10000x128xf32, #tpu.memory_space<vmem_shared>> -> memref<128x128xf32, #tpu.memory_space<vmem_shared>>
        tpu.wait_dma2 semaphore(%run_scoped3A : memref<!tpu.dma_semaphore, #tpu.memory_space<semaphore_mem>>) src(%arg10 : memref<128x128xf32, #tpu.memory_space<vmem>>) dst(%dma_wait3A_93 : memref<128x128xf32, #tpu.memory_space<vmem_shared>>)
        tpu.yield
      }) : () -> ()
      %add3A_84 = arith.constant 384 : i32
      %add3A_85 = arith.addi %mul3A_38, %add3A_84 : i32
      "tpu.region"() ({
        %run_scoped3A = tpu.sem_alloc : memref<!tpu.dma_semaphore, #tpu.memory_space<semaphore_mem>>
        %dma_start3A = arith.constant 0 : i32
        %dma_start3A_88 = tpu.memref_slice %arg12[%add3A_85, %dma_start3A] : memref<10000x128xf32, #tpu.memory_space<vmem_shared>> -> memref<128x128xf32, #tpu.memory_space<vmem_shared>>
        %dma_start3A_89 = arith.constant 0 : i32
        %dma_start3A_90 = tpu.memref_slice %arg12[%add3A_85, %dma_start3A_89] : memref<10000x128xf32, #tpu.memory_space<vmem_shared>> -> memref<128x128xf32, #tpu.memory_space<vmem_shared>>
        tpu.enqueue_dma source(%arg10 : memref<128x128xf32, #tpu.memory_space<vmem>>) target(%dma_start3A_90 : memref<128x128xf32, #tpu.memory_space<vmem_shared>>) target_semaphore(%run_scoped3A : memref<!tpu.dma_semaphore, #tpu.memory_space<semaphore_mem>>)
        %dma_wait3A = arith.constant 0 : i32
        %dma_wait3A_91 = tpu.memref_slice %arg12[%add3A_85, %dma_wait3A] : memref<10000x128xf32, #tpu.memory_space<vmem_shared>> -> memref<128x128xf32, #tpu.memory_space<vmem_shared>>
        %dma_wait3A_92 = arith.constant 0 : i32
        %dma_wait3A_93 = tpu.memref_slice %arg12[%add3A_85, %dma_wait3A_92] : memref<10000x128xf32, #tpu.memory_space<vmem_shared>> -> memref<128x128xf32, #tpu.memory_space<vmem_shared>>
        tpu.wait_dma2 semaphore(%run_scoped3A : memref<!tpu.dma_semaphore, #tpu.memory_space<semaphore_mem>>) src(%arg10 : memref<128x128xf32, #tpu.memory_space<vmem>>) dst(%dma_wait3A_93 : memref<128x128xf32, #tpu.memory_space<vmem_shared>>)
        tpu.yield
      }) : () -> ()
      %add3A_86 = arith.constant 512 : i32
      %add3A_87 = arith.addi %mul3A_38, %add3A_86 : i32
      "tpu.region"() ({
        %run_scoped3A = tpu.sem_alloc : memref<!tpu.dma_semaphore, #tpu.memory_space<semaphore_mem>>
        %dma_start3A = arith.constant 0 : i32
        %dma_start3A_88 = tpu.memref_slice %arg12[%add3A_87, %dma_start3A] : memref<10000x128xf32, #tpu.memory_space<vmem_shared>> -> memref<128x128xf32, #tpu.memory_space<vmem_shared>>
        %dma_start3A_89 = arith.constant 0 : i32
        %dma_start3A_90 = tpu.memref_slice %arg12[%add3A_87, %dma_start3A_89] : memref<10000x128xf32, #tpu.memory_space<vmem_shared>> -> memref<128x128xf32, #tpu.memory_space<vmem_shared>>
        tpu.enqueue_dma source(%arg10 : memref<128x128xf32, #tpu.memory_space<vmem>>) target(%dma_start3A_90 : memref<128x128xf32, #tpu.memory_space<vmem_shared>>) target_semaphore(%run_scoped3A : memref<!tpu.dma_semaphore, #tpu.memory_space<semaphore_mem>>)
        %dma_wait3A = arith.constant 0 : i32
        %dma_wait3A_91 = tpu.memref_slice %arg12[%add3A_87, %dma_wait3A] : memref<10000x128xf32, #tpu.memory_space<vmem_shared>> -> memref<128x128xf32, #tpu.memory_space<vmem_shared>>
        %dma_wait3A_92 = arith.constant 0 : i32
        %dma_wait3A_93 = tpu.memref_slice %arg12[%add3A_87, %dma_wait3A_92] : memref<10000x128xf32, #tpu.memory_space<vmem_shared>> -> memref<128x128xf32, #tpu.memory_space<vmem_shared>>
        tpu.wait_dma2 semaphore(%run_scoped3A : memref<!tpu.dma_semaphore, #tpu.memory_space<semaphore_mem>>) src(%arg10 : memref<128x128xf32, #tpu.memory_space<vmem>>) dst(%dma_wait3A_93 : memref<128x128xf32, #tpu.memory_space<vmem_shared>>)
        tpu.yield
      }) : () -> ()
    } else {
    }
    %barrier3A = arith.constant 0 : index
    tpu.barrier barrier_id(%barrier3A)
    %lt3A_45 = arith.constant 2 : i32
    %lt3A_46 = arith.cmpi slt, %arg1, %lt3A_45 : i32
    %jit3A = arith.constant 1 : i32
    %jit3A_47 = arith.constant 0 : i32
    %select_n3A = arith.select %lt3A_46, %jit3A, %jit3A_47 : i32
    %add3A_48 = arith.constant 78 : i32
    %add3A_49 = arith.addi %add3A_48, %select_n3A : i32
    %mul3A_50 = arith.constant 78 : i32
    %mul3A_51 = arith.muli %mul3A_50, %arg1 : i32
    %min3A = arith.constant 2 : i32
    %min3A_52 = arith.minsi %arg1, %min3A : i32
    %add3A_53 = arith.addi %mul3A_51, %min3A_52 : i32
    %mul3A_54 = arith.constant 10000 : i32
    %mul3A_55 = arith.muli %arg0, %mul3A_54 : i32
    %while3A = arith.constant 0 : i32
    %while3A_56 = arith.constant 0 : i32
    %while3A_57 = arith.subi %add3A_49, %while3A : i32
    %while3A_58 = arith.addi %while3A, %while3A_57 : i32
    %while3A_59 = arith.constant 1 : i32
    %while3A_60 = arith.divsi %while3A_57, %while3A_59 : i32
    %while3A_61 = arith.muli %while3A_60, %while3A_59 : i32
    %while3A_62 = arith.addi %while3A, %while3A_61 : i32
    %while3A_63 = arith.constant 1 : i32
    %while3A_64 = scf.for %while3A_78 = %while3A to %while3A_62 step %while3A_63 iter_args(%while3A_79 = %while3A_56) -> (i32)  : i32 {
      %add3A_80 = arith.addi %add3A_53, %while3A_78 : i32
      %mul3A_81 = arith.constant 128 : i32
      %mul3A_82 = arith.muli %add3A_80, %mul3A_81 : i32
      %run_scoped3A = arith.constant 0 : i32
      "tpu.region"() ({
        %run_scoped3A_103 = tpu.sem_alloc : memref<!tpu.dma_semaphore, #tpu.memory_space<semaphore_mem>>
        %dma_start3A_104 = arith.constant 0 : i32
        %dma_start3A_105 = tpu.memref_slice %arg7[%run_scoped3A, %dma_start3A_104] : memref<1x128xi32, #tpu.memory_space<vmem>> -> memref<1x128xi32, #tpu.memory_space<vmem>>
        %dma_start3A_106 = tpu.memref_squeeze %dma_start3A_105 : memref<1x128xi32, #tpu.memory_space<vmem>> -> memref<128xi32, #tpu.memory_space<vmem>>
        %dma_start3A_107 = tpu.memref_slice %arg4[%mul3A_82] : memref<160000xi32, #tpu.memory_space<hbm>> -> memref<128xi32, #tpu.memory_space<hbm>>
        %dma_start3A_108 = arith.constant 0 : i32
        %dma_start3A_109 = tpu.memref_slice %arg7[%run_scoped3A, %dma_start3A_108] : memref<1x128xi32, #tpu.memory_space<vmem>> -> memref<1x128xi32, #tpu.memory_space<vmem>>
        %dma_start3A_110 = tpu.memref_squeeze %dma_start3A_109 : memref<1x128xi32, #tpu.memory_space<vmem>> -> memref<128xi32, #tpu.memory_space<vmem>>
        %dma_start3A_111 = tpu.memref_slice %arg4[%mul3A_82] : memref<160000xi32, #tpu.memory_space<hbm>> -> memref<128xi32, #tpu.memory_space<hbm>>
        tpu.enqueue_dma source(%dma_start3A_111 : memref<128xi32, #tpu.memory_space<hbm>>) target(%dma_start3A_110 : memref<128xi32, #tpu.memory_space<vmem>>) target_semaphore(%run_scoped3A_103 : memref<!tpu.dma_semaphore, #tpu.memory_space<semaphore_mem>>)
        %dma_wait3A_112 = arith.constant 0 : i32
        %dma_wait3A_113 = tpu.memref_slice %arg7[%run_scoped3A, %dma_wait3A_112] : memref<1x128xi32, #tpu.memory_space<vmem>> -> memref<1x128xi32, #tpu.memory_space<vmem>>
        %dma_wait3A_114 = tpu.memref_squeeze %dma_wait3A_113 : memref<1x128xi32, #tpu.memory_space<vmem>> -> memref<128xi32, #tpu.memory_space<vmem>>
        %dma_wait3A_115 = tpu.memref_slice %arg4[%mul3A_82] : memref<160000xi32, #tpu.memory_space<hbm>> -> memref<128xi32, #tpu.memory_space<hbm>>
        %dma_wait3A_116 = arith.constant 0 : i32
        %dma_wait3A_117 = tpu.memref_slice %arg7[%run_scoped3A, %dma_wait3A_116] : memref<1x128xi32, #tpu.memory_space<vmem>> -> memref<1x128xi32, #tpu.memory_space<vmem>>
        %dma_wait3A_118 = tpu.memref_squeeze %dma_wait3A_117 : memref<1x128xi32, #tpu.memory_space<vmem>> -> memref<128xi32, #tpu.memory_space<vmem>>
        %dma_wait3A_119 = tpu.memref_slice %arg4[%mul3A_82] : memref<160000xi32, #tpu.memory_space<hbm>> -> memref<128xi32, #tpu.memory_space<hbm>>
        tpu.wait_dma2 semaphore(%run_scoped3A_103 : memref<!tpu.dma_semaphore, #tpu.memory_space<semaphore_mem>>) src(%dma_wait3A_119 : memref<128xi32, #tpu.memory_space<hbm>>) dst(%dma_wait3A_118 : memref<128xi32, #tpu.memory_space<vmem>>)
        tpu.yield
      }) : () -> ()
      "tpu.region"() ({
        %run_scoped3A_103 = tpu.sem_alloc : memref<!tpu.dma_semaphore, #tpu.memory_space<semaphore_mem>>
        %dma_start3A_104 = tpu.memref_slice %arg5[%mul3A_82] : memref<160000xi32, #tpu.memory_space<hbm>> -> memref<128xi32, #tpu.memory_space<hbm>>
        %dma_start3A_105 = tpu.memref_slice %arg5[%mul3A_82] : memref<160000xi32, #tpu.memory_space<hbm>> -> memref<128xi32, #tpu.memory_space<hbm>>
        tpu.enqueue_dma source(%dma_start3A_105 : memref<128xi32, #tpu.memory_space<hbm>>) target(%arg8 : memref<128xi32, #tpu.memory_space<vmem>>) target_semaphore(%run_scoped3A_103 : memref<!tpu.dma_semaphore, #tpu.memory_space<semaphore_mem>>)
        %dma_wait3A_106 = tpu.memref_slice %arg5[%mul3A_82] : memref<160000xi32, #tpu.memory_space<hbm>> -> memref<128xi32, #tpu.memory_space<hbm>>
        %dma_wait3A_107 = tpu.memref_slice %arg5[%mul3A_82] : memref<160000xi32, #tpu.memory_space<hbm>> -> memref<128xi32, #tpu.memory_space<hbm>>
        tpu.wait_dma2 semaphore(%run_scoped3A_103 : memref<!tpu.dma_semaphore, #tpu.memory_space<semaphore_mem>>) src(%dma_wait3A_107 : memref<128xi32, #tpu.memory_space<hbm>>) dst(%arg8 : memref<128xi32, #tpu.memory_space<vmem>>)
        tpu.yield
      }) : () -> ()
      %scan3A_83 = arith.constant 0 : i32
      %scan3A_84 = arith.constant 0 : i32
      %scan3A_85 = arith.constant 8 : i32
      %scan3A_86 = arith.addi %scan3A_84, %scan3A_85 : i32
      %scan3A_87 = arith.constant 1 : i32
      %scan3A_88 = scf.for %scan3A_103 = %scan3A_84 to %scan3A_86 step %scan3A_87 iter_args(%scan3A_104 = %scan3A_83) -> (i32)  : i32 {
        %mul3A_105 = arith.constant 16 : i32
        %mul3A_106 = arith.muli %mul3A_105, %scan3A_103 : i32
        %get3A = arith.index_cast %mul3A_106 : i32 to index
        %get3A_107 = tpu.vector_load %arg8[%get3A] {strides = array<i32>} : memref<128xi32, #tpu.memory_space<vmem>>, vector<16xi32>,
        %get3A_108 = vector.shape_cast %get3A_107 : vector<16xi32> to vector<16xi32>
        %add3A_109 = vector.broadcast %mul3A_55 : i32 to vector<16xi32>
        %add3A_110 = arith.addi %get3A_108, %add3A_109 : vector<16xi32>
        %mul3A_111 = arith.constant 16 : i32
        %mul3A_112 = arith.muli %mul3A_111, %scan3A_103 : i32
        %swap3A = arith.index_cast %mul3A_112 : i32 to index
        %swap3A_113 = tpu.vector_load %arg9[%swap3A] {strides = array<i32>} : memref<128xi32, #tpu.memory_space<vmem>>, vector<16xi32>,
        %swap3A_114 = vector.shape_cast %swap3A_113 : vector<16xi32> to vector<16xi32>
        %swap3A_115 = vector.shape_cast %add3A_110 : vector<16xi32> to vector<16xi32>
        tpu.vector_store %arg9[%swap3A], %swap3A_115 {strides = array<i32>} : memref<128xi32, #tpu.memory_space<vmem>>, vector<16xi32>,
        %scan3A_116 = arith.constant 0 : i32
        scf.yield %scan3A_116 : i32
      }
      %scan3A_89 = arith.constant 8 : i32
      %dma_start3A = arith.constant 0 : i32
      %dma_start3A_90 = arith.constant 0 : i32
      %dma_start3A_91 = tpu.memref_slice %arg2[%dma_start3A, %dma_start3A_90] : memref<20000x128xf32, #tpu.memory_space<hbm>> -> memref<20000x128xf32, #tpu.memory_space<hbm>>
      tpu.enqueue_indirect_dma source(%dma_start3A_91 : memref<20000x128xf32, #tpu.memory_space<hbm>>) target(%arg10 : memref<128x128xf32, #tpu.memory_space<vmem>>) offsets(%arg9 : memref<128xi32, #tpu.memory_space<vmem>>) semaphore(%arg13 : memref<!tpu.dma_semaphore, #tpu.memory_space<semaphore_mem>>)
      %dma_wait3A = arith.constant 0 : i32
      %dma_wait3A_92 = arith.constant 0 : i32
      %dma_wait3A_93 = tpu.memref_slice %arg2[%dma_wait3A, %dma_wait3A_92] : memref<20000x128xf32, #tpu.memory_space<hbm>> -> memref<20000x128xf32, #tpu.memory_space<hbm>>
      tpu.wait_indirect_dma semaphore(%arg13 : memref<!tpu.dma_semaphore, #tpu.memory_space<semaphore_mem>>) src(%dma_wait3A_93 : memref<20000x128xf32, #tpu.memory_space<hbm>>) dst(%arg10 : memref<128x128xf32, #tpu.memory_space<vmem>>)
      "tpu.region"() ({
        %run_scoped3A_103 = tpu.sem_alloc : memref<!tpu.dma_semaphore, #tpu.memory_space<semaphore_mem>>
        %dma_start3A_104 = arith.constant 0 : i32
        %dma_start3A_105 = tpu.memref_slice %arg3[%mul3A_82, %dma_start3A_104] : memref<160000x16xf32, #tpu.memory_space<hbm>> -> memref<128x16xf32, #tpu.memory_space<hbm>>
        %dma_start3A_106 = arith.constant 0 : i32
        %dma_start3A_107 = tpu.memref_slice %arg3[%mul3A_82, %dma_start3A_106] : memref<160000x16xf32, #tpu.memory_space<hbm>> -> memref<128x16xf32, #tpu.memory_space<hbm>>
        tpu.enqueue_dma source(%dma_start3A_107 : memref<128x16xf32, #tpu.memory_space<hbm>>) target(%arg11 : memref<128x16xf32, #tpu.memory_space<vmem>>) target_semaphore(%run_scoped3A_103 : memref<!tpu.dma_semaphore, #tpu.memory_space<semaphore_mem>>)
        %dma_wait3A_108 = arith.constant 0 : i32
        %dma_wait3A_109 = tpu.memref_slice %arg3[%mul3A_82, %dma_wait3A_108] : memref<160000x16xf32, #tpu.memory_space<hbm>> -> memref<128x16xf32, #tpu.memory_space<hbm>>
        %dma_wait3A_110 = arith.constant 0 : i32
        %dma_wait3A_111 = tpu.memref_slice %arg3[%mul3A_82, %dma_wait3A_110] : memref<160000x16xf32, #tpu.memory_space<hbm>> -> memref<128x16xf32, #tpu.memory_space<hbm>>
        tpu.wait_dma2 semaphore(%run_scoped3A_103 : memref<!tpu.dma_semaphore, #tpu.memory_space<semaphore_mem>>) src(%dma_wait3A_111 : memref<128x16xf32, #tpu.memory_space<hbm>>) dst(%arg11 : memref<128x16xf32, #tpu.memory_space<vmem>>)
        tpu.yield
      }) : () -> ()
      %scan3A_94 = arith.constant 0 : i32
      %scan3A_95 = arith.constant 0 : i32
      %scan3A_96 = arith.constant 64 : i32
      %scan3A_97 = arith.addi %scan3A_95, %scan3A_96 : i32
      %scan3A_98 = arith.constant 1 : i32
      %scan3A_99 = scf.for %scan3A_103 = %scan3A_95 to %scan3A_97 step %scan3A_98 iter_args(%scan3A_104 = %scan3A_94) -> (i32)  : i32 {
        %mul3A_105 = arith.constant 2 : i32
        %mul3A_106 = arith.muli %mul3A_105, %scan3A_103 : i32
        %add3A_107 = arith.constant 0 : i32
        %add3A_108 = arith.addi %mul3A_106, %add3A_107 : i32
        %get3A = arith.index_cast %add3A_108 : i32 to index
        %get3A_109 = arith.constant 0 : index
        %get3A_110 = tpu.vector_load %arg11[%get3A, %get3A_109] {strides = array<i32>} : memref<128x16xf32, #tpu.memory_space<vmem>>, vector<1x16xf32>,
        %get3A_111 = vector.shape_cast %get3A_110 : vector<1x16xf32> to vector<16xf32>
        %broadcast_in_dim3A_112 = vector.shape_cast %add3A_6 : vector<16xi32> to vector<16x1xi32>
        %gather3A = vector.shape_cast %broadcast_in_dim3A_112 : vector<16x1xi32> to vector<16xi32>
        %gather3A_113 = tpu.dynamic_gather %get3A_111[%gather3A] in [0] : vector<16xf32>, vector<16xi32> -> vector<16xf32>
        %get3A_114 = arith.index_cast %add3A_108 : i32 to index
        %get3A_115 = arith.constant 0 : index
        %get3A_116 = tpu.vector_load %arg10[%get3A_114, %get3A_115] {strides = array<i32>} : memref<128x128xf32, #tpu.memory_space<vmem>>, vector<1x16xf32>,
        %get3A_117 = vector.shape_cast %get3A_116 : vector<1x16xf32> to vector<16xf32>
        %mul3A_118 = arith.mulf %get3A_117, %gather3A_113 : vector<16xf32>
        %swap3A = arith.index_cast %add3A_108 : i32 to index
        %swap3A_119 = arith.constant 0 : index
        %swap3A_120 = tpu.vector_load %arg10[%swap3A, %swap3A_119] {strides = array<i32>} : memref<128x128xf32, #tpu.memory_space<vmem>>, vector<1x16xf32>,
        %swap3A_121 = vector.shape_cast %swap3A_120 : vector<1x16xf32> to vector<16xf32>
        %swap3A_122 = vector.shape_cast %mul3A_118 : vector<16xf32> to vector<1x16xf32>
        tpu.vector_store %arg10[%swap3A, %swap3A_119], %swap3A_122 {strides = array<i32>} : memref<128x128xf32, #tpu.memory_space<vmem>>, vector<1x16xf32>,
        %get3A_123 = arith.index_cast %add3A_108 : i32 to index
        %get3A_124 = arith.constant 16 : index
        %get3A_125 = tpu.vector_load %arg10[%get3A_123, %get3A_124] {strides = array<i32>} : memref<128x128xf32, #tpu.memory_space<vmem>>, vector<1x16xf32>,
        %get3A_126 = vector.shape_cast %get3A_125 : vector<1x16xf32> to vector<16xf32>
        %mul3A_127 = arith.mulf %get3A_126, %gather3A_113 : vector<16xf32>
        %swap3A_128 = arith.index_cast %add3A_108 : i32 to index
        %swap3A_129 = arith.constant 16 : index
        %swap3A_130 = tpu.vector_load %arg10[%swap3A_128, %swap3A_129] {strides = array<i32>} : memref<128x128xf32, #tpu.memory_space<vmem>>, vector<1x16xf32>,
        %swap3A_131 = vector.shape_cast %swap3A_130 : vector<1x16xf32> to vector<16xf32>
        %swap3A_132 = vector.shape_cast %mul3A_127 : vector<16xf32> to vector<1x16xf32>
        tpu.vector_store %arg10[%swap3A_128, %swap3A_129], %swap3A_132 {strides = array<i32>} : memref<128x128xf32, #tpu.memory_space<vmem>>, vector<1x16xf32>,
        %broadcast_in_dim3A_133 = vector.shape_cast %add3A_14 : vector<16xi32> to vector<16x1xi32>
        %gather3A_134 = vector.shape_cast %broadcast_in_dim3A_133 : vector<16x1xi32> to vector<16xi32>
        %gather3A_135 = tpu.dynamic_gather %get3A_111[%gather3A_134] in [0] : vector<16xf32>, vector<16xi32> -> vector<16xf32>
        %get3A_136 = arith.index_cast %add3A_108 : i32 to index
        %get3A_137 = arith.constant 32 : index
        %get3A_138 = tpu.vector_load %arg10[%get3A_136, %get3A_137] {strides = array<i32>} : memref<128x128xf32, #tpu.memory_space<vmem>>, vector<1x16xf32>,
        %get3A_139 = vector.shape_cast %get3A_138 : vector<1x16xf32> to vector<16xf32>
        %mul3A_140 = arith.mulf %get3A_139, %gather3A_135 : vector<16xf32>
        %swap3A_141 = arith.index_cast %add3A_108 : i32 to index
        %swap3A_142 = arith.constant 32 : index
        %swap3A_143 = tpu.vector_load %arg10[%swap3A_141, %swap3A_142] {strides = array<i32>} : memref<128x128xf32, #tpu.memory_space<vmem>>, vector<1x16xf32>,
        %swap3A_144 = vector.shape_cast %swap3A_143 : vector<1x16xf32> to vector<16xf32>
        %swap3A_145 = vector.shape_cast %mul3A_140 : vector<16xf32> to vector<1x16xf32>
        tpu.vector_store %arg10[%swap3A_141, %swap3A_142], %swap3A_145 {strides = array<i32>} : memref<128x128xf32, #tpu.memory_space<vmem>>, vector<1x16xf32>,
        %get3A_146 = arith.index_cast %add3A_108 : i32 to index
        %get3A_147 = arith.constant 48 : index
        %get3A_148 = tpu.vector_load %arg10[%get3A_146, %get3A_147] {strides = array<i32>} : memref<128x128xf32, #tpu.memory_space<vmem>>, vector<1x16xf32>,
        %get3A_149 = vector.shape_cast %get3A_148 : vector<1x16xf32> to vector<16xf32>
        %mul3A_150 = arith.mulf %get3A_149, %gather3A_135 : vector<16xf32>
        %swap3A_151 = arith.index_cast %add3A_108 : i32 to index
        %swap3A_152 = arith.constant 48 : index
        %swap3A_153 = tpu.vector_load %arg10[%swap3A_151, %swap3A_152] {strides = array<i32>} : memref<128x128xf32, #tpu.memory_space<vmem>>, vector<1x16xf32>,
        %swap3A_154 = vector.shape_cast %swap3A_153 : vector<1x16xf32> to vector<16xf32>
        %swap3A_155 = vector.shape_cast %mul3A_150 : vector<16xf32> to vector<1x16xf32>
        tpu.vector_store %arg10[%swap3A_151, %swap3A_152], %swap3A_155 {strides = array<i32>} : memref<128x128xf32, #tpu.memory_space<vmem>>, vector<1x16xf32>,
        %broadcast_in_dim3A_156 = vector.shape_cast %add3A_22 : vector<16xi32> to vector<16x1xi32>
        %gather3A_157 = vector.shape_cast %broadcast_in_dim3A_156 : vector<16x1xi32> to vector<16xi32>
        %gather3A_158 = tpu.dynamic_gather %get3A_111[%gather3A_157] in [0] : vector<16xf32>, vector<16xi32> -> vector<16xf32>
        %get3A_159 = arith.index_cast %add3A_108 : i32 to index
        %get3A_160 = arith.constant 64 : index
        %get3A_161 = tpu.vector_load %arg10[%get3A_159, %get3A_160] {strides = array<i32>} : memref<128x128xf32, #tpu.memory_space<vmem>>, vector<1x16xf32>,
        %get3A_162 = vector.shape_cast %get3A_161 : vector<1x16xf32> to vector<16xf32>
        %mul3A_163 = arith.mulf %get3A_162, %gather3A_158 : vector<16xf32>
        %swap3A_164 = arith.index_cast %add3A_108 : i32 to index
        %swap3A_165 = arith.constant 64 : index
        %swap3A_166 = tpu.vector_load %arg10[%swap3A_164, %swap3A_165] {strides = array<i32>} : memref<128x128xf32, #tpu.memory_space<vmem>>, vector<1x16xf32>,
        %swap3A_167 = vector.shape_cast %swap3A_166 : vector<1x16xf32> to vector<16xf32>
        %swap3A_168 = vector.shape_cast %mul3A_163 : vector<16xf32> to vector<1x16xf32>
        tpu.vector_store %arg10[%swap3A_164, %swap3A_165], %swap3A_168 {strides = array<i32>} : memref<128x128xf32, #tpu.memory_space<vmem>>, vector<1x16xf32>,
        %get3A_169 = arith.index_cast %add3A_108 : i32 to index
        %get3A_170 = arith.constant 80 : index
        %get3A_171 = tpu.vector_load %arg10[%get3A_169, %get3A_170] {strides = array<i32>} : memref<128x128xf32, #tpu.memory_space<vmem>>, vector<1x16xf32>,
        %get3A_172 = vector.shape_cast %get3A_171 : vector<1x16xf32> to vector<16xf32>
        %mul3A_173 = arith.mulf %get3A_172, %gather3A_158 : vector<16xf32>
        %swap3A_174 = arith.index_cast %add3A_108 : i32 to index
        %swap3A_175 = arith.constant 80 : index
        %swap3A_176 = tpu.vector_load %arg10[%swap3A_174, %swap3A_175] {strides = array<i32>} : memref<128x128xf32, #tpu.memory_space<vmem>>, vector<1x16xf32>,
        %swap3A_177 = vector.shape_cast %swap3A_176 : vector<1x16xf32> to vector<16xf32>
        %swap3A_178 = vector.shape_cast %mul3A_173 : vector<16xf32> to vector<1x16xf32>
        tpu.vector_store %arg10[%swap3A_174, %swap3A_175], %swap3A_178 {strides = array<i32>} : memref<128x128xf32, #tpu.memory_space<vmem>>, vector<1x16xf32>,
        %broadcast_in_dim3A_179 = vector.shape_cast %add3A_30 : vector<16xi32> to vector<16x1xi32>
        %gather3A_180 = vector.shape_cast %broadcast_in_dim3A_179 : vector<16x1xi32> to vector<16xi32>
        %gather3A_181 = tpu.dynamic_gather %get3A_111[%gather3A_180] in [0] : vector<16xf32>, vector<16xi32> -> vector<16xf32>
        %get3A_182 = arith.index_cast %add3A_108 : i32 to index
        %get3A_183 = arith.constant 96 : index
        %get3A_184 = tpu.vector_load %arg10[%get3A_182, %get3A_183] {strides = array<i32>} : memref<128x128xf32, #tpu.memory_space<vmem>>, vector<1x16xf32>,
        %get3A_185 = vector.shape_cast %get3A_184 : vector<1x16xf32> to vector<16xf32>
        %mul3A_186 = arith.mulf %get3A_185, %gather3A_181 : vector<16xf32>
        %swap3A_187 = arith.index_cast %add3A_108 : i32 to index
        %swap3A_188 = arith.constant 96 : index
        %swap3A_189 = tpu.vector_load %arg10[%swap3A_187, %swap3A_188] {strides = array<i32>} : memref<128x128xf32, #tpu.memory_space<vmem>>, vector<1x16xf32>,
        %swap3A_190 = vector.shape_cast %swap3A_189 : vector<1x16xf32> to vector<16xf32>
        %swap3A_191 = vector.shape_cast %mul3A_186 : vector<16xf32> to vector<1x16xf32>
        tpu.vector_store %arg10[%swap3A_187, %swap3A_188], %swap3A_191 {strides = array<i32>} : memref<128x128xf32, #tpu.memory_space<vmem>>, vector<1x16xf32>,
        %get3A_192 = arith.index_cast %add3A_108 : i32 to index
        %get3A_193 = arith.constant 112 : index
        %get3A_194 = tpu.vector_load %arg10[%get3A_192, %get3A_193] {strides = array<i32>} : memref<128x128xf32, #tpu.memory_space<vmem>>, vector<1x16xf32>,
        %get3A_195 = vector.shape_cast %get3A_194 : vector<1x16xf32> to vector<16xf32>
        %mul3A_196 = arith.mulf %get3A_195, %gather3A_181 : vector<16xf32>
        %swap3A_197 = arith.index_cast %add3A_108 : i32 to index
        %swap3A_198 = arith.constant 112 : index
        %swap3A_199 = tpu.vector_load %arg10[%swap3A_197, %swap3A_198] {strides = array<i32>} : memref<128x128xf32, #tpu.memory_space<vmem>>, vector<1x16xf32>,
        %swap3A_200 = vector.shape_cast %swap3A_199 : vector<1x16xf32> to vector<16xf32>
        %swap3A_201 = vector.shape_cast %mul3A_196 : vector<16xf32> to vector<1x16xf32>
        tpu.vector_store %arg10[%swap3A_197, %swap3A_198], %swap3A_201 {strides = array<i32>} : memref<128x128xf32, #tpu.memory_space<vmem>>, vector<1x16xf32>,
        %mul3A_202 = arith.constant 2 : i32
        %mul3A_203 = arith.muli %mul3A_202, %scan3A_103 : i32
        %add3A_204 = arith.constant 1 : i32
        %add3A_205 = arith.addi %mul3A_203, %add3A_204 : i32
        %get3A_206 = arith.index_cast %add3A_205 : i32 to index
        %get3A_207 = arith.constant 0 : index
        %get3A_208 = tpu.vector_load %arg11[%get3A_206, %get3A_207] {strides = array<i32>} : memref<128x16xf32, #tpu.memory_space<vmem>>, vector<1x16xf32>,
        %get3A_209 = vector.shape_cast %get3A_208 : vector<1x16xf32> to vector<16xf32>
        %broadcast_in_dim3A_210 = vector.shape_cast %add3A_6 : vector<16xi32> to vector<16x1xi32>
        %gather3A_211 = vector.shape_cast %broadcast_in_dim3A_210 : vector<16x1xi32> to vector<16xi32>
        %gather3A_212 = tpu.dynamic_gather %get3A_209[%gather3A_211] in [0] : vector<16xf32>, vector<16xi32> -> vector<16xf32>
        %get3A_213 = arith.index_cast %add3A_205 : i32 to index
        %get3A_214 = arith.constant 0 : index
        %get3A_215 = tpu.vector_load %arg10[%get3A_213, %get3A_214] {strides = array<i32>} : memref<128x128xf32, #tpu.memory_space<vmem>>, vector<1x16xf32>,
        %get3A_216 = vector.shape_cast %get3A_215 : vector<1x16xf32> to vector<16xf32>
        %mul3A_217 = arith.mulf %get3A_216, %gather3A_212 : vector<16xf32>
        %swap3A_218 = arith.index_cast %add3A_205 : i32 to index
        %swap3A_219 = arith.constant 0 : index
        %swap3A_220 = tpu.vector_load %arg10[%swap3A_218, %swap3A_219] {strides = array<i32>} : memref<128x128xf32, #tpu.memory_space<vmem>>, vector<1x16xf32>,
        %swap3A_221 = vector.shape_cast %swap3A_220 : vector<1x16xf32> to vector<16xf32>
        %swap3A_222 = vector.shape_cast %mul3A_217 : vector<16xf32> to vector<1x16xf32>
        tpu.vector_store %arg10[%swap3A_218, %swap3A_219], %swap3A_222 {strides = array<i32>} : memref<128x128xf32, #tpu.memory_space<vmem>>, vector<1x16xf32>,
        %get3A_223 = arith.index_cast %add3A_205 : i32 to index
        %get3A_224 = arith.constant 16 : index
        %get3A_225 = tpu.vector_load %arg10[%get3A_223, %get3A_224] {strides = array<i32>} : memref<128x128xf32, #tpu.memory_space<vmem>>, vector<1x16xf32>,
        %get3A_226 = vector.shape_cast %get3A_225 : vector<1x16xf32> to vector<16xf32>
        %mul3A_227 = arith.mulf %get3A_226, %gather3A_212 : vector<16xf32>
        %swap3A_228 = arith.index_cast %add3A_205 : i32 to index
        %swap3A_229 = arith.constant 16 : index
        %swap3A_230 = tpu.vector_load %arg10[%swap3A_228, %swap3A_229] {strides = array<i32>} : memref<128x128xf32, #tpu.memory_space<vmem>>, vector<1x16xf32>,
        %swap3A_231 = vector.shape_cast %swap3A_230 : vector<1x16xf32> to vector<16xf32>
        %swap3A_232 = vector.shape_cast %mul3A_227 : vector<16xf32> to vector<1x16xf32>
        tpu.vector_store %arg10[%swap3A_228, %swap3A_229], %swap3A_232 {strides = array<i32>} : memref<128x128xf32, #tpu.memory_space<vmem>>, vector<1x16xf32>,
        %broadcast_in_dim3A_233 = vector.shape_cast %add3A_14 : vector<16xi32> to vector<16x1xi32>
        %gather3A_234 = vector.shape_cast %broadcast_in_dim3A_233 : vector<16x1xi32> to vector<16xi32>
        %gather3A_235 = tpu.dynamic_gather %get3A_209[%gather3A_234] in [0] : vector<16xf32>, vector<16xi32> -> vector<16xf32>
        %get3A_236 = arith.index_cast %add3A_205 : i32 to index
        %get3A_237 = arith.constant 32 : index
        %get3A_238 = tpu.vector_load %arg10[%get3A_236, %get3A_237] {strides = array<i32>} : memref<128x128xf32, #tpu.memory_space<vmem>>, vector<1x16xf32>,
        %get3A_239 = vector.shape_cast %get3A_238 : vector<1x16xf32> to vector<16xf32>
        %mul3A_240 = arith.mulf %get3A_239, %gather3A_235 : vector<16xf32>
        %swap3A_241 = arith.index_cast %add3A_205 : i32 to index
        %swap3A_242 = arith.constant 32 : index
        %swap3A_243 = tpu.vector_load %arg10[%swap3A_241, %swap3A_242] {strides = array<i32>} : memref<128x128xf32, #tpu.memory_space<vmem>>, vector<1x16xf32>,
        %swap3A_244 = vector.shape_cast %swap3A_243 : vector<1x16xf32> to vector<16xf32>
        %swap3A_245 = vector.shape_cast %mul3A_240 : vector<16xf32> to vector<1x16xf32>
        tpu.vector_store %arg10[%swap3A_241, %swap3A_242], %swap3A_245 {strides = array<i32>} : memref<128x128xf32, #tpu.memory_space<vmem>>, vector<1x16xf32>,
        %get3A_246 = arith.index_cast %add3A_205 : i32 to index
        %get3A_247 = arith.constant 48 : index
        %get3A_248 = tpu.vector_load %arg10[%get3A_246, %get3A_247] {strides = array<i32>} : memref<128x128xf32, #tpu.memory_space<vmem>>, vector<1x16xf32>,
        %get3A_249 = vector.shape_cast %get3A_248 : vector<1x16xf32> to vector<16xf32>
        %mul3A_250 = arith.mulf %get3A_249, %gather3A_235 : vector<16xf32>
        %swap3A_251 = arith.index_cast %add3A_205 : i32 to index
        %swap3A_252 = arith.constant 48 : index
        %swap3A_253 = tpu.vector_load %arg10[%swap3A_251, %swap3A_252] {strides = array<i32>} : memref<128x128xf32, #tpu.memory_space<vmem>>, vector<1x16xf32>,
        %swap3A_254 = vector.shape_cast %swap3A_253 : vector<1x16xf32> to vector<16xf32>
        %swap3A_255 = vector.shape_cast %mul3A_250 : vector<16xf32> to vector<1x16xf32>
        tpu.vector_store %arg10[%swap3A_251, %swap3A_252], %swap3A_255 {strides = array<i32>} : memref<128x128xf32, #tpu.memory_space<vmem>>, vector<1x16xf32>,
        %broadcast_in_dim3A_256 = vector.shape_cast %add3A_22 : vector<16xi32> to vector<16x1xi32>
        %gather3A_257 = vector.shape_cast %broadcast_in_dim3A_256 : vector<16x1xi32> to vector<16xi32>
        %gather3A_258 = tpu.dynamic_gather %get3A_209[%gather3A_257] in [0] : vector<16xf32>, vector<16xi32> -> vector<16xf32>
        %get3A_259 = arith.index_cast %add3A_205 : i32 to index
        %get3A_260 = arith.constant 64 : index
        %get3A_261 = tpu.vector_load %arg10[%get3A_259, %get3A_260] {strides = array<i32>} : memref<128x128xf32, #tpu.memory_space<vmem>>, vector<1x16xf32>,
        %get3A_262 = vector.shape_cast %get3A_261 : vector<1x16xf32> to vector<16xf32>
        %mul3A_263 = arith.mulf %get3A_262, %gather3A_258 : vector<16xf32>
        %swap3A_264 = arith.index_cast %add3A_205 : i32 to index
        %swap3A_265 = arith.constant 64 : index
        %swap3A_266 = tpu.vector_load %arg10[%swap3A_264, %swap3A_265] {strides = array<i32>} : memref<128x128xf32, #tpu.memory_space<vmem>>, vector<1x16xf32>,
        %swap3A_267 = vector.shape_cast %swap3A_266 : vector<1x16xf32> to vector<16xf32>
        %swap3A_268 = vector.shape_cast %mul3A_263 : vector<16xf32> to vector<1x16xf32>
        tpu.vector_store %arg10[%swap3A_264, %swap3A_265], %swap3A_268 {strides = array<i32>} : memref<128x128xf32, #tpu.memory_space<vmem>>, vector<1x16xf32>,
        %get3A_269 = arith.index_cast %add3A_205 : i32 to index
        %get3A_270 = arith.constant 80 : index
        %get3A_271 = tpu.vector_load %arg10[%get3A_269, %get3A_270] {strides = array<i32>} : memref<128x128xf32, #tpu.memory_space<vmem>>, vector<1x16xf32>,
        %get3A_272 = vector.shape_cast %get3A_271 : vector<1x16xf32> to vector<16xf32>
        %mul3A_273 = arith.mulf %get3A_272, %gather3A_258 : vector<16xf32>
        %swap3A_274 = arith.index_cast %add3A_205 : i32 to index
        %swap3A_275 = arith.constant 80 : index
        %swap3A_276 = tpu.vector_load %arg10[%swap3A_274, %swap3A_275] {strides = array<i32>} : memref<128x128xf32, #tpu.memory_space<vmem>>, vector<1x16xf32>,
        %swap3A_277 = vector.shape_cast %swap3A_276 : vector<1x16xf32> to vector<16xf32>
        %swap3A_278 = vector.shape_cast %mul3A_273 : vector<16xf32> to vector<1x16xf32>
        tpu.vector_store %arg10[%swap3A_274, %swap3A_275], %swap3A_278 {strides = array<i32>} : memref<128x128xf32, #tpu.memory_space<vmem>>, vector<1x16xf32>,
        %broadcast_in_dim3A_279 = vector.shape_cast %add3A_30 : vector<16xi32> to vector<16x1xi32>
        %gather3A_280 = vector.shape_cast %broadcast_in_dim3A_279 : vector<16x1xi32> to vector<16xi32>
        %gather3A_281 = tpu.dynamic_gather %get3A_209[%gather3A_280] in [0] : vector<16xf32>, vector<16xi32> -> vector<16xf32>
        %get3A_282 = arith.index_cast %add3A_205 : i32 to index
        %get3A_283 = arith.constant 96 : index
        %get3A_284 = tpu.vector_load %arg10[%get3A_282, %get3A_283] {strides = array<i32>} : memref<128x128xf32, #tpu.memory_space<vmem>>, vector<1x16xf32>,
        %get3A_285 = vector.shape_cast %get3A_284 : vector<1x16xf32> to vector<16xf32>
        %mul3A_286 = arith.mulf %get3A_285, %gather3A_281 : vector<16xf32>
        %swap3A_287 = arith.index_cast %add3A_205 : i32 to index
        %swap3A_288 = arith.constant 96 : index
        %swap3A_289 = tpu.vector_load %arg10[%swap3A_287, %swap3A_288] {strides = array<i32>} : memref<128x128xf32, #tpu.memory_space<vmem>>, vector<1x16xf32>,
        %swap3A_290 = vector.shape_cast %swap3A_289 : vector<1x16xf32> to vector<16xf32>
        %swap3A_291 = vector.shape_cast %mul3A_286 : vector<16xf32> to vector<1x16xf32>
        tpu.vector_store %arg10[%swap3A_287, %swap3A_288], %swap3A_291 {strides = array<i32>} : memref<128x128xf32, #tpu.memory_space<vmem>>, vector<1x16xf32>,
        %get3A_292 = arith.index_cast %add3A_205 : i32 to index
        %get3A_293 = arith.constant 112 : index
        %get3A_294 = tpu.vector_load %arg10[%get3A_292, %get3A_293] {strides = array<i32>} : memref<128x128xf32, #tpu.memory_space<vmem>>, vector<1x16xf32>,
        %get3A_295 = vector.shape_cast %get3A_294 : vector<1x16xf32> to vector<16xf32>
        %mul3A_296 = arith.mulf %get3A_295, %gather3A_281 : vector<16xf32>
        %swap3A_297 = arith.index_cast %add3A_205 : i32 to index
        %swap3A_298 = arith.constant 112 : index
        %swap3A_299 = tpu.vector_load %arg10[%swap3A_297, %swap3A_298] {strides = array<i32>} : memref<128x128xf32, #tpu.memory_space<vmem>>, vector<1x16xf32>,
        %swap3A_300 = vector.shape_cast %swap3A_299 : vector<1x16xf32> to vector<16xf32>
        %swap3A_301 = vector.shape_cast %mul3A_296 : vector<16xf32> to vector<1x16xf32>
        tpu.vector_store %arg10[%swap3A_297, %swap3A_298], %swap3A_301 {strides = array<i32>} : memref<128x128xf32, #tpu.memory_space<vmem>>, vector<1x16xf32>,
        %scan3A_302 = arith.constant 0 : i32
        scf.yield %scan3A_302 : i32
      }
      %scan3A_100 = arith.constant 64 : i32
      %run_scoped3A_101 = arith.constant 0 : i32
      "tpu.region"() ({
        %run_scoped3A_103 = tpu.sem_alloc : memref<!tpu.dma_semaphore, #tpu.memory_space<semaphore_mem>>
        %dma_start3A_104 = arith.constant 0 : i32
        %dma_start3A_105 = tpu.memref_slice %arg7[%run_scoped3A_101, %dma_start3A_104] : memref<1x128xi32, #tpu.memory_space<vmem>> -> memref<1x128xi32, #tpu.memory_space<vmem>>
        %dma_start3A_106 = tpu.memref_squeeze %dma_start3A_105 : memref<1x128xi32, #tpu.memory_space<vmem>> -> memref<128xi32, #tpu.memory_space<vmem>>
        %dma_start3A_107 = arith.constant 0 : i32
        %dma_start3A_108 = arith.constant 0 : i32
        %dma_start3A_109 = tpu.memref_slice %arg12[%dma_start3A_107, %dma_start3A_108] : memref<10000x128xf32, #tpu.memory_space<vmem_shared>> -> memref<10000x128xf32, #tpu.memory_space<vmem_shared>>
        tpu.enqueue_indirect_dma source(%arg10 : memref<128x128xf32, #tpu.memory_space<vmem>>) target(%dma_start3A_109 : memref<10000x128xf32, #tpu.memory_space<vmem_shared>>) offsets(%dma_start3A_106 : memref<128xi32, #tpu.memory_space<vmem>>) semaphore(%run_scoped3A_103 : memref<!tpu.dma_semaphore, #tpu.memory_space<semaphore_mem>>) {add = true}
        %dma_wait3A_110 = arith.constant 0 : i32
        %dma_wait3A_111 = tpu.memref_slice %arg7[%run_scoped3A_101, %dma_wait3A_110] : memref<1x128xi32, #tpu.memory_space<vmem>> -> memref<1x128xi32, #tpu.memory_space<vmem>>
        %dma_wait3A_112 = tpu.memref_squeeze %dma_wait3A_111 : memref<1x128xi32, #tpu.memory_space<vmem>> -> memref<128xi32, #tpu.memory_space<vmem>>
        %dma_wait3A_113 = arith.constant 0 : i32
        %dma_wait3A_114 = arith.constant 0 : i32
        %dma_wait3A_115 = tpu.memref_slice %arg12[%dma_wait3A_113, %dma_wait3A_114] : memref<10000x128xf32, #tpu.memory_space<vmem_shared>> -> memref<10000x128xf32, #tpu.memory_space<vmem_shared>>
        tpu.wait_indirect_dma semaphore(%run_scoped3A_103 : memref<!tpu.dma_semaphore, #tpu.memory_space<semaphore_mem>>) src(%arg10 : memref<128x128xf32, #tpu.memory_space<vmem>>) dst(%dma_wait3A_115 : memref<10000x128xf32, #tpu.memory_space<vmem_shared>>)
        tpu.yield
      }) : () -> ()
      %while3A_102 = arith.constant 0 : i32
      scf.yield %while3A_102 : i32
    }
    %while3A_65 = arith.constant 1 : i32
    %while3A_66 = scf.for %while3A_78 = %while3A_62 to %while3A_58 step %while3A_65 iter_args(%while3A_79 = %while3A_64) -> (i32)  : i32 {
      %add3A_80 = arith.addi %add3A_53, %while3A_78 : i32
      %mul3A_81 = arith.constant 128 : i32
      %mul3A_82 = arith.muli %add3A_80, %mul3A_81 : i32
      %run_scoped3A = arith.constant 0 : i32
      "tpu.region"() ({
        %run_scoped3A_103 = tpu.sem_alloc : memref<!tpu.dma_semaphore, #tpu.memory_space<semaphore_mem>>
        %dma_start3A_104 = arith.constant 0 : i32
        %dma_start3A_105 = tpu.memref_slice %arg7[%run_scoped3A, %dma_start3A_104] : memref<1x128xi32, #tpu.memory_space<vmem>> -> memref<1x128xi32, #tpu.memory_space<vmem>>
        %dma_start3A_106 = tpu.memref_squeeze %dma_start3A_105 : memref<1x128xi32, #tpu.memory_space<vmem>> -> memref<128xi32, #tpu.memory_space<vmem>>
        %dma_start3A_107 = tpu.memref_slice %arg4[%mul3A_82] : memref<160000xi32, #tpu.memory_space<hbm>> -> memref<128xi32, #tpu.memory_space<hbm>>
        %dma_start3A_108 = arith.constant 0 : i32
        %dma_start3A_109 = tpu.memref_slice %arg7[%run_scoped3A, %dma_start3A_108] : memref<1x128xi32, #tpu.memory_space<vmem>> -> memref<1x128xi32, #tpu.memory_space<vmem>>
        %dma_start3A_110 = tpu.memref_squeeze %dma_start3A_109 : memref<1x128xi32, #tpu.memory_space<vmem>> -> memref<128xi32, #tpu.memory_space<vmem>>
        %dma_start3A_111 = tpu.memref_slice %arg4[%mul3A_82] : memref<160000xi32, #tpu.memory_space<hbm>> -> memref<128xi32, #tpu.memory_space<hbm>>
        tpu.enqueue_dma source(%dma_start3A_111 : memref<128xi32, #tpu.memory_space<hbm>>) target(%dma_start3A_110 : memref<128xi32, #tpu.memory_space<vmem>>) target_semaphore(%run_scoped3A_103 : memref<!tpu.dma_semaphore, #tpu.memory_space<semaphore_mem>>)
        %dma_wait3A_112 = arith.constant 0 : i32
        %dma_wait3A_113 = tpu.memref_slice %arg7[%run_scoped3A, %dma_wait3A_112] : memref<1x128xi32, #tpu.memory_space<vmem>> -> memref<1x128xi32, #tpu.memory_space<vmem>>
        %dma_wait3A_114 = tpu.memref_squeeze %dma_wait3A_113 : memref<1x128xi32, #tpu.memory_space<vmem>> -> memref<128xi32, #tpu.memory_space<vmem>>
        %dma_wait3A_115 = tpu.memref_slice %arg4[%mul3A_82] : memref<160000xi32, #tpu.memory_space<hbm>> -> memref<128xi32, #tpu.memory_space<hbm>>
        %dma_wait3A_116 = arith.constant 0 : i32
        %dma_wait3A_117 = tpu.memref_slice %arg7[%run_scoped3A, %dma_wait3A_116] : memref<1x128xi32, #tpu.memory_space<vmem>> -> memref<1x128xi32, #tpu.memory_space<vmem>>
        %dma_wait3A_118 = tpu.memref_squeeze %dma_wait3A_117 : memref<1x128xi32, #tpu.memory_space<vmem>> -> memref<128xi32, #tpu.memory_space<vmem>>
        %dma_wait3A_119 = tpu.memref_slice %arg4[%mul3A_82] : memref<160000xi32, #tpu.memory_space<hbm>> -> memref<128xi32, #tpu.memory_space<hbm>>
        tpu.wait_dma2 semaphore(%run_scoped3A_103 : memref<!tpu.dma_semaphore, #tpu.memory_space<semaphore_mem>>) src(%dma_wait3A_119 : memref<128xi32, #tpu.memory_space<hbm>>) dst(%dma_wait3A_118 : memref<128xi32, #tpu.memory_space<vmem>>)
        tpu.yield
      }) : () -> ()
      "tpu.region"() ({
        %run_scoped3A_103 = tpu.sem_alloc : memref<!tpu.dma_semaphore, #tpu.memory_space<semaphore_mem>>
        %dma_start3A_104 = tpu.memref_slice %arg5[%mul3A_82] : memref<160000xi32, #tpu.memory_space<hbm>> -> memref<128xi32, #tpu.memory_space<hbm>>
        %dma_start3A_105 = tpu.memref_slice %arg5[%mul3A_82] : memref<160000xi32, #tpu.memory_space<hbm>> -> memref<128xi32, #tpu.memory_space<hbm>>
        tpu.enqueue_dma source(%dma_start3A_105 : memref<128xi32, #tpu.memory_space<hbm>>) target(%arg8 : memref<128xi32, #tpu.memory_space<vmem>>) target_semaphore(%run_scoped3A_103 : memref<!tpu.dma_semaphore, #tpu.memory_space<semaphore_mem>>)
        %dma_wait3A_106 = tpu.memref_slice %arg5[%mul3A_82] : memref<160000xi32, #tpu.memory_space<hbm>> -> memref<128xi32, #tpu.memory_space<hbm>>
        %dma_wait3A_107 = tpu.memref_slice %arg5[%mul3A_82] : memref<160000xi32, #tpu.memory_space<hbm>> -> memref<128xi32, #tpu.memory_space<hbm>>
        tpu.wait_dma2 semaphore(%run_scoped3A_103 : memref<!tpu.dma_semaphore, #tpu.memory_space<semaphore_mem>>) src(%dma_wait3A_107 : memref<128xi32, #tpu.memory_space<hbm>>) dst(%arg8 : memref<128xi32, #tpu.memory_space<vmem>>)
        tpu.yield
      }) : () -> ()
      %scan3A_83 = arith.constant 0 : i32
      %scan3A_84 = arith.constant 0 : i32
      %scan3A_85 = arith.constant 8 : i32
      %scan3A_86 = arith.addi %scan3A_84, %scan3A_85 : i32
      %scan3A_87 = arith.constant 1 : i32
      %scan3A_88 = scf.for %scan3A_103 = %scan3A_84 to %scan3A_86 step %scan3A_87 iter_args(%scan3A_104 = %scan3A_83) -> (i32)  : i32 {
        %mul3A_105 = arith.constant 16 : i32
        %mul3A_106 = arith.muli %mul3A_105, %scan3A_103 : i32
        %get3A = arith.index_cast %mul3A_106 : i32 to index
        %get3A_107 = tpu.vector_load %arg8[%get3A] {strides = array<i32>} : memref<128xi32, #tpu.memory_space<vmem>>, vector<16xi32>,
        %get3A_108 = vector.shape_cast %get3A_107 : vector<16xi32> to vector<16xi32>
        %add3A_109 = vector.broadcast %mul3A_55 : i32 to vector<16xi32>
        %add3A_110 = arith.addi %get3A_108, %add3A_109 : vector<16xi32>
        %mul3A_111 = arith.constant 16 : i32
        %mul3A_112 = arith.muli %mul3A_111, %scan3A_103 : i32
        %swap3A = arith.index_cast %mul3A_112 : i32 to index
        %swap3A_113 = tpu.vector_load %arg9[%swap3A] {strides = array<i32>} : memref<128xi32, #tpu.memory_space<vmem>>, vector<16xi32>,
        %swap3A_114 = vector.shape_cast %swap3A_113 : vector<16xi32> to vector<16xi32>
        %swap3A_115 = vector.shape_cast %add3A_110 : vector<16xi32> to vector<16xi32>
        tpu.vector_store %arg9[%swap3A], %swap3A_115 {strides = array<i32>} : memref<128xi32, #tpu.memory_space<vmem>>, vector<16xi32>,
        %scan3A_116 = arith.constant 0 : i32
        scf.yield %scan3A_116 : i32
      }
      %scan3A_89 = arith.constant 8 : i32
      %dma_start3A = arith.constant 0 : i32
      %dma_start3A_90 = arith.constant 0 : i32
      %dma_start3A_91 = tpu.memref_slice %arg2[%dma_start3A, %dma_start3A_90] : memref<20000x128xf32, #tpu.memory_space<hbm>> -> memref<20000x128xf32, #tpu.memory_space<hbm>>
      tpu.enqueue_indirect_dma source(%dma_start3A_91 : memref<20000x128xf32, #tpu.memory_space<hbm>>) target(%arg10 : memref<128x128xf32, #tpu.memory_space<vmem>>) offsets(%arg9 : memref<128xi32, #tpu.memory_space<vmem>>) semaphore(%arg13 : memref<!tpu.dma_semaphore, #tpu.memory_space<semaphore_mem>>)
      %dma_wait3A = arith.constant 0 : i32
      %dma_wait3A_92 = arith.constant 0 : i32
      %dma_wait3A_93 = tpu.memref_slice %arg2[%dma_wait3A, %dma_wait3A_92] : memref<20000x128xf32, #tpu.memory_space<hbm>> -> memref<20000x128xf32, #tpu.memory_space<hbm>>
      tpu.wait_indirect_dma semaphore(%arg13 : memref<!tpu.dma_semaphore, #tpu.memory_space<semaphore_mem>>) src(%dma_wait3A_93 : memref<20000x128xf32, #tpu.memory_space<hbm>>) dst(%arg10 : memref<128x128xf32, #tpu.memory_space<vmem>>)
      "tpu.region"() ({
        %run_scoped3A_103 = tpu.sem_alloc : memref<!tpu.dma_semaphore, #tpu.memory_space<semaphore_mem>>
        %dma_start3A_104 = arith.constant 0 : i32
        %dma_start3A_105 = tpu.memref_slice %arg3[%mul3A_82, %dma_start3A_104] : memref<160000x16xf32, #tpu.memory_space<hbm>> -> memref<128x16xf32, #tpu.memory_space<hbm>>
        %dma_start3A_106 = arith.constant 0 : i32
        %dma_start3A_107 = tpu.memref_slice %arg3[%mul3A_82, %dma_start3A_106] : memref<160000x16xf32, #tpu.memory_space<hbm>> -> memref<128x16xf32, #tpu.memory_space<hbm>>
        tpu.enqueue_dma source(%dma_start3A_107 : memref<128x16xf32, #tpu.memory_space<hbm>>) target(%arg11 : memref<128x16xf32, #tpu.memory_space<vmem>>) target_semaphore(%run_scoped3A_103 : memref<!tpu.dma_semaphore, #tpu.memory_space<semaphore_mem>>)
        %dma_wait3A_108 = arith.constant 0 : i32
        %dma_wait3A_109 = tpu.memref_slice %arg3[%mul3A_82, %dma_wait3A_108] : memref<160000x16xf32, #tpu.memory_space<hbm>> -> memref<128x16xf32, #tpu.memory_space<hbm>>
        %dma_wait3A_110 = arith.constant 0 : i32
        %dma_wait3A_111 = tpu.memref_slice %arg3[%mul3A_82, %dma_wait3A_110] : memref<160000x16xf32, #tpu.memory_space<hbm>> -> memref<128x16xf32, #tpu.memory_space<hbm>>
        tpu.wait_dma2 semaphore(%run_scoped3A_103 : memref<!tpu.dma_semaphore, #tpu.memory_space<semaphore_mem>>) src(%dma_wait3A_111 : memref<128x16xf32, #tpu.memory_space<hbm>>) dst(%arg11 : memref<128x16xf32, #tpu.memory_space<vmem>>)
        tpu.yield
      }) : () -> ()
      %scan3A_94 = arith.constant 0 : i32
      %scan3A_95 = arith.constant 0 : i32
      %scan3A_96 = arith.constant 64 : i32
      %scan3A_97 = arith.addi %scan3A_95, %scan3A_96 : i32
      %scan3A_98 = arith.constant 1 : i32
      %scan3A_99 = scf.for %scan3A_103 = %scan3A_95 to %scan3A_97 step %scan3A_98 iter_args(%scan3A_104 = %scan3A_94) -> (i32)  : i32 {
        %mul3A_105 = arith.constant 2 : i32
        %mul3A_106 = arith.muli %mul3A_105, %scan3A_103 : i32
        %add3A_107 = arith.constant 0 : i32
        %add3A_108 = arith.addi %mul3A_106, %add3A_107 : i32
        %get3A = arith.index_cast %add3A_108 : i32 to index
        %get3A_109 = arith.constant 0 : index
        %get3A_110 = tpu.vector_load %arg11[%get3A, %get3A_109] {strides = array<i32>} : memref<128x16xf32, #tpu.memory_space<vmem>>, vector<1x16xf32>,
        %get3A_111 = vector.shape_cast %get3A_110 : vector<1x16xf32> to vector<16xf32>
        %broadcast_in_dim3A_112 = vector.shape_cast %add3A_6 : vector<16xi32> to vector<16x1xi32>
        %gather3A = vector.shape_cast %broadcast_in_dim3A_112 : vector<16x1xi32> to vector<16xi32>
        %gather3A_113 = tpu.dynamic_gather %get3A_111[%gather3A] in [0] : vector<16xf32>, vector<16xi32> -> vector<16xf32>
        %get3A_114 = arith.index_cast %add3A_108 : i32 to index
        %get3A_115 = arith.constant 0 : index
        %get3A_116 = tpu.vector_load %arg10[%get3A_114, %get3A_115] {strides = array<i32>} : memref<128x128xf32, #tpu.memory_space<vmem>>, vector<1x16xf32>,
        %get3A_117 = vector.shape_cast %get3A_116 : vector<1x16xf32> to vector<16xf32>
        %mul3A_118 = arith.mulf %get3A_117, %gather3A_113 : vector<16xf32>
        %swap3A = arith.index_cast %add3A_108 : i32 to index
        %swap3A_119 = arith.constant 0 : index
        %swap3A_120 = tpu.vector_load %arg10[%swap3A, %swap3A_119] {strides = array<i32>} : memref<128x128xf32, #tpu.memory_space<vmem>>, vector<1x16xf32>,
        %swap3A_121 = vector.shape_cast %swap3A_120 : vector<1x16xf32> to vector<16xf32>
        %swap3A_122 = vector.shape_cast %mul3A_118 : vector<16xf32> to vector<1x16xf32>
        tpu.vector_store %arg10[%swap3A, %swap3A_119], %swap3A_122 {strides = array<i32>} : memref<128x128xf32, #tpu.memory_space<vmem>>, vector<1x16xf32>,
        %get3A_123 = arith.index_cast %add3A_108 : i32 to index
        %get3A_124 = arith.constant 16 : index
        %get3A_125 = tpu.vector_load %arg10[%get3A_123, %get3A_124] {strides = array<i32>} : memref<128x128xf32, #tpu.memory_space<vmem>>, vector<1x16xf32>,
        %get3A_126 = vector.shape_cast %get3A_125 : vector<1x16xf32> to vector<16xf32>
        %mul3A_127 = arith.mulf %get3A_126, %gather3A_113 : vector<16xf32>
        %swap3A_128 = arith.index_cast %add3A_108 : i32 to index
        %swap3A_129 = arith.constant 16 : index
        %swap3A_130 = tpu.vector_load %arg10[%swap3A_128, %swap3A_129] {strides = array<i32>} : memref<128x128xf32, #tpu.memory_space<vmem>>, vector<1x16xf32>,
        %swap3A_131 = vector.shape_cast %swap3A_130 : vector<1x16xf32> to vector<16xf32>
        %swap3A_132 = vector.shape_cast %mul3A_127 : vector<16xf32> to vector<1x16xf32>
        tpu.vector_store %arg10[%swap3A_128, %swap3A_129], %swap3A_132 {strides = array<i32>} : memref<128x128xf32, #tpu.memory_space<vmem>>, vector<1x16xf32>,
        %broadcast_in_dim3A_133 = vector.shape_cast %add3A_14 : vector<16xi32> to vector<16x1xi32>
        %gather3A_134 = vector.shape_cast %broadcast_in_dim3A_133 : vector<16x1xi32> to vector<16xi32>
        %gather3A_135 = tpu.dynamic_gather %get3A_111[%gather3A_134] in [0] : vector<16xf32>, vector<16xi32> -> vector<16xf32>
        %get3A_136 = arith.index_cast %add3A_108 : i32 to index
        %get3A_137 = arith.constant 32 : index
        %get3A_138 = tpu.vector_load %arg10[%get3A_136, %get3A_137] {strides = array<i32>} : memref<128x128xf32, #tpu.memory_space<vmem>>, vector<1x16xf32>,
        %get3A_139 = vector.shape_cast %get3A_138 : vector<1x16xf32> to vector<16xf32>
        %mul3A_140 = arith.mulf %get3A_139, %gather3A_135 : vector<16xf32>
        %swap3A_141 = arith.index_cast %add3A_108 : i32 to index
        %swap3A_142 = arith.constant 32 : index
        %swap3A_143 = tpu.vector_load %arg10[%swap3A_141, %swap3A_142] {strides = array<i32>} : memref<128x128xf32, #tpu.memory_space<vmem>>, vector<1x16xf32>,
        %swap3A_144 = vector.shape_cast %swap3A_143 : vector<1x16xf32> to vector<16xf32>
        %swap3A_145 = vector.shape_cast %mul3A_140 : vector<16xf32> to vector<1x16xf32>
        tpu.vector_store %arg10[%swap3A_141, %swap3A_142], %swap3A_145 {strides = array<i32>} : memref<128x128xf32, #tpu.memory_space<vmem>>, vector<1x16xf32>,
        %get3A_146 = arith.index_cast %add3A_108 : i32 to index
        %get3A_147 = arith.constant 48 : index
        %get3A_148 = tpu.vector_load %arg10[%get3A_146, %get3A_147] {strides = array<i32>} : memref<128x128xf32, #tpu.memory_space<vmem>>, vector<1x16xf32>,
        %get3A_149 = vector.shape_cast %get3A_148 : vector<1x16xf32> to vector<16xf32>
        %mul3A_150 = arith.mulf %get3A_149, %gather3A_135 : vector<16xf32>
        %swap3A_151 = arith.index_cast %add3A_108 : i32 to index
        %swap3A_152 = arith.constant 48 : index
        %swap3A_153 = tpu.vector_load %arg10[%swap3A_151, %swap3A_152] {strides = array<i32>} : memref<128x128xf32, #tpu.memory_space<vmem>>, vector<1x16xf32>,
        %swap3A_154 = vector.shape_cast %swap3A_153 : vector<1x16xf32> to vector<16xf32>
        %swap3A_155 = vector.shape_cast %mul3A_150 : vector<16xf32> to vector<1x16xf32>
        tpu.vector_store %arg10[%swap3A_151, %swap3A_152], %swap3A_155 {strides = array<i32>} : memref<128x128xf32, #tpu.memory_space<vmem>>, vector<1x16xf32>,
        %broadcast_in_dim3A_156 = vector.shape_cast %add3A_22 : vector<16xi32> to vector<16x1xi32>
        %gather3A_157 = vector.shape_cast %broadcast_in_dim3A_156 : vector<16x1xi32> to vector<16xi32>
        %gather3A_158 = tpu.dynamic_gather %get3A_111[%gather3A_157] in [0] : vector<16xf32>, vector<16xi32> -> vector<16xf32>
        %get3A_159 = arith.index_cast %add3A_108 : i32 to index
        %get3A_160 = arith.constant 64 : index
        %get3A_161 = tpu.vector_load %arg10[%get3A_159, %get3A_160] {strides = array<i32>} : memref<128x128xf32, #tpu.memory_space<vmem>>, vector<1x16xf32>,
        %get3A_162 = vector.shape_cast %get3A_161 : vector<1x16xf32> to vector<16xf32>
        %mul3A_163 = arith.mulf %get3A_162, %gather3A_158 : vector<16xf32>
        %swap3A_164 = arith.index_cast %add3A_108 : i32 to index
        %swap3A_165 = arith.constant 64 : index
        %swap3A_166 = tpu.vector_load %arg10[%swap3A_164, %swap3A_165] {strides = array<i32>} : memref<128x128xf32, #tpu.memory_space<vmem>>, vector<1x16xf32>,
        %swap3A_167 = vector.shape_cast %swap3A_166 : vector<1x16xf32> to vector<16xf32>
        %swap3A_168 = vector.shape_cast %mul3A_163 : vector<16xf32> to vector<1x16xf32>
        tpu.vector_store %arg10[%swap3A_164, %swap3A_165], %swap3A_168 {strides = array<i32>} : memref<128x128xf32, #tpu.memory_space<vmem>>, vector<1x16xf32>,
        %get3A_169 = arith.index_cast %add3A_108 : i32 to index
        %get3A_170 = arith.constant 80 : index
        %get3A_171 = tpu.vector_load %arg10[%get3A_169, %get3A_170] {strides = array<i32>} : memref<128x128xf32, #tpu.memory_space<vmem>>, vector<1x16xf32>,
        %get3A_172 = vector.shape_cast %get3A_171 : vector<1x16xf32> to vector<16xf32>
        %mul3A_173 = arith.mulf %get3A_172, %gather3A_158 : vector<16xf32>
        %swap3A_174 = arith.index_cast %add3A_108 : i32 to index
        %swap3A_175 = arith.constant 80 : index
        %swap3A_176 = tpu.vector_load %arg10[%swap3A_174, %swap3A_175] {strides = array<i32>} : memref<128x128xf32, #tpu.memory_space<vmem>>, vector<1x16xf32>,
        %swap3A_177 = vector.shape_cast %swap3A_176 : vector<1x16xf32> to vector<16xf32>
        %swap3A_178 = vector.shape_cast %mul3A_173 : vector<16xf32> to vector<1x16xf32>
        tpu.vector_store %arg10[%swap3A_174, %swap3A_175], %swap3A_178 {strides = array<i32>} : memref<128x128xf32, #tpu.memory_space<vmem>>, vector<1x16xf32>,
        %broadcast_in_dim3A_179 = vector.shape_cast %add3A_30 : vector<16xi32> to vector<16x1xi32>
        %gather3A_180 = vector.shape_cast %broadcast_in_dim3A_179 : vector<16x1xi32> to vector<16xi32>
        %gather3A_181 = tpu.dynamic_gather %get3A_111[%gather3A_180] in [0] : vector<16xf32>, vector<16xi32> -> vector<16xf32>
        %get3A_182 = arith.index_cast %add3A_108 : i32 to index
        %get3A_183 = arith.constant 96 : index
        %get3A_184 = tpu.vector_load %arg10[%get3A_182, %get3A_183] {strides = array<i32>} : memref<128x128xf32, #tpu.memory_space<vmem>>, vector<1x16xf32>,
        %get3A_185 = vector.shape_cast %get3A_184 : vector<1x16xf32> to vector<16xf32>
        %mul3A_186 = arith.mulf %get3A_185, %gather3A_181 : vector<16xf32>
        %swap3A_187 = arith.index_cast %add3A_108 : i32 to index
        %swap3A_188 = arith.constant 96 : index
        %swap3A_189 = tpu.vector_load %arg10[%swap3A_187, %swap3A_188] {strides = array<i32>} : memref<128x128xf32, #tpu.memory_space<vmem>>, vector<1x16xf32>,
        %swap3A_190 = vector.shape_cast %swap3A_189 : vector<1x16xf32> to vector<16xf32>
        %swap3A_191 = vector.shape_cast %mul3A_186 : vector<16xf32> to vector<1x16xf32>
        tpu.vector_store %arg10[%swap3A_187, %swap3A_188], %swap3A_191 {strides = array<i32>} : memref<128x128xf32, #tpu.memory_space<vmem>>, vector<1x16xf32>,
        %get3A_192 = arith.index_cast %add3A_108 : i32 to index
        %get3A_193 = arith.constant 112 : index
        %get3A_194 = tpu.vector_load %arg10[%get3A_192, %get3A_193] {strides = array<i32>} : memref<128x128xf32, #tpu.memory_space<vmem>>, vector<1x16xf32>,
        %get3A_195 = vector.shape_cast %get3A_194 : vector<1x16xf32> to vector<16xf32>
        %mul3A_196 = arith.mulf %get3A_195, %gather3A_181 : vector<16xf32>
        %swap3A_197 = arith.index_cast %add3A_108 : i32 to index
        %swap3A_198 = arith.constant 112 : index
        %swap3A_199 = tpu.vector_load %arg10[%swap3A_197, %swap3A_198] {strides = array<i32>} : memref<128x128xf32, #tpu.memory_space<vmem>>, vector<1x16xf32>,
        %swap3A_200 = vector.shape_cast %swap3A_199 : vector<1x16xf32> to vector<16xf32>
        %swap3A_201 = vector.shape_cast %mul3A_196 : vector<16xf32> to vector<1x16xf32>
        tpu.vector_store %arg10[%swap3A_197, %swap3A_198], %swap3A_201 {strides = array<i32>} : memref<128x128xf32, #tpu.memory_space<vmem>>, vector<1x16xf32>,
        %mul3A_202 = arith.constant 2 : i32
        %mul3A_203 = arith.muli %mul3A_202, %scan3A_103 : i32
        %add3A_204 = arith.constant 1 : i32
        %add3A_205 = arith.addi %mul3A_203, %add3A_204 : i32
        %get3A_206 = arith.index_cast %add3A_205 : i32 to index
        %get3A_207 = arith.constant 0 : index
        %get3A_208 = tpu.vector_load %arg11[%get3A_206, %get3A_207] {strides = array<i32>} : memref<128x16xf32, #tpu.memory_space<vmem>>, vector<1x16xf32>,
        %get3A_209 = vector.shape_cast %get3A_208 : vector<1x16xf32> to vector<16xf32>
        %broadcast_in_dim3A_210 = vector.shape_cast %add3A_6 : vector<16xi32> to vector<16x1xi32>
        %gather3A_211 = vector.shape_cast %broadcast_in_dim3A_210 : vector<16x1xi32> to vector<16xi32>
        %gather3A_212 = tpu.dynamic_gather %get3A_209[%gather3A_211] in [0] : vector<16xf32>, vector<16xi32> -> vector<16xf32>
        %get3A_213 = arith.index_cast %add3A_205 : i32 to index
        %get3A_214 = arith.constant 0 : index
        %get3A_215 = tpu.vector_load %arg10[%get3A_213, %get3A_214] {strides = array<i32>} : memref<128x128xf32, #tpu.memory_space<vmem>>, vector<1x16xf32>,
        %get3A_216 = vector.shape_cast %get3A_215 : vector<1x16xf32> to vector<16xf32>
        %mul3A_217 = arith.mulf %get3A_216, %gather3A_212 : vector<16xf32>
        %swap3A_218 = arith.index_cast %add3A_205 : i32 to index
        %swap3A_219 = arith.constant 0 : index
        %swap3A_220 = tpu.vector_load %arg10[%swap3A_218, %swap3A_219] {strides = array<i32>} : memref<128x128xf32, #tpu.memory_space<vmem>>, vector<1x16xf32>,
        %swap3A_221 = vector.shape_cast %swap3A_220 : vector<1x16xf32> to vector<16xf32>
        %swap3A_222 = vector.shape_cast %mul3A_217 : vector<16xf32> to vector<1x16xf32>
        tpu.vector_store %arg10[%swap3A_218, %swap3A_219], %swap3A_222 {strides = array<i32>} : memref<128x128xf32, #tpu.memory_space<vmem>>, vector<1x16xf32>,
        %get3A_223 = arith.index_cast %add3A_205 : i32 to index
        %get3A_224 = arith.constant 16 : index
        %get3A_225 = tpu.vector_load %arg10[%get3A_223, %get3A_224] {strides = array<i32>} : memref<128x128xf32, #tpu.memory_space<vmem>>, vector<1x16xf32>,
        %get3A_226 = vector.shape_cast %get3A_225 : vector<1x16xf32> to vector<16xf32>
        %mul3A_227 = arith.mulf %get3A_226, %gather3A_212 : vector<16xf32>
        %swap3A_228 = arith.index_cast %add3A_205 : i32 to index
        %swap3A_229 = arith.constant 16 : index
        %swap3A_230 = tpu.vector_load %arg10[%swap3A_228, %swap3A_229] {strides = array<i32>} : memref<128x128xf32, #tpu.memory_space<vmem>>, vector<1x16xf32>,
        %swap3A_231 = vector.shape_cast %swap3A_230 : vector<1x16xf32> to vector<16xf32>
        %swap3A_232 = vector.shape_cast %mul3A_227 : vector<16xf32> to vector<1x16xf32>
        tpu.vector_store %arg10[%swap3A_228, %swap3A_229], %swap3A_232 {strides = array<i32>} : memref<128x128xf32, #tpu.memory_space<vmem>>, vector<1x16xf32>,
        %broadcast_in_dim3A_233 = vector.shape_cast %add3A_14 : vector<16xi32> to vector<16x1xi32>
        %gather3A_234 = vector.shape_cast %broadcast_in_dim3A_233 : vector<16x1xi32> to vector<16xi32>
        %gather3A_235 = tpu.dynamic_gather %get3A_209[%gather3A_234] in [0] : vector<16xf32>, vector<16xi32> -> vector<16xf32>
        %get3A_236 = arith.index_cast %add3A_205 : i32 to index
        %get3A_237 = arith.constant 32 : index
        %get3A_238 = tpu.vector_load %arg10[%get3A_236, %get3A_237] {strides = array<i32>} : memref<128x128xf32, #tpu.memory_space<vmem>>, vector<1x16xf32>,
        %get3A_239 = vector.shape_cast %get3A_238 : vector<1x16xf32> to vector<16xf32>
        %mul3A_240 = arith.mulf %get3A_239, %gather3A_235 : vector<16xf32>
        %swap3A_241 = arith.index_cast %add3A_205 : i32 to index
        %swap3A_242 = arith.constant 32 : index
        %swap3A_243 = tpu.vector_load %arg10[%swap3A_241, %swap3A_242] {strides = array<i32>} : memref<128x128xf32, #tpu.memory_space<vmem>>, vector<1x16xf32>,
        %swap3A_244 = vector.shape_cast %swap3A_243 : vector<1x16xf32> to vector<16xf32>
        %swap3A_245 = vector.shape_cast %mul3A_240 : vector<16xf32> to vector<1x16xf32>
        tpu.vector_store %arg10[%swap3A_241, %swap3A_242], %swap3A_245 {strides = array<i32>} : memref<128x128xf32, #tpu.memory_space<vmem>>, vector<1x16xf32>,
        %get3A_246 = arith.index_cast %add3A_205 : i32 to index
        %get3A_247 = arith.constant 48 : index
        %get3A_248 = tpu.vector_load %arg10[%get3A_246, %get3A_247] {strides = array<i32>} : memref<128x128xf32, #tpu.memory_space<vmem>>, vector<1x16xf32>,
        %get3A_249 = vector.shape_cast %get3A_248 : vector<1x16xf32> to vector<16xf32>
        %mul3A_250 = arith.mulf %get3A_249, %gather3A_235 : vector<16xf32>
        %swap3A_251 = arith.index_cast %add3A_205 : i32 to index
        %swap3A_252 = arith.constant 48 : index
        %swap3A_253 = tpu.vector_load %arg10[%swap3A_251, %swap3A_252] {strides = array<i32>} : memref<128x128xf32, #tpu.memory_space<vmem>>, vector<1x16xf32>,
        %swap3A_254 = vector.shape_cast %swap3A_253 : vector<1x16xf32> to vector<16xf32>
        %swap3A_255 = vector.shape_cast %mul3A_250 : vector<16xf32> to vector<1x16xf32>
        tpu.vector_store %arg10[%swap3A_251, %swap3A_252], %swap3A_255 {strides = array<i32>} : memref<128x128xf32, #tpu.memory_space<vmem>>, vector<1x16xf32>,
        %broadcast_in_dim3A_256 = vector.shape_cast %add3A_22 : vector<16xi32> to vector<16x1xi32>
        %gather3A_257 = vector.shape_cast %broadcast_in_dim3A_256 : vector<16x1xi32> to vector<16xi32>
        %gather3A_258 = tpu.dynamic_gather %get3A_209[%gather3A_257] in [0] : vector<16xf32>, vector<16xi32> -> vector<16xf32>
        %get3A_259 = arith.index_cast %add3A_205 : i32 to index
        %get3A_260 = arith.constant 64 : index
        %get3A_261 = tpu.vector_load %arg10[%get3A_259, %get3A_260] {strides = array<i32>} : memref<128x128xf32, #tpu.memory_space<vmem>>, vector<1x16xf32>,
        %get3A_262 = vector.shape_cast %get3A_261 : vector<1x16xf32> to vector<16xf32>
        %mul3A_263 = arith.mulf %get3A_262, %gather3A_258 : vector<16xf32>
        %swap3A_264 = arith.index_cast %add3A_205 : i32 to index
        %swap3A_265 = arith.constant 64 : index
        %swap3A_266 = tpu.vector_load %arg10[%swap3A_264, %swap3A_265] {strides = array<i32>} : memref<128x128xf32, #tpu.memory_space<vmem>>, vector<1x16xf32>,
        %swap3A_267 = vector.shape_cast %swap3A_266 : vector<1x16xf32> to vector<16xf32>
        %swap3A_268 = vector.shape_cast %mul3A_263 : vector<16xf32> to vector<1x16xf32>
        tpu.vector_store %arg10[%swap3A_264, %swap3A_265], %swap3A_268 {strides = array<i32>} : memref<128x128xf32, #tpu.memory_space<vmem>>, vector<1x16xf32>,
        %get3A_269 = arith.index_cast %add3A_205 : i32 to index
        %get3A_270 = arith.constant 80 : index
        %get3A_271 = tpu.vector_load %arg10[%get3A_269, %get3A_270] {strides = array<i32>} : memref<128x128xf32, #tpu.memory_space<vmem>>, vector<1x16xf32>,
        %get3A_272 = vector.shape_cast %get3A_271 : vector<1x16xf32> to vector<16xf32>
        %mul3A_273 = arith.mulf %get3A_272, %gather3A_258 : vector<16xf32>
        %swap3A_274 = arith.index_cast %add3A_205 : i32 to index
        %swap3A_275 = arith.constant 80 : index
        %swap3A_276 = tpu.vector_load %arg10[%swap3A_274, %swap3A_275] {strides = array<i32>} : memref<128x128xf32, #tpu.memory_space<vmem>>, vector<1x16xf32>,
        %swap3A_277 = vector.shape_cast %swap3A_276 : vector<1x16xf32> to vector<16xf32>
        %swap3A_278 = vector.shape_cast %mul3A_273 : vector<16xf32> to vector<1x16xf32>
        tpu.vector_store %arg10[%swap3A_274, %swap3A_275], %swap3A_278 {strides = array<i32>} : memref<128x128xf32, #tpu.memory_space<vmem>>, vector<1x16xf32>,
        %broadcast_in_dim3A_279 = vector.shape_cast %add3A_30 : vector<16xi32> to vector<16x1xi32>
        %gather3A_280 = vector.shape_cast %broadcast_in_dim3A_279 : vector<16x1xi32> to vector<16xi32>
        %gather3A_281 = tpu.dynamic_gather %get3A_209[%gather3A_280] in [0] : vector<16xf32>, vector<16xi32> -> vector<16xf32>
        %get3A_282 = arith.index_cast %add3A_205 : i32 to index
        %get3A_283 = arith.constant 96 : index
        %get3A_284 = tpu.vector_load %arg10[%get3A_282, %get3A_283] {strides = array<i32>} : memref<128x128xf32, #tpu.memory_space<vmem>>, vector<1x16xf32>,
        %get3A_285 = vector.shape_cast %get3A_284 : vector<1x16xf32> to vector<16xf32>
        %mul3A_286 = arith.mulf %get3A_285, %gather3A_281 : vector<16xf32>
        %swap3A_287 = arith.index_cast %add3A_205 : i32 to index
        %swap3A_288 = arith.constant 96 : index
        %swap3A_289 = tpu.vector_load %arg10[%swap3A_287, %swap3A_288] {strides = array<i32>} : memref<128x128xf32, #tpu.memory_space<vmem>>, vector<1x16xf32>,
        %swap3A_290 = vector.shape_cast %swap3A_289 : vector<1x16xf32> to vector<16xf32>
        %swap3A_291 = vector.shape_cast %mul3A_286 : vector<16xf32> to vector<1x16xf32>
        tpu.vector_store %arg10[%swap3A_287, %swap3A_288], %swap3A_291 {strides = array<i32>} : memref<128x128xf32, #tpu.memory_space<vmem>>, vector<1x16xf32>,
        %get3A_292 = arith.index_cast %add3A_205 : i32 to index
        %get3A_293 = arith.constant 112 : index
        %get3A_294 = tpu.vector_load %arg10[%get3A_292, %get3A_293] {strides = array<i32>} : memref<128x128xf32, #tpu.memory_space<vmem>>, vector<1x16xf32>,
        %get3A_295 = vector.shape_cast %get3A_294 : vector<1x16xf32> to vector<16xf32>
        %mul3A_296 = arith.mulf %get3A_295, %gather3A_281 : vector<16xf32>
        %swap3A_297 = arith.index_cast %add3A_205 : i32 to index
        %swap3A_298 = arith.constant 112 : index
        %swap3A_299 = tpu.vector_load %arg10[%swap3A_297, %swap3A_298] {strides = array<i32>} : memref<128x128xf32, #tpu.memory_space<vmem>>, vector<1x16xf32>,
        %swap3A_300 = vector.shape_cast %swap3A_299 : vector<1x16xf32> to vector<16xf32>
        %swap3A_301 = vector.shape_cast %mul3A_296 : vector<16xf32> to vector<1x16xf32>
        tpu.vector_store %arg10[%swap3A_297, %swap3A_298], %swap3A_301 {strides = array<i32>} : memref<128x128xf32, #tpu.memory_space<vmem>>, vector<1x16xf32>,
        %scan3A_302 = arith.constant 0 : i32
        scf.yield %scan3A_302 : i32
      }
      %scan3A_100 = arith.constant 64 : i32
      %run_scoped3A_101 = arith.constant 0 : i32
      "tpu.region"() ({
        %run_scoped3A_103 = tpu.sem_alloc : memref<!tpu.dma_semaphore, #tpu.memory_space<semaphore_mem>>
        %dma_start3A_104 = arith.constant 0 : i32
        %dma_start3A_105 = tpu.memref_slice %arg7[%run_scoped3A_101, %dma_start3A_104] : memref<1x128xi32, #tpu.memory_space<vmem>> -> memref<1x128xi32, #tpu.memory_space<vmem>>
        %dma_start3A_106 = tpu.memref_squeeze %dma_start3A_105 : memref<1x128xi32, #tpu.memory_space<vmem>> -> memref<128xi32, #tpu.memory_space<vmem>>
        %dma_start3A_107 = arith.constant 0 : i32
        %dma_start3A_108 = arith.constant 0 : i32
        %dma_start3A_109 = tpu.memref_slice %arg12[%dma_start3A_107, %dma_start3A_108] : memref<10000x128xf32, #tpu.memory_space<vmem_shared>> -> memref<10000x128xf32, #tpu.memory_space<vmem_shared>>
        tpu.enqueue_indirect_dma source(%arg10 : memref<128x128xf32, #tpu.memory_space<vmem>>) target(%dma_start3A_109 : memref<10000x128xf32, #tpu.memory_space<vmem_shared>>) offsets(%dma_start3A_106 : memref<128xi32, #tpu.memory_space<vmem>>) semaphore(%run_scoped3A_103 : memref<!tpu.dma_semaphore, #tpu.memory_space<semaphore_mem>>) {add = true}
        %dma_wait3A_110 = arith.constant 0 : i32
        %dma_wait3A_111 = tpu.memref_slice %arg7[%run_scoped3A_101, %dma_wait3A_110] : memref<1x128xi32, #tpu.memory_space<vmem>> -> memref<1x128xi32, #tpu.memory_space<vmem>>
        %dma_wait3A_112 = tpu.memref_squeeze %dma_wait3A_111 : memref<1x128xi32, #tpu.memory_space<vmem>> -> memref<128xi32, #tpu.memory_space<vmem>>
        %dma_wait3A_113 = arith.constant 0 : i32
        %dma_wait3A_114 = arith.constant 0 : i32
        %dma_wait3A_115 = tpu.memref_slice %arg12[%dma_wait3A_113, %dma_wait3A_114] : memref<10000x128xf32, #tpu.memory_space<vmem_shared>> -> memref<10000x128xf32, #tpu.memory_space<vmem_shared>>
        tpu.wait_indirect_dma semaphore(%run_scoped3A_103 : memref<!tpu.dma_semaphore, #tpu.memory_space<semaphore_mem>>) src(%arg10 : memref<128x128xf32, #tpu.memory_space<vmem>>) dst(%dma_wait3A_115 : memref<10000x128xf32, #tpu.memory_space<vmem_shared>>)
        tpu.yield
      }) : () -> ()
      %while3A_102 = arith.constant 0 : i32
      scf.yield %while3A_102 : i32
    }
    %barrier3A_67 = arith.constant 0 : index
    tpu.barrier barrier_id(%barrier3A_67)
    %lt3A_68 = arith.constant 15 : i32
    %lt3A_69 = arith.cmpi slt, %arg1, %lt3A_68 : i32
    %convert_element_type3A_70 = arith.extui %lt3A_69 : i1 to i32
    %cond3A_71 = arith.constant 0 : i32
    %cond3A_72 = arith.cmpi ne, %convert_element_type3A_70, %cond3A_71 : i32
    scf.if %cond3A_72 {
      %add3A_78 = arith.constant 0 : i32
      %add3A_79 = arith.addi %mul3A_38, %add3A_78 : i32
      "tpu.region"() ({
        %run_scoped3A = tpu.sem_alloc : memref<!tpu.dma_semaphore, #tpu.memory_space<semaphore_mem>>
        %dma_start3A = arith.constant 0 : i32
        %dma_start3A_90 = arith.constant 0 : i32
        %dma_start3A_91 = tpu.memref_slice %arg10[%dma_start3A, %dma_start3A_90] : memref<128x128xf32, #tpu.memory_space<vmem>> -> memref<104x128xf32, #tpu.memory_space<vmem>>
        %dma_start3A_92 = arith.constant 0 : i32
        %dma_start3A_93 = tpu.memref_slice %arg12[%add3A_79, %dma_start3A_92] : memref<10000x128xf32, #tpu.memory_space<vmem_shared>> -> memref<104x128xf32, #tpu.memory_space<vmem_shared>>
        %dma_start3A_94 = arith.constant 0 : i32
        %dma_start3A_95 = arith.constant 0 : i32
        %dma_start3A_96 = tpu.memref_slice %arg10[%dma_start3A_94, %dma_start3A_95] : memref<128x128xf32, #tpu.memory_space<vmem>> -> memref<104x128xf32, #tpu.memory_space<vmem>>
        %dma_start3A_97 = arith.constant 0 : i32
        %dma_start3A_98 = tpu.memref_slice %arg12[%add3A_79, %dma_start3A_97] : memref<10000x128xf32, #tpu.memory_space<vmem_shared>> -> memref<104x128xf32, #tpu.memory_space<vmem_shared>>
        tpu.enqueue_dma source(%dma_start3A_98 : memref<104x128xf32, #tpu.memory_space<vmem_shared>>) target(%dma_start3A_96 : memref<104x128xf32, #tpu.memory_space<vmem>>) target_semaphore(%run_scoped3A : memref<!tpu.dma_semaphore, #tpu.memory_space<semaphore_mem>>)
        %dma_wait3A = arith.constant 0 : i32
        %dma_wait3A_99 = arith.constant 0 : i32
        %dma_wait3A_100 = tpu.memref_slice %arg10[%dma_wait3A, %dma_wait3A_99] : memref<128x128xf32, #tpu.memory_space<vmem>> -> memref<104x128xf32, #tpu.memory_space<vmem>>
        %dma_wait3A_101 = arith.constant 0 : i32
        %dma_wait3A_102 = tpu.memref_slice %arg12[%add3A_79, %dma_wait3A_101] : memref<10000x128xf32, #tpu.memory_space<vmem_shared>> -> memref<104x128xf32, #tpu.memory_space<vmem_shared>>
        %dma_wait3A_103 = arith.constant 0 : i32
        %dma_wait3A_104 = arith.constant 0 : i32
        %dma_wait3A_105 = tpu.memref_slice %arg10[%dma_wait3A_103, %dma_wait3A_104] : memref<128x128xf32, #tpu.memory_space<vmem>> -> memref<104x128xf32, #tpu.memory_space<vmem>>
        %dma_wait3A_106 = arith.constant 0 : i32
        %dma_wait3A_107 = tpu.memref_slice %arg12[%add3A_79, %dma_wait3A_106] : memref<10000x128xf32, #tpu.memory_space<vmem_shared>> -> memref<104x128xf32, #tpu.memory_space<vmem_shared>>
        tpu.wait_dma2 semaphore(%run_scoped3A : memref<!tpu.dma_semaphore, #tpu.memory_space<semaphore_mem>>) src(%dma_wait3A_107 : memref<104x128xf32, #tpu.memory_space<vmem_shared>>) dst(%dma_wait3A_105 : memref<104x128xf32, #tpu.memory_space<vmem>>)
        tpu.yield
      }) : () -> ()
      "tpu.region"() ({
        %run_scoped3A = tpu.sem_alloc : memref<!tpu.dma_semaphore, #tpu.memory_space<semaphore_mem>>
        %dma_start3A = arith.constant 0 : i32
        %dma_start3A_90 = arith.constant 0 : i32
        %dma_start3A_91 = tpu.memref_slice %arg10[%dma_start3A, %dma_start3A_90] : memref<128x128xf32, #tpu.memory_space<vmem>> -> memref<104x128xf32, #tpu.memory_space<vmem>>
        %dma_start3A_92 = arith.constant 0 : i32
        %dma_start3A_93 = tpu.memref_slice %arg6[%arg0, %add3A_79, %dma_start3A_92] : memref<2x10000x128xf32, #tpu.memory_space<hbm>> -> memref<1x104x128xf32, #tpu.memory_space<hbm>>
        %dma_start3A_94 = tpu.memref_squeeze %dma_start3A_93 : memref<1x104x128xf32, #tpu.memory_space<hbm>> -> memref<104x128xf32, #tpu.memory_space<hbm>>
        %dma_start3A_95 = arith.constant 0 : i32
        %dma_start3A_96 = tpu.memref_slice %arg6[%arg0, %add3A_79, %dma_start3A_95] : memref<2x10000x128xf32, #tpu.memory_space<hbm>> -> memref<1x104x128xf32, #tpu.memory_space<hbm>>
        %dma_start3A_97 = tpu.memref_squeeze %dma_start3A_96 : memref<1x104x128xf32, #tpu.memory_space<hbm>> -> memref<104x128xf32, #tpu.memory_space<hbm>>
        %dma_start3A_98 = arith.constant 0 : i32
        %dma_start3A_99 = arith.constant 0 : i32
        %dma_start3A_100 = tpu.memref_slice %arg10[%dma_start3A_98, %dma_start3A_99] : memref<128x128xf32, #tpu.memory_space<vmem>> -> memref<104x128xf32, #tpu.memory_space<vmem>>
        tpu.enqueue_dma source(%dma_start3A_100 : memref<104x128xf32, #tpu.memory_space<vmem>>) target(%dma_start3A_97 : memref<104x128xf32, #tpu.memory_space<hbm>>) target_semaphore(%run_scoped3A : memref<!tpu.dma_semaphore, #tpu.memory_space<semaphore_mem>>)
        %dma_wait3A = arith.constant 0 : i32
        %dma_wait3A_101 = arith.constant 0 : i32
        %dma_wait3A_102 = tpu.memref_slice %arg10[%dma_wait3A, %dma_wait3A_101] : memref<128x128xf32, #tpu.memory_space<vmem>> -> memref<104x128xf32, #tpu.memory_space<vmem>>
        %dma_wait3A_103 = arith.constant 0 : i32
        %dma_wait3A_104 = tpu.memref_slice %arg6[%arg0, %add3A_79, %dma_wait3A_103] : memref<2x10000x128xf32, #tpu.memory_space<hbm>> -> memref<1x104x128xf32, #tpu.memory_space<hbm>>
        %dma_wait3A_105 = tpu.memref_squeeze %dma_wait3A_104 : memref<1x104x128xf32, #tpu.memory_space<hbm>> -> memref<104x128xf32, #tpu.memory_space<hbm>>
        %dma_wait3A_106 = arith.constant 0 : i32
        %dma_wait3A_107 = tpu.memref_slice %arg6[%arg0, %add3A_79, %dma_wait3A_106] : memref<2x10000x128xf32, #tpu.memory_space<hbm>> -> memref<1x104x128xf32, #tpu.memory_space<hbm>>
        %dma_wait3A_108 = tpu.memref_squeeze %dma_wait3A_107 : memref<1x104x128xf32, #tpu.memory_space<hbm>> -> memref<104x128xf32, #tpu.memory_space<hbm>>
        %dma_wait3A_109 = arith.constant 0 : i32
        %dma_wait3A_110 = arith.constant 0 : i32
        %dma_wait3A_111 = tpu.memref_slice %arg10[%dma_wait3A_109, %dma_wait3A_110] : memref<128x128xf32, #tpu.memory_space<vmem>> -> memref<104x128xf32, #tpu.memory_space<vmem>>
        tpu.wait_dma2 semaphore(%run_scoped3A : memref<!tpu.dma_semaphore, #tpu.memory_space<semaphore_mem>>) src(%dma_wait3A_111 : memref<104x128xf32, #tpu.memory_space<vmem>>) dst(%dma_wait3A_108 : memref<104x128xf32, #tpu.memory_space<hbm>>)
        tpu.yield
      }) : () -> ()
      %add3A_80 = arith.constant 104 : i32
      %add3A_81 = arith.addi %mul3A_38, %add3A_80 : i32
      "tpu.region"() ({
        %run_scoped3A = tpu.sem_alloc : memref<!tpu.dma_semaphore, #tpu.memory_space<semaphore_mem>>
        %dma_start3A = arith.constant 0 : i32
        %dma_start3A_90 = arith.constant 0 : i32
        %dma_start3A_91 = tpu.memref_slice %arg10[%dma_start3A, %dma_start3A_90] : memref<128x128xf32, #tpu.memory_space<vmem>> -> memref<104x128xf32, #tpu.memory_space<vmem>>
        %dma_start3A_92 = arith.constant 0 : i32
        %dma_start3A_93 = tpu.memref_slice %arg12[%add3A_81, %dma_start3A_92] : memref<10000x128xf32, #tpu.memory_space<vmem_shared>> -> memref<104x128xf32, #tpu.memory_space<vmem_shared>>
        %dma_start3A_94 = arith.constant 0 : i32
        %dma_start3A_95 = arith.constant 0 : i32
        %dma_start3A_96 = tpu.memref_slice %arg10[%dma_start3A_94, %dma_start3A_95] : memref<128x128xf32, #tpu.memory_space<vmem>> -> memref<104x128xf32, #tpu.memory_space<vmem>>
        %dma_start3A_97 = arith.constant 0 : i32
        %dma_start3A_98 = tpu.memref_slice %arg12[%add3A_81, %dma_start3A_97] : memref<10000x128xf32, #tpu.memory_space<vmem_shared>> -> memref<104x128xf32, #tpu.memory_space<vmem_shared>>
        tpu.enqueue_dma source(%dma_start3A_98 : memref<104x128xf32, #tpu.memory_space<vmem_shared>>) target(%dma_start3A_96 : memref<104x128xf32, #tpu.memory_space<vmem>>) target_semaphore(%run_scoped3A : memref<!tpu.dma_semaphore, #tpu.memory_space<semaphore_mem>>)
        %dma_wait3A = arith.constant 0 : i32
        %dma_wait3A_99 = arith.constant 0 : i32
        %dma_wait3A_100 = tpu.memref_slice %arg10[%dma_wait3A, %dma_wait3A_99] : memref<128x128xf32, #tpu.memory_space<vmem>> -> memref<104x128xf32, #tpu.memory_space<vmem>>
        %dma_wait3A_101 = arith.constant 0 : i32
        %dma_wait3A_102 = tpu.memref_slice %arg12[%add3A_81, %dma_wait3A_101] : memref<10000x128xf32, #tpu.memory_space<vmem_shared>> -> memref<104x128xf32, #tpu.memory_space<vmem_shared>>
        %dma_wait3A_103 = arith.constant 0 : i32
        %dma_wait3A_104 = arith.constant 0 : i32
        %dma_wait3A_105 = tpu.memref_slice %arg10[%dma_wait3A_103, %dma_wait3A_104] : memref<128x128xf32, #tpu.memory_space<vmem>> -> memref<104x128xf32, #tpu.memory_space<vmem>>
        %dma_wait3A_106 = arith.constant 0 : i32
        %dma_wait3A_107 = tpu.memref_slice %arg12[%add3A_81, %dma_wait3A_106] : memref<10000x128xf32, #tpu.memory_space<vmem_shared>> -> memref<104x128xf32, #tpu.memory_space<vmem_shared>>
        tpu.wait_dma2 semaphore(%run_scoped3A : memref<!tpu.dma_semaphore, #tpu.memory_space<semaphore_mem>>) src(%dma_wait3A_107 : memref<104x128xf32, #tpu.memory_space<vmem_shared>>) dst(%dma_wait3A_105 : memref<104x128xf32, #tpu.memory_space<vmem>>)
        tpu.yield
      }) : () -> ()
      "tpu.region"() ({
        %run_scoped3A = tpu.sem_alloc : memref<!tpu.dma_semaphore, #tpu.memory_space<semaphore_mem>>
        %dma_start3A = arith.constant 0 : i32
        %dma_start3A_90 = arith.constant 0 : i32
        %dma_start3A_91 = tpu.memref_slice %arg10[%dma_start3A, %dma_start3A_90] : memref<128x128xf32, #tpu.memory_space<vmem>> -> memref<104x128xf32, #tpu.memory_space<vmem>>
        %dma_start3A_92 = arith.constant 0 : i32
        %dma_start3A_93 = tpu.memref_slice %arg6[%arg0, %add3A_81, %dma_start3A_92] : memref<2x10000x128xf32, #tpu.memory_space<hbm>> -> memref<1x104x128xf32, #tpu.memory_space<hbm>>
        %dma_start3A_94 = tpu.memref_squeeze %dma_start3A_93 : memref<1x104x128xf32, #tpu.memory_space<hbm>> -> memref<104x128xf32, #tpu.memory_space<hbm>>
        %dma_start3A_95 = arith.constant 0 : i32
        %dma_start3A_96 = tpu.memref_slice %arg6[%arg0, %add3A_81, %dma_start3A_95] : memref<2x10000x128xf32, #tpu.memory_space<hbm>> -> memref<1x104x128xf32, #tpu.memory_space<hbm>>
        %dma_start3A_97 = tpu.memref_squeeze %dma_start3A_96 : memref<1x104x128xf32, #tpu.memory_space<hbm>> -> memref<104x128xf32, #tpu.memory_space<hbm>>
        %dma_start3A_98 = arith.constant 0 : i32
        %dma_start3A_99 = arith.constant 0 : i32
        %dma_start3A_100 = tpu.memref_slice %arg10[%dma_start3A_98, %dma_start3A_99] : memref<128x128xf32, #tpu.memory_space<vmem>> -> memref<104x128xf32, #tpu.memory_space<vmem>>
        tpu.enqueue_dma source(%dma_start3A_100 : memref<104x128xf32, #tpu.memory_space<vmem>>) target(%dma_start3A_97 : memref<104x128xf32, #tpu.memory_space<hbm>>) target_semaphore(%run_scoped3A : memref<!tpu.dma_semaphore, #tpu.memory_space<semaphore_mem>>)
        %dma_wait3A = arith.constant 0 : i32
        %dma_wait3A_101 = arith.constant 0 : i32
        %dma_wait3A_102 = tpu.memref_slice %arg10[%dma_wait3A, %dma_wait3A_101] : memref<128x128xf32, #tpu.memory_space<vmem>> -> memref<104x128xf32, #tpu.memory_space<vmem>>
        %dma_wait3A_103 = arith.constant 0 : i32
        %dma_wait3A_104 = tpu.memref_slice %arg6[%arg0, %add3A_81, %dma_wait3A_103] : memref<2x10000x128xf32, #tpu.memory_space<hbm>> -> memref<1x104x128xf32, #tpu.memory_space<hbm>>
        %dma_wait3A_105 = tpu.memref_squeeze %dma_wait3A_104 : memref<1x104x128xf32, #tpu.memory_space<hbm>> -> memref<104x128xf32, #tpu.memory_space<hbm>>
        %dma_wait3A_106 = arith.constant 0 : i32
        %dma_wait3A_107 = tpu.memref_slice %arg6[%arg0, %add3A_81, %dma_wait3A_106] : memref<2x10000x128xf32, #tpu.memory_space<hbm>> -> memref<1x104x128xf32, #tpu.memory_space<hbm>>
        %dma_wait3A_108 = tpu.memref_squeeze %dma_wait3A_107 : memref<1x104x128xf32, #tpu.memory_space<hbm>> -> memref<104x128xf32, #tpu.memory_space<hbm>>
        %dma_wait3A_109 = arith.constant 0 : i32
        %dma_wait3A_110 = arith.constant 0 : i32
        %dma_wait3A_111 = tpu.memref_slice %arg10[%dma_wait3A_109, %dma_wait3A_110] : memref<128x128xf32, #tpu.memory_space<vmem>> -> memref<104x128xf32, #tpu.memory_space<vmem>>
        tpu.wait_dma2 semaphore(%run_scoped3A : memref<!tpu.dma_semaphore, #tpu.memory_space<semaphore_mem>>) src(%dma_wait3A_111 : memref<104x128xf32, #tpu.memory_space<vmem>>) dst(%dma_wait3A_108 : memref<104x128xf32, #tpu.memory_space<hbm>>)
        tpu.yield
      }) : () -> ()
      %add3A_82 = arith.constant 208 : i32
      %add3A_83 = arith.addi %mul3A_38, %add3A_82 : i32
      "tpu.region"() ({
        %run_scoped3A = tpu.sem_alloc : memref<!tpu.dma_semaphore, #tpu.memory_space<semaphore_mem>>
        %dma_start3A = arith.constant 0 : i32
        %dma_start3A_90 = arith.constant 0 : i32
        %dma_start3A_91 = tpu.memref_slice %arg10[%dma_start3A, %dma_start3A_90] : memref<128x128xf32, #tpu.memory_space<vmem>> -> memref<104x128xf32, #tpu.memory_space<vmem>>
        %dma_start3A_92 = arith.constant 0 : i32
        %dma_start3A_93 = tpu.memref_slice %arg12[%add3A_83, %dma_start3A_92] : memref<10000x128xf32, #tpu.memory_space<vmem_shared>> -> memref<104x128xf32, #tpu.memory_space<vmem_shared>>
        %dma_start3A_94 = arith.constant 0 : i32
        %dma_start3A_95 = arith.constant 0 : i32
        %dma_start3A_96 = tpu.memref_slice %arg10[%dma_start3A_94, %dma_start3A_95] : memref<128x128xf32, #tpu.memory_space<vmem>> -> memref<104x128xf32, #tpu.memory_space<vmem>>
        %dma_start3A_97 = arith.constant 0 : i32
        %dma_start3A_98 = tpu.memref_slice %arg12[%add3A_83, %dma_start3A_97] : memref<10000x128xf32, #tpu.memory_space<vmem_shared>> -> memref<104x128xf32, #tpu.memory_space<vmem_shared>>
        tpu.enqueue_dma source(%dma_start3A_98 : memref<104x128xf32, #tpu.memory_space<vmem_shared>>) target(%dma_start3A_96 : memref<104x128xf32, #tpu.memory_space<vmem>>) target_semaphore(%run_scoped3A : memref<!tpu.dma_semaphore, #tpu.memory_space<semaphore_mem>>)
        %dma_wait3A = arith.constant 0 : i32
        %dma_wait3A_99 = arith.constant 0 : i32
        %dma_wait3A_100 = tpu.memref_slice %arg10[%dma_wait3A, %dma_wait3A_99] : memref<128x128xf32, #tpu.memory_space<vmem>> -> memref<104x128xf32, #tpu.memory_space<vmem>>
        %dma_wait3A_101 = arith.constant 0 : i32
        %dma_wait3A_102 = tpu.memref_slice %arg12[%add3A_83, %dma_wait3A_101] : memref<10000x128xf32, #tpu.memory_space<vmem_shared>> -> memref<104x128xf32, #tpu.memory_space<vmem_shared>>
        %dma_wait3A_103 = arith.constant 0 : i32
        %dma_wait3A_104 = arith.constant 0 : i32
        %dma_wait3A_105 = tpu.memref_slice %arg10[%dma_wait3A_103, %dma_wait3A_104] : memref<128x128xf32, #tpu.memory_space<vmem>> -> memref<104x128xf32, #tpu.memory_space<vmem>>
        %dma_wait3A_106 = arith.constant 0 : i32
        %dma_wait3A_107 = tpu.memref_slice %arg12[%add3A_83, %dma_wait3A_106] : memref<10000x128xf32, #tpu.memory_space<vmem_shared>> -> memref<104x128xf32, #tpu.memory_space<vmem_shared>>
        tpu.wait_dma2 semaphore(%run_scoped3A : memref<!tpu.dma_semaphore, #tpu.memory_space<semaphore_mem>>) src(%dma_wait3A_107 : memref<104x128xf32, #tpu.memory_space<vmem_shared>>) dst(%dma_wait3A_105 : memref<104x128xf32, #tpu.memory_space<vmem>>)
        tpu.yield
      }) : () -> ()
      "tpu.region"() ({
        %run_scoped3A = tpu.sem_alloc : memref<!tpu.dma_semaphore, #tpu.memory_space<semaphore_mem>>
        %dma_start3A = arith.constant 0 : i32
        %dma_start3A_90 = arith.constant 0 : i32
        %dma_start3A_91 = tpu.memref_slice %arg10[%dma_start3A, %dma_start3A_90] : memref<128x128xf32, #tpu.memory_space<vmem>> -> memref<104x128xf32, #tpu.memory_space<vmem>>
        %dma_start3A_92 = arith.constant 0 : i32
        %dma_start3A_93 = tpu.memref_slice %arg6[%arg0, %add3A_83, %dma_start3A_92] : memref<2x10000x128xf32, #tpu.memory_space<hbm>> -> memref<1x104x128xf32, #tpu.memory_space<hbm>>
        %dma_start3A_94 = tpu.memref_squeeze %dma_start3A_93 : memref<1x104x128xf32, #tpu.memory_space<hbm>> -> memref<104x128xf32, #tpu.memory_space<hbm>>
        %dma_start3A_95 = arith.constant 0 : i32
        %dma_start3A_96 = tpu.memref_slice %arg6[%arg0, %add3A_83, %dma_start3A_95] : memref<2x10000x128xf32, #tpu.memory_space<hbm>> -> memref<1x104x128xf32, #tpu.memory_space<hbm>>
        %dma_start3A_97 = tpu.memref_squeeze %dma_start3A_96 : memref<1x104x128xf32, #tpu.memory_space<hbm>> -> memref<104x128xf32, #tpu.memory_space<hbm>>
        %dma_start3A_98 = arith.constant 0 : i32
        %dma_start3A_99 = arith.constant 0 : i32
        %dma_start3A_100 = tpu.memref_slice %arg10[%dma_start3A_98, %dma_start3A_99] : memref<128x128xf32, #tpu.memory_space<vmem>> -> memref<104x128xf32, #tpu.memory_space<vmem>>
        tpu.enqueue_dma source(%dma_start3A_100 : memref<104x128xf32, #tpu.memory_space<vmem>>) target(%dma_start3A_97 : memref<104x128xf32, #tpu.memory_space<hbm>>) target_semaphore(%run_scoped3A : memref<!tpu.dma_semaphore, #tpu.memory_space<semaphore_mem>>)
        %dma_wait3A = arith.constant 0 : i32
        %dma_wait3A_101 = arith.constant 0 : i32
        %dma_wait3A_102 = tpu.memref_slice %arg10[%dma_wait3A, %dma_wait3A_101] : memref<128x128xf32, #tpu.memory_space<vmem>> -> memref<104x128xf32, #tpu.memory_space<vmem>>
        %dma_wait3A_103 = arith.constant 0 : i32
        %dma_wait3A_104 = tpu.memref_slice %arg6[%arg0, %add3A_83, %dma_wait3A_103] : memref<2x10000x128xf32, #tpu.memory_space<hbm>> -> memref<1x104x128xf32, #tpu.memory_space<hbm>>
        %dma_wait3A_105 = tpu.memref_squeeze %dma_wait3A_104 : memref<1x104x128xf32, #tpu.memory_space<hbm>> -> memref<104x128xf32, #tpu.memory_space<hbm>>
        %dma_wait3A_106 = arith.constant 0 : i32
        %dma_wait3A_107 = tpu.memref_slice %arg6[%arg0, %add3A_83, %dma_wait3A_106] : memref<2x10000x128xf32, #tpu.memory_space<hbm>> -> memref<1x104x128xf32, #tpu.memory_space<hbm>>
        %dma_wait3A_108 = tpu.memref_squeeze %dma_wait3A_107 : memref<1x104x128xf32, #tpu.memory_space<hbm>> -> memref<104x128xf32, #tpu.memory_space<hbm>>
        %dma_wait3A_109 = arith.constant 0 : i32
        %dma_wait3A_110 = arith.constant 0 : i32
        %dma_wait3A_111 = tpu.memref_slice %arg10[%dma_wait3A_109, %dma_wait3A_110] : memref<128x128xf32, #tpu.memory_space<vmem>> -> memref<104x128xf32, #tpu.memory_space<vmem>>
        tpu.wait_dma2 semaphore(%run_scoped3A : memref<!tpu.dma_semaphore, #tpu.memory_space<semaphore_mem>>) src(%dma_wait3A_111 : memref<104x128xf32, #tpu.memory_space<vmem>>) dst(%dma_wait3A_108 : memref<104x128xf32, #tpu.memory_space<hbm>>)
        tpu.yield
      }) : () -> ()
      %add3A_84 = arith.constant 312 : i32
      %add3A_85 = arith.addi %mul3A_38, %add3A_84 : i32
      "tpu.region"() ({
        %run_scoped3A = tpu.sem_alloc : memref<!tpu.dma_semaphore, #tpu.memory_space<semaphore_mem>>
        %dma_start3A = arith.constant 0 : i32
        %dma_start3A_90 = arith.constant 0 : i32
        %dma_start3A_91 = tpu.memref_slice %arg10[%dma_start3A, %dma_start3A_90] : memref<128x128xf32, #tpu.memory_space<vmem>> -> memref<104x128xf32, #tpu.memory_space<vmem>>
        %dma_start3A_92 = arith.constant 0 : i32
        %dma_start3A_93 = tpu.memref_slice %arg12[%add3A_85, %dma_start3A_92] : memref<10000x128xf32, #tpu.memory_space<vmem_shared>> -> memref<104x128xf32, #tpu.memory_space<vmem_shared>>
        %dma_start3A_94 = arith.constant 0 : i32
        %dma_start3A_95 = arith.constant 0 : i32
        %dma_start3A_96 = tpu.memref_slice %arg10[%dma_start3A_94, %dma_start3A_95] : memref<128x128xf32, #tpu.memory_space<vmem>> -> memref<104x128xf32, #tpu.memory_space<vmem>>
        %dma_start3A_97 = arith.constant 0 : i32
        %dma_start3A_98 = tpu.memref_slice %arg12[%add3A_85, %dma_start3A_97] : memref<10000x128xf32, #tpu.memory_space<vmem_shared>> -> memref<104x128xf32, #tpu.memory_space<vmem_shared>>
        tpu.enqueue_dma source(%dma_start3A_98 : memref<104x128xf32, #tpu.memory_space<vmem_shared>>) target(%dma_start3A_96 : memref<104x128xf32, #tpu.memory_space<vmem>>) target_semaphore(%run_scoped3A : memref<!tpu.dma_semaphore, #tpu.memory_space<semaphore_mem>>)
        %dma_wait3A = arith.constant 0 : i32
        %dma_wait3A_99 = arith.constant 0 : i32
        %dma_wait3A_100 = tpu.memref_slice %arg10[%dma_wait3A, %dma_wait3A_99] : memref<128x128xf32, #tpu.memory_space<vmem>> -> memref<104x128xf32, #tpu.memory_space<vmem>>
        %dma_wait3A_101 = arith.constant 0 : i32
        %dma_wait3A_102 = tpu.memref_slice %arg12[%add3A_85, %dma_wait3A_101] : memref<10000x128xf32, #tpu.memory_space<vmem_shared>> -> memref<104x128xf32, #tpu.memory_space<vmem_shared>>
        %dma_wait3A_103 = arith.constant 0 : i32
        %dma_wait3A_104 = arith.constant 0 : i32
        %dma_wait3A_105 = tpu.memref_slice %arg10[%dma_wait3A_103, %dma_wait3A_104] : memref<128x128xf32, #tpu.memory_space<vmem>> -> memref<104x128xf32, #tpu.memory_space<vmem>>
        %dma_wait3A_106 = arith.constant 0 : i32
        %dma_wait3A_107 = tpu.memref_slice %arg12[%add3A_85, %dma_wait3A_106] : memref<10000x128xf32, #tpu.memory_space<vmem_shared>> -> memref<104x128xf32, #tpu.memory_space<vmem_shared>>
        tpu.wait_dma2 semaphore(%run_scoped3A : memref<!tpu.dma_semaphore, #tpu.memory_space<semaphore_mem>>) src(%dma_wait3A_107 : memref<104x128xf32, #tpu.memory_space<vmem_shared>>) dst(%dma_wait3A_105 : memref<104x128xf32, #tpu.memory_space<vmem>>)
        tpu.yield
      }) : () -> ()
      "tpu.region"() ({
        %run_scoped3A = tpu.sem_alloc : memref<!tpu.dma_semaphore, #tpu.memory_space<semaphore_mem>>
        %dma_start3A = arith.constant 0 : i32
        %dma_start3A_90 = arith.constant 0 : i32
        %dma_start3A_91 = tpu.memref_slice %arg10[%dma_start3A, %dma_start3A_90] : memref<128x128xf32, #tpu.memory_space<vmem>> -> memref<104x128xf32, #tpu.memory_space<vmem>>
        %dma_start3A_92 = arith.constant 0 : i32
        %dma_start3A_93 = tpu.memref_slice %arg6[%arg0, %add3A_85, %dma_start3A_92] : memref<2x10000x128xf32, #tpu.memory_space<hbm>> -> memref<1x104x128xf32, #tpu.memory_space<hbm>>
        %dma_start3A_94 = tpu.memref_squeeze %dma_start3A_93 : memref<1x104x128xf32, #tpu.memory_space<hbm>> -> memref<104x128xf32, #tpu.memory_space<hbm>>
        %dma_start3A_95 = arith.constant 0 : i32
        %dma_start3A_96 = tpu.memref_slice %arg6[%arg0, %add3A_85, %dma_start3A_95] : memref<2x10000x128xf32, #tpu.memory_space<hbm>> -> memref<1x104x128xf32, #tpu.memory_space<hbm>>
        %dma_start3A_97 = tpu.memref_squeeze %dma_start3A_96 : memref<1x104x128xf32, #tpu.memory_space<hbm>> -> memref<104x128xf32, #tpu.memory_space<hbm>>
        %dma_start3A_98 = arith.constant 0 : i32
        %dma_start3A_99 = arith.constant 0 : i32
        %dma_start3A_100 = tpu.memref_slice %arg10[%dma_start3A_98, %dma_start3A_99] : memref<128x128xf32, #tpu.memory_space<vmem>> -> memref<104x128xf32, #tpu.memory_space<vmem>>
        tpu.enqueue_dma source(%dma_start3A_100 : memref<104x128xf32, #tpu.memory_space<vmem>>) target(%dma_start3A_97 : memref<104x128xf32, #tpu.memory_space<hbm>>) target_semaphore(%run_scoped3A : memref<!tpu.dma_semaphore, #tpu.memory_space<semaphore_mem>>)
        %dma_wait3A = arith.constant 0 : i32
        %dma_wait3A_101 = arith.constant 0 : i32
        %dma_wait3A_102 = tpu.memref_slice %arg10[%dma_wait3A, %dma_wait3A_101] : memref<128x128xf32, #tpu.memory_space<vmem>> -> memref<104x128xf32, #tpu.memory_space<vmem>>
        %dma_wait3A_103 = arith.constant 0 : i32
        %dma_wait3A_104 = tpu.memref_slice %arg6[%arg0, %add3A_85, %dma_wait3A_103] : memref<2x10000x128xf32, #tpu.memory_space<hbm>> -> memref<1x104x128xf32, #tpu.memory_space<hbm>>
        %dma_wait3A_105 = tpu.memref_squeeze %dma_wait3A_104 : memref<1x104x128xf32, #tpu.memory_space<hbm>> -> memref<104x128xf32, #tpu.memory_space<hbm>>
        %dma_wait3A_106 = arith.constant 0 : i32
        %dma_wait3A_107 = tpu.memref_slice %arg6[%arg0, %add3A_85, %dma_wait3A_106] : memref<2x10000x128xf32, #tpu.memory_space<hbm>> -> memref<1x104x128xf32, #tpu.memory_space<hbm>>
        %dma_wait3A_108 = tpu.memref_squeeze %dma_wait3A_107 : memref<1x104x128xf32, #tpu.memory_space<hbm>> -> memref<104x128xf32, #tpu.memory_space<hbm>>
        %dma_wait3A_109 = arith.constant 0 : i32
        %dma_wait3A_110 = arith.constant 0 : i32
        %dma_wait3A_111 = tpu.memref_slice %arg10[%dma_wait3A_109, %dma_wait3A_110] : memref<128x128xf32, #tpu.memory_space<vmem>> -> memref<104x128xf32, #tpu.memory_space<vmem>>
        tpu.wait_dma2 semaphore(%run_scoped3A : memref<!tpu.dma_semaphore, #tpu.memory_space<semaphore_mem>>) src(%dma_wait3A_111 : memref<104x128xf32, #tpu.memory_space<vmem>>) dst(%dma_wait3A_108 : memref<104x128xf32, #tpu.memory_space<hbm>>)
        tpu.yield
      }) : () -> ()
      %add3A_86 = arith.constant 416 : i32
      %add3A_87 = arith.addi %mul3A_38, %add3A_86 : i32
      "tpu.region"() ({
        %run_scoped3A = tpu.sem_alloc : memref<!tpu.dma_semaphore, #tpu.memory_space<semaphore_mem>>
        %dma_start3A = arith.constant 0 : i32
        %dma_start3A_90 = arith.constant 0 : i32
        %dma_start3A_91 = tpu.memref_slice %arg10[%dma_start3A, %dma_start3A_90] : memref<128x128xf32, #tpu.memory_space<vmem>> -> memref<104x128xf32, #tpu.memory_space<vmem>>
        %dma_start3A_92 = arith.constant 0 : i32
        %dma_start3A_93 = tpu.memref_slice %arg12[%add3A_87, %dma_start3A_92] : memref<10000x128xf32, #tpu.memory_space<vmem_shared>> -> memref<104x128xf32, #tpu.memory_space<vmem_shared>>
        %dma_start3A_94 = arith.constant 0 : i32
        %dma_start3A_95 = arith.constant 0 : i32
        %dma_start3A_96 = tpu.memref_slice %arg10[%dma_start3A_94, %dma_start3A_95] : memref<128x128xf32, #tpu.memory_space<vmem>> -> memref<104x128xf32, #tpu.memory_space<vmem>>
        %dma_start3A_97 = arith.constant 0 : i32
        %dma_start3A_98 = tpu.memref_slice %arg12[%add3A_87, %dma_start3A_97] : memref<10000x128xf32, #tpu.memory_space<vmem_shared>> -> memref<104x128xf32, #tpu.memory_space<vmem_shared>>
        tpu.enqueue_dma source(%dma_start3A_98 : memref<104x128xf32, #tpu.memory_space<vmem_shared>>) target(%dma_start3A_96 : memref<104x128xf32, #tpu.memory_space<vmem>>) target_semaphore(%run_scoped3A : memref<!tpu.dma_semaphore, #tpu.memory_space<semaphore_mem>>)
        %dma_wait3A = arith.constant 0 : i32
        %dma_wait3A_99 = arith.constant 0 : i32
        %dma_wait3A_100 = tpu.memref_slice %arg10[%dma_wait3A, %dma_wait3A_99] : memref<128x128xf32, #tpu.memory_space<vmem>> -> memref<104x128xf32, #tpu.memory_space<vmem>>
        %dma_wait3A_101 = arith.constant 0 : i32
        %dma_wait3A_102 = tpu.memref_slice %arg12[%add3A_87, %dma_wait3A_101] : memref<10000x128xf32, #tpu.memory_space<vmem_shared>> -> memref<104x128xf32, #tpu.memory_space<vmem_shared>>
        %dma_wait3A_103 = arith.constant 0 : i32
        %dma_wait3A_104 = arith.constant 0 : i32
        %dma_wait3A_105 = tpu.memref_slice %arg10[%dma_wait3A_103, %dma_wait3A_104] : memref<128x128xf32, #tpu.memory_space<vmem>> -> memref<104x128xf32, #tpu.memory_space<vmem>>
        %dma_wait3A_106 = arith.constant 0 : i32
        %dma_wait3A_107 = tpu.memref_slice %arg12[%add3A_87, %dma_wait3A_106] : memref<10000x128xf32, #tpu.memory_space<vmem_shared>> -> memref<104x128xf32, #tpu.memory_space<vmem_shared>>
        tpu.wait_dma2 semaphore(%run_scoped3A : memref<!tpu.dma_semaphore, #tpu.memory_space<semaphore_mem>>) src(%dma_wait3A_107 : memref<104x128xf32, #tpu.memory_space<vmem_shared>>) dst(%dma_wait3A_105 : memref<104x128xf32, #tpu.memory_space<vmem>>)
        tpu.yield
      }) : () -> ()
      "tpu.region"() ({
        %run_scoped3A = tpu.sem_alloc : memref<!tpu.dma_semaphore, #tpu.memory_space<semaphore_mem>>
        %dma_start3A = arith.constant 0 : i32
        %dma_start3A_90 = arith.constant 0 : i32
        %dma_start3A_91 = tpu.memref_slice %arg10[%dma_start3A, %dma_start3A_90] : memref<128x128xf32, #tpu.memory_space<vmem>> -> memref<104x128xf32, #tpu.memory_space<vmem>>
        %dma_start3A_92 = arith.constant 0 : i32
        %dma_start3A_93 = tpu.memref_slice %arg6[%arg0, %add3A_87, %dma_start3A_92] : memref<2x10000x128xf32, #tpu.memory_space<hbm>> -> memref<1x104x128xf32, #tpu.memory_space<hbm>>
        %dma_start3A_94 = tpu.memref_squeeze %dma_start3A_93 : memref<1x104x128xf32, #tpu.memory_space<hbm>> -> memref<104x128xf32, #tpu.memory_space<hbm>>
        %dma_start3A_95 = arith.constant 0 : i32
        %dma_start3A_96 = tpu.memref_slice %arg6[%arg0, %add3A_87, %dma_start3A_95] : memref<2x10000x128xf32, #tpu.memory_space<hbm>> -> memref<1x104x128xf32, #tpu.memory_space<hbm>>
        %dma_start3A_97 = tpu.memref_squeeze %dma_start3A_96 : memref<1x104x128xf32, #tpu.memory_space<hbm>> -> memref<104x128xf32, #tpu.memory_space<hbm>>
        %dma_start3A_98 = arith.constant 0 : i32
        %dma_start3A_99 = arith.constant 0 : i32
        %dma_start3A_100 = tpu.memref_slice %arg10[%dma_start3A_98, %dma_start3A_99] : memref<128x128xf32, #tpu.memory_space<vmem>> -> memref<104x128xf32, #tpu.memory_space<vmem>>
        tpu.enqueue_dma source(%dma_start3A_100 : memref<104x128xf32, #tpu.memory_space<vmem>>) target(%dma_start3A_97 : memref<104x128xf32, #tpu.memory_space<hbm>>) target_semaphore(%run_scoped3A : memref<!tpu.dma_semaphore, #tpu.memory_space<semaphore_mem>>)
        %dma_wait3A = arith.constant 0 : i32
        %dma_wait3A_101 = arith.constant 0 : i32
        %dma_wait3A_102 = tpu.memref_slice %arg10[%dma_wait3A, %dma_wait3A_101] : memref<128x128xf32, #tpu.memory_space<vmem>> -> memref<104x128xf32, #tpu.memory_space<vmem>>
        %dma_wait3A_103 = arith.constant 0 : i32
        %dma_wait3A_104 = tpu.memref_slice %arg6[%arg0, %add3A_87, %dma_wait3A_103] : memref<2x10000x128xf32, #tpu.memory_space<hbm>> -> memref<1x104x128xf32, #tpu.memory_space<hbm>>
        %dma_wait3A_105 = tpu.memref_squeeze %dma_wait3A_104 : memref<1x104x128xf32, #tpu.memory_space<hbm>> -> memref<104x128xf32, #tpu.memory_space<hbm>>
        %dma_wait3A_106 = arith.constant 0 : i32
        %dma_wait3A_107 = tpu.memref_slice %arg6[%arg0, %add3A_87, %dma_wait3A_106] : memref<2x10000x128xf32, #tpu.memory_space<hbm>> -> memref<1x104x128xf32, #tpu.memory_space<hbm>>
        %dma_wait3A_108 = tpu.memref_squeeze %dma_wait3A_107 : memref<1x104x128xf32, #tpu.memory_space<hbm>> -> memref<104x128xf32, #tpu.memory_space<hbm>>
        %dma_wait3A_109 = arith.constant 0 : i32
        %dma_wait3A_110 = arith.constant 0 : i32
        %dma_wait3A_111 = tpu.memref_slice %arg10[%dma_wait3A_109, %dma_wait3A_110] : memref<128x128xf32, #tpu.memory_space<vmem>> -> memref<104x128xf32, #tpu.memory_space<vmem>>
        tpu.wait_dma2 semaphore(%run_scoped3A : memref<!tpu.dma_semaphore, #tpu.memory_space<semaphore_mem>>) src(%dma_wait3A_111 : memref<104x128xf32, #tpu.memory_space<vmem>>) dst(%dma_wait3A_108 : memref<104x128xf32, #tpu.memory_space<hbm>>)
        tpu.yield
      }) : () -> ()
      %add3A_88 = arith.constant 520 : i32
      %add3A_89 = arith.addi %mul3A_38, %add3A_88 : i32
      "tpu.region"() ({
        %run_scoped3A = tpu.sem_alloc : memref<!tpu.dma_semaphore, #tpu.memory_space<semaphore_mem>>
        %dma_start3A = arith.constant 0 : i32
        %dma_start3A_90 = arith.constant 0 : i32
        %dma_start3A_91 = tpu.memref_slice %arg10[%dma_start3A, %dma_start3A_90] : memref<128x128xf32, #tpu.memory_space<vmem>> -> memref<104x128xf32, #tpu.memory_space<vmem>>
        %dma_start3A_92 = arith.constant 0 : i32
        %dma_start3A_93 = tpu.memref_slice %arg12[%add3A_89, %dma_start3A_92] : memref<10000x128xf32, #tpu.memory_space<vmem_shared>> -> memref<104x128xf32, #tpu.memory_space<vmem_shared>>
        %dma_start3A_94 = arith.constant 0 : i32
        %dma_start3A_95 = arith.constant 0 : i32
        %dma_start3A_96 = tpu.memref_slice %arg10[%dma_start3A_94, %dma_start3A_95] : memref<128x128xf32, #tpu.memory_space<vmem>> -> memref<104x128xf32, #tpu.memory_space<vmem>>
        %dma_start3A_97 = arith.constant 0 : i32
        %dma_start3A_98 = tpu.memref_slice %arg12[%add3A_89, %dma_start3A_97] : memref<10000x128xf32, #tpu.memory_space<vmem_shared>> -> memref<104x128xf32, #tpu.memory_space<vmem_shared>>
        tpu.enqueue_dma source(%dma_start3A_98 : memref<104x128xf32, #tpu.memory_space<vmem_shared>>) target(%dma_start3A_96 : memref<104x128xf32, #tpu.memory_space<vmem>>) target_semaphore(%run_scoped3A : memref<!tpu.dma_semaphore, #tpu.memory_space<semaphore_mem>>)
        %dma_wait3A = arith.constant 0 : i32
        %dma_wait3A_99 = arith.constant 0 : i32
        %dma_wait3A_100 = tpu.memref_slice %arg10[%dma_wait3A, %dma_wait3A_99] : memref<128x128xf32, #tpu.memory_space<vmem>> -> memref<104x128xf32, #tpu.memory_space<vmem>>
        %dma_wait3A_101 = arith.constant 0 : i32
        %dma_wait3A_102 = tpu.memref_slice %arg12[%add3A_89, %dma_wait3A_101] : memref<10000x128xf32, #tpu.memory_space<vmem_shared>> -> memref<104x128xf32, #tpu.memory_space<vmem_shared>>
        %dma_wait3A_103 = arith.constant 0 : i32
        %dma_wait3A_104 = arith.constant 0 : i32
        %dma_wait3A_105 = tpu.memref_slice %arg10[%dma_wait3A_103, %dma_wait3A_104] : memref<128x128xf32, #tpu.memory_space<vmem>> -> memref<104x128xf32, #tpu.memory_space<vmem>>
        %dma_wait3A_106 = arith.constant 0 : i32
        %dma_wait3A_107 = tpu.memref_slice %arg12[%add3A_89, %dma_wait3A_106] : memref<10000x128xf32, #tpu.memory_space<vmem_shared>> -> memref<104x128xf32, #tpu.memory_space<vmem_shared>>
        tpu.wait_dma2 semaphore(%run_scoped3A : memref<!tpu.dma_semaphore, #tpu.memory_space<semaphore_mem>>) src(%dma_wait3A_107 : memref<104x128xf32, #tpu.memory_space<vmem_shared>>) dst(%dma_wait3A_105 : memref<104x128xf32, #tpu.memory_space<vmem>>)
        tpu.yield
      }) : () -> ()
      "tpu.region"() ({
        %run_scoped3A = tpu.sem_alloc : memref<!tpu.dma_semaphore, #tpu.memory_space<semaphore_mem>>
        %dma_start3A = arith.constant 0 : i32
        %dma_start3A_90 = arith.constant 0 : i32
        %dma_start3A_91 = tpu.memref_slice %arg10[%dma_start3A, %dma_start3A_90] : memref<128x128xf32, #tpu.memory_space<vmem>> -> memref<104x128xf32, #tpu.memory_space<vmem>>
        %dma_start3A_92 = arith.constant 0 : i32
        %dma_start3A_93 = tpu.memref_slice %arg6[%arg0, %add3A_89, %dma_start3A_92] : memref<2x10000x128xf32, #tpu.memory_space<hbm>> -> memref<1x104x128xf32, #tpu.memory_space<hbm>>
        %dma_start3A_94 = tpu.memref_squeeze %dma_start3A_93 : memref<1x104x128xf32, #tpu.memory_space<hbm>> -> memref<104x128xf32, #tpu.memory_space<hbm>>
        %dma_start3A_95 = arith.constant 0 : i32
        %dma_start3A_96 = tpu.memref_slice %arg6[%arg0, %add3A_89, %dma_start3A_95] : memref<2x10000x128xf32, #tpu.memory_space<hbm>> -> memref<1x104x128xf32, #tpu.memory_space<hbm>>
        %dma_start3A_97 = tpu.memref_squeeze %dma_start3A_96 : memref<1x104x128xf32, #tpu.memory_space<hbm>> -> memref<104x128xf32, #tpu.memory_space<hbm>>
        %dma_start3A_98 = arith.constant 0 : i32
        %dma_start3A_99 = arith.constant 0 : i32
        %dma_start3A_100 = tpu.memref_slice %arg10[%dma_start3A_98, %dma_start3A_99] : memref<128x128xf32, #tpu.memory_space<vmem>> -> memref<104x128xf32, #tpu.memory_space<vmem>>
        tpu.enqueue_dma source(%dma_start3A_100 : memref<104x128xf32, #tpu.memory_space<vmem>>) target(%dma_start3A_97 : memref<104x128xf32, #tpu.memory_space<hbm>>) target_semaphore(%run_scoped3A : memref<!tpu.dma_semaphore, #tpu.memory_space<semaphore_mem>>)
        %dma_wait3A = arith.constant 0 : i32
        %dma_wait3A_101 = arith.constant 0 : i32
        %dma_wait3A_102 = tpu.memref_slice %arg10[%dma_wait3A, %dma_wait3A_101] : memref<128x128xf32, #tpu.memory_space<vmem>> -> memref<104x128xf32, #tpu.memory_space<vmem>>
        %dma_wait3A_103 = arith.constant 0 : i32
        %dma_wait3A_104 = tpu.memref_slice %arg6[%arg0, %add3A_89, %dma_wait3A_103] : memref<2x10000x128xf32, #tpu.memory_space<hbm>> -> memref<1x104x128xf32, #tpu.memory_space<hbm>>
        %dma_wait3A_105 = tpu.memref_squeeze %dma_wait3A_104 : memref<1x104x128xf32, #tpu.memory_space<hbm>> -> memref<104x128xf32, #tpu.memory_space<hbm>>
        %dma_wait3A_106 = arith.constant 0 : i32
        %dma_wait3A_107 = tpu.memref_slice %arg6[%arg0, %add3A_89, %dma_wait3A_106] : memref<2x10000x128xf32, #tpu.memory_space<hbm>> -> memref<1x104x128xf32, #tpu.memory_space<hbm>>
        %dma_wait3A_108 = tpu.memref_squeeze %dma_wait3A_107 : memref<1x104x128xf32, #tpu.memory_space<hbm>> -> memref<104x128xf32, #tpu.memory_space<hbm>>
        %dma_wait3A_109 = arith.constant 0 : i32
        %dma_wait3A_110 = arith.constant 0 : i32
        %dma_wait3A_111 = tpu.memref_slice %arg10[%dma_wait3A_109, %dma_wait3A_110] : memref<128x128xf32, #tpu.memory_space<vmem>> -> memref<104x128xf32, #tpu.memory_space<vmem>>
        tpu.wait_dma2 semaphore(%run_scoped3A : memref<!tpu.dma_semaphore, #tpu.memory_space<semaphore_mem>>) src(%dma_wait3A_111 : memref<104x128xf32, #tpu.memory_space<vmem>>) dst(%dma_wait3A_108 : memref<104x128xf32, #tpu.memory_space<hbm>>)
        tpu.yield
      }) : () -> ()
    } else {
    }
    %eq3A_73 = arith.constant 15 : i32
    %eq3A_74 = arith.cmpi eq, %arg1, %eq3A_73 : i32
    %convert_element_type3A_75 = arith.extui %eq3A_74 : i1 to i32
    %cond3A_76 = arith.constant 0 : i32
    %cond3A_77 = arith.cmpi ne, %convert_element_type3A_75, %cond3A_76 : i32
    scf.if %cond3A_77 {
      %add3A_78 = arith.constant 0 : i32
      %add3A_79 = arith.addi %mul3A_38, %add3A_78 : i32
      "tpu.region"() ({
        %run_scoped3A = tpu.sem_alloc : memref<!tpu.dma_semaphore, #tpu.memory_space<semaphore_mem>>
        %dma_start3A = arith.constant 0 : i32
        %dma_start3A_88 = tpu.memref_slice %arg12[%add3A_79, %dma_start3A] : memref<10000x128xf32, #tpu.memory_space<vmem_shared>> -> memref<128x128xf32, #tpu.memory_space<vmem_shared>>
        %dma_start3A_89 = arith.constant 0 : i32
        %dma_start3A_90 = tpu.memref_slice %arg12[%add3A_79, %dma_start3A_89] : memref<10000x128xf32, #tpu.memory_space<vmem_shared>> -> memref<128x128xf32, #tpu.memory_space<vmem_shared>>
        tpu.enqueue_dma source(%dma_start3A_90 : memref<128x128xf32, #tpu.memory_space<vmem_shared>>) target(%arg10 : memref<128x128xf32, #tpu.memory_space<vmem>>) target_semaphore(%run_scoped3A : memref<!tpu.dma_semaphore, #tpu.memory_space<semaphore_mem>>)
        %dma_wait3A = arith.constant 0 : i32
        %dma_wait3A_91 = tpu.memref_slice %arg12[%add3A_79, %dma_wait3A] : memref<10000x128xf32, #tpu.memory_space<vmem_shared>> -> memref<128x128xf32, #tpu.memory_space<vmem_shared>>
        %dma_wait3A_92 = arith.constant 0 : i32
        %dma_wait3A_93 = tpu.memref_slice %arg12[%add3A_79, %dma_wait3A_92] : memref<10000x128xf32, #tpu.memory_space<vmem_shared>> -> memref<128x128xf32, #tpu.memory_space<vmem_shared>>
        tpu.wait_dma2 semaphore(%run_scoped3A : memref<!tpu.dma_semaphore, #tpu.memory_space<semaphore_mem>>) src(%dma_wait3A_93 : memref<128x128xf32, #tpu.memory_space<vmem_shared>>) dst(%arg10 : memref<128x128xf32, #tpu.memory_space<vmem>>)
        tpu.yield
      }) : () -> ()
      "tpu.region"() ({
        %run_scoped3A = tpu.sem_alloc : memref<!tpu.dma_semaphore, #tpu.memory_space<semaphore_mem>>
        %dma_start3A = arith.constant 0 : i32
        %dma_start3A_88 = tpu.memref_slice %arg6[%arg0, %add3A_79, %dma_start3A] : memref<2x10000x128xf32, #tpu.memory_space<hbm>> -> memref<1x128x128xf32, #tpu.memory_space<hbm>>
        %dma_start3A_89 = tpu.memref_squeeze %dma_start3A_88 : memref<1x128x128xf32, #tpu.memory_space<hbm>> -> memref<128x128xf32, #tpu.memory_space<hbm>>
        %dma_start3A_90 = arith.constant 0 : i32
        %dma_start3A_91 = tpu.memref_slice %arg6[%arg0, %add3A_79, %dma_start3A_90] : memref<2x10000x128xf32, #tpu.memory_space<hbm>> -> memref<1x128x128xf32, #tpu.memory_space<hbm>>
        %dma_start3A_92 = tpu.memref_squeeze %dma_start3A_91 : memref<1x128x128xf32, #tpu.memory_space<hbm>> -> memref<128x128xf32, #tpu.memory_space<hbm>>
        tpu.enqueue_dma source(%arg10 : memref<128x128xf32, #tpu.memory_space<vmem>>) target(%dma_start3A_92 : memref<128x128xf32, #tpu.memory_space<hbm>>) target_semaphore(%run_scoped3A : memref<!tpu.dma_semaphore, #tpu.memory_space<semaphore_mem>>)
        %dma_wait3A = arith.constant 0 : i32
        %dma_wait3A_93 = tpu.memref_slice %arg6[%arg0, %add3A_79, %dma_wait3A] : memref<2x10000x128xf32, #tpu.memory_space<hbm>> -> memref<1x128x128xf32, #tpu.memory_space<hbm>>
        %dma_wait3A_94 = tpu.memref_squeeze %dma_wait3A_93 : memref<1x128x128xf32, #tpu.memory_space<hbm>> -> memref<128x128xf32, #tpu.memory_space<hbm>>
        %dma_wait3A_95 = arith.constant 0 : i32
        %dma_wait3A_96 = tpu.memref_slice %arg6[%arg0, %add3A_79, %dma_wait3A_95] : memref<2x10000x128xf32, #tpu.memory_space<hbm>> -> memref<1x128x128xf32, #tpu.memory_space<hbm>>
        %dma_wait3A_97 = tpu.memref_squeeze %dma_wait3A_96 : memref<1x128x128xf32, #tpu.memory_space<hbm>> -> memref<128x128xf32, #tpu.memory_space<hbm>>
        tpu.wait_dma2 semaphore(%run_scoped3A : memref<!tpu.dma_semaphore, #tpu.memory_space<semaphore_mem>>) src(%arg10 : memref<128x128xf32, #tpu.memory_space<vmem>>) dst(%dma_wait3A_97 : memref<128x128xf32, #tpu.memory_space<hbm>>)
        tpu.yield
      }) : () -> ()
      %add3A_80 = arith.constant 128 : i32
      %add3A_81 = arith.addi %mul3A_38, %add3A_80 : i32
      "tpu.region"() ({
        %run_scoped3A = tpu.sem_alloc : memref<!tpu.dma_semaphore, #tpu.memory_space<semaphore_mem>>
        %dma_start3A = arith.constant 0 : i32
        %dma_start3A_88 = tpu.memref_slice %arg12[%add3A_81, %dma_start3A] : memref<10000x128xf32, #tpu.memory_space<vmem_shared>> -> memref<128x128xf32, #tpu.memory_space<vmem_shared>>
        %dma_start3A_89 = arith.constant 0 : i32
        %dma_start3A_90 = tpu.memref_slice %arg12[%add3A_81, %dma_start3A_89] : memref<10000x128xf32, #tpu.memory_space<vmem_shared>> -> memref<128x128xf32, #tpu.memory_space<vmem_shared>>
        tpu.enqueue_dma source(%dma_start3A_90 : memref<128x128xf32, #tpu.memory_space<vmem_shared>>) target(%arg10 : memref<128x128xf32, #tpu.memory_space<vmem>>) target_semaphore(%run_scoped3A : memref<!tpu.dma_semaphore, #tpu.memory_space<semaphore_mem>>)
        %dma_wait3A = arith.constant 0 : i32
        %dma_wait3A_91 = tpu.memref_slice %arg12[%add3A_81, %dma_wait3A] : memref<10000x128xf32, #tpu.memory_space<vmem_shared>> -> memref<128x128xf32, #tpu.memory_space<vmem_shared>>
        %dma_wait3A_92 = arith.constant 0 : i32
        %dma_wait3A_93 = tpu.memref_slice %arg12[%add3A_81, %dma_wait3A_92] : memref<10000x128xf32, #tpu.memory_space<vmem_shared>> -> memref<128x128xf32, #tpu.memory_space<vmem_shared>>
        tpu.wait_dma2 semaphore(%run_scoped3A : memref<!tpu.dma_semaphore, #tpu.memory_space<semaphore_mem>>) src(%dma_wait3A_93 : memref<128x128xf32, #tpu.memory_space<vmem_shared>>) dst(%arg10 : memref<128x128xf32, #tpu.memory_space<vmem>>)
        tpu.yield
      }) : () -> ()
      "tpu.region"() ({
        %run_scoped3A = tpu.sem_alloc : memref<!tpu.dma_semaphore, #tpu.memory_space<semaphore_mem>>
        %dma_start3A = arith.constant 0 : i32
        %dma_start3A_88 = tpu.memref_slice %arg6[%arg0, %add3A_81, %dma_start3A] : memref<2x10000x128xf32, #tpu.memory_space<hbm>> -> memref<1x128x128xf32, #tpu.memory_space<hbm>>
        %dma_start3A_89 = tpu.memref_squeeze %dma_start3A_88 : memref<1x128x128xf32, #tpu.memory_space<hbm>> -> memref<128x128xf32, #tpu.memory_space<hbm>>
        %dma_start3A_90 = arith.constant 0 : i32
        %dma_start3A_91 = tpu.memref_slice %arg6[%arg0, %add3A_81, %dma_start3A_90] : memref<2x10000x128xf32, #tpu.memory_space<hbm>> -> memref<1x128x128xf32, #tpu.memory_space<hbm>>
        %dma_start3A_92 = tpu.memref_squeeze %dma_start3A_91 : memref<1x128x128xf32, #tpu.memory_space<hbm>> -> memref<128x128xf32, #tpu.memory_space<hbm>>
        tpu.enqueue_dma source(%arg10 : memref<128x128xf32, #tpu.memory_space<vmem>>) target(%dma_start3A_92 : memref<128x128xf32, #tpu.memory_space<hbm>>) target_semaphore(%run_scoped3A : memref<!tpu.dma_semaphore, #tpu.memory_space<semaphore_mem>>)
        %dma_wait3A = arith.constant 0 : i32
        %dma_wait3A_93 = tpu.memref_slice %arg6[%arg0, %add3A_81, %dma_wait3A] : memref<2x10000x128xf32, #tpu.memory_space<hbm>> -> memref<1x128x128xf32, #tpu.memory_space<hbm>>
        %dma_wait3A_94 = tpu.memref_squeeze %dma_wait3A_93 : memref<1x128x128xf32, #tpu.memory_space<hbm>> -> memref<128x128xf32, #tpu.memory_space<hbm>>
        %dma_wait3A_95 = arith.constant 0 : i32
        %dma_wait3A_96 = tpu.memref_slice %arg6[%arg0, %add3A_81, %dma_wait3A_95] : memref<2x10000x128xf32, #tpu.memory_space<hbm>> -> memref<1x128x128xf32, #tpu.memory_space<hbm>>
        %dma_wait3A_97 = tpu.memref_squeeze %dma_wait3A_96 : memref<1x128x128xf32, #tpu.memory_space<hbm>> -> memref<128x128xf32, #tpu.memory_space<hbm>>
        tpu.wait_dma2 semaphore(%run_scoped3A : memref<!tpu.dma_semaphore, #tpu.memory_space<semaphore_mem>>) src(%arg10 : memref<128x128xf32, #tpu.memory_space<vmem>>) dst(%dma_wait3A_97 : memref<128x128xf32, #tpu.memory_space<hbm>>)
        tpu.yield
      }) : () -> ()
      %add3A_82 = arith.constant 256 : i32
      %add3A_83 = arith.addi %mul3A_38, %add3A_82 : i32
      "tpu.region"() ({
        %run_scoped3A = tpu.sem_alloc : memref<!tpu.dma_semaphore, #tpu.memory_space<semaphore_mem>>
        %dma_start3A = arith.constant 0 : i32
        %dma_start3A_88 = tpu.memref_slice %arg12[%add3A_83, %dma_start3A] : memref<10000x128xf32, #tpu.memory_space<vmem_shared>> -> memref<128x128xf32, #tpu.memory_space<vmem_shared>>
        %dma_start3A_89 = arith.constant 0 : i32
        %dma_start3A_90 = tpu.memref_slice %arg12[%add3A_83, %dma_start3A_89] : memref<10000x128xf32, #tpu.memory_space<vmem_shared>> -> memref<128x128xf32, #tpu.memory_space<vmem_shared>>
        tpu.enqueue_dma source(%dma_start3A_90 : memref<128x128xf32, #tpu.memory_space<vmem_shared>>) target(%arg10 : memref<128x128xf32, #tpu.memory_space<vmem>>) target_semaphore(%run_scoped3A : memref<!tpu.dma_semaphore, #tpu.memory_space<semaphore_mem>>)
        %dma_wait3A = arith.constant 0 : i32
        %dma_wait3A_91 = tpu.memref_slice %arg12[%add3A_83, %dma_wait3A] : memref<10000x128xf32, #tpu.memory_space<vmem_shared>> -> memref<128x128xf32, #tpu.memory_space<vmem_shared>>
        %dma_wait3A_92 = arith.constant 0 : i32
        %dma_wait3A_93 = tpu.memref_slice %arg12[%add3A_83, %dma_wait3A_92] : memref<10000x128xf32, #tpu.memory_space<vmem_shared>> -> memref<128x128xf32, #tpu.memory_space<vmem_shared>>
        tpu.wait_dma2 semaphore(%run_scoped3A : memref<!tpu.dma_semaphore, #tpu.memory_space<semaphore_mem>>) src(%dma_wait3A_93 : memref<128x128xf32, #tpu.memory_space<vmem_shared>>) dst(%arg10 : memref<128x128xf32, #tpu.memory_space<vmem>>)
        tpu.yield
      }) : () -> ()
      "tpu.region"() ({
        %run_scoped3A = tpu.sem_alloc : memref<!tpu.dma_semaphore, #tpu.memory_space<semaphore_mem>>
        %dma_start3A = arith.constant 0 : i32
        %dma_start3A_88 = tpu.memref_slice %arg6[%arg0, %add3A_83, %dma_start3A] : memref<2x10000x128xf32, #tpu.memory_space<hbm>> -> memref<1x128x128xf32, #tpu.memory_space<hbm>>
        %dma_start3A_89 = tpu.memref_squeeze %dma_start3A_88 : memref<1x128x128xf32, #tpu.memory_space<hbm>> -> memref<128x128xf32, #tpu.memory_space<hbm>>
        %dma_start3A_90 = arith.constant 0 : i32
        %dma_start3A_91 = tpu.memref_slice %arg6[%arg0, %add3A_83, %dma_start3A_90] : memref<2x10000x128xf32, #tpu.memory_space<hbm>> -> memref<1x128x128xf32, #tpu.memory_space<hbm>>
        %dma_start3A_92 = tpu.memref_squeeze %dma_start3A_91 : memref<1x128x128xf32, #tpu.memory_space<hbm>> -> memref<128x128xf32, #tpu.memory_space<hbm>>
        tpu.enqueue_dma source(%arg10 : memref<128x128xf32, #tpu.memory_space<vmem>>) target(%dma_start3A_92 : memref<128x128xf32, #tpu.memory_space<hbm>>) target_semaphore(%run_scoped3A : memref<!tpu.dma_semaphore, #tpu.memory_space<semaphore_mem>>)
        %dma_wait3A = arith.constant 0 : i32
        %dma_wait3A_93 = tpu.memref_slice %arg6[%arg0, %add3A_83, %dma_wait3A] : memref<2x10000x128xf32, #tpu.memory_space<hbm>> -> memref<1x128x128xf32, #tpu.memory_space<hbm>>
        %dma_wait3A_94 = tpu.memref_squeeze %dma_wait3A_93 : memref<1x128x128xf32, #tpu.memory_space<hbm>> -> memref<128x128xf32, #tpu.memory_space<hbm>>
        %dma_wait3A_95 = arith.constant 0 : i32
        %dma_wait3A_96 = tpu.memref_slice %arg6[%arg0, %add3A_83, %dma_wait3A_95] : memref<2x10000x128xf32, #tpu.memory_space<hbm>> -> memref<1x128x128xf32, #tpu.memory_space<hbm>>
        %dma_wait3A_97 = tpu.memref_squeeze %dma_wait3A_96 : memref<1x128x128xf32, #tpu.memory_space<hbm>> -> memref<128x128xf32, #tpu.memory_space<hbm>>
        tpu.wait_dma2 semaphore(%run_scoped3A : memref<!tpu.dma_semaphore, #tpu.memory_space<semaphore_mem>>) src(%arg10 : memref<128x128xf32, #tpu.memory_space<vmem>>) dst(%dma_wait3A_97 : memref<128x128xf32, #tpu.memory_space<hbm>>)
        tpu.yield
      }) : () -> ()
      %add3A_84 = arith.constant 384 : i32
      %add3A_85 = arith.addi %mul3A_38, %add3A_84 : i32
      "tpu.region"() ({
        %run_scoped3A = tpu.sem_alloc : memref<!tpu.dma_semaphore, #tpu.memory_space<semaphore_mem>>
        %dma_start3A = arith.constant 0 : i32
        %dma_start3A_88 = tpu.memref_slice %arg12[%add3A_85, %dma_start3A] : memref<10000x128xf32, #tpu.memory_space<vmem_shared>> -> memref<128x128xf32, #tpu.memory_space<vmem_shared>>
        %dma_start3A_89 = arith.constant 0 : i32
        %dma_start3A_90 = tpu.memref_slice %arg12[%add3A_85, %dma_start3A_89] : memref<10000x128xf32, #tpu.memory_space<vmem_shared>> -> memref<128x128xf32, #tpu.memory_space<vmem_shared>>
        tpu.enqueue_dma source(%dma_start3A_90 : memref<128x128xf32, #tpu.memory_space<vmem_shared>>) target(%arg10 : memref<128x128xf32, #tpu.memory_space<vmem>>) target_semaphore(%run_scoped3A : memref<!tpu.dma_semaphore, #tpu.memory_space<semaphore_mem>>)
        %dma_wait3A = arith.constant 0 : i32
        %dma_wait3A_91 = tpu.memref_slice %arg12[%add3A_85, %dma_wait3A] : memref<10000x128xf32, #tpu.memory_space<vmem_shared>> -> memref<128x128xf32, #tpu.memory_space<vmem_shared>>
        %dma_wait3A_92 = arith.constant 0 : i32
        %dma_wait3A_93 = tpu.memref_slice %arg12[%add3A_85, %dma_wait3A_92] : memref<10000x128xf32, #tpu.memory_space<vmem_shared>> -> memref<128x128xf32, #tpu.memory_space<vmem_shared>>
        tpu.wait_dma2 semaphore(%run_scoped3A : memref<!tpu.dma_semaphore, #tpu.memory_space<semaphore_mem>>) src(%dma_wait3A_93 : memref<128x128xf32, #tpu.memory_space<vmem_shared>>) dst(%arg10 : memref<128x128xf32, #tpu.memory_space<vmem>>)
        tpu.yield
      }) : () -> ()
      "tpu.region"() ({
        %run_scoped3A = tpu.sem_alloc : memref<!tpu.dma_semaphore, #tpu.memory_space<semaphore_mem>>
        %dma_start3A = arith.constant 0 : i32
        %dma_start3A_88 = tpu.memref_slice %arg6[%arg0, %add3A_85, %dma_start3A] : memref<2x10000x128xf32, #tpu.memory_space<hbm>> -> memref<1x128x128xf32, #tpu.memory_space<hbm>>
        %dma_start3A_89 = tpu.memref_squeeze %dma_start3A_88 : memref<1x128x128xf32, #tpu.memory_space<hbm>> -> memref<128x128xf32, #tpu.memory_space<hbm>>
        %dma_start3A_90 = arith.constant 0 : i32
        %dma_start3A_91 = tpu.memref_slice %arg6[%arg0, %add3A_85, %dma_start3A_90] : memref<2x10000x128xf32, #tpu.memory_space<hbm>> -> memref<1x128x128xf32, #tpu.memory_space<hbm>>
        %dma_start3A_92 = tpu.memref_squeeze %dma_start3A_91 : memref<1x128x128xf32, #tpu.memory_space<hbm>> -> memref<128x128xf32, #tpu.memory_space<hbm>>
        tpu.enqueue_dma source(%arg10 : memref<128x128xf32, #tpu.memory_space<vmem>>) target(%dma_start3A_92 : memref<128x128xf32, #tpu.memory_space<hbm>>) target_semaphore(%run_scoped3A : memref<!tpu.dma_semaphore, #tpu.memory_space<semaphore_mem>>)
        %dma_wait3A = arith.constant 0 : i32
        %dma_wait3A_93 = tpu.memref_slice %arg6[%arg0, %add3A_85, %dma_wait3A] : memref<2x10000x128xf32, #tpu.memory_space<hbm>> -> memref<1x128x128xf32, #tpu.memory_space<hbm>>
        %dma_wait3A_94 = tpu.memref_squeeze %dma_wait3A_93 : memref<1x128x128xf32, #tpu.memory_space<hbm>> -> memref<128x128xf32, #tpu.memory_space<hbm>>
        %dma_wait3A_95 = arith.constant 0 : i32
        %dma_wait3A_96 = tpu.memref_slice %arg6[%arg0, %add3A_85, %dma_wait3A_95] : memref<2x10000x128xf32, #tpu.memory_space<hbm>> -> memref<1x128x128xf32, #tpu.memory_space<hbm>>
        %dma_wait3A_97 = tpu.memref_squeeze %dma_wait3A_96 : memref<1x128x128xf32, #tpu.memory_space<hbm>> -> memref<128x128xf32, #tpu.memory_space<hbm>>
        tpu.wait_dma2 semaphore(%run_scoped3A : memref<!tpu.dma_semaphore, #tpu.memory_space<semaphore_mem>>) src(%arg10 : memref<128x128xf32, #tpu.memory_space<vmem>>) dst(%dma_wait3A_97 : memref<128x128xf32, #tpu.memory_space<hbm>>)
        tpu.yield
      }) : () -> ()
      %add3A_86 = arith.constant 512 : i32
      %add3A_87 = arith.addi %mul3A_38, %add3A_86 : i32
      "tpu.region"() ({
        %run_scoped3A = tpu.sem_alloc : memref<!tpu.dma_semaphore, #tpu.memory_space<semaphore_mem>>
        %dma_start3A = arith.constant 0 : i32
        %dma_start3A_88 = tpu.memref_slice %arg12[%add3A_87, %dma_start3A] : memref<10000x128xf32, #tpu.memory_space<vmem_shared>> -> memref<128x128xf32, #tpu.memory_space<vmem_shared>>
        %dma_start3A_89 = arith.constant 0 : i32
        %dma_start3A_90 = tpu.memref_slice %arg12[%add3A_87, %dma_start3A_89] : memref<10000x128xf32, #tpu.memory_space<vmem_shared>> -> memref<128x128xf32, #tpu.memory_space<vmem_shared>>
        tpu.enqueue_dma source(%dma_start3A_90 : memref<128x128xf32, #tpu.memory_space<vmem_shared>>) target(%arg10 : memref<128x128xf32, #tpu.memory_space<vmem>>) target_semaphore(%run_scoped3A : memref<!tpu.dma_semaphore, #tpu.memory_space<semaphore_mem>>)
        %dma_wait3A = arith.constant 0 : i32
        %dma_wait3A_91 = tpu.memref_slice %arg12[%add3A_87, %dma_wait3A] : memref<10000x128xf32, #tpu.memory_space<vmem_shared>> -> memref<128x128xf32, #tpu.memory_space<vmem_shared>>
        %dma_wait3A_92 = arith.constant 0 : i32
        %dma_wait3A_93 = tpu.memref_slice %arg12[%add3A_87, %dma_wait3A_92] : memref<10000x128xf32, #tpu.memory_space<vmem_shared>> -> memref<128x128xf32, #tpu.memory_space<vmem_shared>>
        tpu.wait_dma2 semaphore(%run_scoped3A : memref<!tpu.dma_semaphore, #tpu.memory_space<semaphore_mem>>) src(%dma_wait3A_93 : memref<128x128xf32, #tpu.memory_space<vmem_shared>>) dst(%arg10 : memref<128x128xf32, #tpu.memory_space<vmem>>)
        tpu.yield
      }) : () -> ()
      "tpu.region"() ({
        %run_scoped3A = tpu.sem_alloc : memref<!tpu.dma_semaphore, #tpu.memory_space<semaphore_mem>>
        %dma_start3A = arith.constant 0 : i32
        %dma_start3A_88 = tpu.memref_slice %arg6[%arg0, %add3A_87, %dma_start3A] : memref<2x10000x128xf32, #tpu.memory_space<hbm>> -> memref<1x128x128xf32, #tpu.memory_space<hbm>>
        %dma_start3A_89 = tpu.memref_squeeze %dma_start3A_88 : memref<1x128x128xf32, #tpu.memory_space<hbm>> -> memref<128x128xf32, #tpu.memory_space<hbm>>
        %dma_start3A_90 = arith.constant 0 : i32
        %dma_start3A_91 = tpu.memref_slice %arg6[%arg0, %add3A_87, %dma_start3A_90] : memref<2x10000x128xf32, #tpu.memory_space<hbm>> -> memref<1x128x128xf32, #tpu.memory_space<hbm>>
        %dma_start3A_92 = tpu.memref_squeeze %dma_start3A_91 : memref<1x128x128xf32, #tpu.memory_space<hbm>> -> memref<128x128xf32, #tpu.memory_space<hbm>>
        tpu.enqueue_dma source(%arg10 : memref<128x128xf32, #tpu.memory_space<vmem>>) target(%dma_start3A_92 : memref<128x128xf32, #tpu.memory_space<hbm>>) target_semaphore(%run_scoped3A : memref<!tpu.dma_semaphore, #tpu.memory_space<semaphore_mem>>)
        %dma_wait3A = arith.constant 0 : i32
        %dma_wait3A_93 = tpu.memref_slice %arg6[%arg0, %add3A_87, %dma_wait3A] : memref<2x10000x128xf32, #tpu.memory_space<hbm>> -> memref<1x128x128xf32, #tpu.memory_space<hbm>>
        %dma_wait3A_94 = tpu.memref_squeeze %dma_wait3A_93 : memref<1x128x128xf32, #tpu.memory_space<hbm>> -> memref<128x128xf32, #tpu.memory_space<hbm>>
        %dma_wait3A_95 = arith.constant 0 : i32
        %dma_wait3A_96 = tpu.memref_slice %arg6[%arg0, %add3A_87, %dma_wait3A_95] : memref<2x10000x128xf32, #tpu.memory_space<hbm>> -> memref<1x128x128xf32, #tpu.memory_space<hbm>>
        %dma_wait3A_97 = tpu.memref_squeeze %dma_wait3A_96 : memref<1x128x128xf32, #tpu.memory_space<hbm>> -> memref<128x128xf32, #tpu.memory_space<hbm>>
        tpu.wait_dma2 semaphore(%run_scoped3A : memref<!tpu.dma_semaphore, #tpu.memory_space<semaphore_mem>>) src(%arg10 : memref<128x128xf32, #tpu.memory_space<vmem>>) dst(%dma_wait3A_97 : memref<128x128xf32, #tpu.memory_space<hbm>>)
        tpu.yield
      }) : () -> ()
    } else {
    }
    return
  }
}

module attributes {stable_mosaic.version = 14 : i64} {
  func.func @_project_body(%arg0: i32, %arg1: memref<400x256xf32, #tpu.memory_space<vmem>>, %arg2: memref<256x256xf32, #tpu.memory_space<vmem>>, %arg3: memref<256x16xf32, #tpu.memory_space<vmem>>, %arg4: memref<2x400x128xf32, #tpu.memory_space<vmem>>, %arg5: memref<400x128xf32, #tpu.memory_space<vmem>>, %arg6: memref<400x128xf32, #tpu.memory_space<vmem>>, %arg7: memref<1x16xf32, #tpu.memory_space<vmem>>) attributes {dimension_semantics = [#tpu.dimension_semantics<arbitrary>], iteration_bounds = array<i64: 25>, scalar_prefetch = 0 : i64, scratch_operands = 0 : i64, tpu.core_type = #tpu.core_type<tc>, window_params = [{transform_indices = @transform_0, window_bounds = array<i64: 400, 256>}, {pipeline_mode = #tpu.pipeline_mode<synchronous>, transform_indices = @transform_1, window_bounds = array<i64: 256, 256>}, {pipeline_mode = #tpu.pipeline_mode<synchronous>, transform_indices = @transform_2, window_bounds = array<i64: 256, 16>}, {transform_indices = @transform_3, window_bounds = array<i64: 2, 400, 128>}, {transform_indices = @transform_4, window_bounds = array<i64: 400, 128>}, {transform_indices = @transform_5, window_bounds = array<i64: 400, 128>}, {pipeline_mode = #tpu.pipeline_mode<synchronous>, transform_indices = @transform_6, window_bounds = array<i64: 1, 16>}]} {
    %get3A = arith.constant 0 : index
    %get3A_0 = arith.constant 0 : index
    %get3A_1 = vector.load %arg1[%get3A, %get3A_0] : memref<400x256xf32, #tpu.memory_space<vmem>>, vector<400x256xf32>
    %get3A_2 = arith.constant 0 : index
    %get3A_3 = arith.constant 0 : index
    %get3A_4 = vector.load %arg2[%get3A_2, %get3A_3] : memref<256x256xf32, #tpu.memory_space<vmem>>, vector<256x256xf32>
    %dot_general3A = arith.constant dense<0.000000e+00> : vector<400x256xf32>
    %dot_general3A_5 = tpu.matmul %get3A_1, %get3A_4, %dot_general3A {dimension_numbers = #tpu.dot_dimension_numbers<[1], [1], [0], [0], [0, 0, 1, 0], [], []>, transpose_lhs_hint = false} : vector<400x256xf32>, vector<256x256xf32>, vector<400x256xf32> -> vector<400x256xf32>
    %get3A_6 = arith.constant 0 : index
    %get3A_7 = arith.constant 0 : index
    %get3A_8 = vector.load %arg3[%get3A_6, %get3A_7] : memref<256x16xf32, #tpu.memory_space<vmem>>, vector<256x16xf32>
    %dot_general3A_9 = arith.constant dense<0.000000e+00> : vector<400x16xf32>
    %dot_general3A_10 = tpu.matmul %dot_general3A_5, %get3A_8, %dot_general3A_9 {dimension_numbers = #tpu.dot_dimension_numbers<[1], [0], [0], [1], [0, 0, 1, 1], [], []>, transpose_lhs_hint = false} : vector<400x256xf32>, vector<256x16xf32>, vector<400x16xf32> -> vector<400x16xf32>
    %slice3A = vector.extract_strided_slice %dot_general3A_5 {offsets = [0, 0], sizes = [400, 128], strides = [1, 1]} : vector<400x256xf32> to vector<400x128xf32>
    %slice3A_11 = vector.extract_strided_slice %dot_general3A_5 {offsets = [0, 128], sizes = [400, 128], strides = [1, 1]} : vector<400x256xf32> to vector<400x128xf32>
    %stack3A = vector.shape_cast %slice3A : vector<400x128xf32> to vector<1x400x128xf32>
    %stack3A_12 = vector.shape_cast %slice3A_11 : vector<400x128xf32> to vector<1x400x128xf32>
    %stack3A_13 = tpu.concatenate %stack3A, %stack3A_12 in 0 : vector<1x400x128xf32>, vector<1x400x128xf32> -> vector<2x400x128xf32>
    %swap3A = arith.constant 0 : index
    %swap3A_14 = arith.constant 0 : index
    %swap3A_15 = arith.constant 0 : index
    %swap3A_16 = vector.load %arg4[%swap3A, %swap3A_14, %swap3A_15] : memref<2x400x128xf32, #tpu.memory_space<vmem>>, vector<2x400x128xf32>
    tpu.vector_store %arg4[%swap3A, %swap3A_14, %swap3A_15], %stack3A_13 {strides = array<i32>} : memref<2x400x128xf32, #tpu.memory_space<vmem>>, vector<2x400x128xf32>,
    %broadcast_in_dim3A = arith.constant 0.000000e+00 : f32
    %broadcast_in_dim3A_17 = vector.broadcast %broadcast_in_dim3A : f32 to vector<400x112xf32>
    %concatenate3A = tpu.concatenate %dot_general3A_10, %broadcast_in_dim3A_17 in 1 : vector<400x16xf32>, vector<400x112xf32> -> vector<400x128xf32>
    %swap3A_18 = arith.constant 0 : index
    %swap3A_19 = arith.constant 0 : index
    %swap3A_20 = vector.load %arg5[%swap3A_18, %swap3A_19] : memref<400x128xf32, #tpu.memory_space<vmem>>, vector<400x128xf32>
    tpu.vector_store %arg5[%swap3A_18, %swap3A_19], %concatenate3A {strides = array<i32>} : memref<400x128xf32, #tpu.memory_space<vmem>>, vector<400x128xf32>,
    %slice3A_21 = vector.extract_strided_slice %dot_general3A_10 {offsets = [0, 8], sizes = [400, 8], strides = [1, 1]} : vector<400x16xf32> to vector<400x8xf32>
    %concatenate3A_22 = tpu.concatenate %slice3A_21, %slice3A_21, %broadcast_in_dim3A_17 in 1 : vector<400x8xf32>, vector<400x8xf32>, vector<400x112xf32> -> vector<400x128xf32>
    %swap3A_23 = arith.constant 0 : index
    %swap3A_24 = arith.constant 0 : index
    %swap3A_25 = vector.load %arg6[%swap3A_23, %swap3A_24] : memref<400x128xf32, #tpu.memory_space<vmem>>, vector<400x128xf32>
    tpu.vector_store %arg6[%swap3A_23, %swap3A_24], %concatenate3A_22 {strides = array<i32>} : memref<400x128xf32, #tpu.memory_space<vmem>>, vector<400x128xf32>,
    %slice3A_26 = vector.extract_strided_slice %dot_general3A_10 {offsets = [0, 0], sizes = [400, 8], strides = [1, 1]} : vector<400x16xf32> to vector<400x8xf32>
    %reduce_max3A = arith.constant dense<0xFF800000> : vector<8xf32>
    %reduce_max3A_27 = vector.multi_reduction <maximumf>, %slice3A_26, %reduce_max3A [0] : vector<400x8xf32> to vector<8xf32>
    %concatenate3A_28 = tpu.concatenate %reduce_max3A_27, %reduce_max3A_27 in 0 : vector<8xf32>, vector<8xf32> -> vector<16xf32>
    %broadcast_in_dim3A_29 = vector.shape_cast %concatenate3A_28 : vector<16xf32> to vector<1x16xf32>
    %eq3A = arith.constant 0 : i32
    %eq3A_30 = arith.cmpi eq, %arg0, %eq3A : i32
    %convert_element_type3A = arith.extui %eq3A_30 : i1 to i32
    %cond3A = arith.constant 0 : i32
    %cond3A_31 = arith.cmpi ne, %convert_element_type3A, %cond3A : i32
    scf.if %cond3A_31 {
      %swap3A_36 = arith.constant 0 : index
      %swap3A_37 = arith.constant 0 : index
      %swap3A_38 = vector.load %arg7[%swap3A_36, %swap3A_37] : memref<1x16xf32, #tpu.memory_space<vmem>>, vector<1x16xf32>
      tpu.vector_store %arg7[%swap3A_36, %swap3A_37], %broadcast_in_dim3A_29 {strides = array<i32>} : memref<1x16xf32, #tpu.memory_space<vmem>>, vector<1x16xf32>,
    } else {
    }
    %ne3A = arith.constant 0 : i32
    %ne3A_32 = arith.cmpi ne, %arg0, %ne3A : i32
    %convert_element_type3A_33 = arith.extui %ne3A_32 : i1 to i32
    %cond3A_34 = arith.constant 0 : i32
    %cond3A_35 = arith.cmpi ne, %convert_element_type3A_33, %cond3A_34 : i32
    scf.if %cond3A_35 {
      %get3A_36 = arith.constant 0 : index
      %get3A_37 = arith.constant 0 : index
      %get3A_38 = vector.load %arg7[%get3A_36, %get3A_37] : memref<1x16xf32, #tpu.memory_space<vmem>>, vector<1x16xf32>
      %max3A = arith.maximumf %get3A_38, %broadcast_in_dim3A_29 : vector<1x16xf32>
      %swap3A_39 = arith.constant 0 : index
      %swap3A_40 = arith.constant 0 : index
      %swap3A_41 = vector.load %arg7[%swap3A_39, %swap3A_40] : memref<1x16xf32, #tpu.memory_space<vmem>>, vector<1x16xf32>
      tpu.vector_store %arg7[%swap3A_39, %swap3A_40], %max3A {strides = array<i32>} : memref<1x16xf32, #tpu.memory_space<vmem>>, vector<1x16xf32>,
    } else {
    }
    return
  }
  func.func @transform_0(%arg0: i32) -> (i32, i32) {
    %c0_i32 = arith.constant 0 : i32
    %c0_i32_0 = arith.constant 0 : i32
    return %arg0, %c0_i32 : i32, i32
  }
  func.func @transform_1(%arg0: i32) -> (i32, i32) {
    %c0_i32 = arith.constant 0 : i32
    %c0_i32_0 = arith.constant 0 : i32
    %c0_i32_1 = arith.constant 0 : i32
    return %c0_i32, %c0_i32_0 : i32, i32
  }
  func.func @transform_2(%arg0: i32) -> (i32, i32) {
    %c0_i32 = arith.constant 0 : i32
    %c0_i32_0 = arith.constant 0 : i32
    %c0_i32_1 = arith.constant 0 : i32
    return %c0_i32, %c0_i32_0 : i32, i32
  }
  func.func @transform_3(%arg0: i32) -> (i32, i32, i32) {
    %c0_i32 = arith.constant 0 : i32
    %c0_i32_0 = arith.constant 0 : i32
    %c0_i32_1 = arith.constant 0 : i32
    return %c0_i32, %arg0, %c0_i32_0 : i32, i32, i32
  }
  func.func @transform_4(%arg0: i32) -> (i32, i32) {
    %c0_i32 = arith.constant 0 : i32
    %c0_i32_0 = arith.constant 0 : i32
    return %arg0, %c0_i32 : i32, i32
  }
  func.func @transform_5(%arg0: i32) -> (i32, i32) {
    %c0_i32 = arith.constant 0 : i32
    %c0_i32_0 = arith.constant 0 : i32
    return %arg0, %c0_i32 : i32, i32
  }
  func.func @transform_6(%arg0: i32) -> (i32, i32) {
    %c0_i32 = arith.constant 0 : i32
    %c0_i32_0 = arith.constant 0 : i32
    %c0_i32_1 = arith.constant 0 : i32
    return %c0_i32, %c0_i32_0 : i32, i32
  }
}

module attributes {stable_mosaic.version = 14 : i64} {
  func.func @_normalize_body(%arg0: i32, %arg1: memref<2x400x128xf32, #tpu.memory_space<vmem>>, %arg2: memref<2x400x16xf32, #tpu.memory_space<vmem>>, %arg3: memref<8x256xf32, #tpu.memory_space<vmem>>, %arg4: memref<2x400x128xf32, #tpu.memory_space<vmem>>) attributes {dimension_semantics = [#tpu.dimension_semantics<arbitrary>], iteration_bounds = array<i64: 25>, scalar_prefetch = 0 : i64, scratch_operands = 0 : i64, tpu.core_type = #tpu.core_type<tc>, window_params = [{transform_indices = @transform_0, window_bounds = array<i64: 2, 400, 128>}, {transform_indices = @transform_1, window_bounds = array<i64: 2, 400, 16>}, {pipeline_mode = #tpu.pipeline_mode<synchronous>, transform_indices = @transform_2, window_bounds = array<i64: 8, 256>}, {transform_indices = @transform_3, window_bounds = array<i64: 2, 400, 128>}]} {
    %get3A = arith.constant 0 : index
    %get3A_0 = arith.constant 0 : index
    %get3A_1 = arith.constant 0 : index
    %get3A_2 = vector.load %arg2[%get3A, %get3A_0, %get3A_1] : memref<2x400x16xf32, #tpu.memory_space<vmem>>, vector<1x400x8xf32>
    %get3A_3 = vector.shape_cast %get3A_2 : vector<1x400x8xf32> to vector<400x8xf32>
    %get3A_4 = arith.constant 1 : index
    %get3A_5 = arith.constant 0 : index
    %get3A_6 = arith.constant 0 : index
    %get3A_7 = vector.load %arg2[%get3A_4, %get3A_5, %get3A_6] : memref<2x400x16xf32, #tpu.memory_space<vmem>>, vector<1x400x8xf32>
    %get3A_8 = vector.shape_cast %get3A_7 : vector<1x400x8xf32> to vector<400x8xf32>
    %add3A = arith.addf %get3A_3, %get3A_8 : vector<400x8xf32>
    %div3A = arith.constant 1.000000e+00 : f32
    %div3A_9 = vector.broadcast %div3A : f32 to vector<400x8xf32>
    %div3A_10 = arith.divf %div3A_9, %add3A : vector<400x8xf32>
    %get3A_11 = arith.constant 0 : index
    %get3A_12 = arith.constant 0 : index
    %get3A_13 = vector.load %arg3[%get3A_11, %get3A_12] : memref<8x256xf32, #tpu.memory_space<vmem>>, vector<8x256xf32>
    %dot_general3A = arith.constant dense<0.000000e+00> : vector<400x256xf32>
    %dot_general3A_14 = tpu.matmul %div3A_10, %get3A_13, %dot_general3A {dimension_numbers = #tpu.dot_dimension_numbers<[1], [0], [0], [1], [0, 0, 1, 1], [], []>, transpose_lhs_hint = false} : vector<400x8xf32>, vector<8x256xf32>, vector<400x256xf32> -> vector<400x256xf32>
    %get3A_15 = arith.constant 0 : index
    %get3A_16 = arith.constant 0 : index
    %get3A_17 = arith.constant 0 : index
    %get3A_18 = vector.load %arg1[%get3A_15, %get3A_16, %get3A_17] : memref<2x400x128xf32, #tpu.memory_space<vmem>>, vector<1x400x128xf32>
    %get3A_19 = vector.shape_cast %get3A_18 : vector<1x400x128xf32> to vector<400x128xf32>
    %slice3A = vector.extract_strided_slice %dot_general3A_14 {offsets = [0, 0], sizes = [400, 128], strides = [1, 1]} : vector<400x256xf32> to vector<400x128xf32>
    %mul3A = arith.mulf %get3A_19, %slice3A : vector<400x128xf32>
    %get3A_20 = arith.constant 1 : index
    %get3A_21 = arith.constant 0 : index
    %get3A_22 = arith.constant 0 : index
    %get3A_23 = vector.load %arg1[%get3A_20, %get3A_21, %get3A_22] : memref<2x400x128xf32, #tpu.memory_space<vmem>>, vector<1x400x128xf32>
    %get3A_24 = vector.shape_cast %get3A_23 : vector<1x400x128xf32> to vector<400x128xf32>
    %slice3A_25 = vector.extract_strided_slice %dot_general3A_14 {offsets = [0, 128], sizes = [400, 128], strides = [1, 1]} : vector<400x256xf32> to vector<400x128xf32>
    %mul3A_26 = arith.mulf %get3A_24, %slice3A_25 : vector<400x128xf32>
    %stack3A = vector.shape_cast %mul3A : vector<400x128xf32> to vector<1x400x128xf32>
    %stack3A_27 = vector.shape_cast %mul3A_26 : vector<400x128xf32> to vector<1x400x128xf32>
    %stack3A_28 = tpu.concatenate %stack3A, %stack3A_27 in 0 : vector<1x400x128xf32>, vector<1x400x128xf32> -> vector<2x400x128xf32>
    %swap3A = arith.constant 0 : index
    %swap3A_29 = arith.constant 0 : index
    %swap3A_30 = arith.constant 0 : index
    %swap3A_31 = vector.load %arg4[%swap3A, %swap3A_29, %swap3A_30] : memref<2x400x128xf32, #tpu.memory_space<vmem>>, vector<2x400x128xf32>
    tpu.vector_store %arg4[%swap3A, %swap3A_29, %swap3A_30], %stack3A_28 {strides = array<i32>} : memref<2x400x128xf32, #tpu.memory_space<vmem>>, vector<2x400x128xf32>,
    return
  }
  func.func @transform_0(%arg0: i32) -> (i32, i32, i32) {
    %c0_i32 = arith.constant 0 : i32
    %c0_i32_0 = arith.constant 0 : i32
    %c0_i32_1 = arith.constant 0 : i32
    return %c0_i32, %arg0, %c0_i32_0 : i32, i32, i32
  }
  func.func @transform_1(%arg0: i32) -> (i32, i32, i32) {
    %c0_i32 = arith.constant 0 : i32
    %c0_i32_0 = arith.constant 0 : i32
    %c0_i32_1 = arith.constant 0 : i32
    return %c0_i32, %arg0, %c0_i32_0 : i32, i32, i32
  }
  func.func @transform_2(%arg0: i32) -> (i32, i32) {
    %c0_i32 = arith.constant 0 : i32
    %c0_i32_0 = arith.constant 0 : i32
    %c0_i32_1 = arith.constant 0 : i32
    return %c0_i32, %c0_i32_0 : i32, i32
  }
  func.func @transform_3(%arg0: i32) -> (i32, i32, i32) {
    %c0_i32 = arith.constant 0 : i32
    %c0_i32_0 = arith.constant 0 : i32
    %c0_i32_1 = arith.constant 0 : i32
    return %c0_i32, %arg0, %c0_i32_0 : i32, i32, i32
  }
}

</mosaic_0001>

<sc_bundles>
// kernel: kernel.6.cloned.1.call-start
scs
__scs_entry_jumppad:
0x0: {  	(pc) =	sbr.rel $0x88, $3  }
0x1: {  	(tag) =	ssettag $0x0;
	lr =	simm.s32 $0x1  }
0x2: {  	[smem:$0x3F9C] =	sst lr;
	_ =	strace $0xD0000000  }
0x3: {  	_ = 	snop  }
0x4: {  	_ = 	snop  }
0x5: {  	_ = 	snop  }
0x6: {  	_ = 	snop  }
0x7: {  	_ = 	snop  }
__scs_overlays_trampoline_lowered:
0x8: {  	[smem:$0x3FAB] =	sst s0  }
0x9: {  	[smem:$0x3FAC] =	sst s1  }
0xa: {  	[smem:$0x3FAD] =	sst s2  }
0xb: {  	[smem:$0x3FAE] =	sst s3  }
0xc: {  	[smem:$0x3FAF] =	sst s4  }
0xd: {  	[smem:$0x3FB0] =	sst s5  }
0xe: {  	[smem:$0x3FB1] =	sst s6  }
0xf: {  	[smem:$0x3FB2] =	sst s7  }
0x10: {  	[smem:$0x3FB3] =	sst s8  }
0x11: {  	[smem:$0x3FB4] =	sst s9;
	s0 =	simm.s32 @!p0 $0x0  }
0x12: {  	s1 =	sld [smem:$0x3F9A];
	s0 =	simm.s32 @p0 $0x1  }
0x13: {  	[smem:$0x3FB5] =	sst s0;
	s0 =	simm.s32 @!p1 $0x0  }
0x14: {  	s2 =	sld [smem:$0x3F99];
	s0 =	simm.s32 @p1 $0x1  }
0x15: {  	[smem:$0x3FB6] =	sst s0;
	s0 =	simm.s32 @!p2 $0x0  }
0x16: {  	s3 =	sld [smem:$0x3FDB];
	s0 =	simm.s32 @p2 $0x1  }
0x17: {  	s4 =	simm.s32 $0x1BF5;
	[smem:$0x3FB8] =	sst s0  }
0x18: {  	s0 =	sld [smem:$0x3F9B];
	_ =	swait.ge [sflag:s4], $0x0  }
0x19: {  	s7 =	sld [smem:$0x3F9C]  }
0x1a: {  	s8 =	sadd.s32 $0xFFFFE003, lr  }
0x1b: {  	s9 =	sadd.s32 $0xFFFFFEF7, lr;
	s5 =	simm.s32 $0xFFFFFFFF;
	p2 =	slt.u32 s8, $0xFFFFF086  }
0x1c: {  	p1 =	slt.u32 s9, $0xF7A;
	s5 =	simm.s32 @!p2 $0x0  }
0x1d: {  	s5 =	simm.s32 @p1 $0x1;
	p0 =	seq.s32 s7, s2  }
0x1e: {  	s7 =	smul.u32 @!p0 $0xF7A, s2;
	p2 =	seq.s32 @!p0 s5, $0x0  }
0x1f: {  	s9 =	smul.u32 $0xF7A, s1;
	s8 =	simm.s32 @!p0 $0x1BF5;
	p2 =	por !p2, p0  }
0x20: {  	[sflag:s8] =	ssyncset.s32 @!p0 $0xFFFFF086;
	s6 =	sadd.s32 @!p0 s3, s7;
	s7 =	simm.s32 @!p0 $0x108  }
0x21: {  	s3 =	sadd.s32 s3, s9;
	s6 =	sadd.s32 @!p0 $0x88, s6;
	s7 =	simm.s32 @p2 $0x1082  }
0x22: {  	[simem:s7], [sflag:s8] =	dma.local @!p0 [hbm:s6], $0xF7A  }
0x23: {  	s9 =	sor.u32 $0xD0000000, s2;
	s6 =	simm.s32 $0x108;
	_ =	swait.ge @!p0 [sflag:s8], $0x0  }
0x24: {  	s3 =	sadd.s32 $0x88, s3;
	s6 =	simm.s32 @!p1 $0x1082;
	[sflag:s4] =	ssyncset.s32 $0xFFFFF086  }
0x25: {  	[simem:s6], [sflag:s4] =	dma.local [hbm:s3], $0xF7A  }
0x26: {  	[smem:$0x3F9C] =	sst s1;
	(tag) =	ssettag s2;
	_ =	strace s9  }
0x27: {  	s1 =	sld [smem:$0x3FAC]  }
0x28: {  	s2 =	sld [smem:$0x3FAD]  }
0x29: {  	s4 =	sld [smem:$0x3FAF]  }
0x2a: {  	p0 =	seq.s32 s5, $0x0;
	s5 =	sld [smem:$0x3FB0]  }
0x2b: {  	s6 =	sld [smem:$0x3FB1]  }
0x2c: {  	s7 =	sld [smem:$0x3FB2]  }
0x2d: {  	s3 =	simm.s32 $0x108;
	s8 =	sld [smem:$0x3FB3]  }
0x2e: {  	s3 =	simm.s32 @!p0 $0x1082;
	s9 =	sld [smem:$0x3FB4]  }
0x2f: {  	lr =	sadd.s32 s0, s3;
	s0 =	sld [smem:$0x3FAB]  }
0x30: {  	s3 =	sld [smem:$0x3FAE]  }
0x31: {  	[smem:$0x3FB7] =	sst s10  }
0x32: {  	s10 =	sld [smem:$0x3FB5];
	_ =	sdelay $0x3  }
0x33: {  	p0 =	seq.s32 s10, $0x1;
	s10 =	sld [smem:$0x3FB7];
	_ =	sdelay $0x3  }
0x34: {  	[smem:$0x3FB7] =	sst s10  }
0x35: {  	s10 =	sld [smem:$0x3FB6];
	_ =	sdelay $0x3  }
0x36: {  	p1 =	seq.s32 s10, $0x1;
	s10 =	sld [smem:$0x3FB7];
	_ =	sdelay $0x3  }
0x37: {  	[smem:$0x3FB7] =	sst s10  }
0x38: {  	s10 =	sld [smem:$0x3FB8]  }
0x39: {  	_ = 	snop;
	(pc) =	sbr.ind lr, $3  }
0x3a: {  	_ = 	snop  }
0x3b: {  	_ = 	snop  }
0x3c: {  	p2 =	seq.s32 s10, $0x1;
	s10 =	sld [smem:$0x3FB7]  }
0x3d: {  	_ =	shalt  }
0x3e: {  	_ =	shalt  }
0x3f: {  	_ =	shalt  }
0x40: {  	_ =	shalt  }
0x41: {  	_ =	shalt  }
0x42: {  	_ =	shalt  }
0x43: {  	_ =	shalt  }
0x44: {  	_ =	shalt  }
0x45: {  	_ =	shalt  }
0x46: {  	_ =	shalt  }
0x47: {  	_ =	shalt  }
0x48: {  	_ =	shalt  }
0x49: {  	_ =	shalt  }
0x4a: {  	_ =	shalt  }
0x4b: {  	_ =	shalt  }
0x4c: {  	_ =	shalt  }
0x4d: {  	_ =	shalt  }
0x4e: {  	_ =	shalt  }
0x4f: {  	_ =	shalt  }
0x50: {  	_ =	shalt  }
0x51: {  	_ =	shalt  }
0x52: {  	_ =	shalt  }
0x53: {  	_ =	shalt  }
0x54: {  	_ =	shalt  }
0x55: {  	_ =	shalt  }
0x56: {  	_ =	shalt  }
0x57: {  	_ =	shalt  }
0x58: {  	_ =	shalt  }
0x59: {  	_ =	shalt  }
0x5a: {  	_ =	shalt  }
0x5b: {  	_ =	shalt  }
0x5c: {  	_ =	shalt  }
0x5d: {  	_ =	shalt  }
0x5e: {  	_ =	shalt  }
0x5f: {  	_ =	shalt  }
0x60: {  	_ =	shalt  }
0x61: {  	_ =	shalt  }
0x62: {  	_ =	shalt  }
0x63: {  	_ =	shalt  }
0x64: {  	_ =	shalt  }
0x65: {  	_ =	shalt  }
0x66: {  	_ =	shalt  }
0x67: {  	_ =	shalt  }
0x68: {  	_ =	shalt  }
0x69: {  	_ =	shalt  }
0x6a: {  	_ =	shalt  }
0x6b: {  	_ =	shalt  }
0x6c: {  	_ =	shalt  }
0x6d: {  	_ =	shalt  }
0x6e: {  	_ =	shalt  }
0x6f: {  	_ =	shalt  }
0x70: {  	_ =	shalt  }
0x71: {  	_ =	shalt  }
0x72: {  	_ =	shalt  }
0x73: {  	_ =	shalt  }
0x74: {  	_ =	shalt  }
0x75: {  	_ =	shalt  }
0x76: {  	_ =	shalt  }
0x77: {  	_ =	shalt  }
0x78: {  	_ =	shalt  }
0x79: {  	_ =	shalt  }
0x7a: {  	_ =	shalt  }
0x7b: {  	_ =	shalt  }
0x7c: {  	_ =	shalt  }
0x7d: {  	_ =	shalt  }
0x7e: {  	_ =	shalt  }
0x7f: {  	_ =	shalt  }
0x80: {  	_ =	shalt  }
0x81: {  	_ =	shalt  }
0x82: {  	_ =	shalt  }
0x83: {  	_ =	shalt  }
0x84: {  	_ =	shalt  }
0x85: {  	_ =	shalt  }
0x86: {  	_ =	shalt  }
0x87: {  	_ =	shalt  }
.Lfunc_end0:
.L_simem_size_0:
called_computation_lowered:
.L_overlay_start_0:
0x88: {  	s2 =	sld [smem:$0x3FD9]  }
0x89: {  	s3 =	sld [smem:$0x3FFE];
	_ =	sdelay $0x1  }
0x8a: {  	s1 =	srdreg.scid  }
0x8b: {  	s0 =	sand.u32 $0x1, s1  }
0x8c: {  	s17 =	sshll.u32 s0, $0xA;
	s2 =	sadd.s32 s3, s2  }
0x8d: {  	s2 =	sadd.s32 s2, s17  }
0x8e: {  	[smem:$0x3FC3] =	sst s2  }
0x8f: {  	_ = 	snop  }
0x90: {  	s2 =	sld [smem:$0x3FD0];
	(tm) =	ssettm $0x1  }
0x91: {  	s18 =	sld [smem:$0x3FFB];
	_ =	sdelay $0x3  }
0x92: {  	_ =	strace s18  }
0x93: {  	s3 =	sld [smem:$0x3FFC];
	_ =	sdelay $0x3  }
0x94: {  	_ =	strace s3  }
0x95: {  	s3 =	sld [smem:$0x3FFD];
	_ =	sdelay $0x3  }
0x96: {  	_ =	strace s3  }
0x97: {  	_ =	strace $0x8FFFFFFF  }
0x98: {  	s19 =	sld [smem:$0x3FDB];
	_ =	sdelay $0x1  }
0x99: {  	s4 =	simm.s32 $_scs_section_size  }
0x9a: {  	s5 =	simm.s32 $_size__tile_overlayer_lowered;
	s6 =	simm.s32 $_tile_overlayer_lowered  }
0x9b: {  	s22 =	simm.s32 $0x1BFF;
	s21 =	sshll.u32 s6, $0x1;
	s3 =	sadd.s32 s4, s19  }
0x9c: {  	s7 =	simm.s32 $0x0;
	s20 =	sshll.u32 s5, $0x1;
	s5 =	sadd.s32 s21, s3  }
0x9d: {  	[timem:s7], [sflag:s22] =	dma.local [hbm:s5], s20  }
0x9e: {  	_ =	swait.ge [sflag:s22], s20  }
0x9f: {  	s4 =	ssub.s32 $0x0, s20;
	[sflag:s22] =	ssyncset.done $0x0  }
0xa0: {  	[sflag:s22] =	ssyncadd.s32 s4;
	_ =	sdelay $0x1  }
0xa1: {  	s23 =	simm.s32 $0x1B8B  }
0xa2: {  	_ =	swait.ge [sflag:s23], $0x1  }
0xa3: {  	[sflag:s23] =	ssyncset.done $0x0  }
0xa4: {  	s25 =	simm.s32 $0x1B8E;
	s24 =	sld [smem:$0x3FFE];
	[sflag:s23] =	ssyncadd.s32 $0xFFFFFFFF  }
0xa5: {  	s26 =	simm.s32 $execute0_lowered;
	[smem:$0x3FD2] =	sst s25  }
0xa6: {  	s5 =	sshll.u32 s26, $0x1;
	_ =	strace $0x80000046;
	[dreg:$0x1] =	wrdreg $0xFFFFFFFF  }
0xa7: {  	s28 =	simm.s32 $_size_execute0_lowered;
	s3 =	sadd.s32 s3, s5;
	[dreg:$0x0] =	wrdreg $0x0  }
0xa8: {  	s5 =	sshll.u32 s28, $0x1;
	[dreg:$0x2] =	wrdreg s3  }
0xa9: {  	[dreg:$0x3] =	wrdreg s5  }
0xaa: {  	[dreg:$0x4] =	wrdreg $0xC0  }
0xab: {  	_ =	task [dreg:s7], $0x5FFFF  }
0xac: {  	[dreg:$0x1] =	wrdreg $0xFFFFFFFF  }
0xad: {  	[dreg:$0x0] =	wrdreg $0x60  }
0xae: {  	[dreg:$0x2] =	wrdreg s24  }
0xaf: {  	[dreg:$0x3] =	wrdreg s2  }
0xb0: {  	[dreg:$0x4] =	wrdreg $0xC1800  }
0xb1: {  	[dreg:$0x5] =	wrdreg $0x9  }
0xb2: {  	_ =	task.clear_ibuf [dreg:s7], $0x6FFFF;
	_ =	strace $0x90000046  }
0xb3: {  	s29 =	simm.s32 $0x9;
	_ =	strace $0x80000048  }
0xb4: {  	_ =	swait.ge [sflag:s29], $0x1  }
0xb5: {  	[sflag:s29] =	ssyncadd.s32 $0xFFFFFFFF  }
0xb6: {  	_ =	strace $0x90000048  }
0xb7: {  	_ =	sfence  }
0xb8: {  	s30 =	sld [smem:$0x0];
	_ =	sdelay $0x2  }
0xb9: {  	s31 =	sshll.u32 s1, $0xD;
	s1 =	sshrl.u32 s1, $0x2  }
0xba: {  	s3 =	sand.u32 $0x4000, s31;
	s1 =	sadd.s32 s1, s30  }
0xbb: {  	s0 =	sor.u32 s3, s0;
	s1 =	sshll.u32 s1, $0x11  }
0xbc: {  	s0 =	sor.u32 s1, s0  }
0xbd: {  	s0 =	sadd.s32 $0x8F2B, s0  }
0xbe: {  	[sflag:s0] =	ssyncadd.remote.s32 $0x1  }
0xbf: {  	_ =	sfence.sel $0xFFFF  }
0xc0: {  	[dreg:$0x0] =	wrdreg $0xFFFFFFFF;
	(pc) =	sbr.abs _section_cstart, $3  }
0xc1: {  	[dreg:$0x1] =	wrdreg $0xFFFFFFFF  }
0xc2: {  	_ =	task.clear_ibuf [dreg:s7], $0x2FFFF;
	_ =	strace $0x9FFFFFFF  }
0xc3: {  	(tm) =	ssettm $0x7FFFFFFF  }
tec
execute0_lowered:
.L_overlay_start_1:
0x0: {  	(tag) =	ssettag $0x1  }
0x1: {  	s0 =	rddreg [dreg:$0x0]  }
0x2: {  	s3 =	rddreg [dreg:$0x1]  }
0x3: {  	s1 =	rddreg [dreg:$0x2];
	s2 =	simm.s32 $0x0;
	s6 =	srdreg.scid  }
0x4: {  	s14 =	stileid.u32;
	s28 =	simm.s32 $0x1;
	s29 =	simm.s32 $0x4100  }
0x5: {  	[smem:$0x7FF] =	sst s2;
	s4 =	sadd.s32 $0xB200, s0;
	s5 =	sadd.s32 $0x32400, s0  }
0x6: {  	s6 =	sand.u32 $0x1, s6;
	s9 =	smul.u32 $0x4E000, s14;
	s7 =	sadd.s32 $0x59600, s0  }
0x7: {  	s8 =	sadd.s32 $0x1200, s0;
	s26 =	smul.u32 $0x270, s14;
	s19 =	sadd.s32 $0x124800, s1  }
0x8: {  	s25 =	sshll.u32 s14, $0x1;
	s21 =	sadd.s32 $0x128800, s1;
	s22 =	sadd.s32 $0x12C800, s1  }
0x9: {  	s23 =	sadd.s32 $0x130800, s1;
	_ =	strace $0x80000047;
	[dreg:$0x4] =	wrdreg s7  }
0xa: {  	s24 =	sadd.s32 $0x134800, s1;
	p0 =	seq.s32 s14, $0x0;
	[dreg:$0x7] =	wrdreg s19  }
0xb: {  	s7 =	sadd.s32 $0x6200, s0;
	s10 =	ssub.s32 $0x2, s6;
	[dreg:$0x8] =	wrdreg s21  }
0xc: {  	s20 =	smul.u32 $0x2710, s6;
	s6 =	sor.u32 s6, s25;
	[dreg:$0x9] =	wrdreg s22  }
0xd: {  	[dreg:$0xa] =	wrdreg s23;
	s11 =	sshrl.u32 s10, $0x1;
	s12 =	sshrl.u32 s9, $0x2  }
0xe: {  	s9 =	sadd.s32 $0x59800, s0;
	s0 =	ssub.s32 s10, s11;
	s10 =	sadd.s32 s12, s1  }
0xf: {  	[dreg:$0xb] =	wrdreg s24;
	s25 =	sadd.s32 s26, s20;
	s13 =	sadd.s32 $0xD000, s10  }
0x10: {  	s18 =	sadd.s32 $0x10400, s10;
	s11 =	sshll.u32 s25, $0x4;
	[dreg:$0x5] =	wrdreg s13  }
0x11: {  	s0 =	smax.u32 s0, $0x1;
	[dreg:$0x6] =	wrdreg s18;
	s21 =	sadd.s32 s3, s11  }
0x12: {  	s22 =	simm.s32 $0x28;
	[dreg:$0xd] =	wrdreg s0;
	s12 =	sadd.s32 $0x680, s21  }
0x13: {  	s22 =	simm.s32 @!p0 $0x27;
	s13 =	sadd.s32 $0xD00, s21;
	[dreg:$0xc] =	wrdreg s12  }
0x14: {  	p0 =	seq.s32 s14, $0xF;
	s14 =	sadd.s32 $0x1380, s21;
	[dreg:$0xe] =	wrdreg s13  }
0x15: {  	s30 =	simm.s32 $0x8100;
	s18 =	sadd.s32 $0x1A00, s21;
	[dreg:$0xf] =	wrdreg s14  }
0x16: {  	s31 =	simm.s32 $0x0;
	s19 =	sadd.s32 $0x2080, s21;
	[dreg:$0x10] =	wrdreg s18  }
0x17: {  	s26 =	smul.u32 $0x27, s6;
	s20 =	sadd.s32 $0x800, s21;
	[dreg:$0x11] =	wrdreg s19  }
0x18: {  	s15 =	sadd.s32 $0x3400, s10;
	s24 =	sadd.s32 $0x1000, s21;
	[dreg:$0x12] =	wrdreg s20  }
0x19: {  	s11 =	smin.u32 s6, $0x2;
	s25 =	sadd.s32 $0x1800, s21;
	[dreg:$0x13] =	wrdreg s24  }
0x1a: {  	s23 =	sadd.s32 s11, s26;
	s26 =	sadd.s32 $0x2000, s21;
	[dreg:$0x14] =	wrdreg s25  }
0x1b: {  	s16 =	sadd.s32 $0x6800, s10;
	s17 =	sadd.s32 $0x9C00, s10;
	[dreg:$0x15] =	wrdreg s26  }
0x1c: {  	v0 =	vimm.f32 $0.0e+00;
	s24 =	simm.s32 $0x2;
	s25 =	simm.s32 $0x80;
	s26 =	simm.s32 $0x100  }
.LBB2_1:
0x1d: {  	s0 =	simm.s32 $0x200;
	s3 =	simm.s32 $0x0  }
.LBB2_2:
0x1e: {  	p1 =	sne.s32 s0, $0xFE00;
	[tilespmem:s3+$0x8100] =	vst v0;
	s3 =	smov.u32 s0;
	s0 =	sadd.s32 $0x200, s0  }
.Ltmp0:
0x1f: {  	(pc) =	sbr.rel @p1 .LBB2_2-.Ltmp0, $2  }
0x20: {  	_ =	sdelay $0x2  }
0x21: {  	s3 =	sshra.s32 s3, $0x2  }
0x22: {  	[tilespmem:s3+$0x8100] =	vst v0;
	s0 =	simm.s32 @p0 $0x8100;
	s3 =	rddreg [dreg:$0x7]  }
0x23: {  	[spmem:s3] =	stream.linear.scatter @p0 [tilespmem:s0], [sflag:$0x2], $0x4000, $0x38;
	[tilespmem:$0xE890] =	vst v63  }
0x24: {  	s3 =	simm.s32 @p0 $0x2  }
0x25: {  	_ =	swait.ge @p0 [sflag:s3], $0x4000  }
0x26: {  	[sflag:s3] =	ssyncset.done @p0 $0x0  }
0x27: {  	s6 =	rddreg [dreg:$0x8];
	[sflag:s3] =	ssyncadd.s32 @p0 $0xFFFFC000  }
0x28: {  	[spmem:s6] =	stream.linear.scatter @p0 [tilespmem:s0], [sflag:$0x2], $0x4000, $0x38;
	[tilespmem:$0xE890] =	vst v63  }
0x29: {  	_ =	swait.ge @p0 [sflag:s3], $0x4000  }
0x2a: {  	[sflag:s3] =	ssyncset.done @p0 $0x0  }
0x2b: {  	s6 =	rddreg [dreg:$0x9];
	[sflag:s3] =	ssyncadd.s32 @p0 $0xFFFFC000  }
0x2c: {  	[spmem:s6] =	stream.linear.scatter @p0 [tilespmem:s0], [sflag:$0x2], $0x4000, $0x38;
	[tilespmem:$0xE890] =	vst v63  }
0x2d: {  	_ =	swait.ge @p0 [sflag:s3], $0x4000  }
0x2e: {  	[sflag:s3] =	ssyncset.done @p0 $0x0  }
0x2f: {  	s6 =	rddreg [dreg:$0xa];
	[sflag:s3] =	ssyncadd.s32 @p0 $0xFFFFC000  }
0x30: {  	[spmem:s6] =	stream.linear.scatter @p0 [tilespmem:s0], [sflag:$0x2], $0x4000, $0x38;
	[tilespmem:$0xE890] =	vst v63  }
0x31: {  	_ =	swait.ge @p0 [sflag:s3], $0x4000  }
0x32: {  	[sflag:s3] =	ssyncset.done @p0 $0x0  }
0x33: {  	s6 =	rddreg [dreg:$0xb];
	[sflag:s3] =	ssyncadd.s32 @p0 $0xFFFFC000  }
0x34: {  	[spmem:s6] =	stream.linear.scatter @p0 [tilespmem:s0], [sflag:$0x2], $0x4000, $0x38;
	[tilespmem:$0xE890] =	vst v63  }
0x35: {  	_ =	swait.ge @p0 [sflag:s3], $0x4000  }
0x36: {  	[sflag:s3] =	ssyncset.done @p0 $0x0  }
0x37: {  	s0 =	simm.s32 @!p0 $0x8100;
	[sflag:s3] =	ssyncadd.s32 @p0 $0xFFFFC000;
	s3 =	simm.s32 @!p0 $0x2  }
0x38: {  	[spmem:s10] =	stream.linear.scatter @!p0 [tilespmem:s0], [sflag:$0x2], $0x3400, $0x38;
	[tilespmem:$0xE890] =	vst v63  }
0x39: {  	_ =	swait.ge @!p0 [sflag:s3], $0x3400  }
0x3a: {  	[sflag:s3] =	ssyncset.done @!p0 $0x0  }
0x3b: {  	[sflag:s3] =	ssyncadd.s32 @!p0 $0xFFFFCC00  }
0x3c: {  	[spmem:s15] =	stream.linear.scatter @!p0 [tilespmem:s0], [sflag:$0x2], $0x3400, $0x38;
	[tilespmem:$0xE890] =	vst v63  }
0x3d: {  	_ =	swait.ge @!p0 [sflag:s3], $0x3400  }
0x3e: {  	[sflag:s3] =	ssyncset.done @!p0 $0x0  }
0x3f: {  	[sflag:s3] =	ssyncadd.s32 @!p0 $0xFFFFCC00  }
0x40: {  	[spmem:s16] =	stream.linear.scatter @!p0 [tilespmem:s0], [sflag:$0x2], $0x3400, $0x38;
	[tilespmem:$0xE890] =	vst v63  }
0x41: {  	_ =	swait.ge @!p0 [sflag:s3], $0x3400  }
0x42: {  	[sflag:s3] =	ssyncset.done @!p0 $0x0  }
0x43: {  	[sflag:s3] =	ssyncadd.s32 @!p0 $0xFFFFCC00  }
0x44: {  	[spmem:s17] =	stream.linear.scatter @!p0 [tilespmem:s0], [sflag:$0x2], $0x3400, $0x38;
	[tilespmem:$0xE890] =	vst v63  }
0x45: {  	_ =	swait.ge @!p0 [sflag:s3], $0x3400  }
0x46: {  	[sflag:s3] =	ssyncset.done @!p0 $0x0  }
0x47: {  	s6 =	rddreg [dreg:$0x5];
	[sflag:s3] =	ssyncadd.s32 @!p0 $0xFFFFCC00  }
0x48: {  	[spmem:s6] =	stream.linear.scatter @!p0 [tilespmem:s0], [sflag:$0x2], $0x3400, $0x38;
	[tilespmem:$0xE890] =	vst v63  }
0x49: {  	_ =	swait.ge @!p0 [sflag:s3], $0x3400  }
0x4a: {  	[sflag:s3] =	ssyncset.done @!p0 $0x0  }
0x4b: {  	s6 =	rddreg [dreg:$0x6];
	[sflag:s3] =	ssyncadd.s32 @!p0 $0xFFFFCC00  }
0x4c: {  	[spmem:s6] =	stream.linear.scatter @!p0 [tilespmem:s0], [sflag:$0x2], $0x3400, $0x38;
	[tilespmem:$0xE890] =	vst v63  }
0x4d: {  	_ =	swait.ge @!p0 [sflag:s3], $0x3400  }
0x4e: {  	[sflag:s3] =	ssyncset.done @!p0 $0x0  }
0x4f: {  	[sflag:s3] =	ssyncadd.s32 @!p0 $0xFFFFCC00  }
0x50: {  	s19 =	smov.u32 s16;
	s20 =	smov.u32 s17;
	[bflag:$0x0] =	sbarrier.arrive $0xFFFF  }
0x51: {  	s17 =	simm.s32 $0xC100;
	s0 =	simm.s32 $0x0;
	s16 =	rddreg [dreg:$0x4]  }
0x52: {  	[tilespmem:s17], [sflag:$0x2] =	stream.linear.gather [hbm4b:s16+s0], $0x80, $0x38;
	[tilespmem:$0xE890] =	vst v63  }
0x53: {  	_ =	swait.ge [sflag:s24], $0x80  }
0x54: {  	[sflag:s24] =	ssyncset.done $0x0  }
0x55: {  	[sflag:s24] =	ssyncadd.s32 $0xFFFFFF80  }
0x56: {  	v1 =	vld [tilespmem:$0xC100];
	_ =	sdelay $0x1  }
0x57: {  	s18 =	smov.u32 s15;
	s3 =	simm.s32 $0x0  }
.LBB2_4:
0x58: {  	s6 =	sadd.s32 s3, s23  }
0x59: {  	s11 =	sshll.u32 s6, $0x4  }
0x5a: {  	s11 =	sand.u32 $0x1FFFFFF0, s11  }
0x5b: {  	s12 =	sadd.s32 s7, s11  }
0x5c: {  	[tilespmem:s0], [sflag:$0x2] =	stream.linear.gather [hbm4b:s12+s0], $0x80, $0x38;
	[tilespmem:$0xE890] =	vst v63  }
0x5d: {  	_ =	swait.ge [sflag:s24], $0x80  }
0x5e: {  	[sflag:s24] =	ssyncset.done $0x0  }
0x5f: {  	s11 =	sadd.s32 s8, s11;
	[sflag:s24] =	ssyncadd.s32 $0xFFFFFF80  }
0x60: {  	[tilespmem:s25], [sflag:$0x2] =	stream.linear.gather [hbm4b:s11+s0], $0x80, $0x38;
	[tilespmem:$0xE890] =	vst v63  }
0x61: {  	_ =	swait.ge [sflag:s24], $0x80  }
0x62: {  	[sflag:s24] =	ssyncset.done $0x0  }
0x63: {  	[sflag:s24] =	ssyncadd.s32 $0xFFFFFF80  }
0x64: {  	[tilespmem:s26], [sflag:$0x1] =	stream.indirect.gather [hbm4b:s4+s25], $0x80, s0, s25, $0xb8;
	[tilespmem:$0xE890] =	vst v63  }
0x65: {  	_ =	swait.ge [sflag:s28], $0x4000  }
0x66: {  	[sflag:s28] =	ssyncset.done $0x0  }
0x67: {  	[sflag:s28] =	ssyncadd.s32 $0xFFFFC000  }
0x68: {  	[tilespmem:s29], [sflag:$0x1] =	stream.indirect.gather [hbm4b:s5+s25], $0x80, s25, s25, $0xb8;
	[tilespmem:$0xE890] =	vst v63  }
0x69: {  	_ =	swait.ge [sflag:s28], $0x4000  }
0x6a: {  	[sflag:s28] =	ssyncset.done $0x0  }
0x6b: {  	s11 =	simm.s32 $0x0;
	[sflag:s28] =	ssyncadd.s32 $0xFFFFC000  }
0x6c: {  	v2 =	vld [tilespmem:s11+$0x180]  }
0x6d: {  	v3 =	vld [tilespmem:s11+$0x4180]  }
0x6e: {  	v4 =	vld [tilespmem:s11+$0x100]  }
0x6f: {  	s12 =	simm.s32 $0x100;
	v5 =	vld [tilespmem:s11+$0x4100]  }
0x70: {  	v6 =	vld [tilespmem:s12+$0x180]  }
0x71: {  	v7 =	vld [tilespmem:s12+$0x4180];
	_ =	sdelay $0x1  }
0x72: {  	v8 =	vld [tilespmem:s12+$0x100];
	v2 =	vadd.f32 v3, v2;
	v3 =	vadd.f32 v3, v1  }
0x73: {  	v11 =	vld [tilespmem:s12+$0x4100]  }
0x74: {  	v4 =	vadd.f32 v5, v4;
	v9 =	vmul.f32 $2.000000030e-01, v2;
	v10 =	vmul.f32 $2.000000030e-01, v3  }
0x75: {  	v5 =	vadd.f32 v5, v1;
	v6 =	vadd.f32 v7, v6  }
0x76: {  	s13 =	simm.s32 $0x200;
	v2 =	vmax.f32 v2, v9;
	v3 =	vmax.f32 v3, v10;
	v9 =	vmul.f32 $2.000000030e-01, v4  }
0x77: {  	v7 =	vadd.f32 v7, v1;
	v10 =	vmul.f32 $2.000000030e-01, v5;
	v2 =	vsub.f32 v2, v3;
	v3 =	vld [tilespmem:s13+$0x180]  }
0x78: {  	v8 =	vadd.f32 v11, v8;
	v12 =	vmul.f32 $2.000000030e-01, v6;
	v4 =	vmax.f32 v4, v9;
	v9 =	vld [tilespmem:s13+$0x4180]  }
0x79: {  	v13 =	vmul.f32 $2.000000030e-01, v7;
	v5 =	vmax.f32 v5, v10;
	v2 =	vmul.f32 $1.442695020e+00, v2  }
0x7a: {  	v14 =	vld [tilespmem:s13+$0x4100];
	v11 =	vadd.f32 v11, v1;
	v4 =	vsub.f32 v4, v5  }
0x7b: {  	v10 =	vld [tilespmem:s13+$0x100];
	v5 =	vmax.f32 v6, v12;
	v6 =	vmax.f32 v7, v13;
	(erf) = vpow2.f32 v2  }
0x7c: {  	s14 =	simm.s32 $0x300;
	v5 =	vsub.f32 v5, v6;
	v2 =	vmul.f32 $2.000000030e-01, v8;
	v4 =	vmul.f32 $1.442695020e+00, v4  }
0x7d: {  	v7 =	vmul.f32 $2.000000030e-01, v11;
	v6 =	vld [tilespmem:s14+$0x180];
	v3 =	vadd.f32 v9, v3;
	v9 =	vadd.f32 v9, v1  }
0x7e: {  	v2 =	vmax.f32 v8, v2;
	v8 =	vld [tilespmem:s14+$0x4180];
	(erf) = vpow2.f32 v4  }
0x7f: {  	v7 =	vmax.f32 v11, v7;
	v11 =	vmul.f32 $2.000000030e-01, v3;
	v12 =	vmul.f32 $2.000000030e-01, v9  }
0x80: {  	v13 =	vld [tilespmem:s14+$0x4100];
	v5 =	vmul.f32 $1.442695020e+00, v5;
	v10 =	vadd.f32 v14, v10;
	v14 =	vadd.f32 v14, v1  }
0x81: {  	v4 =	vld [tilespmem:s14+$0x100];
	v2 =	vsub.f32 v2, v7;
	v3 =	vmax.f32 v3, v11;
	v7 =	vmax.f32 v9, v12  }
0x82: {  	(erf) = vpow2.f32 v5;
	v9 =	vmul.f32 $2.000000030e-01, v14;
	v7 =	vsub.f32 v3, v7  }
0x83: {  	v5 =	vmul.f32 $2.000000030e-01, v10;
	v11 =	vmul.f32 $1.442695020e+00, v2;
	v12 =	vadd.f32 v8, v6  }
0x84: {  	s15 =	simm.s32 $0x400;
	v8 =	vadd.f32 v8, v1;
	v9 =	vmax.f32 v14, v9;
	v14 =	vmul.f32 $1.442695020e+00, v7  }
0x85: {  	v2 =	vld [tilespmem:s15+$0x180];
	v5 =	vmax.f32 v10, v5;
	v6 =	vpop (erf);
	(erf) = vpow2.f32 v11;
	v11 =	vmul.f32 $2.000000030e-01, v12  }
0x86: {  	v3 =	vld [tilespmem:s15+$0x4180];
	v15 =	vmul.f32 $2.000000030e-01, v8;
	[tilespmem:s11+$0x8180] =	vst v6;
	v6 =	vadd.f32 v13, v4;
	(erf) = vpow2.f32 v14  }
0x87: {  	v7 =	vadd.f32 v13, v1;
	v10 =	vsub.f32 v5, v9;
	v4 =	vld [tilespmem:s15+$0x100]  }
0x88: {  	s16 =	simm.s32 $0x1400;
	v5 =	vld [tilespmem:s15+$0x4100];
	v11 =	vmax.f32 v12, v11;
	v12 =	vmax.f32 v8, v15;
	v8 =	vpop (erf);
	v9 =	vmul.f32 $2.000000030e-01, v6  }
.LBB2_5:
0x89: {  	s17 =	sshra.s32 s16, $0x2;
	v13 =	vmul.f32 $2.000000030e-01, v7  }
0x8a: {  	v11 =	vsub.f32 v11, v12;
	v10 =	vmul.f32 $1.442695020e+00, v10;
	[tilespmem:s11+$0x8100] =	vst v8;
	s11 =	smov.u32 s12;
	s12 =	smov.u32 s13;
	p1 =	sne.s32 s16, $0xFC00  }
.Ltmp1:
0x8b: {  	s16 =	sadd.s32 $0x400, s16;
	v8 =	vadd.f32 v3, v2;
	v2 =	vld [tilespmem:s17+$0x180];
	v12 =	vadd.f32 v3, v1;
	v9 =	vmax.f32 v6, v9;
	v6 =	vpop (erf);
	(pc) =	sbr.rel @p1 .LBB2_5-.Ltmp1, $4  }
0x8c: {  	s13 =	smov.u32 s14;
	s14 =	smov.u32 s15;
	s15 =	smov.u32 s17;
	v3 =	vld [tilespmem:s17+$0x4180];
	v13 =	vmax.f32 v7, v13;
	v11 =	vmul.f32 $1.442695020e+00, v11;
	(erf) = vpow2.f32 v10;
	[tilespmem:s11+$0x8180] =	vst v6  }
0x8d: {  	v6 =	vadd.f32 v5, v4;
	v4 =	vld [tilespmem:s15+$0x100];
	v14 =	vmul.f32 $2.000000030e-01, v8;
	v15 =	vmul.f32 $2.000000030e-01, v12  }
0x8e: {  	v7 =	vadd.f32 v5, v1;
	v10 =	vsub.f32 v9, v13;
	v5 =	vld [tilespmem:s15+$0x4100];
	(erf) = vpow2.f32 v11  }
0x8f: {  	v9 =	vmul.f32 $2.000000030e-01, v6;
	v11 =	vmax.f32 v8, v14;
	v12 =	vmax.f32 v12, v15;
	v8 =	vpop (erf)  }
0x90: {  	_ = 	snop  }
0x91: {  	v13 =	vmul.f32 $2.000000030e-01, v7;
	v11 =	vsub.f32 v11, v12  }
0x92: {  	v10 =	vmul.f32 $1.442695020e+00, v10;
	v2 =	vadd.f32 v3, v2;
	v3 =	vadd.f32 v3, v1  }
0x93: {  	v11 =	vmul.f32 $1.442695020e+00, v11;
	v4 =	vadd.f32 v5, v4;
	v57 =	vadd.f32 v5, v1  }
0x94: {  	v6 =	vmax.f32 v6, v9;
	v58 =	vmul.f32 $2.000000030e-01, v2;
	v59 =	vmul.f32 $2.000000030e-01, v3  }
0x95: {  	v7 =	vmax.f32 v7, v13;
	v60 =	vmul.f32 $2.000000030e-01, v4;
	v61 =	vmul.f32 $2.000000030e-01, v57  }
0x96: {  	v6 =	vsub.f32 v6, v7;
	v2 =	vmax.f32 v2, v58;
	v3 =	vmax.f32 v3, v59  }
0x97: {  	v2 =	vsub.f32 v2, v3;
	v3 =	vmax.f32 v4, v60;
	v62 =	vmax.f32 v57, v61  }
0x98: {  	(erf) = vpow2.f32 v10;
	v63 =	vmul.f32 $1.442695020e+00, v6;
	v3 =	vsub.f32 v3, v62  }
0x99: {  	(erf) = vpow2.f32 v11;
	v2 =	vmul.f32 $1.442695020e+00, v2  }
0x9a: {  	(erf) = vpow2.f32 v63;
	v3 =	vmul.f32 $1.442695020e+00, v3  }
0x9b: {  	(erf) = vpow2.f32 v2  }
0x9c: {  	(erf) = vpow2.f32 v3;
	_ =	sdelay $0x1  }
0x9d: {  	[tilespmem:s11+$0x8100] =	vst v8;
	v2 =	vpop (erf)  }
0x9e: {  	[tilespmem:s12+$0x8180] =	vst v2;
	v3 =	vpop (erf)  }
0x9f: {  	v2 =	vpop (erf);
	[tilespmem:s12+$0x8100] =	vst v3  }
0xa0: {  	v3 =	vpop (erf);
	[tilespmem:s13+$0x8180] =	vst v2  }
0xa1: {  	[tilespmem:s13+$0x8100] =	vst v3;
	v2 =	vpop (erf)  }
0xa2: {  	[tilespmem:s14+$0x8180] =	vst v2;
	v2 =	vpop (erf)  }
0xa3: {  	s6 =	sshll.u32 s6, $0xB;
	[tilespmem:s14+$0x8100] =	vst v2;
	v2 =	vpop (erf)  }
0xa4: {  	s6 =	sand.u32 $0x1FFFF800, s6;
	[tilespmem:s15+$0x8180] =	vst v2;
	v2 =	vpop (erf)  }
0xa5: {  	s6 =	sadd.s32 s9, s6;
	[tilespmem:s15+$0x8100] =	vst v2  }
0xa6: {  	[hbm4b:s6+s2] =	stream.linear.scatter [tilespmem:s30], [sflag:$0x2], $0x4000, $0x38;
	[tilespmem:$0xE890] =	vst v63  }
0xa7: {  	s3 =	sadd.s32 $0x1, s3;
	_ =	swait.ge [sflag:s24], $0x4000  }
0xa8: {  	p1 =	sne.s32 s3, s22;
	[sflag:s24] =	ssyncset.done $0x0  }
.Ltmp2:
0xa9: {  	[sflag:s24] =	ssyncadd.s32 $0xFFFFC000;
	(pc) =	sbr.rel @p1 .LBB2_4-.Ltmp2, $4  }
0xaa: {  	[spmem:s1] =	stream.indirect.scatter.add.f32 [tilespmem:s30], [sflag:$0x2], $0x10, s25, s25, $0xb8;
	[tilespmem:$0xE890] =	vst v63  }
0xab: {  	_ =	swait.ge [sflag:s24], $0x800  }
0xac: {  	[sflag:s24] =	ssyncset.done $0x0  }
0xad: {  	[sflag:s24] =	ssyncadd.s32 $0xFFFFF800  }
0xae: {  	[bflag:$0x0] =	sbarrier.arrive $0xFFFF  }
0xaf: {  	s0 =	simm.s32 @p0 $0x8100;
	s3 =	rddreg [dreg:$0x7]  }
0xb0: {  	[tilespmem:s0], [sflag:$0x2] =	stream.linear.gather @p0 [spmem:s3], $0x4000, $0x38;
	[tilespmem:$0xE890] =	vst v63  }
0xb1: {  	s3 =	simm.s32 @p0 $0x2  }
0xb2: {  	_ =	swait.ge @p0 [sflag:s3], $0x4000  }
0xb3: {  	[sflag:s3] =	ssyncset.done @p0 $0x0  }
0xb4: {  	s6 =	simm.s32 @p0 $0x0;
	[sflag:s3] =	ssyncadd.s32 @p0 $0xFFFFC000  }
0xb5: {  	[hbm4b:s21+s6] =	stream.linear.scatter @p0 [tilespmem:s0], [sflag:$0x2], $0x4000, $0x38;
	[tilespmem:$0xE890] =	vst v63  }
0xb6: {  	_ =	swait.ge @p0 [sflag:s3], $0x4000  }
0xb7: {  	[sflag:s3] =	ssyncset.done @p0 $0x0  }
0xb8: {  	s11 =	rddreg [dreg:$0x8];
	[sflag:s3] =	ssyncadd.s32 @p0 $0xFFFFC000  }
0xb9: {  	[tilespmem:s0], [sflag:$0x2] =	stream.linear.gather @p0 [spmem:s11], $0x4000, $0x38;
	[tilespmem:$0xE890] =	vst v63  }
0xba: {  	_ =	swait.ge @p0 [sflag:s3], $0x4000  }
0xbb: {  	[sflag:s3] =	ssyncset.done @p0 $0x0  }
0xbc: {  	s11 =	rddreg [dreg:$0x12];
	[sflag:s3] =	ssyncadd.s32 @p0 $0xFFFFC000  }
0xbd: {  	[hbm4b:s11+s6] =	stream.linear.scatter @p0 [tilespmem:s0], [sflag:$0x2], $0x4000, $0x38;
	[tilespmem:$0xE890] =	vst v63  }
0xbe: {  	_ =	swait.ge @p0 [sflag:s3], $0x4000  }
0xbf: {  	[sflag:s3] =	ssyncset.done @p0 $0x0  }
0xc0: {  	s11 =	rddreg [dreg:$0x9];
	[sflag:s3] =	ssyncadd.s32 @p0 $0xFFFFC000  }
0xc1: {  	[tilespmem:s0], [sflag:$0x2] =	stream.linear.gather @p0 [spmem:s11], $0x4000, $0x38;
	[tilespmem:$0xE890] =	vst v63  }
0xc2: {  	_ =	swait.ge @p0 [sflag:s3], $0x4000  }
0xc3: {  	[sflag:s3] =	ssyncset.done @p0 $0x0  }
0xc4: {  	s11 =	rddreg [dreg:$0x13];
	[sflag:s3] =	ssyncadd.s32 @p0 $0xFFFFC000  }
0xc5: {  	[hbm4b:s11+s6] =	stream.linear.scatter @p0 [tilespmem:s0], [sflag:$0x2], $0x4000, $0x38;
	[tilespmem:$0xE890] =	vst v63  }
0xc6: {  	_ =	swait.ge @p0 [sflag:s3], $0x4000  }
0xc7: {  	[sflag:s3] =	ssyncset.done @p0 $0x0  }
0xc8: {  	s11 =	rddreg [dreg:$0xa];
	[sflag:s3] =	ssyncadd.s32 @p0 $0xFFFFC000  }
0xc9: {  	[tilespmem:s0], [sflag:$0x2] =	stream.linear.gather @p0 [spmem:s11], $0x4000, $0x38;
	[tilespmem:$0xE890] =	vst v63  }
0xca: {  	_ =	swait.ge @p0 [sflag:s3], $0x4000  }
0xcb: {  	[sflag:s3] =	ssyncset.done @p0 $0x0  }
0xcc: {  	s11 =	rddreg [dreg:$0x14];
	[sflag:s3] =	ssyncadd.s32 @p0 $0xFFFFC000  }
0xcd: {  	[hbm4b:s11+s6] =	stream.linear.scatter @p0 [tilespmem:s0], [sflag:$0x2], $0x4000, $0x38;
	[tilespmem:$0xE890] =	vst v63  }
0xce: {  	_ =	swait.ge @p0 [sflag:s3], $0x4000  }
0xcf: {  	[sflag:s3] =	ssyncset.done @p0 $0x0  }
0xd0: {  	s11 =	rddreg [dreg:$0xb];
	[sflag:s3] =	ssyncadd.s32 @p0 $0xFFFFC000  }
0xd1: {  	[tilespmem:s0], [sflag:$0x2] =	stream.linear.gather @p0 [spmem:s11], $0x4000, $0x38;
	[tilespmem:$0xE890] =	vst v63  }
0xd2: {  	_ =	swait.ge @p0 [sflag:s3], $0x4000  }
0xd3: {  	[sflag:s3] =	ssyncset.done @p0 $0x0  }
0xd4: {  	s11 =	rddreg [dreg:$0x15];
	[sflag:s3] =	ssyncadd.s32 @p0 $0xFFFFC000  }
0xd5: {  	[hbm4b:s11+s6] =	stream.linear.scatter @p0 [tilespmem:s0], [sflag:$0x2], $0x4000, $0x38;
	[tilespmem:$0xE890] =	vst v63  }
0xd6: {  	_ =	swait.ge @p0 [sflag:s3], $0x4000  }
0xd7: {  	[sflag:s3] =	ssyncset.done @p0 $0x0  }
0xd8: {  	s0 =	simm.s32 @!p0 $0x8100;
	[sflag:s3] =	ssyncadd.s32 @p0 $0xFFFFC000;
	s3 =	simm.s32 @!p0 $0x2  }
0xd9: {  	[tilespmem:s0], [sflag:$0x2] =	stream.linear.gather @!p0 [spmem:s10], $0x3400, $0x38;
	[tilespmem:$0xE890] =	vst v63  }
0xda: {  	_ =	swait.ge @!p0 [sflag:s3], $0x3400  }
0xdb: {  	[sflag:s3] =	ssyncset.done @!p0 $0x0  }
0xdc: {  	s6 =	simm.s32 @!p0 $0x0;
	[sflag:s3] =	ssyncadd.s32 @!p0 $0xFFFFCC00  }
0xdd: {  	[hbm4b:s21+s6] =	stream.linear.scatter @!p0 [tilespmem:s0], [sflag:$0x2], $0x3400, $0x38;
	[tilespmem:$0xE890] =	vst v63  }
0xde: {  	_ =	swait.ge @!p0 [sflag:s3], $0x3400  }
0xdf: {  	[sflag:s3] =	ssyncset.done @!p0 $0x0  }
0xe0: {  	[sflag:s3] =	ssyncadd.s32 @!p0 $0xFFFFCC00  }
0xe1: {  	[tilespmem:s0], [sflag:$0x2] =	stream.linear.gather @!p0 [spmem:s18], $0x3400, $0x38;
	[tilespmem:$0xE890] =	vst v63  }
0xe2: {  	_ =	swait.ge @!p0 [sflag:s3], $0x3400  }
0xe3: {  	[sflag:s3] =	ssyncset.done @!p0 $0x0  }
0xe4: {  	s11 =	rddreg [dreg:$0xc];
	[sflag:s3] =	ssyncadd.s32 @!p0 $0xFFFFCC00  }
0xe5: {  	[hbm4b:s11+s6] =	stream.linear.scatter @!p0 [tilespmem:s0], [sflag:$0x2], $0x3400, $0x38;
	[tilespmem:$0xE890] =	vst v63  }
0xe6: {  	_ =	swait.ge @!p0 [sflag:s3], $0x3400  }
0xe7: {  	[sflag:s3] =	ssyncset.done @!p0 $0x0  }
0xe8: {  	[sflag:s3] =	ssyncadd.s32 @!p0 $0xFFFFCC00  }
0xe9: {  	[tilespmem:s0], [sflag:$0x2] =	stream.linear.gather @!p0 [spmem:s19], $0x3400, $0x38;
	[tilespmem:$0xE890] =	vst v63  }
0xea: {  	_ =	swait.ge @!p0 [sflag:s3], $0x3400  }
0xeb: {  	[sflag:s3] =	ssyncset.done @!p0 $0x0  }
0xec: {  	s11 =	rddreg [dreg:$0xe];
	[sflag:s3] =	ssyncadd.s32 @!p0 $0xFFFFCC00  }
0xed: {  	[hbm4b:s11+s6] =	stream.linear.scatter @!p0 [tilespmem:s0], [sflag:$0x2], $0x3400, $0x38;
	[tilespmem:$0xE890] =	vst v63  }
0xee: {  	_ =	swait.ge @!p0 [sflag:s3], $0x3400  }
0xef: {  	[sflag:s3] =	ssyncset.done @!p0 $0x0  }
0xf0: {  	[sflag:s3] =	ssyncadd.s32 @!p0 $0xFFFFCC00  }
0xf1: {  	[tilespmem:s0], [sflag:$0x2] =	stream.linear.gather @!p0 [spmem:s20], $0x3400, $0x38;
	[tilespmem:$0xE890] =	vst v63  }
0xf2: {  	_ =	swait.ge @!p0 [sflag:s3], $0x3400  }
0xf3: {  	[sflag:s3] =	ssyncset.done @!p0 $0x0  }
0xf4: {  	s11 =	rddreg [dreg:$0xf];
	[sflag:s3] =	ssyncadd.s32 @!p0 $0xFFFFCC00  }
0xf5: {  	[hbm4b:s11+s6] =	stream.linear.scatter @!p0 [tilespmem:s0], [sflag:$0x2], $0x3400, $0x38;
	[tilespmem:$0xE890] =	vst v63  }
0xf6: {  	_ =	swait.ge @!p0 [sflag:s3], $0x3400  }
0xf7: {  	[sflag:s3] =	ssyncset.done @!p0 $0x0  }
0xf8: {  	s11 =	rddreg [dreg:$0x5];
	[sflag:s3] =	ssyncadd.s32 @!p0 $0xFFFFCC00  }
0xf9: {  	[tilespmem:s0], [sflag:$0x2] =	stream.linear.gather @!p0 [spmem:s11], $0x3400, $0x38;
	[tilespmem:$0xE890] =	vst v63  }
0xfa: {  	_ =	swait.ge @!p0 [sflag:s3], $0x3400  }
0xfb: {  	[sflag:s3] =	ssyncset.done @!p0 $0x0  }
0xfc: {  	s11 =	rddreg [dreg:$0x10];
	[sflag:s3] =	ssyncadd.s32 @!p0 $0xFFFFCC00  }
0xfd: {  	[hbm4b:s11+s6] =	stream.linear.scatter @!p0 [tilespmem:s0], [sflag:$0x2], $0x3400, $0x38;
	[tilespmem:$0xE890] =	vst v63  }
0xfe: {  	_ =	swait.ge @!p0 [sflag:s3], $0x3400  }
0xff: {  	[sflag:s3] =	ssyncset.done @!p0 $0x0  }
0x100: {  	s11 =	rddreg [dreg:$0x6];
	[sflag:s3] =	ssyncadd.s32 @!p0 $0xFFFFCC00  }
0x101: {  	[tilespmem:s0], [sflag:$0x2] =	stream.linear.gather @!p0 [spmem:s11], $0x3400, $0x38;
	[tilespmem:$0xE890] =	vst v63  }
0x102: {  	_ =	swait.ge @!p0 [sflag:s3], $0x3400  }
0x103: {  	[sflag:s3] =	ssyncset.done @!p0 $0x0  }
0x104: {  	s11 =	rddreg [dreg:$0x11];
	[sflag:s3] =	ssyncadd.s32 @!p0 $0xFFFFCC00  }
0x105: {  	[hbm4b:s11+s6] =	stream.linear.scatter @!p0 [tilespmem:s0], [sflag:$0x2], $0x3400, $0x38;
	[tilespmem:$0xE890] =	vst v63  }
0x106: {  	_ =	swait.ge @!p0 [sflag:s3], $0x3400  }
0x107: {  	s17 =	smov.u32 s20;
	s31 =	sadd.s32 $0x1, s31;
	s20 =	rddreg [dreg:$0xd]  }
0x108: {  	p1 =	sne.s32 s31, s20  }
.Ltmp3:
0x109: {  	_ = 	snop;
	(pc) =	sbr.rel @p1 .LBB2_1-.Ltmp3, $3  }
0x10a: {  	_ =	sdelay $0x1  }
0x10b: {  	[sflag:s3] =	ssyncset.done @!p0 $0x0  }
0x10c: {  	s15 =	smov.u32 s18;
	s16 =	smov.u32 s19;
	[sflag:s3] =	ssyncadd.s32 @!p0 $0xFFFFCC00  }
0x10d: {  	_ =	sfence.sel $0x180000  }
0x10e: {  	[bflag:$0x0] =	sbarrier.arrive $0xFFFF  }
0x10f: {  	_ =	strace $0x90000047  }
0x110: {  	s0 =	stileid.u32;
	[bflag:$0x2] =	sbarrier.arrive $0xFFFF  }
0x111: {  	p0 =	sne.s32 s0, $0x0;
	s0 =	rddreg [dreg:$0x3]  }
0x112: {  	s0 =	sadd.s32 @!p0 $0x100000, s0  }
0x113: {  	[sflag:s0] =	ssyncadd.tile.s32 @!p0 $0x1;
	_ =	shalt  }
.Lfunc_end2:
_tile_overlayer_lowered:
.L_overlay_start_2:
0x114: {  	(tag) =	ssettag $0x2  }
0x115: {  	s0 =	rddreg [dreg:$0x0];
	s2 =	stileid.u32  }
0x116: {  	s1 =	rddreg [dreg:$0x1];
	p0 =	sne.s32 s2, $0x0  }
0x117: {  	s3 =	rddreg [dreg:$0x2];
	[bflag:$0x3] =	sbarrier.arrive $0xFFFF;
	s2 =	simm.s32 @!p0 $0x1C02  }
0x118: {  	[timem:s3], [sflag:s2] =	dma.local @!p0 [hbm:s0], s1  }
0x119: {  	s0 =	simm.s32 @!p0 $0x2  }
0x11a: {  	_ =	swait.ge @!p0 [sflag:s0], s1  }
0x11b: {  	s1 =	ssub.s32 @!p0 $0x0, s1;
	[sflag:s0] =	ssyncset.done @!p0 $0x0  }
0x11c: {  	[sflag:s0] =	ssyncadd.s32 @!p0 s1  }
0x11d: {  	[bflag:$0x3] =	sbarrier.arrive $0xFFFF  }
0x11e: {  	_ =	shalt  }

// kernel: kernel.9.cloned.1.call-start
scs
__scs_entry_jumppad:
0x0: {  	(pc) =	sbr.rel $0x88, $3  }
0x1: {  	(tag) =	ssettag $0x0;
	lr =	simm.s32 $0x1  }
0x2: {  	[smem:$0x3F9C] =	sst lr;
	_ =	strace $0xD0000000  }
0x3: {  	_ = 	snop  }
0x4: {  	_ = 	snop  }
0x5: {  	_ = 	snop  }
0x6: {  	_ = 	snop  }
0x7: {  	_ = 	snop  }
__scs_overlays_trampoline_lowered:
0x8: {  	[smem:$0x3FAB] =	sst s0  }
0x9: {  	[smem:$0x3FAC] =	sst s1  }
0xa: {  	[smem:$0x3FAD] =	sst s2  }
0xb: {  	[smem:$0x3FAE] =	sst s3  }
0xc: {  	[smem:$0x3FAF] =	sst s4  }
0xd: {  	[smem:$0x3FB0] =	sst s5  }
0xe: {  	[smem:$0x3FB1] =	sst s6  }
0xf: {  	[smem:$0x3FB2] =	sst s7  }
0x10: {  	[smem:$0x3FB3] =	sst s8  }
0x11: {  	[smem:$0x3FB4] =	sst s9;
	s0 =	simm.s32 @!p0 $0x0  }
0x12: {  	s1 =	sld [smem:$0x3F9A];
	s0 =	simm.s32 @p0 $0x1  }
0x13: {  	[smem:$0x3FB5] =	sst s0;
	s0 =	simm.s32 @!p1 $0x0  }
0x14: {  	s2 =	sld [smem:$0x3F99];
	s0 =	simm.s32 @p1 $0x1  }
0x15: {  	[smem:$0x3FB6] =	sst s0;
	s0 =	simm.s32 @!p2 $0x0  }
0x16: {  	s3 =	sld [smem:$0x3FDB];
	s0 =	simm.s32 @p2 $0x1  }
0x17: {  	s4 =	simm.s32 $0x1BF5;
	[smem:$0x3FB8] =	sst s0  }
0x18: {  	s0 =	sld [smem:$0x3F9B];
	_ =	swait.ge [sflag:s4], $0x0  }
0x19: {  	s7 =	sld [smem:$0x3F9C]  }
0x1a: {  	s8 =	sadd.s32 $0xFFFFE003, lr  }
0x1b: {  	s9 =	sadd.s32 $0xFFFFFEF7, lr;
	s5 =	simm.s32 $0xFFFFFFFF;
	p2 =	slt.u32 s8, $0xFFFFF086  }
0x1c: {  	p1 =	slt.u32 s9, $0xF7A;
	s5 =	simm.s32 @!p2 $0x0  }
0x1d: {  	s5 =	simm.s32 @p1 $0x1;
	p0 =	seq.s32 s7, s2  }
0x1e: {  	s7 =	smul.u32 @!p0 $0xF7A, s2;
	p2 =	seq.s32 @!p0 s5, $0x0  }
0x1f: {  	s9 =	smul.u32 $0xF7A, s1;
	s8 =	simm.s32 @!p0 $0x1BF5;
	p2 =	por !p2, p0  }
0x20: {  	[sflag:s8] =	ssyncset.s32 @!p0 $0xFFFFF086;
	s6 =	sadd.s32 @!p0 s3, s7;
	s7 =	simm.s32 @!p0 $0x108  }
0x21: {  	s3 =	sadd.s32 s3, s9;
	s6 =	sadd.s32 @!p0 $0x88, s6;
	s7 =	simm.s32 @p2 $0x1082  }
0x22: {  	[simem:s7], [sflag:s8] =	dma.local @!p0 [hbm:s6], $0xF7A  }
0x23: {  	s9 =	sor.u32 $0xD0000000, s2;
	s6 =	simm.s32 $0x108;
	_ =	swait.ge @!p0 [sflag:s8], $0x0  }
0x24: {  	s3 =	sadd.s32 $0x88, s3;
	s6 =	simm.s32 @!p1 $0x1082;
	[sflag:s4] =	ssyncset.s32 $0xFFFFF086  }
0x25: {  	[simem:s6], [sflag:s4] =	dma.local [hbm:s3], $0xF7A  }
0x26: {  	[smem:$0x3F9C] =	sst s1;
	(tag) =	ssettag s2;
	_ =	strace s9  }
0x27: {  	s1 =	sld [smem:$0x3FAC]  }
0x28: {  	s2 =	sld [smem:$0x3FAD]  }
0x29: {  	s4 =	sld [smem:$0x3FAF]  }
0x2a: {  	p0 =	seq.s32 s5, $0x0;
	s5 =	sld [smem:$0x3FB0]  }
0x2b: {  	s6 =	sld [smem:$0x3FB1]  }
0x2c: {  	s7 =	sld [smem:$0x3FB2]  }
0x2d: {  	s3 =	simm.s32 $0x108;
	s8 =	sld [smem:$0x3FB3]  }
0x2e: {  	s3 =	simm.s32 @!p0 $0x1082;
	s9 =	sld [smem:$0x3FB4]  }
0x2f: {  	lr =	sadd.s32 s0, s3;
	s0 =	sld [smem:$0x3FAB]  }
0x30: {  	s3 =	sld [smem:$0x3FAE]  }
0x31: {  	[smem:$0x3FB7] =	sst s10  }
0x32: {  	s10 =	sld [smem:$0x3FB5];
	_ =	sdelay $0x3  }
0x33: {  	p0 =	seq.s32 s10, $0x1;
	s10 =	sld [smem:$0x3FB7];
	_ =	sdelay $0x3  }
0x34: {  	[smem:$0x3FB7] =	sst s10  }
0x35: {  	s10 =	sld [smem:$0x3FB6];
	_ =	sdelay $0x3  }
0x36: {  	p1 =	seq.s32 s10, $0x1;
	s10 =	sld [smem:$0x3FB7];
	_ =	sdelay $0x3  }
0x37: {  	[smem:$0x3FB7] =	sst s10  }
0x38: {  	s10 =	sld [smem:$0x3FB8]  }
0x39: {  	_ = 	snop;
	(pc) =	sbr.ind lr, $3  }
0x3a: {  	_ = 	snop  }
0x3b: {  	_ = 	snop  }
0x3c: {  	p2 =	seq.s32 s10, $0x1;
	s10 =	sld [smem:$0x3FB7]  }
0x3d: {  	_ =	shalt  }
0x3e: {  	_ =	shalt  }
0x3f: {  	_ =	shalt  }
0x40: {  	_ =	shalt  }
0x41: {  	_ =	shalt  }
0x42: {  	_ =	shalt  }
0x43: {  	_ =	shalt  }
0x44: {  	_ =	shalt  }
0x45: {  	_ =	shalt  }
0x46: {  	_ =	shalt  }
0x47: {  	_ =	shalt  }
0x48: {  	_ =	shalt  }
0x49: {  	_ =	shalt  }
0x4a: {  	_ =	shalt  }
0x4b: {  	_ =	shalt  }
0x4c: {  	_ =	shalt  }
0x4d: {  	_ =	shalt  }
0x4e: {  	_ =	shalt  }
0x4f: {  	_ =	shalt  }
0x50: {  	_ =	shalt  }
0x51: {  	_ =	shalt  }
0x52: {  	_ =	shalt  }
0x53: {  	_ =	shalt  }
0x54: {  	_ =	shalt  }
0x55: {  	_ =	shalt  }
0x56: {  	_ =	shalt  }
0x57: {  	_ =	shalt  }
0x58: {  	_ =	shalt  }
0x59: {  	_ =	shalt  }
0x5a: {  	_ =	shalt  }
0x5b: {  	_ =	shalt  }
0x5c: {  	_ =	shalt  }
0x5d: {  	_ =	shalt  }
0x5e: {  	_ =	shalt  }
0x5f: {  	_ =	shalt  }
0x60: {  	_ =	shalt  }
0x61: {  	_ =	shalt  }
0x62: {  	_ =	shalt  }
0x63: {  	_ =	shalt  }
0x64: {  	_ =	shalt  }
0x65: {  	_ =	shalt  }
0x66: {  	_ =	shalt  }
0x67: {  	_ =	shalt  }
0x68: {  	_ =	shalt  }
0x69: {  	_ =	shalt  }
0x6a: {  	_ =	shalt  }
0x6b: {  	_ =	shalt  }
0x6c: {  	_ =	shalt  }
0x6d: {  	_ =	shalt  }
0x6e: {  	_ =	shalt  }
0x6f: {  	_ =	shalt  }
0x70: {  	_ =	shalt  }
0x71: {  	_ =	shalt  }
0x72: {  	_ =	shalt  }
0x73: {  	_ =	shalt  }
0x74: {  	_ =	shalt  }
0x75: {  	_ =	shalt  }
0x76: {  	_ =	shalt  }
0x77: {  	_ =	shalt  }
0x78: {  	_ =	shalt  }
0x79: {  	_ =	shalt  }
0x7a: {  	_ =	shalt  }
0x7b: {  	_ =	shalt  }
0x7c: {  	_ =	shalt  }
0x7d: {  	_ =	shalt  }
0x7e: {  	_ =	shalt  }
0x7f: {  	_ =	shalt  }
0x80: {  	_ =	shalt  }
0x81: {  	_ =	shalt  }
0x82: {  	_ =	shalt  }
0x83: {  	_ =	shalt  }
0x84: {  	_ =	shalt  }
0x85: {  	_ =	shalt  }
0x86: {  	_ =	shalt  }
0x87: {  	_ =	shalt  }
.Lfunc_end0:
.L_simem_size_0:
called_computation.1_lowered:
.L_overlay_start_0:
0x88: {  	s2 =	sld [smem:$0x3FD9]  }
0x89: {  	s3 =	sld [smem:$0x3FFE];
	_ =	sdelay $0x1  }
0x8a: {  	s1 =	srdreg.scid  }
0x8b: {  	s0 =	sand.u32 $0x1, s1  }
0x8c: {  	s17 =	sshll.u32 s0, $0xA;
	s2 =	sadd.s32 s3, s2  }
0x8d: {  	s2 =	sadd.s32 s2, s17  }
0x8e: {  	[smem:$0x3FC3] =	sst s2  }
0x8f: {  	_ = 	snop  }
0x90: {  	s2 =	sld [smem:$0x3FD0];
	(tm) =	ssettm $0x1  }
0x91: {  	s18 =	sld [smem:$0x3FFB];
	_ =	sdelay $0x3  }
0x92: {  	_ =	strace s18  }
0x93: {  	s3 =	sld [smem:$0x3FFC];
	_ =	sdelay $0x3  }
0x94: {  	_ =	strace s3  }
0x95: {  	s3 =	sld [smem:$0x3FFD];
	_ =	sdelay $0x3  }
0x96: {  	_ =	strace s3  }
0x97: {  	_ =	strace $0x8FFFFFFF  }
0x98: {  	s19 =	sld [smem:$0x3FDB];
	_ =	sdelay $0x1  }
0x99: {  	s4 =	simm.s32 $_scs_section_size  }
0x9a: {  	s5 =	simm.s32 $_size__tile_overlayer_lowered;
	s6 =	simm.s32 $_tile_overlayer_lowered  }
0x9b: {  	s22 =	simm.s32 $0x1BFF;
	s21 =	sshll.u32 s6, $0x1;
	s3 =	sadd.s32 s4, s19  }
0x9c: {  	s7 =	simm.s32 $0x0;
	s20 =	sshll.u32 s5, $0x1;
	s5 =	sadd.s32 s21, s3  }
0x9d: {  	[timem:s7], [sflag:s22] =	dma.local [hbm:s5], s20  }
0x9e: {  	_ =	swait.ge [sflag:s22], s20  }
0x9f: {  	s4 =	ssub.s32 $0x0, s20;
	[sflag:s22] =	ssyncset.done $0x0  }
0xa0: {  	[sflag:s22] =	ssyncadd.s32 s4;
	_ =	sdelay $0x1  }
0xa1: {  	s23 =	simm.s32 $0x1B8B  }
0xa2: {  	_ =	swait.ge [sflag:s23], $0x1  }
0xa3: {  	[sflag:s23] =	ssyncset.done $0x0  }
0xa4: {  	s25 =	simm.s32 $0x1B8E;
	s24 =	sld [smem:$0x3FFE];
	[sflag:s23] =	ssyncadd.s32 $0xFFFFFFFF  }
0xa5: {  	s26 =	simm.s32 $execute0_lowered;
	[smem:$0x3FD2] =	sst s25  }
0xa6: {  	s5 =	sshll.u32 s26, $0x1;
	_ =	strace $0x80000049;
	[dreg:$0x1] =	wrdreg $0xFFFFFFFF  }
0xa7: {  	s28 =	simm.s32 $_size_execute0_lowered;
	s3 =	sadd.s32 s3, s5;
	[dreg:$0x0] =	wrdreg $0x0  }
0xa8: {  	s5 =	sshll.u32 s28, $0x1;
	[dreg:$0x2] =	wrdreg s3  }
0xa9: {  	[dreg:$0x3] =	wrdreg s5  }
0xaa: {  	[dreg:$0x4] =	wrdreg $0xC0  }
0xab: {  	_ =	task [dreg:s7], $0x5FFFF  }
0xac: {  	[dreg:$0x1] =	wrdreg $0xFFFFFFFF  }
0xad: {  	[dreg:$0x0] =	wrdreg $0x60  }
0xae: {  	[dreg:$0x2] =	wrdreg s2  }
0xaf: {  	[dreg:$0x3] =	wrdreg s24  }
0xb0: {  	[dreg:$0x4] =	wrdreg $0x81800  }
0xb1: {  	[dreg:$0x5] =	wrdreg $0x9  }
0xb2: {  	_ =	task.clear_ibuf [dreg:s7], $0x6FFFF;
	_ =	strace $0x90000049  }
0xb3: {  	s29 =	simm.s32 $0x9;
	_ =	strace $0x8000004B  }
0xb4: {  	_ =	swait.ge [sflag:s29], $0x1  }
0xb5: {  	[sflag:s29] =	ssyncadd.s32 $0xFFFFFFFF  }
0xb6: {  	_ =	strace $0x9000004B  }
0xb7: {  	_ =	sfence  }
0xb8: {  	s30 =	sld [smem:$0x0];
	_ =	sdelay $0x2  }
0xb9: {  	s31 =	sshll.u32 s1, $0xD;
	s1 =	sshrl.u32 s1, $0x2  }
0xba: {  	s3 =	sand.u32 $0x4000, s31;
	s1 =	sadd.s32 s1, s30  }
0xbb: {  	s0 =	sor.u32 s3, s0;
	s1 =	sshll.u32 s1, $0x11  }
0xbc: {  	s0 =	sor.u32 s1, s0  }
0xbd: {  	s0 =	sadd.s32 $0x8F2B, s0  }
0xbe: {  	[sflag:s0] =	ssyncadd.remote.s32 $0x1  }
0xbf: {  	_ =	sfence.sel $0xFFFF  }
0xc0: {  	[dreg:$0x0] =	wrdreg $0xFFFFFFFF;
	(pc) =	sbr.abs _section_cstart, $3  }
0xc1: {  	[dreg:$0x1] =	wrdreg $0xFFFFFFFF  }
0xc2: {  	_ =	task.clear_ibuf [dreg:s7], $0x2FFFF;
	_ =	strace $0x9FFFFFFF  }
0xc3: {  	(tm) =	ssettm $0x7FFFFFFF  }
tec
execute0_lowered:
.L_overlay_start_1:
0x0: {  	(tag) =	ssettag $0x1  }
0x1: {  	s1 =	rddreg [dreg:$0x0]  }
0x2: {  	s0 =	rddreg [dreg:$0x1]  }
0x3: {  	s2 =	rddreg [dreg:$0x2];
	s4 =	simm.s32 $0x0;
	s3 =	srdreg.scid  }
0x4: {  	s21 =	stileid.u32;
	[smem:$0x7FF] =	sst s4  }
0x5: {  	s5 =	sadd.s32 $0x59800, s0;
	s3 =	sand.u32 $0x1, s3;
	s8 =	smul.u32 $0x4E000, s21  }
0x6: {  	s6 =	sadd.s32 $0x6200, s0;
	s10 =	smul.u32 $0x4E, s21;
	s7 =	sadd.s32 $0x1200, s0  }
0x7: {  	s0 =	sadd.s32 $0xB200, s0;
	s13 =	smul.u32 $0x13800, s21;
	p0 =	slt.u32 s21, $0x2  }
0x8: {  	s18 =	smin.u32 s21, $0x2;
	_ =	strace $0x8000004A;
	s9 =	ssub.s32 $0x2, s3  }
0x9: {  	s12 =	smul.u32 $0x138800, s3;
	s11 =	sshrl.u32 s9, $0x1;
	s14 =	sshrl.u32 s8, $0x2  }
0xa: {  	s8 =	simm.s32 $0x4F;
	s15 =	sadd.s32 $0x3400, s13;
	s17 =	sadd.s32 $0x6800, s13  }
0xb: {  	s11 =	ssub.s32 s9, s11;
	s9 =	sadd.s32 s18, s10;
	s19 =	sadd.s32 s13, s12  }
0xc: {  	s20 =	sadd.s32 s12, s15;
	s16 =	sadd.s32 s12, s17;
	s18 =	sadd.s32 $0x9C00, s13  }
0xd: {  	s8 =	simm.s32 @!p0 $0x4E;
	s28 =	sadd.s32 s15, s2;
	p0 =	seq.s32 s21, $0xF  }
0xe: {  	s21 =	simm.s32 $0x4180;
	s10 =	sshrl.u32 s19, $0x3;
	s16 =	sshrl.u32 s16, $0x3  }
0xf: {  	s23 =	sadd.s32 s12, s18;
	s19 =	sadd.s32 $0xD000, s13;
	s13 =	sadd.s32 $0x10400, s13  }
0x10: {  	[dreg:$0xa] =	wrdreg s28;
	s15 =	sadd.s32 s18, s2;
	s10 =	sadd.s32 s0, s10  }
0x11: {  	s22 =	sadd.s32 s0, s16;
	s24 =	sadd.s32 s12, s19;
	s25 =	sadd.s32 s12, s13  }
0x12: {  	s12 =	sshrl.u32 s12, $0x3;
	[dreg:$0xc] =	wrdreg s15;
	s18 =	sadd.s32 s13, s2  }
0x13: {  	s13 =	sadd.s32 $0x130800, s2;
	s15 =	simm.s32 $0x2;
	[dreg:$0x4] =	wrdreg s10  }
0x14: {  	s10 =	sshrl.u32 s20, $0x3;
	[dreg:$0x6] =	wrdreg s22;
	s16 =	sshrl.u32 s25, $0x3  }
0x15: {  	s20 =	smul.u32 $0x2710, s3;
	[dreg:$0xe] =	wrdreg s18;
	s18 =	simm.s32 $0x100  }
0x16: {  	s10 =	sadd.s32 s0, s10;
	s26 =	sadd.s32 s0, s16;
	s16 =	sadd.s32 s14, s2  }
0x17: {  	s14 =	sshllo.u32 s3, $0x2;
	[dreg:$0x5] =	wrdreg s10;
	s10 =	sshrl.u32 s23, $0x3  }
0x18: {  	[dreg:$0x9] =	wrdreg s26;
	s28 =	sadd.s32 $0x3400, s16;
	s29 =	sadd.s32 $0x6800, s16  }
0x19: {  	s30 =	sadd.s32 $0x9C00, s16;
	s31 =	sadd.s32 $0xD000, s16;
	s10 =	sadd.s32 s0, s10  }
0x1a: {  	v4 =	vmov s14;
	s14 =	sadd.s32 $0x134800, s2;
	[dreg:$0x7] =	wrdreg s10;
	s10 =	sshrl.u32 s24, $0x3  }
0x1b: {  	v0 =	vmov s20;
	s20 =	simm.s32 $0x1;
	[dreg:$0x14] =	wrdreg s28;
	s10 =	sadd.s32 s0, s10  }
0x1c: {  	s0 =	sadd.s32 s0, s12;
	s12 =	sadd.s32 s17, s2;
	[dreg:$0x8] =	wrdreg s10  }
0x1d: {  	s17 =	sadd.s32 s19, s2;
	s10 =	sshll.u32 s3, $0x2;
	[dreg:$0xb] =	wrdreg s12  }
0x1e: {  	[dreg:$0xd] =	wrdreg s17;
	s19 =	sadd.s32 $0x24900, s0;
	s22 =	sadd.s32 $0x25100, s0  }
0x1f: {  	s23 =	sadd.s32 $0x25900, s0;
	s24 =	sadd.s32 $0x26100, s0;
	[dreg:$0xf] =	wrdreg s19  }
0x20: {  	s0 =	sadd.s32 $0x26900, s0;
	s3 =	sadd.s32 $0x124800, s2;
	[dreg:$0x10] =	wrdreg s22  }
0x21: {  	s12 =	sadd.s32 $0x12C800, s2;
	[dreg:$0x11] =	wrdreg s23;
	s25 =	sor.u32 $0x1, s10  }
0x22: {  	v4 =	vbroadcast v4, $0x0;
	s17 =	simm.s32 $0x80;
	[dreg:$0x12] =	wrdreg s24;
	s26 =	sor.u32 $0x2, s10;
	v2 =	vmov s25  }
0x23: {  	[dreg:$0x13] =	wrdreg s0;
	s0 =	sadd.s32 $0x10400, s16;
	v1 =	vmov s10;
	s10 =	smax.u32 s11, $0x1;
	v3 =	vmov s26;
	v2 =	vbroadcast v2, $0x0  }
0x24: {  	v5 =	vimm.f32 $0.0e+00;
	s11 =	sadd.s32 $0x128800, s2;
	s19 =	simm.s32 $0x180;
	s22 =	simm.s32 $0x0;
	v1 =	vbroadcast v1, $0x0;
	v3 =	vbroadcast v3, $0x0  }
.LBB2_1:
0x25: {  	s23 =	simm.s32 $0x0;
	s24 =	simm.s32 $0x200  }
.LBB2_2:
0x26: {  	p1 =	sne.s32 s24, $0xFE00;
	[tilespmem:s23+$0x1F0] =	vst v5  }
0x27: {  	[tilespmem:s23+$0x180] =	vst v5  }
0x28: {  	[tilespmem:s23+$0x190] =	vst v5  }
.Ltmp0:
0x29: {  	[tilespmem:s23+$0x1A0] =	vst v5;
	(pc) =	sbr.rel @p1 .LBB2_2-.Ltmp0, $4  }
0x2a: {  	[tilespmem:s23+$0x1B0] =	vst v5  }
0x2b: {  	[tilespmem:s23+$0x1C0] =	vst v5  }
0x2c: {  	[tilespmem:s23+$0x1D0] =	vst v5  }
0x2d: {  	[tilespmem:s23+$0x1E0] =	vst v5;
	s23 =	sshra.s32 s24, $0x2;
	s24 =	sadd.s32 $0x200, s24  }
0x2e: {  	[tilespmem:s23+$0x1F0] =	vst v5  }
0x2f: {  	[tilespmem:s23+$0x180] =	vst v5  }
0x30: {  	[tilespmem:s23+$0x190] =	vst v5  }
0x31: {  	[tilespmem:s23+$0x1A0] =	vst v5  }
0x32: {  	[tilespmem:s23+$0x1B0] =	vst v5  }
0x33: {  	[tilespmem:s23+$0x1C0] =	vst v5  }
0x34: {  	[tilespmem:s23+$0x1D0] =	vst v5  }
0x35: {  	[tilespmem:s23+$0x1E0] =	vst v5;
	s23 =	simm.s32 @p0 $0x180;
	s24 =	simm.s32 @p0 $0x2  }
0x36: {  	[spmem:s3] =	stream.linear.scatter @p0 [tilespmem:s23], [sflag:$0x2], $0x4000, $0x38;
	[tilespmem:$0x1BA00] =	vst v63  }
0x37: {  	_ =	swait.ge @p0 [sflag:s24], $0x4000  }
0x38: {  	[sflag:s24] =	ssyncset.done @p0 $0x0  }
0x39: {  	[sflag:s24] =	ssyncadd.s32 @p0 $0xFFFFC000  }
0x3a: {  	[spmem:s11] =	stream.linear.scatter @p0 [tilespmem:s23], [sflag:$0x2], $0x4000, $0x38;
	[tilespmem:$0x1BA00] =	vst v63  }
0x3b: {  	_ =	swait.ge @p0 [sflag:s24], $0x4000  }
0x3c: {  	[sflag:s24] =	ssyncset.done @p0 $0x0  }
0x3d: {  	[sflag:s24] =	ssyncadd.s32 @p0 $0xFFFFC000  }
0x3e: {  	[spmem:s12] =	stream.linear.scatter @p0 [tilespmem:s23], [sflag:$0x2], $0x4000, $0x38;
	[tilespmem:$0x1BA00] =	vst v63  }
0x3f: {  	_ =	swait.ge @p0 [sflag:s24], $0x4000  }
0x40: {  	[sflag:s24] =	ssyncset.done @p0 $0x0  }
0x41: {  	[sflag:s24] =	ssyncadd.s32 @p0 $0xFFFFC000  }
0x42: {  	[spmem:s13] =	stream.linear.scatter @p0 [tilespmem:s23], [sflag:$0x2], $0x4000, $0x38;
	[tilespmem:$0x1BA00] =	vst v63  }
0x43: {  	_ =	swait.ge @p0 [sflag:s24], $0x4000  }
0x44: {  	[sflag:s24] =	ssyncset.done @p0 $0x0  }
0x45: {  	[sflag:s24] =	ssyncadd.s32 @p0 $0xFFFFC000  }
0x46: {  	[spmem:s14] =	stream.linear.scatter @p0 [tilespmem:s23], [sflag:$0x2], $0x4000, $0x38;
	[tilespmem:$0x1BA00] =	vst v63  }
0x47: {  	_ =	swait.ge @p0 [sflag:s24], $0x4000  }
0x48: {  	[sflag:s24] =	ssyncset.done @p0 $0x0  }
0x49: {  	s23 =	simm.s32 @!p0 $0x180;
	[sflag:s24] =	ssyncadd.s32 @p0 $0xFFFFC000;
	s24 =	simm.s32 @!p0 $0x2  }
0x4a: {  	[spmem:s16] =	stream.linear.scatter @!p0 [tilespmem:s23], [sflag:$0x2], $0x3400, $0x38;
	[tilespmem:$0x1BA00] =	vst v63  }
0x4b: {  	_ =	swait.ge @!p0 [sflag:s24], $0x3400  }
0x4c: {  	[sflag:s24] =	ssyncset.done @!p0 $0x0  }
0x4d: {  	s25 =	rddreg [dreg:$0x14];
	[sflag:s24] =	ssyncadd.s32 @!p0 $0xFFFFCC00  }
0x4e: {  	[spmem:s25] =	stream.linear.scatter @!p0 [tilespmem:s23], [sflag:$0x2], $0x3400, $0x38;
	[tilespmem:$0x1BA00] =	vst v63  }
0x4f: {  	_ =	swait.ge @!p0 [sflag:s24], $0x3400  }
0x50: {  	[sflag:s24] =	ssyncset.done @!p0 $0x0  }
0x51: {  	[sflag:s24] =	ssyncadd.s32 @!p0 $0xFFFFCC00  }
0x52: {  	[spmem:s29] =	stream.linear.scatter @!p0 [tilespmem:s23], [sflag:$0x2], $0x3400, $0x38;
	[tilespmem:$0x1BA00] =	vst v63  }
0x53: {  	_ =	swait.ge @!p0 [sflag:s24], $0x3400  }
0x54: {  	[sflag:s24] =	ssyncset.done @!p0 $0x0  }
0x55: {  	[sflag:s24] =	ssyncadd.s32 @!p0 $0xFFFFCC00  }
0x56: {  	[spmem:s30] =	stream.linear.scatter @!p0 [tilespmem:s23], [sflag:$0x2], $0x3400, $0x38;
	[tilespmem:$0x1BA00] =	vst v63  }
0x57: {  	_ =	swait.ge @!p0 [sflag:s24], $0x3400  }
0x58: {  	[sflag:s24] =	ssyncset.done @!p0 $0x0  }
0x59: {  	[sflag:s24] =	ssyncadd.s32 @!p0 $0xFFFFCC00  }
0x5a: {  	[spmem:s31] =	stream.linear.scatter @!p0 [tilespmem:s23], [sflag:$0x2], $0x3400, $0x38;
	[tilespmem:$0x1BA00] =	vst v63  }
0x5b: {  	_ =	swait.ge @!p0 [sflag:s24], $0x3400  }
0x5c: {  	[sflag:s24] =	ssyncset.done @!p0 $0x0  }
0x5d: {  	[sflag:s24] =	ssyncadd.s32 @!p0 $0xFFFFCC00  }
0x5e: {  	[spmem:s0] =	stream.linear.scatter @!p0 [tilespmem:s23], [sflag:$0x2], $0x3400, $0x38;
	[tilespmem:$0x1BA00] =	vst v63  }
0x5f: {  	_ =	swait.ge @!p0 [sflag:s24], $0x3400  }
0x60: {  	[sflag:s24] =	ssyncset.done @!p0 $0x0  }
0x61: {  	[sflag:s24] =	ssyncadd.s32 @!p0 $0xFFFFCC00  }
0x62: {  	s23 =	simm.s32 $0x0;
	s24 =	simm.s32 $0x0;
	[bflag:$0x0] =	sbarrier.arrive $0xFFFF  }
.LBB2_4:
0x63: {  	s25 =	sadd.s32 s24, s9  }
0x64: {  	s26 =	sshll.u32 s25, $0x4  }
0x65: {  	s28 =	sadd.s32 s6, s26  }
0x66: {  	[tilespmem:s23], [sflag:$0x2] =	stream.linear.gather [hbm4b:s28+s23], $0x80, $0x38;
	[tilespmem:$0x1BA00] =	vst v63  }
0x67: {  	_ =	swait.ge [sflag:s15], $0x80  }
0x68: {  	[sflag:s15] =	ssyncset.done $0x0  }
0x69: {  	s26 =	sadd.s32 s7, s26;
	[sflag:s15] =	ssyncadd.s32 $0xFFFFFF80  }
0x6a: {  	[tilespmem:s17], [sflag:$0x2] =	stream.linear.gather [hbm4b:s26+s23], $0x80, $0x38;
	[tilespmem:$0x1BA00] =	vst v63  }
0x6b: {  	_ =	swait.ge [sflag:s15], $0x80  }
0x6c: {  	[sflag:s15] =	ssyncset.done $0x0  }
0x6d: {  	[sflag:s15] =	ssyncadd.s32 $0xFFFFFF80  }
0x6e: {  	v6 =	vld [tilespmem:$0x80]  }
0x6f: {  	v7 =	vld [tilespmem:$0x90]  }
0x70: {  	v8 =	vld [tilespmem:$0xA0]  }
0x71: {  	v9 =	vld [tilespmem:$0xB0]  }
0x72: {  	v10 =	vld [tilespmem:$0xC0]  }
0x73: {  	v11 =	vld [tilespmem:$0xD0];
	v6 =	vadd.s32 v0, v6  }
0x74: {  	[tilespmem:$0x100] =	vst v6;
	v6 =	vadd.s32 v0, v7;
	v7 =	vld [tilespmem:$0xE0]  }
0x75: {  	[tilespmem:$0x110] =	vst v6;
	v6 =	vadd.s32 v0, v8;
	v8 =	vld [tilespmem:$0xF0]  }
0x76: {  	[tilespmem:$0x120] =	vst v6;
	v6 =	vadd.s32 v0, v9  }
0x77: {  	[tilespmem:$0x130] =	vst v6;
	v6 =	vadd.s32 v0, v10  }
0x78: {  	[tilespmem:$0x140] =	vst v6;
	v6 =	vadd.s32 v0, v11  }
0x79: {  	[tilespmem:$0x150] =	vst v6;
	v6 =	vadd.s32 v0, v7  }
0x7a: {  	[tilespmem:$0x160] =	vst v6;
	v6 =	vadd.s32 v0, v8  }
0x7b: {  	[tilespmem:$0x170] =	vst v6  }
0x7c: {  	[tilespmem:s19], [sflag:$0x1] =	stream.indirect.gather [hbm4b:s1+s17], $0x80, s18, s17, $0xb8;
	[tilespmem:$0x1BA00] =	vst v63  }
0x7d: {  	_ =	swait.ge [sflag:s20], $0x4000  }
0x7e: {  	s25 =	sshll.u32 s25, $0xB;
	[sflag:s20] =	ssyncset.done $0x0  }
0x7f: {  	s25 =	sadd.s32 s5, s25;
	[sflag:s20] =	ssyncadd.s32 $0xFFFFC000  }
0x80: {  	[tilespmem:s21], [sflag:$0x2] =	stream.linear.gather [hbm4b:s25+s23], $0x4000, $0x38;
	[tilespmem:$0x1BA00] =	vst v63  }
0x81: {  	_ =	swait.ge [sflag:s15], $0x4000  }
0x82: {  	[sflag:s15] =	ssyncset.done $0x0  }
0x83: {  	s25 =	simm.s32 $0x0;
	[sflag:s15] =	ssyncadd.s32 $0xFFFFC000  }
0x84: {  	v7 =	vld [tilespmem:s25+$0x4180];
	_ =	sdelay $0x1  }
0x85: {  	v8 =	vld [tilespmem:s25+$0x180]  }
0x86: {  	v9 =	vld [tilespmem:s25+$0x190]  }
0x87: {  	v10 =	vld [tilespmem:s25+$0x1A0]  }
0x88: {  	v12 =	vld [tilespmem:s25+$0x1B0];
	v11 =	vperm.xlane v7, v1  }
0x89: {  	v13 =	vld [tilespmem:s25+$0x1C0]  }
0x8a: {  	v14 =	vld [tilespmem:s25+$0x1D0];
	v16 =	vperm.xlane v7, v2;
	v8 =	vmul.f32 v8, v11  }
0x8b: {  	v6 =	vld [tilespmem:s25+$0x4200];
	v9 =	vmul.f32 v9, v11  }
0x8c: {  	v15 =	vld [tilespmem:s25+$0x1E0];
	v17 =	vperm.xlane v7, v3;
	v10 =	vmul.f32 v10, v16;
	[tilespmem:s25+$0x180] =	vst v8  }
0x8d: {  	v11 =	vld [tilespmem:s25+$0x1F0];
	v12 =	vmul.f32 v12, v16;
	[tilespmem:s25+$0x190] =	vst v9  }
0x8e: {  	v13 =	vmul.f32 v13, v17;
	v8 =	vld [tilespmem:s25+$0x200];
	[tilespmem:s25+$0x1A0] =	vst v10  }
0x8f: {  	v63 =	vperm.xlane v7, v4;
	v9 =	vld [tilespmem:s25+$0x210];
	[tilespmem:s25+$0x1B0] =	vst v12;
	v12 =	vmul.f32 v14, v17  }
0x90: {  	v10 =	vld [tilespmem:s25+$0x220];
	[tilespmem:s25+$0x1C0] =	vst v13  }
0x91: {  	v7 =	vld [tilespmem:s25+$0x230];
	v13 =	vmul.f32 v15, v63;
	[tilespmem:s25+$0x1D0] =	vst v12;
	v12 =	vperm.xlane v6, v1  }
0x92: {  	s26 =	simm.s32 $0x400;
	v14 =	vmul.f32 v11, v63;
	v11 =	vld [tilespmem:s25+$0x240]  }
.LBB2_5:
0x93: {  	p1 =	sne.s32 s26, $0xFC00;
	[tilespmem:s25+$0x1E0] =	vst v13;
	v8 =	vmul.f32 v8, v12;
	v13 =	vperm.xlane v6, v2;
	v15 =	vld [tilespmem:s25+$0x250]  }
0x94: {  	[tilespmem:s25+$0x1F0] =	vst v14;
	v9 =	vmul.f32 v9, v12;
	v12 =	vld [tilespmem:s25+$0x260]  }
0x95: {  	s28 =	sshra.s32 s26, $0x2;
	[tilespmem:s25+$0x200] =	vst v8;
	v8 =	vmul.f32 v10, v13;
	v10 =	vperm.xlane v6, v3;
	v14 =	vld [tilespmem:s25+$0x270]  }
0x96: {  	v16 =	vld [tilespmem:s28+$0x4180];
	[tilespmem:s25+$0x210] =	vst v9;
	v7 =	vmul.f32 v7, v13  }
0x97: {  	v9 =	vperm.xlane v6, v4;
	[tilespmem:s25+$0x220] =	vst v8;
	v8 =	vmul.f32 v11, v10;
	v6 =	vld [tilespmem:s28+$0x4200]  }
0x98: {  	v11 =	vld [tilespmem:s28+$0x180];
	[tilespmem:s25+$0x230] =	vst v7;
	v7 =	vmul.f32 v15, v10  }
0x99: {  	v10 =	vld [tilespmem:s28+$0x190];
	[tilespmem:s25+$0x240] =	vst v8;
	v8 =	vmul.f32 v12, v9  }
0x9a: {  	v12 =	vld [tilespmem:s28+$0x1A0];
	[tilespmem:s25+$0x250] =	vst v7;
	v7 =	vmul.f32 v14, v9  }
0x9b: {  	v9 =	vperm.xlane v16, v1;
	v13 =	vld [tilespmem:s28+$0x1B0];
	[tilespmem:s25+$0x260] =	vst v8  }
0x9c: {  	v14 =	vld [tilespmem:s28+$0x1C0];
	[tilespmem:s25+$0x270] =	vst v7;
	s25 =	smov.u32 s28  }
0x9d: {  	v8 =	vperm.xlane v16, v2;
	v7 =	vmul.f32 v11, v9;
	v11 =	vld [tilespmem:s25+$0x1D0]  }
0x9e: {  	v9 =	vmul.f32 v10, v9;
	v15 =	vld [tilespmem:s25+$0x1E0]  }
0x9f: {  	v10 =	vperm.xlane v16, v3;
	[tilespmem:s25+$0x180] =	vst v7;
	v7 =	vmul.f32 v12, v8;
	v17 =	vld [tilespmem:s25+$0x1F0]  }
.Ltmp1:
0xa0: {  	[tilespmem:s25+$0x190] =	vst v9;
	v12 =	vmul.f32 v13, v8;
	v8 =	vld [tilespmem:s25+$0x200];
	(pc) =	sbr.rel @p1 .LBB2_5-.Ltmp1, $4  }
0xa1: {  	[tilespmem:s25+$0x1A0] =	vst v7;
	v7 =	vmul.f32 v14, v10;
	v14 =	vperm.xlane v16, v4;
	v9 =	vld [tilespmem:s25+$0x210]  }
0xa2: {  	[tilespmem:s25+$0x1B0] =	vst v12;
	v11 =	vmul.f32 v11, v10;
	v10 =	vld [tilespmem:s25+$0x220]  }
0xa3: {  	v12 =	vperm.xlane v6, v1;
	[tilespmem:s25+$0x1C0] =	vst v7;
	v13 =	vmul.f32 v15, v14;
	v7 =	vld [tilespmem:s25+$0x230]  }
0xa4: {  	s26 =	sadd.s32 $0x400, s26;
	[tilespmem:s25+$0x1D0] =	vst v11;
	v14 =	vmul.f32 v17, v14;
	v11 =	vld [tilespmem:s25+$0x240]  }
0xa5: {  	[tilespmem:s25+$0x1E0] =	vst v13;
	v57 =	vld [tilespmem:s25+$0x250];
	v8 =	vmul.f32 v8, v12;
	v58 =	vperm.xlane v6, v2  }
0xa6: {  	v15 =	vld [tilespmem:s25+$0x260];
	[tilespmem:s25+$0x1F0] =	vst v14;
	v9 =	vmul.f32 v9, v12  }
0xa7: {  	v60 =	vperm.xlane v6, v3;
	v61 =	vld [tilespmem:s25+$0x270];
	[tilespmem:s25+$0x200] =	vst v8;
	v59 =	vmul.f32 v10, v58  }
0xa8: {  	[tilespmem:s25+$0x210] =	vst v9;
	v7 =	vmul.f32 v7, v58  }
0xa9: {  	v6 =	vperm.xlane v6, v4;
	[tilespmem:s25+$0x220] =	vst v59;
	v62 =	vmul.f32 v11, v60  }
0xaa: {  	[tilespmem:s25+$0x230] =	vst v7;
	v7 =	vmul.f32 v57, v60  }
0xab: {  	v63 =	vmul.f32 v15, v6;
	[tilespmem:s25+$0x240] =	vst v62  }
0xac: {  	s24 =	sadd.s32 $0x1, s24;
	v6 =	vmul.f32 v61, v6;
	[tilespmem:s25+$0x250] =	vst v7  }
0xad: {  	p1 =	sne.s32 s24, s8;
	[tilespmem:s25+$0x260] =	vst v63  }
.Ltmp2:
0xae: {  	[tilespmem:s25+$0x270] =	vst v6;
	(pc) =	sbr.rel @p1 .LBB2_4-.Ltmp2, $4  }
0xaf: {  	[spmem:s2] =	stream.indirect.scatter.add.f32 [tilespmem:s19], [sflag:$0x2], $0x80, s4, s17, $0xb8;
	[tilespmem:$0x1BA00] =	vst v63  }
0xb0: {  	_ =	swait.ge [sflag:s15], $0x4000  }
0xb1: {  	[sflag:s15] =	ssyncset.done $0x0  }
0xb2: {  	[sflag:s15] =	ssyncadd.s32 $0xFFFFC000  }
0xb3: {  	[bflag:$0x0] =	sbarrier.arrive $0xFFFF;
	s23 =	simm.s32 @p0 $0x180;
	s24 =	simm.s32 @p0 $0x2  }
0xb4: {  	[tilespmem:s23], [sflag:$0x2] =	stream.linear.gather @p0 [spmem:s3], $0x4000, $0x38;
	[tilespmem:$0x1BA00] =	vst v63  }
0xb5: {  	_ =	swait.ge @p0 [sflag:s24], $0x4000  }
0xb6: {  	[sflag:s24] =	ssyncset.done @p0 $0x0  }
0xb7: {  	s25 =	simm.s32 @p0 $0x0;
	s26 =	rddreg [dreg:$0xf];
	[sflag:s24] =	ssyncadd.s32 @p0 $0xFFFFC000  }
0xb8: {  	[hbm4b:s26+s25] =	stream.linear.scatter @p0 [tilespmem:s23], [sflag:$0x2], $0x4000, $0x38;
	[tilespmem:$0x1BA00] =	vst v63  }
0xb9: {  	_ =	swait.ge @p0 [sflag:s24], $0x4000  }
0xba: {  	[sflag:s24] =	ssyncset.done @p0 $0x0  }
0xbb: {  	[sflag:s24] =	ssyncadd.s32 @p0 $0xFFFFC000  }
0xbc: {  	[tilespmem:s23], [sflag:$0x2] =	stream.linear.gather @p0 [spmem:s11], $0x4000, $0x38;
	[tilespmem:$0x1BA00] =	vst v63  }
0xbd: {  	_ =	swait.ge @p0 [sflag:s24], $0x4000  }
0xbe: {  	[sflag:s24] =	ssyncset.done @p0 $0x0  }
0xbf: {  	s26 =	rddreg [dreg:$0x10];
	[sflag:s24] =	ssyncadd.s32 @p0 $0xFFFFC000  }
0xc0: {  	[hbm4b:s26+s25] =	stream.linear.scatter @p0 [tilespmem:s23], [sflag:$0x2], $0x4000, $0x38;
	[tilespmem:$0x1BA00] =	vst v63  }
0xc1: {  	_ =	swait.ge @p0 [sflag:s24], $0x4000  }
0xc2: {  	[sflag:s24] =	ssyncset.done @p0 $0x0  }
0xc3: {  	[sflag:s24] =	ssyncadd.s32 @p0 $0xFFFFC000  }
0xc4: {  	[tilespmem:s23], [sflag:$0x2] =	stream.linear.gather @p0 [spmem:s12], $0x4000, $0x38;
	[tilespmem:$0x1BA00] =	vst v63  }
0xc5: {  	_ =	swait.ge @p0 [sflag:s24], $0x4000  }
0xc6: {  	[sflag:s24] =	ssyncset.done @p0 $0x0  }
0xc7: {  	s26 =	rddreg [dreg:$0x11];
	[sflag:s24] =	ssyncadd.s32 @p0 $0xFFFFC000  }
0xc8: {  	[hbm4b:s26+s25] =	stream.linear.scatter @p0 [tilespmem:s23], [sflag:$0x2], $0x4000, $0x38;
	[tilespmem:$0x1BA00] =	vst v63  }
0xc9: {  	_ =	swait.ge @p0 [sflag:s24], $0x4000  }
0xca: {  	[sflag:s24] =	ssyncset.done @p0 $0x0  }
0xcb: {  	[sflag:s24] =	ssyncadd.s32 @p0 $0xFFFFC000  }
0xcc: {  	[tilespmem:s23], [sflag:$0x2] =	stream.linear.gather @p0 [spmem:s13], $0x4000, $0x38;
	[tilespmem:$0x1BA00] =	vst v63  }
0xcd: {  	_ =	swait.ge @p0 [sflag:s24], $0x4000  }
0xce: {  	[sflag:s24] =	ssyncset.done @p0 $0x0  }
0xcf: {  	s26 =	rddreg [dreg:$0x12];
	[sflag:s24] =	ssyncadd.s32 @p0 $0xFFFFC000  }
0xd0: {  	[hbm4b:s26+s25] =	stream.linear.scatter @p0 [tilespmem:s23], [sflag:$0x2], $0x4000, $0x38;
	[tilespmem:$0x1BA00] =	vst v63  }
0xd1: {  	_ =	swait.ge @p0 [sflag:s24], $0x4000  }
0xd2: {  	[sflag:s24] =	ssyncset.done @p0 $0x0  }
0xd3: {  	[sflag:s24] =	ssyncadd.s32 @p0 $0xFFFFC000  }
0xd4: {  	[tilespmem:s23], [sflag:$0x2] =	stream.linear.gather @p0 [spmem:s14], $0x4000, $0x38;
	[tilespmem:$0x1BA00] =	vst v63  }
0xd5: {  	_ =	swait.ge @p0 [sflag:s24], $0x4000  }
0xd6: {  	[sflag:s24] =	ssyncset.done @p0 $0x0  }
0xd7: {  	s26 =	rddreg [dreg:$0x13];
	[sflag:s24] =	ssyncadd.s32 @p0 $0xFFFFC000  }
0xd8: {  	[hbm4b:s26+s25] =	stream.linear.scatter @p0 [tilespmem:s23], [sflag:$0x2], $0x4000, $0x38;
	[tilespmem:$0x1BA00] =	vst v63  }
0xd9: {  	_ =	swait.ge @p0 [sflag:s24], $0x4000  }
0xda: {  	[sflag:s24] =	ssyncset.done @p0 $0x0  }
0xdb: {  	s23 =	simm.s32 @!p0 $0x180;
	[sflag:s24] =	ssyncadd.s32 @p0 $0xFFFFC000;
	s24 =	simm.s32 @!p0 $0x2  }
0xdc: {  	[tilespmem:s23], [sflag:$0x2] =	stream.linear.gather @!p0 [spmem:s16], $0x3400, $0x38;
	[tilespmem:$0x1BA00] =	vst v63  }
0xdd: {  	_ =	swait.ge @!p0 [sflag:s24], $0x3400  }
0xde: {  	[sflag:s24] =	ssyncset.done @!p0 $0x0  }
0xdf: {  	s25 =	simm.s32 @!p0 $0x0;
	s26 =	rddreg [dreg:$0x4];
	[sflag:s24] =	ssyncadd.s32 @!p0 $0xFFFFCC00  }
0xe0: {  	[hbm4b:s26+s25] =	stream.linear.scatter @!p0 [tilespmem:s23], [sflag:$0x2], $0x3400, $0x38;
	[tilespmem:$0x1BA00] =	vst v63  }
0xe1: {  	_ =	swait.ge @!p0 [sflag:s24], $0x3400  }
0xe2: {  	[sflag:s24] =	ssyncset.done @!p0 $0x0  }
0xe3: {  	s26 =	rddreg [dreg:$0xa];
	[sflag:s24] =	ssyncadd.s32 @!p0 $0xFFFFCC00  }
0xe4: {  	[tilespmem:s23], [sflag:$0x2] =	stream.linear.gather @!p0 [spmem:s26], $0x3400, $0x38;
	[tilespmem:$0x1BA00] =	vst v63  }
0xe5: {  	_ =	swait.ge @!p0 [sflag:s24], $0x3400  }
0xe6: {  	[sflag:s24] =	ssyncset.done @!p0 $0x0  }
0xe7: {  	s26 =	rddreg [dreg:$0x5];
	[sflag:s24] =	ssyncadd.s32 @!p0 $0xFFFFCC00  }
0xe8: {  	[hbm4b:s26+s25] =	stream.linear.scatter @!p0 [tilespmem:s23], [sflag:$0x2], $0x3400, $0x38;
	[tilespmem:$0x1BA00] =	vst v63  }
0xe9: {  	_ =	swait.ge @!p0 [sflag:s24], $0x3400  }
0xea: {  	[sflag:s24] =	ssyncset.done @!p0 $0x0  }
0xeb: {  	s26 =	rddreg [dreg:$0xb];
	[sflag:s24] =	ssyncadd.s32 @!p0 $0xFFFFCC00  }
0xec: {  	[tilespmem:s23], [sflag:$0x2] =	stream.linear.gather @!p0 [spmem:s26], $0x3400, $0x38;
	[tilespmem:$0x1BA00] =	vst v63  }
0xed: {  	_ =	swait.ge @!p0 [sflag:s24], $0x3400  }
0xee: {  	[sflag:s24] =	ssyncset.done @!p0 $0x0  }
0xef: {  	s26 =	rddreg [dreg:$0x6];
	[sflag:s24] =	ssyncadd.s32 @!p0 $0xFFFFCC00  }
0xf0: {  	[hbm4b:s26+s25] =	stream.linear.scatter @!p0 [tilespmem:s23], [sflag:$0x2], $0x3400, $0x38;
	[tilespmem:$0x1BA00] =	vst v63  }
0xf1: {  	_ =	swait.ge @!p0 [sflag:s24], $0x3400  }
0xf2: {  	[sflag:s24] =	ssyncset.done @!p0 $0x0  }
0xf3: {  	s26 =	rddreg [dreg:$0xc];
	[sflag:s24] =	ssyncadd.s32 @!p0 $0xFFFFCC00  }
0xf4: {  	[tilespmem:s23], [sflag:$0x2] =	stream.linear.gather @!p0 [spmem:s26], $0x3400, $0x38;
	[tilespmem:$0x1BA00] =	vst v63  }
0xf5: {  	_ =	swait.ge @!p0 [sflag:s24], $0x3400  }
0xf6: {  	[sflag:s24] =	ssyncset.done @!p0 $0x0  }
0xf7: {  	s26 =	rddreg [dreg:$0x7];
	[sflag:s24] =	ssyncadd.s32 @!p0 $0xFFFFCC00  }
0xf8: {  	[hbm4b:s26+s25] =	stream.linear.scatter @!p0 [tilespmem:s23], [sflag:$0x2], $0x3400, $0x38;
	[tilespmem:$0x1BA00] =	vst v63  }
0xf9: {  	_ =	swait.ge @!p0 [sflag:s24], $0x3400  }
0xfa: {  	[sflag:s24] =	ssyncset.done @!p0 $0x0  }
0xfb: {  	s26 =	rddreg [dreg:$0xd];
	[sflag:s24] =	ssyncadd.s32 @!p0 $0xFFFFCC00  }
0xfc: {  	[tilespmem:s23], [sflag:$0x2] =	stream.linear.gather @!p0 [spmem:s26], $0x3400, $0x38;
	[tilespmem:$0x1BA00] =	vst v63  }
0xfd: {  	_ =	swait.ge @!p0 [sflag:s24], $0x3400  }
0xfe: {  	[sflag:s24] =	ssyncset.done @!p0 $0x0  }
0xff: {  	s26 =	rddreg [dreg:$0x8];
	[sflag:s24] =	ssyncadd.s32 @!p0 $0xFFFFCC00  }
0x100: {  	[hbm4b:s26+s25] =	stream.linear.scatter @!p0 [tilespmem:s23], [sflag:$0x2], $0x3400, $0x38;
	[tilespmem:$0x1BA00] =	vst v63  }
0x101: {  	_ =	swait.ge @!p0 [sflag:s24], $0x3400  }
0x102: {  	[sflag:s24] =	ssyncset.done @!p0 $0x0  }
0x103: {  	s26 =	rddreg [dreg:$0xe];
	[sflag:s24] =	ssyncadd.s32 @!p0 $0xFFFFCC00  }
0x104: {  	[tilespmem:s23], [sflag:$0x2] =	stream.linear.gather @!p0 [spmem:s26], $0x3400, $0x38;
	[tilespmem:$0x1BA00] =	vst v63  }
0x105: {  	s22 =	sadd.s32 $0x1, s22;
	_ =	swait.ge @!p0 [sflag:s24], $0x3400  }
0x106: {  	p1 =	sne.s32 s22, s10;
	[sflag:s24] =	ssyncset.done @!p0 $0x0  }
.Ltmp3:
0x107: {  	s26 =	rddreg [dreg:$0x9];
	[sflag:s24] =	ssyncadd.s32 @!p0 $0xFFFFCC00;
	(pc) =	sbr.rel @p1 .LBB2_1-.Ltmp3, $4  }
0x108: {  	[hbm4b:s26+s25] =	stream.linear.scatter @!p0 [tilespmem:s23], [sflag:$0x2], $0x3400, $0x38;
	[tilespmem:$0x1BA00] =	vst v63  }
0x109: {  	_ =	swait.ge @!p0 [sflag:s24], $0x3400  }
0x10a: {  	[sflag:s24] =	ssyncset.done @!p0 $0x0  }
0x10b: {  	[sflag:s24] =	ssyncadd.s32 @!p0 $0xFFFFCC00  }
0x10c: {  	_ =	sfence.sel $0x180000  }
0x10d: {  	[bflag:$0x0] =	sbarrier.arrive $0xFFFF  }
0x10e: {  	_ =	strace $0x9000004A  }
0x10f: {  	s0 =	stileid.u32;
	[bflag:$0x2] =	sbarrier.arrive $0xFFFF  }
0x110: {  	p0 =	sne.s32 s0, $0x0;
	s0 =	rddreg [dreg:$0x3]  }
0x111: {  	s0 =	sadd.s32 @!p0 $0x100000, s0  }
0x112: {  	[sflag:s0] =	ssyncadd.tile.s32 @!p0 $0x1;
	_ =	shalt  }
.Lfunc_end2:
_tile_overlayer_lowered:
.L_overlay_start_2:
0x113: {  	(tag) =	ssettag $0x2  }
0x114: {  	s0 =	rddreg [dreg:$0x0];
	s2 =	stileid.u32  }
0x115: {  	s1 =	rddreg [dreg:$0x1];
	p0 =	sne.s32 s2, $0x0  }
0x116: {  	s3 =	rddreg [dreg:$0x2];
	[bflag:$0x3] =	sbarrier.arrive $0xFFFF;
	s2 =	simm.s32 @!p0 $0x1C02  }
0x117: {  	[timem:s3], [sflag:s2] =	dma.local @!p0 [hbm:s0], s1  }
0x118: {  	s0 =	simm.s32 @!p0 $0x2  }
0x119: {  	_ =	swait.ge @!p0 [sflag:s0], s1  }
0x11a: {  	s1 =	ssub.s32 @!p0 $0x0, s1;
	[sflag:s0] =	ssyncset.done @!p0 $0x0  }
0x11b: {  	[sflag:s0] =	ssyncadd.s32 @!p0 s1  }
0x11c: {  	[bflag:$0x3] =	sbarrier.arrive $0xFFFF  }
0x11d: {  	_ =	shalt  }

</sc_bundles>
